<compile_context>
chip_gen: v7x
topology: tpu7x:2x2x1
jax: 0.10.2.dev20260603
libtpu: 0.0.44.dev20260713+nightly
codegen_flags: <defaults>
</compile_context>

<pallas_src>
import functools

import jax
import jax.numpy as jnp
from jax import lax
from jax.experimental import pallas as pl
from jax.experimental.pallas import tpu as pltpu
from jax.experimental.pallas import tpu_sc as plsc

CH = 64

_SC_PARAMS = pltpu.CompilerParams(needs_layout_passes=False,
                                  use_tc_tiling_on_sc=False)


def _lstm_body(T, F, H, x_ref, wih_ref, whh_ref, b_ref, wl_ref, bl_ref,
               wr_ref, br_ref, xlr_ref):
    xb = x_ref[...]
    B = xb.shape[0]
    h = jnp.zeros((B, H), jnp.float32)
    c = jnp.zeros((B, H), jnp.float32)
    wih = wih_ref[...]
    whh = whh_ref[...]
    b = b_ref[...]
    for t in range(T):
        xi = xb[:, t * F:(t + 1) * F]
        g = jnp.dot(xi, wih, preferred_element_type=jnp.float32)
        g = g + jnp.dot(h, whh, preferred_element_type=jnp.float32) + b
        i = jax.nn.sigmoid(g[:, :H])
        f = jax.nn.sigmoid(g[:, H:2 * H])
        gg = jnp.tanh(g[:, 2 * H:3 * H])
        o = jax.nn.sigmoid(g[:, 3 * H:])
        c = f * c + i * gg
        h = o * jnp.tanh(c)
    HH = wl_ref.shape[1]
    xlr_ref[:, :HH] = jnp.dot(h, wl_ref[...],
                              preferred_element_type=jnp.float32) + bl_ref[...]
    xlr_ref[:, HH:] = jnp.dot(h, wr_ref[...],
                              preferred_element_type=jnp.float32) + br_ref[...]


def _lstm_proj(x2, wihT, whhT, b2, wlT, bl2, wrT, br2):
    N, TF = x2.shape
    H = whhT.shape[0]
    HH = wlT.shape[1]
    BN = 2000
    grid = N // BN
    T = TF // wihT.shape[0]
    F = wihT.shape[0]
    return pl.pallas_call(
        functools.partial(_lstm_body, T, F, H),
        grid=(grid,),
        in_specs=[
            pl.BlockSpec((BN, TF), lambda i: (i, 0)),
            pl.BlockSpec(wihT.shape, lambda i: (0, 0)),
            pl.BlockSpec(whhT.shape, lambda i: (0, 0)),
            pl.BlockSpec(b2.shape, lambda i: (0, 0)),
            pl.BlockSpec(wlT.shape, lambda i: (0, 0)),
            pl.BlockSpec(bl2.shape, lambda i: (0, 0)),
            pl.BlockSpec(wrT.shape, lambda i: (0, 0)),
            pl.BlockSpec(br2.shape, lambda i: (0, 0)),
        ],
        out_specs=pl.BlockSpec((BN, 2 * HH), lambda i: (i, 0)),
        out_shape=jax.ShapeDtypeStruct((N, 2 * HH), jnp.float32),
    )(x2, wihT, whhT, b2, wlT, bl2, wrT, br2)


def _sc_pass1(xlr, src, dst, att_tab, z1):
    N, HH2 = xlr.shape
    HH = HH2 // 2
    C = HH // 2
    E = src.shape[0]
    NR = z1.shape[0]
    nch = E // CH
    base_c = nch // 32
    extra = nch % 32
    mesh = plsc.VectorSubcoreMesh(core_axis_name="c", subcore_axis_name="s")

    @functools.partial(
        pl.kernel,
        mesh=mesh,
        compiler_params=_SC_PARAMS,
        out_type=[
            jax.ShapeDtypeStruct((E,), jnp.float32),
            jax.ShapeDtypeStruct((E,), jnp.float32),
            jax.ShapeDtypeStruct((2 * NR, 128), jnp.float32),
        ],
        scratch_types=[
            pltpu.VMEM((CH,), jnp.int32),
            pltpu.VMEM((CH,), jnp.int32),
            pltpu.VMEM((CH, HH2), jnp.float32),
            pltpu.VMEM((CH, HH2), jnp.float32),
            pltpu.VMEM((CH,), jnp.float32),
            pltpu.VMEM((CH,), jnp.float32),
            pltpu.VMEM((16 * HH,), jnp.float32),
            pltpu.VMEM((NR, 128), jnp.float32),
            pltpu.VMEM((80,), jnp.int32),
            pltpu.VMEM_SHARED((NR, 128), jnp.float32),
            pltpu.SemaphoreType.DMA,
        ],
    )
    def k(xlr_hbm, src_hbm, dst_hbm, att_hbm, z1_hbm,
          ea0_hbm, ea1_hbm, asum_hbm,
          src_v, dst_v, glv, grv, ea0v, ea1v, att_v, asumv, ridx, asum_sp,
          sem):
        cid = lax.axis_index("c")
        sid = lax.axis_index("s")
        wid = sid * 2 + cid
        nc = base_c + jnp.where(wid < extra, 1, 0)
        start = wid * base_c + jnp.minimum(wid, extra)

        pltpu.sync_copy(att_hbm, att_v)

        @pl.when(sid == 0)
        def _():
            pltpu.sync_copy(z1_hbm, asum_sp)

        zf16 = jnp.zeros((16,), jnp.float32)
        iota16 = lax.iota(jnp.int32, 16)

        def zero_body(i, _):
            li = iota16 + i * 16
            plsc.store_scatter(asumv, [li >> 7, li & 127], zf16)
            return 0

        lax.fori_loop(0, NR * 8, zero_body, 0)

        def chunk_body(ci, _):
            cb = (start + ci) * CH
            pltpu.sync_copy(src_hbm.at[pl.ds(cb, CH)], src_v)
            pltpu.sync_copy(dst_hbm.at[pl.ds(cb, CH)], dst_v)
            pltpu.async_copy(xlr_hbm.at[src_v], glv, sem).wait()
            pltpu.async_copy(xlr_hbm.at[dst_v], grv, sem).wait()

            def group_body(g, _):
                li = lax.iota(jnp.int32, 16) + g * 16
                acc0 = jnp.zeros((16,), jnp.float32)
                acc1 = jnp.zeros((16,), jnp.float32)
                for c in range(HH):
                    cvec = jnp.full((16,), c, jnp.int32)
                    rvec = jnp.full((16,), c + HH, jnp.int32)
                    s = (plsc.load_gather(glv, [li, cvec]) +
                         plsc.load_gather(grv, [li, rvec]))
                    m = jnp.maximum(s, 0.2 * s)
                    ma = m * att_v[pl.ds(c * 16, 16)]
                    if c < C:
                        acc0 = acc0 + ma
                    else:
                        acc1 = acc1 + ma
                e0 = jnp.exp(acc0)
                e1 = jnp.exp(acc1)
                plsc.store_scatter(ea0v, [li], e0)
                plsc.store_scatter(ea1v, [li], e1)
                d16 = plsc.load_gather(dst_v, [li])
                p0 = d16 * 2
                p1 = p0 + 1
                plsc.addupdate_scatter(asumv, [p0 >> 7, p0 & 127], e0)
                plsc.addupdate_scatter(asumv, [p1 >> 7, p1 & 127], e1)
                return 0

            lax.fori_loop(0, CH // 16, group_body, 0)
            pltpu.sync_copy(ea0v, ea0_hbm.at[pl.ds(cb, CH)])
            pltpu.sync_copy(ea1v, ea1_hbm.at[pl.ds(cb, CH)])
            return 0

        lax.fori_loop(0, nc, chunk_body, 0)
        plsc.subcore_barrier()

        def merge_body(b, _):
            rb = b * 80
            for kk in range(5):
                plsc.store_scatter(ridx, [iota16 + kk * 16],
                                   iota16 + (rb + kk * 16))
            pltpu.sync_copy(asumv.at[pl.ds(rb, 80)], asum_sp.at[ridx],
                            add=True)
            return 0

        lax.fori_loop(0, NR // 80, merge_body, 0)
        plsc.subcore_barrier()

        @pl.when(sid == 0)
        def _():
            pltpu.sync_copy(asum_sp, asum_hbm.at[pl.ds(cid * NR, NR)])

    return k(xlr, src, dst, att_tab, z1)


def _sc_pass2(xlr, src, dst, ea0, ea1, asum_part, z32):
    N, HH2 = xlr.shape
    C = HH2 // 4
    E = src.shape[0]
    NR = asum_part.shape[0] // 2
    SB = NR // 16
    nch = E // CH
    base_c = nch // 32
    extra = nch % 32
    mesh = plsc.VectorSubcoreMesh(core_axis_name="c", subcore_axis_name="s")

    @functools.partial(
        pl.kernel,
        mesh=mesh,
        compiler_params=_SC_PARAMS,
        out_type=jax.ShapeDtypeStruct((2, N, C), jnp.float32),
        scratch_types=[
            pltpu.VMEM((CH,), jnp.int32),
            pltpu.VMEM((CH,), jnp.int32),
            pltpu.VMEM((CH,), jnp.int32),
            pltpu.VMEM((CH, HH2), jnp.float32),
            pltpu.VMEM((CH,), jnp.float32),
            pltpu.VMEM((CH,), jnp.float32),
            pltpu.VMEM((CH, 128), jnp.float32),
            pltpu.VMEM((CH, 128), jnp.float32),
            pltpu.VMEM((CH, C), jnp.float32),
            pltpu.VMEM_SHARED((N, C), jnp.float32),
            pltpu.SemaphoreType.DMA,
        ],
    )
    def k(xlr_hbm, src_hbm, dst_hbm, ea0_hbm, ea1_hbm, asum_hbm, z32_hbm,
          acc_hbm,
          src_v, dst_v, rowv, glv, ea0v, ea1v, ab0, ab1, msgv, acc_sp, sem):
        cid = lax.axis_index("c")
        sid = lax.axis_index("s")
        wid = sid * 2 + cid
        nc = base_c + jnp.where(wid < extra, 1, 0)
        start = wid * base_c + jnp.minimum(wid, extra)

        @pl.when(sid == 0)
        def _():
            pltpu.sync_copy(z32_hbm, acc_sp)

        plsc.subcore_barrier()
        iota16 = lax.iota(jnp.int32, 16)

        def chunk_body(ci, _):
            cb = (start + ci) * CH
            pltpu.sync_copy(src_hbm.at[pl.ds(cb, CH)], src_v)
            pltpu.sync_copy(dst_hbm.at[pl.ds(cb, CH)], dst_v)
            pltpu.sync_copy(ea0_hbm.at[pl.ds(cb, CH)], ea0v)
            pltpu.sync_copy(ea1_hbm.at[pl.ds(cb, CH)], ea1v)

            def row_body(g, _):
                li = iota16 + g * 16
                d16 = plsc.load_gather(dst_v, [li])
                plsc.store_scatter(rowv, [li], (d16 * 2) >> 7)
                return 0

            lax.fori_loop(0, CH // 16, row_body, 0)
            pltpu.async_copy(xlr_hbm.at[src_v], glv, sem).wait()
            pltpu.async_copy(asum_hbm.at[rowv], ab0, sem).wait()

            def row2_body(g, _):
                li = iota16 + g * 16
                r16 = plsc.load_gather(rowv, [li])
                plsc.store_scatter(rowv, [li], r16 + NR)
                return 0

            lax.fori_loop(0, CH // 16, row2_body, 0)
            pltpu.async_copy(asum_hbm.at[rowv], ab1, sem).wait()

            def group_body(g, _):
                li = iota16 + g * 16
                e0 = plsc.load_gather(ea0v, [li])
                e1 = plsc.load_gather(ea1v, [li])
                d16 = plsc.load_gather(dst_v, [li])
                col = (d16 * 2) & 127
                a0 = (plsc.load_gather(ab0, [li, col]) +
                      plsc.load_gather(ab1, [li, col]))
                a1 = (plsc.load_gather(ab0, [li, col + 1]) +
                      plsc.load_gather(ab1, [li, col + 1]))
                w0 = 0.5 * e0 / (a0 + 1e-16)
                w1 = 0.5 * e1 / (a1 + 1e-16)
                for c in range(C):
                    cvec = jnp.full((16,), c, jnp.int32)
                    cvec2 = jnp.full((16,), c + C, jnp.int32)
                    x0 = plsc.load_gather(glv, [li, cvec])
                    x1 = plsc.load_gather(glv, [li, cvec2])
                    plsc.store_scatter(msgv, [li, cvec], x0 * w0 + x1 * w1)
                return 0

            lax.fori_loop(0, CH // 16, group_body, 0)
            pltpu.sync_copy(msgv, acc_sp.at[dst_v], add=True)
            return 0

        lax.fori_loop(0, nc, chunk_body, 0)
        plsc.subcore_barrier()

        @pl.when(sid == 0)
        def _():
            pltpu.sync_copy(acc_sp, acc_hbm.at[cid])

    return k(xlr, src, dst, ea0, ea1, asum_part, z32)


def _final_body(acc_ref, bg_ref, wp_ref, bp_ref, o_ref):
    a = acc_ref[0] + acc_ref[1] + bg_ref[...]
    o = jnp.where(a > 0, a, jnp.exp(a) - 1.0)
    o_ref[...] = jnp.dot(o, wp_ref[...],
                         preferred_element_type=jnp.float32) + bp_ref[...]


def _final(acc_part, bg2, wpT, bp2):
    _, N, C = acc_part.shape
    BN = 10000
    return pl.pallas_call(
        _final_body,
        grid=(N // BN,),
        in_specs=[
            pl.BlockSpec((2, BN, C), lambda i: (0, i, 0)),
            pl.BlockSpec((1, C), lambda i: (0, 0)),
            pl.BlockSpec((C, 1), lambda i: (0, 0)),
            pl.BlockSpec((1, 1), lambda i: (0, 0)),
        ],
        out_specs=pl.BlockSpec((BN, 1), lambda i: (i, 0)),
        out_shape=jax.ShapeDtypeStruct((N, 1), jnp.float32),
    )(acc_part, bg2, wpT, bp2)


def kernel(x, edge_index, Wih, Whh, bih, bhh, Wl, bl, Wr, br, att, b_gat,
           Wp, bp):
    N, T, F = x.shape
    H = Whh.shape[1]
    HH = Wl.shape[0]

    x2 = x.reshape(N, T * F)
    b2 = (bih + bhh)[None, :]
    xlr = _lstm_proj(x2, Wih.T, Whh.T, b2, Wl.T, bl[None, :],
                     Wr.T, br[None, :])

    src = edge_index[0]
    dst = edge_index[1]
    att_tab = jnp.repeat(att.reshape(HH), 16)
    NR = -(-(2 * N) // 128)
    NR = -(-NR // 80) * 80
    z1 = jnp.zeros((NR, 128), jnp.float32)
    z32 = jnp.zeros((N, H), jnp.float32)

    ea0, ea1, asum_part = _sc_pass1(xlr, src, dst, att_tab, z1)
    acc_part = _sc_pass2(xlr, src, dst, ea0, ea1, asum_part, z32)
    pred = _final(acc_part, b_gat[None, :], Wp.T, bp[None, :])
    return pred[:, 0]

# --- scband reference (transcript-rebuilt; emitter-appended) ---
"""Pipeline reference for scband-lstm-gat-model-82952998355877 (READ-ONLY COPY).

The authoritative reference and input builder live on the scoring server;
editing this copy changes nothing except your own understanding.
"""

import jax, jax.numpy as jnp
import numpy as np

N_NODES = 50000
T = 20
F_IN = 4
HID = 32
HEADS = 2
E = 800000


def setup_inputs(seed: int = 0):
    key = jax.random.key(seed)
    ks = jax.random.split(key, 16)
    s = 0.1
    x = jax.random.normal(ks[0], (N_NODES, T, F_IN), dtype=jnp.float32)
    edge_index = jax.random.randint(ks[1], (2, E), 0, N_NODES, dtype=jnp.int32)
    Wih = s * jax.random.normal(ks[2], (4 * HID, F_IN), dtype=jnp.float32)
    Whh = s * jax.random.normal(ks[3], (4 * HID, HID), dtype=jnp.float32)
    bih = s * jax.random.normal(ks[4], (4 * HID,), dtype=jnp.float32)
    bhh = s * jax.random.normal(ks[5], (4 * HID,), dtype=jnp.float32)
    Wl = s * jax.random.normal(ks[6], (HEADS * HID, HID), dtype=jnp.float32)
    bl = s * jax.random.normal(ks[7], (HEADS * HID,), dtype=jnp.float32)
    Wr = s * jax.random.normal(ks[8], (HEADS * HID, HID), dtype=jnp.float32)
    br = s * jax.random.normal(ks[9], (HEADS * HID,), dtype=jnp.float32)
    att = s * jax.random.normal(ks[10], (HEADS, HID), dtype=jnp.float32)
    b_gat = s * jax.random.normal(ks[11], (HID,), dtype=jnp.float32)
    Wp = s * jax.random.normal(ks[12], (1, HID), dtype=jnp.float32)
    bp = s * jax.random.normal(ks[13], (1,), dtype=jnp.float32)
    return {"x": x, "edge_index": edge_index, "Wih": Wih, "Whh": Whh, "bih": bih,
            "bhh": bhh, "Wl": Wl, "bl": bl, "Wr": Wr, "br": br, "att": att,
            "b_gat": b_gat, "Wp": Wp, "bp": bp}


def reference(x, edge_index, Wih, Whh, bih, bhh, Wl, bl, Wr, br, att, b_gat, Wp, bp):
    N = x.shape[0]
    Hh, C = att.shape
    # ---- LSTM (batch_first, single layer), take final hidden state ----
    xt = jnp.transpose(x, (1, 0, 2))  # [T, N, F]
    h0 = jnp.zeros((N, Whh.shape[1]), dtype=x.dtype)
    c0 = jnp.zeros((N, Whh.shape[1]), dtype=x.dtype)

    def step(carry, xi):
        h, c = carry
        g = xi @ Wih.T + h @ Whh.T + bih + bhh
        i, f, gg, o = jnp.split(g, 4, axis=-1)
        i = jax.nn.sigmoid(i)
        f = jax.nn.sigmoid(f)
        gg = jnp.tanh(gg)
        o = jax.nn.sigmoid(o)
        c = f * c + i * gg
        h = o * jnp.tanh(c)
        return (h, c), None

    (h, _), _ = jax.lax.scan(step, (h0, c0), xt)  # h: [N, HID]
    # ---- GATv2Conv (PyG semantics, concat=False -> mean over heads, dropout=eval noop) ----
    src = edge_index[0]
    dst = edge_index[1]
    xl = (h @ Wl.T + bl).reshape(N, Hh, C)
    xr = (h @ Wr.T + br).reshape(N, Hh, C)
    m = xl[src] + xr[dst]                       # [E, H, C] gather
    m = jax.nn.leaky_relu(m, negative_slope=0.2)
    alpha = jnp.einsum('ehc,hc->eh', m, att)    # [E, H]
    amax = jax.ops.segment_max(alpha, dst, num_segments=N)
    amax = jnp.where(jnp.isfinite(amax), amax, 0.0)
    ea = jnp.exp(alpha - amax[dst])
    asum = jax.ops.segment_sum(ea, dst, num_segments=N)
    attw = ea / (asum[dst] + 1e-16)             # softmax over incoming edges of dst
    msg = xl[src] * attw[:, :, None]            # [E, H, C]
    out = jax.ops.segment_sum(msg, dst, num_segments=N)  # scatter-add
    out = out.mean(axis=1) + b_gat              # concat=False -> head mean + bias
    out = jax.nn.elu(out)
    pred = out @ Wp.T + bp                      # Linear(hidden_dim, 1)
    return pred.squeeze(-1)

if __name__ == "__main__":
    import jax
    _d = setup_inputs()
    print(jax.jit(kernel)(*tuple(_d.values())))

</pallas_src>

<mosaic_0001>
#map = affine_map<(d0, d1) -> (0, 0)>
#map1 = affine_map<(d0, d1) -> (0)>
module attributes {stable_mosaic.version = 14 : i64} {
  func.func @k(%arg0: i32, %arg1: i32, %arg2: memref<50000x128xf32, #tpu.memory_space<hbm>>, %arg3: memref<800000xi32, #tpu.memory_space<hbm>>, %arg4: memref<800000xi32, #tpu.memory_space<hbm>>, %arg5: memref<1024xf32, #tpu.memory_space<hbm>>, %arg6: memref<800x128xf32, #tpu.memory_space<hbm>>, %arg7: memref<800000xf32, #tpu.memory_space<hbm>>, %arg8: memref<800000xf32, #tpu.memory_space<hbm>>, %arg9: memref<1600x128xf32, #tpu.memory_space<hbm>>, %arg10: memref<64xi32, #tpu.memory_space<vmem>>, %arg11: memref<64xi32, #tpu.memory_space<vmem>>, %arg12: memref<64x128xf32, #tpu.memory_space<vmem>>, %arg13: memref<64x128xf32, #tpu.memory_space<vmem>>, %arg14: memref<64xf32, #tpu.memory_space<vmem>>, %arg15: memref<64xf32, #tpu.memory_space<vmem>>, %arg16: memref<1024xf32, #tpu.memory_space<vmem>>, %arg17: memref<800x128xf32, #tpu.memory_space<vmem>>, %arg18: memref<80xi32, #tpu.memory_space<vmem>>, %arg19: memref<800x128xf32, #tpu.memory_space<vmem_shared>>, %arg20: memref<!tpu.dma_semaphore, #tpu.memory_space<semaphore_mem>>) attributes {dimension_semantics = [#tpu.dimension_semantics<core_parallel>, #tpu.dimension_semantics<subcore_parallel>], iteration_bounds = array<i64: 2, 16>, scalar_prefetch = 0 : i64, scratch_operands = 11 : i64, tpu.core_type = #tpu.core_type<sc_vector_subcore>, window_params = [{transform_indices = #map}, {transform_indices = #map1}, {transform_indices = #map1}, {transform_indices = #map1}, {transform_indices = #map}, {transform_indices = #map1}, {transform_indices = #map1}, {transform_indices = #map}]} {
    %mul3A = arith.constant 2 : i32
    %mul3A_0 = arith.muli %arg1, %mul3A : i32
    %add3A = arith.addi %mul3A_0, %arg0 : i32
    %lt3A = arith.constant 20 : i32
    %lt3A_1 = arith.cmpi slt, %add3A, %lt3A : i32
    %jit3A = arith.constant 1 : i32
    %jit3A_2 = arith.constant 0 : i32
    %select_n3A = arith.select %lt3A_1, %jit3A, %jit3A_2 : i32
    %add3A_3 = arith.constant 390 : i32
    %add3A_4 = arith.addi %add3A_3, %select_n3A : i32
    %mul3A_5 = arith.constant 390 : i32
    %mul3A_6 = arith.muli %add3A, %mul3A_5 : i32
    %min3A = arith.constant 20 : i32
    %min3A_7 = arith.minsi %add3A, %min3A : i32
    %add3A_8 = arith.addi %mul3A_6, %min3A_7 : i32
    "tpu.region"() ({
      %run_scoped3A = tpu.sem_alloc : memref<!tpu.dma_semaphore, #tpu.memory_space<semaphore_mem>>
      tpu.enqueue_dma source(%arg5 : memref<1024xf32, #tpu.memory_space<hbm>>) target(%arg16 : memref<1024xf32, #tpu.memory_space<vmem>>) target_semaphore(%run_scoped3A : memref<!tpu.dma_semaphore, #tpu.memory_space<semaphore_mem>>)
      tpu.wait_dma2 semaphore(%run_scoped3A : memref<!tpu.dma_semaphore, #tpu.memory_space<semaphore_mem>>) src(%arg5 : memref<1024xf32, #tpu.memory_space<hbm>>) dst(%arg16 : memref<1024xf32, #tpu.memory_space<vmem>>)
      tpu.yield
    }) : () -> ()
    %eq3A = arith.constant 0 : i32
    %eq3A_9 = arith.cmpi eq, %arg1, %eq3A : i32
    %convert_element_type3A = arith.extui %eq3A_9 : i1 to i32
    %cond3A = arith.constant 0 : i32
    %cond3A_10 = arith.cmpi ne, %convert_element_type3A, %cond3A : i32
    scf.if %cond3A_10 {
      "tpu.region"() ({
        %run_scoped3A = tpu.sem_alloc : memref<!tpu.dma_semaphore, #tpu.memory_space<semaphore_mem>>
        tpu.enqueue_dma source(%arg6 : memref<800x128xf32, #tpu.memory_space<hbm>>) target(%arg19 : memref<800x128xf32, #tpu.memory_space<vmem_shared>>) target_semaphore(%run_scoped3A : memref<!tpu.dma_semaphore, #tpu.memory_space<semaphore_mem>>)
        tpu.wait_dma2 semaphore(%run_scoped3A : memref<!tpu.dma_semaphore, #tpu.memory_space<semaphore_mem>>) src(%arg6 : memref<800x128xf32, #tpu.memory_space<hbm>>) dst(%arg19 : memref<800x128xf32, #tpu.memory_space<vmem_shared>>)
        tpu.yield
      }) : () -> ()
    } else {
    }
    %broadcast_in_dim3A = arith.constant 0.000000e+00 : f32
    %broadcast_in_dim3A_11 = vector.broadcast %broadcast_in_dim3A : f32 to vector<16xf32>
    %iota3A = tpu.iota {dimensions = array<i32: 0>} : vector<16xi32>
    %scan3A = arith.constant 0 : i32
    %scan3A_12 = arith.constant 0 : i32
    %scan3A_13 = arith.constant 6400 : i32
    %scan3A_14 = arith.addi %scan3A_12, %scan3A_13 : i32
    %scan3A_15 = arith.constant 1 : i32
    %scan3A_16 = scf.for %scan3A_42 = %scan3A_12 to %scan3A_14 step %scan3A_15 iter_args(%scan3A_43 = %scan3A) -> (i32)  : i32 {
      %mul3A_44 = arith.constant 16 : i32
      %mul3A_45 = arith.muli %scan3A_42, %mul3A_44 : i32
      %add3A_46 = vector.broadcast %mul3A_45 : i32 to vector<16xi32>
      %add3A_47 = arith.addi %iota3A, %add3A_46 : vector<16xi32>
      %shift_right_arithmetic3A = arith.constant 7 : i32
      %shift_right_arithmetic3A_48 = vector.broadcast %shift_right_arithmetic3A : i32 to vector<16xi32>
      %shift_right_arithmetic3A_49 = arith.shrsi %add3A_47, %shift_right_arithmetic3A_48 : vector<16xi32>
      %and3A = arith.constant 127 : i32
      %and3A_50 = vector.broadcast %and3A : i32 to vector<16xi32>
      %and3A_51 = arith.andi %add3A_47, %and3A_50 : vector<16xi32>
      tpu.vector_store_idx %arg17[%shift_right_arithmetic3A_49, %and3A_51], %broadcast_in_dim3A_11 : memref<800x128xf32, #tpu.memory_space<vmem>>[vector<16xi32>, vector<16xi32>], vector<16xf32>,
      %scan3A_52 = arith.constant 0 : i32
      scf.yield %scan3A_52 : i32
    }
    %scan3A_17 = arith.constant 6400 : i32
    %while3A = arith.constant 0 : i32
    %while3A_18 = arith.constant 0 : i32
    %while3A_19 = arith.subi %add3A_4, %while3A : i32
    %while3A_20 = arith.addi %while3A, %while3A_19 : i32
    %while3A_21 = arith.constant 1 : i32
    %while3A_22 = arith.divsi %while3A_19, %while3A_21 : i32
    %while3A_23 = arith.muli %while3A_22, %while3A_21 : i32
    %while3A_24 = arith.addi %while3A, %while3A_23 : i32
    %while3A_25 = arith.constant 1 : i32
    %while3A_26 = scf.for %while3A_42 = %while3A to %while3A_24 step %while3A_25 iter_args(%while3A_43 = %while3A_18) -> (i32)  : i32 {
      %add3A_44 = arith.addi %add3A_8, %while3A_42 : i32
      %mul3A_45 = arith.constant 64 : i32
      %mul3A_46 = arith.muli %add3A_44, %mul3A_45 : i32
      "tpu.region"() ({
        %run_scoped3A = tpu.sem_alloc : memref<!tpu.dma_semaphore, #tpu.memory_space<semaphore_mem>>
        %dma_start3A_65 = tpu.memref_slice %arg3[%mul3A_46] : memref<800000xi32, #tpu.memory_space<hbm>> -> memref<64xi32, #tpu.memory_space<hbm>>
        %dma_start3A_66 = tpu.memref_slice %arg3[%mul3A_46] : memref<800000xi32, #tpu.memory_space<hbm>> -> memref<64xi32, #tpu.memory_space<hbm>>
        tpu.enqueue_dma source(%dma_start3A_66 : memref<64xi32, #tpu.memory_space<hbm>>) target(%arg10 : memref<64xi32, #tpu.memory_space<vmem>>) target_semaphore(%run_scoped3A : memref<!tpu.dma_semaphore, #tpu.memory_space<semaphore_mem>>)
        %dma_wait3A_67 = tpu.memref_slice %arg3[%mul3A_46] : memref<800000xi32, #tpu.memory_space<hbm>> -> memref<64xi32, #tpu.memory_space<hbm>>
        %dma_wait3A_68 = tpu.memref_slice %arg3[%mul3A_46] : memref<800000xi32, #tpu.memory_space<hbm>> -> memref<64xi32, #tpu.memory_space<hbm>>
        tpu.wait_dma2 semaphore(%run_scoped3A : memref<!tpu.dma_semaphore, #tpu.memory_space<semaphore_mem>>) src(%dma_wait3A_68 : memref<64xi32, #tpu.memory_space<hbm>>) dst(%arg10 : memref<64xi32, #tpu.memory_space<vmem>>)
        tpu.yield
      }) : () -> ()
      "tpu.region"() ({
        %run_scoped3A = tpu.sem_alloc : memref<!tpu.dma_semaphore, #tpu.memory_space<semaphore_mem>>
        %dma_start3A_65 = tpu.memref_slice %arg4[%mul3A_46] : memref<800000xi32, #tpu.memory_space<hbm>> -> memref<64xi32, #tpu.memory_space<hbm>>
        %dma_start3A_66 = tpu.memref_slice %arg4[%mul3A_46] : memref<800000xi32, #tpu.memory_space<hbm>> -> memref<64xi32, #tpu.memory_space<hbm>>
        tpu.enqueue_dma source(%dma_start3A_66 : memref<64xi32, #tpu.memory_space<hbm>>) target(%arg11 : memref<64xi32, #tpu.memory_space<vmem>>) target_semaphore(%run_scoped3A : memref<!tpu.dma_semaphore, #tpu.memory_space<semaphore_mem>>)
        %dma_wait3A_67 = tpu.memref_slice %arg4[%mul3A_46] : memref<800000xi32, #tpu.memory_space<hbm>> -> memref<64xi32, #tpu.memory_space<hbm>>
        %dma_wait3A_68 = tpu.memref_slice %arg4[%mul3A_46] : memref<800000xi32, #tpu.memory_space<hbm>> -> memref<64xi32, #tpu.memory_space<hbm>>
        tpu.wait_dma2 semaphore(%run_scoped3A : memref<!tpu.dma_semaphore, #tpu.memory_space<semaphore_mem>>) src(%dma_wait3A_68 : memref<64xi32, #tpu.memory_space<hbm>>) dst(%arg11 : memref<64xi32, #tpu.memory_space<vmem>>)
        tpu.yield
      }) : () -> ()
      %dma_start3A = arith.constant 0 : i32
      %dma_start3A_47 = arith.constant 0 : i32
      %dma_start3A_48 = tpu.memref_slice %arg2[%dma_start3A, %dma_start3A_47] : memref<50000x128xf32, #tpu.memory_space<hbm>> -> memref<50000x128xf32, #tpu.memory_space<hbm>>
      tpu.enqueue_indirect_dma source(%dma_start3A_48 : memref<50000x128xf32, #tpu.memory_space<hbm>>) target(%arg12 : memref<64x128xf32, #tpu.memory_space<vmem>>) offsets(%arg10 : memref<64xi32, #tpu.memory_space<vmem>>) semaphore(%arg20 : memref<!tpu.dma_semaphore, #tpu.memory_space<semaphore_mem>>)
      %dma_wait3A = arith.constant 0 : i32
      %dma_wait3A_49 = arith.constant 0 : i32
      %dma_wait3A_50 = tpu.memref_slice %arg2[%dma_wait3A, %dma_wait3A_49] : memref<50000x128xf32, #tpu.memory_space<hbm>> -> memref<50000x128xf32, #tpu.memory_space<hbm>>
      tpu.wait_indirect_dma semaphore(%arg20 : memref<!tpu.dma_semaphore, #tpu.memory_space<semaphore_mem>>) src(%dma_wait3A_50 : memref<50000x128xf32, #tpu.memory_space<hbm>>) dst(%arg12 : memref<64x128xf32, #tpu.memory_space<vmem>>)
      %dma_start3A_51 = arith.constant 0 : i32
      %dma_start3A_52 = arith.constant 0 : i32
      %dma_start3A_53 = tpu.memref_slice %arg2[%dma_start3A_51, %dma_start3A_52] : memref<50000x128xf32, #tpu.memory_space<hbm>> -> memref<50000x128xf32, #tpu.memory_space<hbm>>
      tpu.enqueue_indirect_dma source(%dma_start3A_53 : memref<50000x128xf32, #tpu.memory_space<hbm>>) target(%arg13 : memref<64x128xf32, #tpu.memory_space<vmem>>) offsets(%arg11 : memref<64xi32, #tpu.memory_space<vmem>>) semaphore(%arg20 : memref<!tpu.dma_semaphore, #tpu.memory_space<semaphore_mem>>)
      %dma_wait3A_54 = arith.constant 0 : i32
      %dma_wait3A_55 = arith.constant 0 : i32
      %dma_wait3A_56 = tpu.memref_slice %arg2[%dma_wait3A_54, %dma_wait3A_55] : memref<50000x128xf32, #tpu.memory_space<hbm>> -> memref<50000x128xf32, #tpu.memory_space<hbm>>
      tpu.wait_indirect_dma semaphore(%arg20 : memref<!tpu.dma_semaphore, #tpu.memory_space<semaphore_mem>>) src(%dma_wait3A_56 : memref<50000x128xf32, #tpu.memory_space<hbm>>) dst(%arg13 : memref<64x128xf32, #tpu.memory_space<vmem>>)
      %scan3A_57 = arith.constant 0 : i32
      %scan3A_58 = arith.constant 0 : i32
      %scan3A_59 = arith.constant 4 : i32
      %scan3A_60 = arith.addi %scan3A_58, %scan3A_59 : i32
      %scan3A_61 = arith.constant 1 : i32
      %scan3A_62 = scf.for %scan3A_65 = %scan3A_58 to %scan3A_60 step %scan3A_61 iter_args(%scan3A_66 = %scan3A_57) -> (i32)  : i32 {
        %iota3A_67 = tpu.iota {dimensions = array<i32: 0>} : vector<16xi32>
        %mul3A_68 = arith.constant 16 : i32
        %mul3A_69 = arith.muli %scan3A_65, %mul3A_68 : i32
        %add3A_70 = vector.broadcast %mul3A_69 : i32 to vector<16xi32>
        %add3A_71 = arith.addi %iota3A_67, %add3A_70 : vector<16xi32>
        %broadcast_in_dim3A_72 = arith.constant 0.000000e+00 : f32
        %broadcast_in_dim3A_73 = vector.broadcast %broadcast_in_dim3A_72 : f32 to vector<16xf32>
        %broadcast_in_dim3A_74 = arith.constant 0.000000e+00 : f32
        %broadcast_in_dim3A_75 = vector.broadcast %broadcast_in_dim3A_74 : f32 to vector<16xf32>
        %broadcast_in_dim3A_76 = arith.constant 0 : i32
        %broadcast_in_dim3A_77 = vector.broadcast %broadcast_in_dim3A_76 : i32 to vector<16xi32>
        %broadcast_in_dim3A_78 = arith.constant 64 : i32
        %broadcast_in_dim3A_79 = vector.broadcast %broadcast_in_dim3A_78 : i32 to vector<16xi32>
        %gather3A = tpu.vector_load_idx %arg12[%add3A_71, %broadcast_in_dim3A_77] : memref<64x128xf32, #tpu.memory_space<vmem>>[vector<16xi32>, vector<16xi32>], vector<16xf32>,
        %gather3A_80 = tpu.vector_load_idx %arg13[%add3A_71, %broadcast_in_dim3A_79] : memref<64x128xf32, #tpu.memory_space<vmem>>[vector<16xi32>, vector<16xi32>], vector<16xf32>,
        %add3A_81 = arith.addf %gather3A, %gather3A_80 : vector<16xf32>
        %mul3A_82 = arith.constant 2.000000e-01 : f32
        %mul3A_83 = vector.broadcast %mul3A_82 : f32 to vector<16xf32>
        %mul3A_84 = arith.mulf %mul3A_83, %add3A_81 : vector<16xf32>
        %max3A = arith.maximumf %add3A_81, %mul3A_84 : vector<16xf32>
        %get3A = arith.constant 0 : index
        %get3A_85 = tpu.vector_load %arg16[%get3A] {strides = array<i32>} : memref<1024xf32, #tpu.memory_space<vmem>>, vector<16xf32>,
        %mul3A_86 = arith.mulf %max3A, %get3A_85 : vector<16xf32>
        %add3A_87 = arith.addf %broadcast_in_dim3A_73, %mul3A_86 : vector<16xf32>
        %broadcast_in_dim3A_88 = arith.constant 1 : i32
        %broadcast_in_dim3A_89 = vector.broadcast %broadcast_in_dim3A_88 : i32 to vector<16xi32>
        %broadcast_in_dim3A_90 = arith.constant 65 : i32
        %broadcast_in_dim3A_91 = vector.broadcast %broadcast_in_dim3A_90 : i32 to vector<16xi32>
        %gather3A_92 = tpu.vector_load_idx %arg12[%add3A_71, %broadcast_in_dim3A_89] : memref<64x128xf32, #tpu.memory_space<vmem>>[vector<16xi32>, vector<16xi32>], vector<16xf32>,
        %gather3A_93 = tpu.vector_load_idx %arg13[%add3A_71, %broadcast_in_dim3A_91] : memref<64x128xf32, #tpu.memory_space<vmem>>[vector<16xi32>, vector<16xi32>], vector<16xf32>,
        %add3A_94 = arith.addf %gather3A_92, %gather3A_93 : vector<16xf32>
        %mul3A_95 = arith.constant 2.000000e-01 : f32
        %mul3A_96 = vector.broadcast %mul3A_95 : f32 to vector<16xf32>
        %mul3A_97 = arith.mulf %mul3A_96, %add3A_94 : vector<16xf32>
        %max3A_98 = arith.maximumf %add3A_94, %mul3A_97 : vector<16xf32>
        %get3A_99 = arith.constant 16 : index
        %get3A_100 = tpu.vector_load %arg16[%get3A_99] {strides = array<i32>} : memref<1024xf32, #tpu.memory_space<vmem>>, vector<16xf32>,
        %mul3A_101 = arith.mulf %max3A_98, %get3A_100 : vector<16xf32>
        %add3A_102 = arith.addf %add3A_87, %mul3A_101 : vector<16xf32>
        %broadcast_in_dim3A_103 = arith.constant 2 : i32
        %broadcast_in_dim3A_104 = vector.broadcast %broadcast_in_dim3A_103 : i32 to vector<16xi32>
        %broadcast_in_dim3A_105 = arith.constant 66 : i32
        %broadcast_in_dim3A_106 = vector.broadcast %broadcast_in_dim3A_105 : i32 to vector<16xi32>
        %gather3A_107 = tpu.vector_load_idx %arg12[%add3A_71, %broadcast_in_dim3A_104] : memref<64x128xf32, #tpu.memory_space<vmem>>[vector<16xi32>, vector<16xi32>], vector<16xf32>,
        %gather3A_108 = tpu.vector_load_idx %arg13[%add3A_71, %broadcast_in_dim3A_106] : memref<64x128xf32, #tpu.memory_space<vmem>>[vector<16xi32>, vector<16xi32>], vector<16xf32>,
        %add3A_109 = arith.addf %gather3A_107, %gather3A_108 : vector<16xf32>
        %mul3A_110 = arith.constant 2.000000e-01 : f32
        %mul3A_111 = vector.broadcast %mul3A_110 : f32 to vector<16xf32>
        %mul3A_112 = arith.mulf %mul3A_111, %add3A_109 : vector<16xf32>
        %max3A_113 = arith.maximumf %add3A_109, %mul3A_112 : vector<16xf32>
        %get3A_114 = arith.constant 32 : index
        %get3A_115 = tpu.vector_load %arg16[%get3A_114] {strides = array<i32>} : memref<1024xf32, #tpu.memory_space<vmem>>, vector<16xf32>,
        %mul3A_116 = arith.mulf %max3A_113, %get3A_115 : vector<16xf32>
        %add3A_117 = arith.addf %add3A_102, %mul3A_116 : vector<16xf32>
        %broadcast_in_dim3A_118 = arith.constant 3 : i32
        %broadcast_in_dim3A_119 = vector.broadcast %broadcast_in_dim3A_118 : i32 to vector<16xi32>
        %broadcast_in_dim3A_120 = arith.constant 67 : i32
        %broadcast_in_dim3A_121 = vector.broadcast %broadcast_in_dim3A_120 : i32 to vector<16xi32>
        %gather3A_122 = tpu.vector_load_idx %arg12[%add3A_71, %broadcast_in_dim3A_119] : memref<64x128xf32, #tpu.memory_space<vmem>>[vector<16xi32>, vector<16xi32>], vector<16xf32>,
        %gather3A_123 = tpu.vector_load_idx %arg13[%add3A_71, %broadcast_in_dim3A_121] : memref<64x128xf32, #tpu.memory_space<vmem>>[vector<16xi32>, vector<16xi32>], vector<16xf32>,
        %add3A_124 = arith.addf %gather3A_122, %gather3A_123 : vector<16xf32>
        %mul3A_125 = arith.constant 2.000000e-01 : f32
        %mul3A_126 = vector.broadcast %mul3A_125 : f32 to vector<16xf32>
        %mul3A_127 = arith.mulf %mul3A_126, %add3A_124 : vector<16xf32>
        %max3A_128 = arith.maximumf %add3A_124, %mul3A_127 : vector<16xf32>
        %get3A_129 = arith.constant 48 : index
        %get3A_130 = tpu.vector_load %arg16[%get3A_129] {strides = array<i32>} : memref<1024xf32, #tpu.memory_space<vmem>>, vector<16xf32>,
        %mul3A_131 = arith.mulf %max3A_128, %get3A_130 : vector<16xf32>
        %add3A_132 = arith.addf %add3A_117, %mul3A_131 : vector<16xf32>
        %broadcast_in_dim3A_133 = arith.constant 4 : i32
        %broadcast_in_dim3A_134 = vector.broadcast %broadcast_in_dim3A_133 : i32 to vector<16xi32>
        %broadcast_in_dim3A_135 = arith.constant 68 : i32
        %broadcast_in_dim3A_136 = vector.broadcast %broadcast_in_dim3A_135 : i32 to vector<16xi32>
        %gather3A_137 = tpu.vector_load_idx %arg12[%add3A_71, %broadcast_in_dim3A_134] : memref<64x128xf32, #tpu.memory_space<vmem>>[vector<16xi32>, vector<16xi32>], vector<16xf32>,
        %gather3A_138 = tpu.vector_load_idx %arg13[%add3A_71, %broadcast_in_dim3A_136] : memref<64x128xf32, #tpu.memory_space<vmem>>[vector<16xi32>, vector<16xi32>], vector<16xf32>,
        %add3A_139 = arith.addf %gather3A_137, %gather3A_138 : vector<16xf32>
        %mul3A_140 = arith.constant 2.000000e-01 : f32
        %mul3A_141 = vector.broadcast %mul3A_140 : f32 to vector<16xf32>
        %mul3A_142 = arith.mulf %mul3A_141, %add3A_139 : vector<16xf32>
        %max3A_143 = arith.maximumf %add3A_139, %mul3A_142 : vector<16xf32>
        %get3A_144 = arith.constant 64 : index
        %get3A_145 = tpu.vector_load %arg16[%get3A_144] {strides = array<i32>} : memref<1024xf32, #tpu.memory_space<vmem>>, vector<16xf32>,
        %mul3A_146 = arith.mulf %max3A_143, %get3A_145 : vector<16xf32>
        %add3A_147 = arith.addf %add3A_132, %mul3A_146 : vector<16xf32>
        %broadcast_in_dim3A_148 = arith.constant 5 : i32
        %broadcast_in_dim3A_149 = vector.broadcast %broadcast_in_dim3A_148 : i32 to vector<16xi32>
        %broadcast_in_dim3A_150 = arith.constant 69 : i32
        %broadcast_in_dim3A_151 = vector.broadcast %broadcast_in_dim3A_150 : i32 to vector<16xi32>
        %gather3A_152 = tpu.vector_load_idx %arg12[%add3A_71, %broadcast_in_dim3A_149] : memref<64x128xf32, #tpu.memory_space<vmem>>[vector<16xi32>, vector<16xi32>], vector<16xf32>,
        %gather3A_153 = tpu.vector_load_idx %arg13[%add3A_71, %broadcast_in_dim3A_151] : memref<64x128xf32, #tpu.memory_space<vmem>>[vector<16xi32>, vector<16xi32>], vector<16xf32>,
        %add3A_154 = arith.addf %gather3A_152, %gather3A_153 : vector<16xf32>
        %mul3A_155 = arith.constant 2.000000e-01 : f32
        %mul3A_156 = vector.broadcast %mul3A_155 : f32 to vector<16xf32>
        %mul3A_157 = arith.mulf %mul3A_156, %add3A_154 : vector<16xf32>
        %max3A_158 = arith.maximumf %add3A_154, %mul3A_157 : vector<16xf32>
        %get3A_159 = arith.constant 80 : index
        %get3A_160 = tpu.vector_load %arg16[%get3A_159] {strides = array<i32>} : memref<1024xf32, #tpu.memory_space<vmem>>, vector<16xf32>,
        %mul3A_161 = arith.mulf %max3A_158, %get3A_160 : vector<16xf32>
        %add3A_162 = arith.addf %add3A_147, %mul3A_161 : vector<16xf32>
        %broadcast_in_dim3A_163 = arith.constant 6 : i32
        %broadcast_in_dim3A_164 = vector.broadcast %broadcast_in_dim3A_163 : i32 to vector<16xi32>
        %broadcast_in_dim3A_165 = arith.constant 70 : i32
        %broadcast_in_dim3A_166 = vector.broadcast %broadcast_in_dim3A_165 : i32 to vector<16xi32>
        %gather3A_167 = tpu.vector_load_idx %arg12[%add3A_71, %broadcast_in_dim3A_164] : memref<64x128xf32, #tpu.memory_space<vmem>>[vector<16xi32>, vector<16xi32>], vector<16xf32>,
        %gather3A_168 = tpu.vector_load_idx %arg13[%add3A_71, %broadcast_in_dim3A_166] : memref<64x128xf32, #tpu.memory_space<vmem>>[vector<16xi32>, vector<16xi32>], vector<16xf32>,
        %add3A_169 = arith.addf %gather3A_167, %gather3A_168 : vector<16xf32>
        %mul3A_170 = arith.constant 2.000000e-01 : f32
        %mul3A_171 = vector.broadcast %mul3A_170 : f32 to vector<16xf32>
        %mul3A_172 = arith.mulf %mul3A_171, %add3A_169 : vector<16xf32>
        %max3A_173 = arith.maximumf %add3A_169, %mul3A_172 : vector<16xf32>
        %get3A_174 = arith.constant 96 : index
        %get3A_175 = tpu.vector_load %arg16[%get3A_174] {strides = array<i32>} : memref<1024xf32, #tpu.memory_space<vmem>>, vector<16xf32>,
        %mul3A_176 = arith.mulf %max3A_173, %get3A_175 : vector<16xf32>
        %add3A_177 = arith.addf %add3A_162, %mul3A_176 : vector<16xf32>
        %broadcast_in_dim3A_178 = arith.constant 7 : i32
        %broadcast_in_dim3A_179 = vector.broadcast %broadcast_in_dim3A_178 : i32 to vector<16xi32>
        %broadcast_in_dim3A_180 = arith.constant 71 : i32
        %broadcast_in_dim3A_181 = vector.broadcast %broadcast_in_dim3A_180 : i32 to vector<16xi32>
        %gather3A_182 = tpu.vector_load_idx %arg12[%add3A_71, %broadcast_in_dim3A_179] : memref<64x128xf32, #tpu.memory_space<vmem>>[vector<16xi32>, vector<16xi32>], vector<16xf32>,
        %gather3A_183 = tpu.vector_load_idx %arg13[%add3A_71, %broadcast_in_dim3A_181] : memref<64x128xf32, #tpu.memory_space<vmem>>[vector<16xi32>, vector<16xi32>], vector<16xf32>,
        %add3A_184 = arith.addf %gather3A_182, %gather3A_183 : vector<16xf32>
        %mul3A_185 = arith.constant 2.000000e-01 : f32
        %mul3A_186 = vector.broadcast %mul3A_185 : f32 to vector<16xf32>
        %mul3A_187 = arith.mulf %mul3A_186, %add3A_184 : vector<16xf32>
        %max3A_188 = arith.maximumf %add3A_184, %mul3A_187 : vector<16xf32>
        %get3A_189 = arith.constant 112 : index
        %get3A_190 = tpu.vector_load %arg16[%get3A_189] {strides = array<i32>} : memref<1024xf32, #tpu.memory_space<vmem>>, vector<16xf32>,
        %mul3A_191 = arith.mulf %max3A_188, %get3A_190 : vector<16xf32>
        %add3A_192 = arith.addf %add3A_177, %mul3A_191 : vector<16xf32>
        %broadcast_in_dim3A_193 = arith.constant 8 : i32
        %broadcast_in_dim3A_194 = vector.broadcast %broadcast_in_dim3A_193 : i32 to vector<16xi32>
        %broadcast_in_dim3A_195 = arith.constant 72 : i32
        %broadcast_in_dim3A_196 = vector.broadcast %broadcast_in_dim3A_195 : i32 to vector<16xi32>
        %gather3A_197 = tpu.vector_load_idx %arg12[%add3A_71, %broadcast_in_dim3A_194] : memref<64x128xf32, #tpu.memory_space<vmem>>[vector<16xi32>, vector<16xi32>], vector<16xf32>,
        %gather3A_198 = tpu.vector_load_idx %arg13[%add3A_71, %broadcast_in_dim3A_196] : memref<64x128xf32, #tpu.memory_space<vmem>>[vector<16xi32>, vector<16xi32>], vector<16xf32>,
        %add3A_199 = arith.addf %gather3A_197, %gather3A_198 : vector<16xf32>
        %mul3A_200 = arith.constant 2.000000e-01 : f32
        %mul3A_201 = vector.broadcast %mul3A_200 : f32 to vector<16xf32>
        %mul3A_202 = arith.mulf %mul3A_201, %add3A_199 : vector<16xf32>
        %max3A_203 = arith.maximumf %add3A_199, %mul3A_202 : vector<16xf32>
        %get3A_204 = arith.constant 128 : index
        %get3A_205 = tpu.vector_load %arg16[%get3A_204] {strides = array<i32>} : memref<1024xf32, #tpu.memory_space<vmem>>, vector<16xf32>,
        %mul3A_206 = arith.mulf %max3A_203, %get3A_205 : vector<16xf32>
        %add3A_207 = arith.addf %add3A_192, %mul3A_206 : vector<16xf32>
        %broadcast_in_dim3A_208 = arith.constant 9 : i32
        %broadcast_in_dim3A_209 = vector.broadcast %broadcast_in_dim3A_208 : i32 to vector<16xi32>
        %broadcast_in_dim3A_210 = arith.constant 73 : i32
        %broadcast_in_dim3A_211 = vector.broadcast %broadcast_in_dim3A_210 : i32 to vector<16xi32>
        %gather3A_212 = tpu.vector_load_idx %arg12[%add3A_71, %broadcast_in_dim3A_209] : memref<64x128xf32, #tpu.memory_space<vmem>>[vector<16xi32>, vector<16xi32>], vector<16xf32>,
        %gather3A_213 = tpu.vector_load_idx %arg13[%add3A_71, %broadcast_in_dim3A_211] : memref<64x128xf32, #tpu.memory_space<vmem>>[vector<16xi32>, vector<16xi32>], vector<16xf32>,
        %add3A_214 = arith.addf %gather3A_212, %gather3A_213 : vector<16xf32>
        %mul3A_215 = arith.constant 2.000000e-01 : f32
        %mul3A_216 = vector.broadcast %mul3A_215 : f32 to vector<16xf32>
        %mul3A_217 = arith.mulf %mul3A_216, %add3A_214 : vector<16xf32>
        %max3A_218 = arith.maximumf %add3A_214, %mul3A_217 : vector<16xf32>
        %get3A_219 = arith.constant 144 : index
        %get3A_220 = tpu.vector_load %arg16[%get3A_219] {strides = array<i32>} : memref<1024xf32, #tpu.memory_space<vmem>>, vector<16xf32>,
        %mul3A_221 = arith.mulf %max3A_218, %get3A_220 : vector<16xf32>
        %add3A_222 = arith.addf %add3A_207, %mul3A_221 : vector<16xf32>
        %broadcast_in_dim3A_223 = arith.constant 10 : i32
        %broadcast_in_dim3A_224 = vector.broadcast %broadcast_in_dim3A_223 : i32 to vector<16xi32>
        %broadcast_in_dim3A_225 = arith.constant 74 : i32
        %broadcast_in_dim3A_226 = vector.broadcast %broadcast_in_dim3A_225 : i32 to vector<16xi32>
        %gather3A_227 = tpu.vector_load_idx %arg12[%add3A_71, %broadcast_in_dim3A_224] : memref<64x128xf32, #tpu.memory_space<vmem>>[vector<16xi32>, vector<16xi32>], vector<16xf32>,
        %gather3A_228 = tpu.vector_load_idx %arg13[%add3A_71, %broadcast_in_dim3A_226] : memref<64x128xf32, #tpu.memory_space<vmem>>[vector<16xi32>, vector<16xi32>], vector<16xf32>,
        %add3A_229 = arith.addf %gather3A_227, %gather3A_228 : vector<16xf32>
        %mul3A_230 = arith.constant 2.000000e-01 : f32
        %mul3A_231 = vector.broadcast %mul3A_230 : f32 to vector<16xf32>
        %mul3A_232 = arith.mulf %mul3A_231, %add3A_229 : vector<16xf32>
        %max3A_233 = arith.maximumf %add3A_229, %mul3A_232 : vector<16xf32>
        %get3A_234 = arith.constant 160 : index
        %get3A_235 = tpu.vector_load %arg16[%get3A_234] {strides = array<i32>} : memref<1024xf32, #tpu.memory_space<vmem>>, vector<16xf32>,
        %mul3A_236 = arith.mulf %max3A_233, %get3A_235 : vector<16xf32>
        %add3A_237 = arith.addf %add3A_222, %mul3A_236 : vector<16xf32>
        %broadcast_in_dim3A_238 = arith.constant 11 : i32
        %broadcast_in_dim3A_239 = vector.broadcast %broadcast_in_dim3A_238 : i32 to vector<16xi32>
        %broadcast_in_dim3A_240 = arith.constant 75 : i32
        %broadcast_in_dim3A_241 = vector.broadcast %broadcast_in_dim3A_240 : i32 to vector<16xi32>
        %gather3A_242 = tpu.vector_load_idx %arg12[%add3A_71, %broadcast_in_dim3A_239] : memref<64x128xf32, #tpu.memory_space<vmem>>[vector<16xi32>, vector<16xi32>], vector<16xf32>,
        %gather3A_243 = tpu.vector_load_idx %arg13[%add3A_71, %broadcast_in_dim3A_241] : memref<64x128xf32, #tpu.memory_space<vmem>>[vector<16xi32>, vector<16xi32>], vector<16xf32>,
        %add3A_244 = arith.addf %gather3A_242, %gather3A_243 : vector<16xf32>
        %mul3A_245 = arith.constant 2.000000e-01 : f32
        %mul3A_246 = vector.broadcast %mul3A_245 : f32 to vector<16xf32>
        %mul3A_247 = arith.mulf %mul3A_246, %add3A_244 : vector<16xf32>
        %max3A_248 = arith.maximumf %add3A_244, %mul3A_247 : vector<16xf32>
        %get3A_249 = arith.constant 176 : index
        %get3A_250 = tpu.vector_load %arg16[%get3A_249] {strides = array<i32>} : memref<1024xf32, #tpu.memory_space<vmem>>, vector<16xf32>,
        %mul3A_251 = arith.mulf %max3A_248, %get3A_250 : vector<16xf32>
        %add3A_252 = arith.addf %add3A_237, %mul3A_251 : vector<16xf32>
        %broadcast_in_dim3A_253 = arith.constant 12 : i32
        %broadcast_in_dim3A_254 = vector.broadcast %broadcast_in_dim3A_253 : i32 to vector<16xi32>
        %broadcast_in_dim3A_255 = arith.constant 76 : i32
        %broadcast_in_dim3A_256 = vector.broadcast %broadcast_in_dim3A_255 : i32 to vector<16xi32>
        %gather3A_257 = tpu.vector_load_idx %arg12[%add3A_71, %broadcast_in_dim3A_254] : memref<64x128xf32, #tpu.memory_space<vmem>>[vector<16xi32>, vector<16xi32>], vector<16xf32>,
        %gather3A_258 = tpu.vector_load_idx %arg13[%add3A_71, %broadcast_in_dim3A_256] : memref<64x128xf32, #tpu.memory_space<vmem>>[vector<16xi32>, vector<16xi32>], vector<16xf32>,
        %add3A_259 = arith.addf %gather3A_257, %gather3A_258 : vector<16xf32>
        %mul3A_260 = arith.constant 2.000000e-01 : f32
        %mul3A_261 = vector.broadcast %mul3A_260 : f32 to vector<16xf32>
        %mul3A_262 = arith.mulf %mul3A_261, %add3A_259 : vector<16xf32>
        %max3A_263 = arith.maximumf %add3A_259, %mul3A_262 : vector<16xf32>
        %get3A_264 = arith.constant 192 : index
        %get3A_265 = tpu.vector_load %arg16[%get3A_264] {strides = array<i32>} : memref<1024xf32, #tpu.memory_space<vmem>>, vector<16xf32>,
        %mul3A_266 = arith.mulf %max3A_263, %get3A_265 : vector<16xf32>
        %add3A_267 = arith.addf %add3A_252, %mul3A_266 : vector<16xf32>
        %broadcast_in_dim3A_268 = arith.constant 13 : i32
        %broadcast_in_dim3A_269 = vector.broadcast %broadcast_in_dim3A_268 : i32 to vector<16xi32>
        %broadcast_in_dim3A_270 = arith.constant 77 : i32
        %broadcast_in_dim3A_271 = vector.broadcast %broadcast_in_dim3A_270 : i32 to vector<16xi32>
        %gather3A_272 = tpu.vector_load_idx %arg12[%add3A_71, %broadcast_in_dim3A_269] : memref<64x128xf32, #tpu.memory_space<vmem>>[vector<16xi32>, vector<16xi32>], vector<16xf32>,
        %gather3A_273 = tpu.vector_load_idx %arg13[%add3A_71, %broadcast_in_dim3A_271] : memref<64x128xf32, #tpu.memory_space<vmem>>[vector<16xi32>, vector<16xi32>], vector<16xf32>,
        %add3A_274 = arith.addf %gather3A_272, %gather3A_273 : vector<16xf32>
        %mul3A_275 = arith.constant 2.000000e-01 : f32
        %mul3A_276 = vector.broadcast %mul3A_275 : f32 to vector<16xf32>
        %mul3A_277 = arith.mulf %mul3A_276, %add3A_274 : vector<16xf32>
        %max3A_278 = arith.maximumf %add3A_274, %mul3A_277 : vector<16xf32>
        %get3A_279 = arith.constant 208 : index
        %get3A_280 = tpu.vector_load %arg16[%get3A_279] {strides = array<i32>} : memref<1024xf32, #tpu.memory_space<vmem>>, vector<16xf32>,
        %mul3A_281 = arith.mulf %max3A_278, %get3A_280 : vector<16xf32>
        %add3A_282 = arith.addf %add3A_267, %mul3A_281 : vector<16xf32>
        %broadcast_in_dim3A_283 = arith.constant 14 : i32
        %broadcast_in_dim3A_284 = vector.broadcast %broadcast_in_dim3A_283 : i32 to vector<16xi32>
        %broadcast_in_dim3A_285 = arith.constant 78 : i32
        %broadcast_in_dim3A_286 = vector.broadcast %broadcast_in_dim3A_285 : i32 to vector<16xi32>
        %gather3A_287 = tpu.vector_load_idx %arg12[%add3A_71, %broadcast_in_dim3A_284] : memref<64x128xf32, #tpu.memory_space<vmem>>[vector<16xi32>, vector<16xi32>], vector<16xf32>,
        %gather3A_288 = tpu.vector_load_idx %arg13[%add3A_71, %broadcast_in_dim3A_286] : memref<64x128xf32, #tpu.memory_space<vmem>>[vector<16xi32>, vector<16xi32>], vector<16xf32>,
        %add3A_289 = arith.addf %gather3A_287, %gather3A_288 : vector<16xf32>
        %mul3A_290 = arith.constant 2.000000e-01 : f32
        %mul3A_291 = vector.broadcast %mul3A_290 : f32 to vector<16xf32>
        %mul3A_292 = arith.mulf %mul3A_291, %add3A_289 : vector<16xf32>
        %max3A_293 = arith.maximumf %add3A_289, %mul3A_292 : vector<16xf32>
        %get3A_294 = arith.constant 224 : index
        %get3A_295 = tpu.vector_load %arg16[%get3A_294] {strides = array<i32>} : memref<1024xf32, #tpu.memory_space<vmem>>, vector<16xf32>,
        %mul3A_296 = arith.mulf %max3A_293, %get3A_295 : vector<16xf32>
        %add3A_297 = arith.addf %add3A_282, %mul3A_296 : vector<16xf32>
        %broadcast_in_dim3A_298 = arith.constant 15 : i32
        %broadcast_in_dim3A_299 = vector.broadcast %broadcast_in_dim3A_298 : i32 to vector<16xi32>
        %broadcast_in_dim3A_300 = arith.constant 79 : i32
        %broadcast_in_dim3A_301 = vector.broadcast %broadcast_in_dim3A_300 : i32 to vector<16xi32>
        %gather3A_302 = tpu.vector_load_idx %arg12[%add3A_71, %broadcast_in_dim3A_299] : memref<64x128xf32, #tpu.memory_space<vmem>>[vector<16xi32>, vector<16xi32>], vector<16xf32>,
        %gather3A_303 = tpu.vector_load_idx %arg13[%add3A_71, %broadcast_in_dim3A_301] : memref<64x128xf32, #tpu.memory_space<vmem>>[vector<16xi32>, vector<16xi32>], vector<16xf32>,
        %add3A_304 = arith.addf %gather3A_302, %gather3A_303 : vector<16xf32>
        %mul3A_305 = arith.constant 2.000000e-01 : f32
        %mul3A_306 = vector.broadcast %mul3A_305 : f32 to vector<16xf32>
        %mul3A_307 = arith.mulf %mul3A_306, %add3A_304 : vector<16xf32>
        %max3A_308 = arith.maximumf %add3A_304, %mul3A_307 : vector<16xf32>
        %get3A_309 = arith.constant 240 : index
        %get3A_310 = tpu.vector_load %arg16[%get3A_309] {strides = array<i32>} : memref<1024xf32, #tpu.memory_space<vmem>>, vector<16xf32>,
        %mul3A_311 = arith.mulf %max3A_308, %get3A_310 : vector<16xf32>
        %add3A_312 = arith.addf %add3A_297, %mul3A_311 : vector<16xf32>
        %broadcast_in_dim3A_313 = arith.constant 16 : i32
        %broadcast_in_dim3A_314 = vector.broadcast %broadcast_in_dim3A_313 : i32 to vector<16xi32>
        %broadcast_in_dim3A_315 = arith.constant 80 : i32
        %broadcast_in_dim3A_316 = vector.broadcast %broadcast_in_dim3A_315 : i32 to vector<16xi32>
        %gather3A_317 = tpu.vector_load_idx %arg12[%add3A_71, %broadcast_in_dim3A_314] : memref<64x128xf32, #tpu.memory_space<vmem>>[vector<16xi32>, vector<16xi32>], vector<16xf32>,
        %gather3A_318 = tpu.vector_load_idx %arg13[%add3A_71, %broadcast_in_dim3A_316] : memref<64x128xf32, #tpu.memory_space<vmem>>[vector<16xi32>, vector<16xi32>], vector<16xf32>,
        %add3A_319 = arith.addf %gather3A_317, %gather3A_318 : vector<16xf32>
        %mul3A_320 = arith.constant 2.000000e-01 : f32
        %mul3A_321 = vector.broadcast %mul3A_320 : f32 to vector<16xf32>
        %mul3A_322 = arith.mulf %mul3A_321, %add3A_319 : vector<16xf32>
        %max3A_323 = arith.maximumf %add3A_319, %mul3A_322 : vector<16xf32>
        %get3A_324 = arith.constant 256 : index
        %get3A_325 = tpu.vector_load %arg16[%get3A_324] {strides = array<i32>} : memref<1024xf32, #tpu.memory_space<vmem>>, vector<16xf32>,
        %mul3A_326 = arith.mulf %max3A_323, %get3A_325 : vector<16xf32>
        %add3A_327 = arith.addf %add3A_312, %mul3A_326 : vector<16xf32>
        %broadcast_in_dim3A_328 = arith.constant 17 : i32
        %broadcast_in_dim3A_329 = vector.broadcast %broadcast_in_dim3A_328 : i32 to vector<16xi32>
        %broadcast_in_dim3A_330 = arith.constant 81 : i32
        %broadcast_in_dim3A_331 = vector.broadcast %broadcast_in_dim3A_330 : i32 to vector<16xi32>
        %gather3A_332 = tpu.vector_load_idx %arg12[%add3A_71, %broadcast_in_dim3A_329] : memref<64x128xf32, #tpu.memory_space<vmem>>[vector<16xi32>, vector<16xi32>], vector<16xf32>,
        %gather3A_333 = tpu.vector_load_idx %arg13[%add3A_71, %broadcast_in_dim3A_331] : memref<64x128xf32, #tpu.memory_space<vmem>>[vector<16xi32>, vector<16xi32>], vector<16xf32>,
        %add3A_334 = arith.addf %gather3A_332, %gather3A_333 : vector<16xf32>
        %mul3A_335 = arith.constant 2.000000e-01 : f32
        %mul3A_336 = vector.broadcast %mul3A_335 : f32 to vector<16xf32>
        %mul3A_337 = arith.mulf %mul3A_336, %add3A_334 : vector<16xf32>
        %max3A_338 = arith.maximumf %add3A_334, %mul3A_337 : vector<16xf32>
        %get3A_339 = arith.constant 272 : index
        %get3A_340 = tpu.vector_load %arg16[%get3A_339] {strides = array<i32>} : memref<1024xf32, #tpu.memory_space<vmem>>, vector<16xf32>,
        %mul3A_341 = arith.mulf %max3A_338, %get3A_340 : vector<16xf32>
        %add3A_342 = arith.addf %add3A_327, %mul3A_341 : vector<16xf32>
        %broadcast_in_dim3A_343 = arith.constant 18 : i32
        %broadcast_in_dim3A_344 = vector.broadcast %broadcast_in_dim3A_343 : i32 to vector<16xi32>
        %broadcast_in_dim3A_345 = arith.constant 82 : i32
        %broadcast_in_dim3A_346 = vector.broadcast %broadcast_in_dim3A_345 : i32 to vector<16xi32>
        %gather3A_347 = tpu.vector_load_idx %arg12[%add3A_71, %broadcast_in_dim3A_344] : memref<64x128xf32, #tpu.memory_space<vmem>>[vector<16xi32>, vector<16xi32>], vector<16xf32>,
        %gather3A_348 = tpu.vector_load_idx %arg13[%add3A_71, %broadcast_in_dim3A_346] : memref<64x128xf32, #tpu.memory_space<vmem>>[vector<16xi32>, vector<16xi32>], vector<16xf32>,
        %add3A_349 = arith.addf %gather3A_347, %gather3A_348 : vector<16xf32>
        %mul3A_350 = arith.constant 2.000000e-01 : f32
        %mul3A_351 = vector.broadcast %mul3A_350 : f32 to vector<16xf32>
        %mul3A_352 = arith.mulf %mul3A_351, %add3A_349 : vector<16xf32>
        %max3A_353 = arith.maximumf %add3A_349, %mul3A_352 : vector<16xf32>
        %get3A_354 = arith.constant 288 : index
        %get3A_355 = tpu.vector_load %arg16[%get3A_354] {strides = array<i32>} : memref<1024xf32, #tpu.memory_space<vmem>>, vector<16xf32>,
        %mul3A_356 = arith.mulf %max3A_353, %get3A_355 : vector<16xf32>
        %add3A_357 = arith.addf %add3A_342, %mul3A_356 : vector<16xf32>
        %broadcast_in_dim3A_358 = arith.constant 19 : i32
        %broadcast_in_dim3A_359 = vector.broadcast %broadcast_in_dim3A_358 : i32 to vector<16xi32>
        %broadcast_in_dim3A_360 = arith.constant 83 : i32
        %broadcast_in_dim3A_361 = vector.broadcast %broadcast_in_dim3A_360 : i32 to vector<16xi32>
        %gather3A_362 = tpu.vector_load_idx %arg12[%add3A_71, %broadcast_in_dim3A_359] : memref<64x128xf32, #tpu.memory_space<vmem>>[vector<16xi32>, vector<16xi32>], vector<16xf32>,
        %gather3A_363 = tpu.vector_load_idx %arg13[%add3A_71, %broadcast_in_dim3A_361] : memref<64x128xf32, #tpu.memory_space<vmem>>[vector<16xi32>, vector<16xi32>], vector<16xf32>,
        %add3A_364 = arith.addf %gather3A_362, %gather3A_363 : vector<16xf32>
        %mul3A_365 = arith.constant 2.000000e-01 : f32
        %mul3A_366 = vector.broadcast %mul3A_365 : f32 to vector<16xf32>
        %mul3A_367 = arith.mulf %mul3A_366, %add3A_364 : vector<16xf32>
        %max3A_368 = arith.maximumf %add3A_364, %mul3A_367 : vector<16xf32>
        %get3A_369 = arith.constant 304 : index
        %get3A_370 = tpu.vector_load %arg16[%get3A_369] {strides = array<i32>} : memref<1024xf32, #tpu.memory_space<vmem>>, vector<16xf32>,
        %mul3A_371 = arith.mulf %max3A_368, %get3A_370 : vector<16xf32>
        %add3A_372 = arith.addf %add3A_357, %mul3A_371 : vector<16xf32>
        %broadcast_in_dim3A_373 = arith.constant 20 : i32
        %broadcast_in_dim3A_374 = vector.broadcast %broadcast_in_dim3A_373 : i32 to vector<16xi32>
        %broadcast_in_dim3A_375 = arith.constant 84 : i32
        %broadcast_in_dim3A_376 = vector.broadcast %broadcast_in_dim3A_375 : i32 to vector<16xi32>
        %gather3A_377 = tpu.vector_load_idx %arg12[%add3A_71, %broadcast_in_dim3A_374] : memref<64x128xf32, #tpu.memory_space<vmem>>[vector<16xi32>, vector<16xi32>], vector<16xf32>,
        %gather3A_378 = tpu.vector_load_idx %arg13[%add3A_71, %broadcast_in_dim3A_376] : memref<64x128xf32, #tpu.memory_space<vmem>>[vector<16xi32>, vector<16xi32>], vector<16xf32>,
        %add3A_379 = arith.addf %gather3A_377, %gather3A_378 : vector<16xf32>
        %mul3A_380 = arith.constant 2.000000e-01 : f32
        %mul3A_381 = vector.broadcast %mul3A_380 : f32 to vector<16xf32>
        %mul3A_382 = arith.mulf %mul3A_381, %add3A_379 : vector<16xf32>
        %max3A_383 = arith.maximumf %add3A_379, %mul3A_382 : vector<16xf32>
        %get3A_384 = arith.constant 320 : index
        %get3A_385 = tpu.vector_load %arg16[%get3A_384] {strides = array<i32>} : memref<1024xf32, #tpu.memory_space<vmem>>, vector<16xf32>,
        %mul3A_386 = arith.mulf %max3A_383, %get3A_385 : vector<16xf32>
        %add3A_387 = arith.addf %add3A_372, %mul3A_386 : vector<16xf32>
        %broadcast_in_dim3A_388 = arith.constant 21 : i32
        %broadcast_in_dim3A_389 = vector.broadcast %broadcast_in_dim3A_388 : i32 to vector<16xi32>
        %broadcast_in_dim3A_390 = arith.constant 85 : i32
        %broadcast_in_dim3A_391 = vector.broadcast %broadcast_in_dim3A_390 : i32 to vector<16xi32>
        %gather3A_392 = tpu.vector_load_idx %arg12[%add3A_71, %broadcast_in_dim3A_389] : memref<64x128xf32, #tpu.memory_space<vmem>>[vector<16xi32>, vector<16xi32>], vector<16xf32>,
        %gather3A_393 = tpu.vector_load_idx %arg13[%add3A_71, %broadcast_in_dim3A_391] : memref<64x128xf32, #tpu.memory_space<vmem>>[vector<16xi32>, vector<16xi32>], vector<16xf32>,
        %add3A_394 = arith.addf %gather3A_392, %gather3A_393 : vector<16xf32>
        %mul3A_395 = arith.constant 2.000000e-01 : f32
        %mul3A_396 = vector.broadcast %mul3A_395 : f32 to vector<16xf32>
        %mul3A_397 = arith.mulf %mul3A_396, %add3A_394 : vector<16xf32>
        %max3A_398 = arith.maximumf %add3A_394, %mul3A_397 : vector<16xf32>
        %get3A_399 = arith.constant 336 : index
        %get3A_400 = tpu.vector_load %arg16[%get3A_399] {strides = array<i32>} : memref<1024xf32, #tpu.memory_space<vmem>>, vector<16xf32>,
        %mul3A_401 = arith.mulf %max3A_398, %get3A_400 : vector<16xf32>
        %add3A_402 = arith.addf %add3A_387, %mul3A_401 : vector<16xf32>
        %broadcast_in_dim3A_403 = arith.constant 22 : i32
        %broadcast_in_dim3A_404 = vector.broadcast %broadcast_in_dim3A_403 : i32 to vector<16xi32>
        %broadcast_in_dim3A_405 = arith.constant 86 : i32
        %broadcast_in_dim3A_406 = vector.broadcast %broadcast_in_dim3A_405 : i32 to vector<16xi32>
        %gather3A_407 = tpu.vector_load_idx %arg12[%add3A_71, %broadcast_in_dim3A_404] : memref<64x128xf32, #tpu.memory_space<vmem>>[vector<16xi32>, vector<16xi32>], vector<16xf32>,
        %gather3A_408 = tpu.vector_load_idx %arg13[%add3A_71, %broadcast_in_dim3A_406] : memref<64x128xf32, #tpu.memory_space<vmem>>[vector<16xi32>, vector<16xi32>], vector<16xf32>,
        %add3A_409 = arith.addf %gather3A_407, %gather3A_408 : vector<16xf32>
        %mul3A_410 = arith.constant 2.000000e-01 : f32
        %mul3A_411 = vector.broadcast %mul3A_410 : f32 to vector<16xf32>
        %mul3A_412 = arith.mulf %mul3A_411, %add3A_409 : vector<16xf32>
        %max3A_413 = arith.maximumf %add3A_409, %mul3A_412 : vector<16xf32>
        %get3A_414 = arith.constant 352 : index
        %get3A_415 = tpu.vector_load %arg16[%get3A_414] {strides = array<i32>} : memref<1024xf32, #tpu.memory_space<vmem>>, vector<16xf32>,
        %mul3A_416 = arith.mulf %max3A_413, %get3A_415 : vector<16xf32>
        %add3A_417 = arith.addf %add3A_402, %mul3A_416 : vector<16xf32>
        %broadcast_in_dim3A_418 = arith.constant 23 : i32
        %broadcast_in_dim3A_419 = vector.broadcast %broadcast_in_dim3A_418 : i32 to vector<16xi32>
        %broadcast_in_dim3A_420 = arith.constant 87 : i32
        %broadcast_in_dim3A_421 = vector.broadcast %broadcast_in_dim3A_420 : i32 to vector<16xi32>
        %gather3A_422 = tpu.vector_load_idx %arg12[%add3A_71, %broadcast_in_dim3A_419] : memref<64x128xf32, #tpu.memory_space<vmem>>[vector<16xi32>, vector<16xi32>], vector<16xf32>,
        %gather3A_423 = tpu.vector_load_idx %arg13[%add3A_71, %broadcast_in_dim3A_421] : memref<64x128xf32, #tpu.memory_space<vmem>>[vector<16xi32>, vector<16xi32>], vector<16xf32>,
        %add3A_424 = arith.addf %gather3A_422, %gather3A_423 : vector<16xf32>
        %mul3A_425 = arith.constant 2.000000e-01 : f32
        %mul3A_426 = vector.broadcast %mul3A_425 : f32 to vector<16xf32>
        %mul3A_427 = arith.mulf %mul3A_426, %add3A_424 : vector<16xf32>
        %max3A_428 = arith.maximumf %add3A_424, %mul3A_427 : vector<16xf32>
        %get3A_429 = arith.constant 368 : index
        %get3A_430 = tpu.vector_load %arg16[%get3A_429] {strides = array<i32>} : memref<1024xf32, #tpu.memory_space<vmem>>, vector<16xf32>,
        %mul3A_431 = arith.mulf %max3A_428, %get3A_430 : vector<16xf32>
        %add3A_432 = arith.addf %add3A_417, %mul3A_431 : vector<16xf32>
        %broadcast_in_dim3A_433 = arith.constant 24 : i32
        %broadcast_in_dim3A_434 = vector.broadcast %broadcast_in_dim3A_433 : i32 to vector<16xi32>
        %broadcast_in_dim3A_435 = arith.constant 88 : i32
        %broadcast_in_dim3A_436 = vector.broadcast %broadcast_in_dim3A_435 : i32 to vector<16xi32>
        %gather3A_437 = tpu.vector_load_idx %arg12[%add3A_71, %broadcast_in_dim3A_434] : memref<64x128xf32, #tpu.memory_space<vmem>>[vector<16xi32>, vector<16xi32>], vector<16xf32>,
        %gather3A_438 = tpu.vector_load_idx %arg13[%add3A_71, %broadcast_in_dim3A_436] : memref<64x128xf32, #tpu.memory_space<vmem>>[vector<16xi32>, vector<16xi32>], vector<16xf32>,
        %add3A_439 = arith.addf %gather3A_437, %gather3A_438 : vector<16xf32>
        %mul3A_440 = arith.constant 2.000000e-01 : f32
        %mul3A_441 = vector.broadcast %mul3A_440 : f32 to vector<16xf32>
        %mul3A_442 = arith.mulf %mul3A_441, %add3A_439 : vector<16xf32>
        %max3A_443 = arith.maximumf %add3A_439, %mul3A_442 : vector<16xf32>
        %get3A_444 = arith.constant 384 : index
        %get3A_445 = tpu.vector_load %arg16[%get3A_444] {strides = array<i32>} : memref<1024xf32, #tpu.memory_space<vmem>>, vector<16xf32>,
        %mul3A_446 = arith.mulf %max3A_443, %get3A_445 : vector<16xf32>
        %add3A_447 = arith.addf %add3A_432, %mul3A_446 : vector<16xf32>
        %broadcast_in_dim3A_448 = arith.constant 25 : i32
        %broadcast_in_dim3A_449 = vector.broadcast %broadcast_in_dim3A_448 : i32 to vector<16xi32>
        %broadcast_in_dim3A_450 = arith.constant 89 : i32
        %broadcast_in_dim3A_451 = vector.broadcast %broadcast_in_dim3A_450 : i32 to vector<16xi32>
        %gather3A_452 = tpu.vector_load_idx %arg12[%add3A_71, %broadcast_in_dim3A_449] : memref<64x128xf32, #tpu.memory_space<vmem>>[vector<16xi32>, vector<16xi32>], vector<16xf32>,
        %gather3A_453 = tpu.vector_load_idx %arg13[%add3A_71, %broadcast_in_dim3A_451] : memref<64x128xf32, #tpu.memory_space<vmem>>[vector<16xi32>, vector<16xi32>], vector<16xf32>,
        %add3A_454 = arith.addf %gather3A_452, %gather3A_453 : vector<16xf32>
        %mul3A_455 = arith.constant 2.000000e-01 : f32
        %mul3A_456 = vector.broadcast %mul3A_455 : f32 to vector<16xf32>
        %mul3A_457 = arith.mulf %mul3A_456, %add3A_454 : vector<16xf32>
        %max3A_458 = arith.maximumf %add3A_454, %mul3A_457 : vector<16xf32>
        %get3A_459 = arith.constant 400 : index
        %get3A_460 = tpu.vector_load %arg16[%get3A_459] {strides = array<i32>} : memref<1024xf32, #tpu.memory_space<vmem>>, vector<16xf32>,
        %mul3A_461 = arith.mulf %max3A_458, %get3A_460 : vector<16xf32>
        %add3A_462 = arith.addf %add3A_447, %mul3A_461 : vector<16xf32>
        %broadcast_in_dim3A_463 = arith.constant 26 : i32
        %broadcast_in_dim3A_464 = vector.broadcast %broadcast_in_dim3A_463 : i32 to vector<16xi32>
        %broadcast_in_dim3A_465 = arith.constant 90 : i32
        %broadcast_in_dim3A_466 = vector.broadcast %broadcast_in_dim3A_465 : i32 to vector<16xi32>
        %gather3A_467 = tpu.vector_load_idx %arg12[%add3A_71, %broadcast_in_dim3A_464] : memref<64x128xf32, #tpu.memory_space<vmem>>[vector<16xi32>, vector<16xi32>], vector<16xf32>,
        %gather3A_468 = tpu.vector_load_idx %arg13[%add3A_71, %broadcast_in_dim3A_466] : memref<64x128xf32, #tpu.memory_space<vmem>>[vector<16xi32>, vector<16xi32>], vector<16xf32>,
        %add3A_469 = arith.addf %gather3A_467, %gather3A_468 : vector<16xf32>
        %mul3A_470 = arith.constant 2.000000e-01 : f32
        %mul3A_471 = vector.broadcast %mul3A_470 : f32 to vector<16xf32>
        %mul3A_472 = arith.mulf %mul3A_471, %add3A_469 : vector<16xf32>
        %max3A_473 = arith.maximumf %add3A_469, %mul3A_472 : vector<16xf32>
        %get3A_474 = arith.constant 416 : index
        %get3A_475 = tpu.vector_load %arg16[%get3A_474] {strides = array<i32>} : memref<1024xf32, #tpu.memory_space<vmem>>, vector<16xf32>,
        %mul3A_476 = arith.mulf %max3A_473, %get3A_475 : vector<16xf32>
        %add3A_477 = arith.addf %add3A_462, %mul3A_476 : vector<16xf32>
        %broadcast_in_dim3A_478 = arith.constant 27 : i32
        %broadcast_in_dim3A_479 = vector.broadcast %broadcast_in_dim3A_478 : i32 to vector<16xi32>
        %broadcast_in_dim3A_480 = arith.constant 91 : i32
        %broadcast_in_dim3A_481 = vector.broadcast %broadcast_in_dim3A_480 : i32 to vector<16xi32>
        %gather3A_482 = tpu.vector_load_idx %arg12[%add3A_71, %broadcast_in_dim3A_479] : memref<64x128xf32, #tpu.memory_space<vmem>>[vector<16xi32>, vector<16xi32>], vector<16xf32>,
        %gather3A_483 = tpu.vector_load_idx %arg13[%add3A_71, %broadcast_in_dim3A_481] : memref<64x128xf32, #tpu.memory_space<vmem>>[vector<16xi32>, vector<16xi32>], vector<16xf32>,
        %add3A_484 = arith.addf %gather3A_482, %gather3A_483 : vector<16xf32>
        %mul3A_485 = arith.constant 2.000000e-01 : f32
        %mul3A_486 = vector.broadcast %mul3A_485 : f32 to vector<16xf32>
        %mul3A_487 = arith.mulf %mul3A_486, %add3A_484 : vector<16xf32>
        %max3A_488 = arith.maximumf %add3A_484, %mul3A_487 : vector<16xf32>
        %get3A_489 = arith.constant 432 : index
        %get3A_490 = tpu.vector_load %arg16[%get3A_489] {strides = array<i32>} : memref<1024xf32, #tpu.memory_space<vmem>>, vector<16xf32>,
        %mul3A_491 = arith.mulf %max3A_488, %get3A_490 : vector<16xf32>
        %add3A_492 = arith.addf %add3A_477, %mul3A_491 : vector<16xf32>
        %broadcast_in_dim3A_493 = arith.constant 28 : i32
        %broadcast_in_dim3A_494 = vector.broadcast %broadcast_in_dim3A_493 : i32 to vector<16xi32>
        %broadcast_in_dim3A_495 = arith.constant 92 : i32
        %broadcast_in_dim3A_496 = vector.broadcast %broadcast_in_dim3A_495 : i32 to vector<16xi32>
        %gather3A_497 = tpu.vector_load_idx %arg12[%add3A_71, %broadcast_in_dim3A_494] : memref<64x128xf32, #tpu.memory_space<vmem>>[vector<16xi32>, vector<16xi32>], vector<16xf32>,
        %gather3A_498 = tpu.vector_load_idx %arg13[%add3A_71, %broadcast_in_dim3A_496] : memref<64x128xf32, #tpu.memory_space<vmem>>[vector<16xi32>, vector<16xi32>], vector<16xf32>,
        %add3A_499 = arith.addf %gather3A_497, %gather3A_498 : vector<16xf32>
        %mul3A_500 = arith.constant 2.000000e-01 : f32
        %mul3A_501 = vector.broadcast %mul3A_500 : f32 to vector<16xf32>
        %mul3A_502 = arith.mulf %mul3A_501, %add3A_499 : vector<16xf32>
        %max3A_503 = arith.maximumf %add3A_499, %mul3A_502 : vector<16xf32>
        %get3A_504 = arith.constant 448 : index
        %get3A_505 = tpu.vector_load %arg16[%get3A_504] {strides = array<i32>} : memref<1024xf32, #tpu.memory_space<vmem>>, vector<16xf32>,
        %mul3A_506 = arith.mulf %max3A_503, %get3A_505 : vector<16xf32>
        %add3A_507 = arith.addf %add3A_492, %mul3A_506 : vector<16xf32>
        %broadcast_in_dim3A_508 = arith.constant 29 : i32
        %broadcast_in_dim3A_509 = vector.broadcast %broadcast_in_dim3A_508 : i32 to vector<16xi32>
        %broadcast_in_dim3A_510 = arith.constant 93 : i32
        %broadcast_in_dim3A_511 = vector.broadcast %broadcast_in_dim3A_510 : i32 to vector<16xi32>
        %gather3A_512 = tpu.vector_load_idx %arg12[%add3A_71, %broadcast_in_dim3A_509] : memref<64x128xf32, #tpu.memory_space<vmem>>[vector<16xi32>, vector<16xi32>], vector<16xf32>,
        %gather3A_513 = tpu.vector_load_idx %arg13[%add3A_71, %broadcast_in_dim3A_511] : memref<64x128xf32, #tpu.memory_space<vmem>>[vector<16xi32>, vector<16xi32>], vector<16xf32>,
        %add3A_514 = arith.addf %gather3A_512, %gather3A_513 : vector<16xf32>
        %mul3A_515 = arith.constant 2.000000e-01 : f32
        %mul3A_516 = vector.broadcast %mul3A_515 : f32 to vector<16xf32>
        %mul3A_517 = arith.mulf %mul3A_516, %add3A_514 : vector<16xf32>
        %max3A_518 = arith.maximumf %add3A_514, %mul3A_517 : vector<16xf32>
        %get3A_519 = arith.constant 464 : index
        %get3A_520 = tpu.vector_load %arg16[%get3A_519] {strides = array<i32>} : memref<1024xf32, #tpu.memory_space<vmem>>, vector<16xf32>,
        %mul3A_521 = arith.mulf %max3A_518, %get3A_520 : vector<16xf32>
        %add3A_522 = arith.addf %add3A_507, %mul3A_521 : vector<16xf32>
        %broadcast_in_dim3A_523 = arith.constant 30 : i32
        %broadcast_in_dim3A_524 = vector.broadcast %broadcast_in_dim3A_523 : i32 to vector<16xi32>
        %broadcast_in_dim3A_525 = arith.constant 94 : i32
        %broadcast_in_dim3A_526 = vector.broadcast %broadcast_in_dim3A_525 : i32 to vector<16xi32>
        %gather3A_527 = tpu.vector_load_idx %arg12[%add3A_71, %broadcast_in_dim3A_524] : memref<64x128xf32, #tpu.memory_space<vmem>>[vector<16xi32>, vector<16xi32>], vector<16xf32>,
        %gather3A_528 = tpu.vector_load_idx %arg13[%add3A_71, %broadcast_in_dim3A_526] : memref<64x128xf32, #tpu.memory_space<vmem>>[vector<16xi32>, vector<16xi32>], vector<16xf32>,
        %add3A_529 = arith.addf %gather3A_527, %gather3A_528 : vector<16xf32>
        %mul3A_530 = arith.constant 2.000000e-01 : f32
        %mul3A_531 = vector.broadcast %mul3A_530 : f32 to vector<16xf32>
        %mul3A_532 = arith.mulf %mul3A_531, %add3A_529 : vector<16xf32>
        %max3A_533 = arith.maximumf %add3A_529, %mul3A_532 : vector<16xf32>
        %get3A_534 = arith.constant 480 : index
        %get3A_535 = tpu.vector_load %arg16[%get3A_534] {strides = array<i32>} : memref<1024xf32, #tpu.memory_space<vmem>>, vector<16xf32>,
        %mul3A_536 = arith.mulf %max3A_533, %get3A_535 : vector<16xf32>
        %add3A_537 = arith.addf %add3A_522, %mul3A_536 : vector<16xf32>
        %broadcast_in_dim3A_538 = arith.constant 31 : i32
        %broadcast_in_dim3A_539 = vector.broadcast %broadcast_in_dim3A_538 : i32 to vector<16xi32>
        %broadcast_in_dim3A_540 = arith.constant 95 : i32
        %broadcast_in_dim3A_541 = vector.broadcast %broadcast_in_dim3A_540 : i32 to vector<16xi32>
        %gather3A_542 = tpu.vector_load_idx %arg12[%add3A_71, %broadcast_in_dim3A_539] : memref<64x128xf32, #tpu.memory_space<vmem>>[vector<16xi32>, vector<16xi32>], vector<16xf32>,
        %gather3A_543 = tpu.vector_load_idx %arg13[%add3A_71, %broadcast_in_dim3A_541] : memref<64x128xf32, #tpu.memory_space<vmem>>[vector<16xi32>, vector<16xi32>], vector<16xf32>,
        %add3A_544 = arith.addf %gather3A_542, %gather3A_543 : vector<16xf32>
        %mul3A_545 = arith.constant 2.000000e-01 : f32
        %mul3A_546 = vector.broadcast %mul3A_545 : f32 to vector<16xf32>
        %mul3A_547 = arith.mulf %mul3A_546, %add3A_544 : vector<16xf32>
        %max3A_548 = arith.maximumf %add3A_544, %mul3A_547 : vector<16xf32>
        %get3A_549 = arith.constant 496 : index
        %get3A_550 = tpu.vector_load %arg16[%get3A_549] {strides = array<i32>} : memref<1024xf32, #tpu.memory_space<vmem>>, vector<16xf32>,
        %mul3A_551 = arith.mulf %max3A_548, %get3A_550 : vector<16xf32>
        %add3A_552 = arith.addf %add3A_537, %mul3A_551 : vector<16xf32>
        %broadcast_in_dim3A_553 = arith.constant 32 : i32
        %broadcast_in_dim3A_554 = vector.broadcast %broadcast_in_dim3A_553 : i32 to vector<16xi32>
        %broadcast_in_dim3A_555 = arith.constant 96 : i32
        %broadcast_in_dim3A_556 = vector.broadcast %broadcast_in_dim3A_555 : i32 to vector<16xi32>
        %gather3A_557 = tpu.vector_load_idx %arg12[%add3A_71, %broadcast_in_dim3A_554] : memref<64x128xf32, #tpu.memory_space<vmem>>[vector<16xi32>, vector<16xi32>], vector<16xf32>,
        %gather3A_558 = tpu.vector_load_idx %arg13[%add3A_71, %broadcast_in_dim3A_556] : memref<64x128xf32, #tpu.memory_space<vmem>>[vector<16xi32>, vector<16xi32>], vector<16xf32>,
        %add3A_559 = arith.addf %gather3A_557, %gather3A_558 : vector<16xf32>
        %mul3A_560 = arith.constant 2.000000e-01 : f32
        %mul3A_561 = vector.broadcast %mul3A_560 : f32 to vector<16xf32>
        %mul3A_562 = arith.mulf %mul3A_561, %add3A_559 : vector<16xf32>
        %max3A_563 = arith.maximumf %add3A_559, %mul3A_562 : vector<16xf32>
        %get3A_564 = arith.constant 512 : index
        %get3A_565 = tpu.vector_load %arg16[%get3A_564] {strides = array<i32>} : memref<1024xf32, #tpu.memory_space<vmem>>, vector<16xf32>,
        %mul3A_566 = arith.mulf %max3A_563, %get3A_565 : vector<16xf32>
        %add3A_567 = arith.addf %broadcast_in_dim3A_75, %mul3A_566 : vector<16xf32>
        %broadcast_in_dim3A_568 = arith.constant 33 : i32
        %broadcast_in_dim3A_569 = vector.broadcast %broadcast_in_dim3A_568 : i32 to vector<16xi32>
        %broadcast_in_dim3A_570 = arith.constant 97 : i32
        %broadcast_in_dim3A_571 = vector.broadcast %broadcast_in_dim3A_570 : i32 to vector<16xi32>
        %gather3A_572 = tpu.vector_load_idx %arg12[%add3A_71, %broadcast_in_dim3A_569] : memref<64x128xf32, #tpu.memory_space<vmem>>[vector<16xi32>, vector<16xi32>], vector<16xf32>,
        %gather3A_573 = tpu.vector_load_idx %arg13[%add3A_71, %broadcast_in_dim3A_571] : memref<64x128xf32, #tpu.memory_space<vmem>>[vector<16xi32>, vector<16xi32>], vector<16xf32>,
        %add3A_574 = arith.addf %gather3A_572, %gather3A_573 : vector<16xf32>
        %mul3A_575 = arith.constant 2.000000e-01 : f32
        %mul3A_576 = vector.broadcast %mul3A_575 : f32 to vector<16xf32>
        %mul3A_577 = arith.mulf %mul3A_576, %add3A_574 : vector<16xf32>
        %max3A_578 = arith.maximumf %add3A_574, %mul3A_577 : vector<16xf32>
        %get3A_579 = arith.constant 528 : index
        %get3A_580 = tpu.vector_load %arg16[%get3A_579] {strides = array<i32>} : memref<1024xf32, #tpu.memory_space<vmem>>, vector<16xf32>,
        %mul3A_581 = arith.mulf %max3A_578, %get3A_580 : vector<16xf32>
        %add3A_582 = arith.addf %add3A_567, %mul3A_581 : vector<16xf32>
        %broadcast_in_dim3A_583 = arith.constant 34 : i32
        %broadcast_in_dim3A_584 = vector.broadcast %broadcast_in_dim3A_583 : i32 to vector<16xi32>
        %broadcast_in_dim3A_585 = arith.constant 98 : i32
        %broadcast_in_dim3A_586 = vector.broadcast %broadcast_in_dim3A_585 : i32 to vector<16xi32>
        %gather3A_587 = tpu.vector_load_idx %arg12[%add3A_71, %broadcast_in_dim3A_584] : memref<64x128xf32, #tpu.memory_space<vmem>>[vector<16xi32>, vector<16xi32>], vector<16xf32>,
        %gather3A_588 = tpu.vector_load_idx %arg13[%add3A_71, %broadcast_in_dim3A_586] : memref<64x128xf32, #tpu.memory_space<vmem>>[vector<16xi32>, vector<16xi32>], vector<16xf32>,
        %add3A_589 = arith.addf %gather3A_587, %gather3A_588 : vector<16xf32>
        %mul3A_590 = arith.constant 2.000000e-01 : f32
        %mul3A_591 = vector.broadcast %mul3A_590 : f32 to vector<16xf32>
        %mul3A_592 = arith.mulf %mul3A_591, %add3A_589 : vector<16xf32>
        %max3A_593 = arith.maximumf %add3A_589, %mul3A_592 : vector<16xf32>
        %get3A_594 = arith.constant 544 : index
        %get3A_595 = tpu.vector_load %arg16[%get3A_594] {strides = array<i32>} : memref<1024xf32, #tpu.memory_space<vmem>>, vector<16xf32>,
        %mul3A_596 = arith.mulf %max3A_593, %get3A_595 : vector<16xf32>
        %add3A_597 = arith.addf %add3A_582, %mul3A_596 : vector<16xf32>
        %broadcast_in_dim3A_598 = arith.constant 35 : i32
        %broadcast_in_dim3A_599 = vector.broadcast %broadcast_in_dim3A_598 : i32 to vector<16xi32>
        %broadcast_in_dim3A_600 = arith.constant 99 : i32
        %broadcast_in_dim3A_601 = vector.broadcast %broadcast_in_dim3A_600 : i32 to vector<16xi32>
        %gather3A_602 = tpu.vector_load_idx %arg12[%add3A_71, %broadcast_in_dim3A_599] : memref<64x128xf32, #tpu.memory_space<vmem>>[vector<16xi32>, vector<16xi32>], vector<16xf32>,
        %gather3A_603 = tpu.vector_load_idx %arg13[%add3A_71, %broadcast_in_dim3A_601] : memref<64x128xf32, #tpu.memory_space<vmem>>[vector<16xi32>, vector<16xi32>], vector<16xf32>,
        %add3A_604 = arith.addf %gather3A_602, %gather3A_603 : vector<16xf32>
        %mul3A_605 = arith.constant 2.000000e-01 : f32
        %mul3A_606 = vector.broadcast %mul3A_605 : f32 to vector<16xf32>
        %mul3A_607 = arith.mulf %mul3A_606, %add3A_604 : vector<16xf32>
        %max3A_608 = arith.maximumf %add3A_604, %mul3A_607 : vector<16xf32>
        %get3A_609 = arith.constant 560 : index
        %get3A_610 = tpu.vector_load %arg16[%get3A_609] {strides = array<i32>} : memref<1024xf32, #tpu.memory_space<vmem>>, vector<16xf32>,
        %mul3A_611 = arith.mulf %max3A_608, %get3A_610 : vector<16xf32>
        %add3A_612 = arith.addf %add3A_597, %mul3A_611 : vector<16xf32>
        %broadcast_in_dim3A_613 = arith.constant 36 : i32
        %broadcast_in_dim3A_614 = vector.broadcast %broadcast_in_dim3A_613 : i32 to vector<16xi32>
        %broadcast_in_dim3A_615 = arith.constant 100 : i32
        %broadcast_in_dim3A_616 = vector.broadcast %broadcast_in_dim3A_615 : i32 to vector<16xi32>
        %gather3A_617 = tpu.vector_load_idx %arg12[%add3A_71, %broadcast_in_dim3A_614] : memref<64x128xf32, #tpu.memory_space<vmem>>[vector<16xi32>, vector<16xi32>], vector<16xf32>,
        %gather3A_618 = tpu.vector_load_idx %arg13[%add3A_71, %broadcast_in_dim3A_616] : memref<64x128xf32, #tpu.memory_space<vmem>>[vector<16xi32>, vector<16xi32>], vector<16xf32>,
        %add3A_619 = arith.addf %gather3A_617, %gather3A_618 : vector<16xf32>
        %mul3A_620 = arith.constant 2.000000e-01 : f32
        %mul3A_621 = vector.broadcast %mul3A_620 : f32 to vector<16xf32>
        %mul3A_622 = arith.mulf %mul3A_621, %add3A_619 : vector<16xf32>
        %max3A_623 = arith.maximumf %add3A_619, %mul3A_622 : vector<16xf32>
        %get3A_624 = arith.constant 576 : index
        %get3A_625 = tpu.vector_load %arg16[%get3A_624] {strides = array<i32>} : memref<1024xf32, #tpu.memory_space<vmem>>, vector<16xf32>,
        %mul3A_626 = arith.mulf %max3A_623, %get3A_625 : vector<16xf32>
        %add3A_627 = arith.addf %add3A_612, %mul3A_626 : vector<16xf32>
        %broadcast_in_dim3A_628 = arith.constant 37 : i32
        %broadcast_in_dim3A_629 = vector.broadcast %broadcast_in_dim3A_628 : i32 to vector<16xi32>
        %broadcast_in_dim3A_630 = arith.constant 101 : i32
        %broadcast_in_dim3A_631 = vector.broadcast %broadcast_in_dim3A_630 : i32 to vector<16xi32>
        %gather3A_632 = tpu.vector_load_idx %arg12[%add3A_71, %broadcast_in_dim3A_629] : memref<64x128xf32, #tpu.memory_space<vmem>>[vector<16xi32>, vector<16xi32>], vector<16xf32>,
        %gather3A_633 = tpu.vector_load_idx %arg13[%add3A_71, %broadcast_in_dim3A_631] : memref<64x128xf32, #tpu.memory_space<vmem>>[vector<16xi32>, vector<16xi32>], vector<16xf32>,
        %add3A_634 = arith.addf %gather3A_632, %gather3A_633 : vector<16xf32>
        %mul3A_635 = arith.constant 2.000000e-01 : f32
        %mul3A_636 = vector.broadcast %mul3A_635 : f32 to vector<16xf32>
        %mul3A_637 = arith.mulf %mul3A_636, %add3A_634 : vector<16xf32>
        %max3A_638 = arith.maximumf %add3A_634, %mul3A_637 : vector<16xf32>
        %get3A_639 = arith.constant 592 : index
        %get3A_640 = tpu.vector_load %arg16[%get3A_639] {strides = array<i32>} : memref<1024xf32, #tpu.memory_space<vmem>>, vector<16xf32>,
        %mul3A_641 = arith.mulf %max3A_638, %get3A_640 : vector<16xf32>
        %add3A_642 = arith.addf %add3A_627, %mul3A_641 : vector<16xf32>
        %broadcast_in_dim3A_643 = arith.constant 38 : i32
        %broadcast_in_dim3A_644 = vector.broadcast %broadcast_in_dim3A_643 : i32 to vector<16xi32>
        %broadcast_in_dim3A_645 = arith.constant 102 : i32
        %broadcast_in_dim3A_646 = vector.broadcast %broadcast_in_dim3A_645 : i32 to vector<16xi32>
        %gather3A_647 = tpu.vector_load_idx %arg12[%add3A_71, %broadcast_in_dim3A_644] : memref<64x128xf32, #tpu.memory_space<vmem>>[vector<16xi32>, vector<16xi32>], vector<16xf32>,
        %gather3A_648 = tpu.vector_load_idx %arg13[%add3A_71, %broadcast_in_dim3A_646] : memref<64x128xf32, #tpu.memory_space<vmem>>[vector<16xi32>, vector<16xi32>], vector<16xf32>,
        %add3A_649 = arith.addf %gather3A_647, %gather3A_648 : vector<16xf32>
        %mul3A_650 = arith.constant 2.000000e-01 : f32
        %mul3A_651 = vector.broadcast %mul3A_650 : f32 to vector<16xf32>
        %mul3A_652 = arith.mulf %mul3A_651, %add3A_649 : vector<16xf32>
        %max3A_653 = arith.maximumf %add3A_649, %mul3A_652 : vector<16xf32>
        %get3A_654 = arith.constant 608 : index
        %get3A_655 = tpu.vector_load %arg16[%get3A_654] {strides = array<i32>} : memref<1024xf32, #tpu.memory_space<vmem>>, vector<16xf32>,
        %mul3A_656 = arith.mulf %max3A_653, %get3A_655 : vector<16xf32>
        %add3A_657 = arith.addf %add3A_642, %mul3A_656 : vector<16xf32>
        %broadcast_in_dim3A_658 = arith.constant 39 : i32
        %broadcast_in_dim3A_659 = vector.broadcast %broadcast_in_dim3A_658 : i32 to vector<16xi32>
        %broadcast_in_dim3A_660 = arith.constant 103 : i32
        %broadcast_in_dim3A_661 = vector.broadcast %broadcast_in_dim3A_660 : i32 to vector<16xi32>
        %gather3A_662 = tpu.vector_load_idx %arg12[%add3A_71, %broadcast_in_dim3A_659] : memref<64x128xf32, #tpu.memory_space<vmem>>[vector<16xi32>, vector<16xi32>], vector<16xf32>,
        %gather3A_663 = tpu.vector_load_idx %arg13[%add3A_71, %broadcast_in_dim3A_661] : memref<64x128xf32, #tpu.memory_space<vmem>>[vector<16xi32>, vector<16xi32>], vector<16xf32>,
        %add3A_664 = arith.addf %gather3A_662, %gather3A_663 : vector<16xf32>
        %mul3A_665 = arith.constant 2.000000e-01 : f32
        %mul3A_666 = vector.broadcast %mul3A_665 : f32 to vector<16xf32>
        %mul3A_667 = arith.mulf %mul3A_666, %add3A_664 : vector<16xf32>
        %max3A_668 = arith.maximumf %add3A_664, %mul3A_667 : vector<16xf32>
        %get3A_669 = arith.constant 624 : index
        %get3A_670 = tpu.vector_load %arg16[%get3A_669] {strides = array<i32>} : memref<1024xf32, #tpu.memory_space<vmem>>, vector<16xf32>,
        %mul3A_671 = arith.mulf %max3A_668, %get3A_670 : vector<16xf32>
        %add3A_672 = arith.addf %add3A_657, %mul3A_671 : vector<16xf32>
        %broadcast_in_dim3A_673 = arith.constant 40 : i32
        %broadcast_in_dim3A_674 = vector.broadcast %broadcast_in_dim3A_673 : i32 to vector<16xi32>
        %broadcast_in_dim3A_675 = arith.constant 104 : i32
        %broadcast_in_dim3A_676 = vector.broadcast %broadcast_in_dim3A_675 : i32 to vector<16xi32>
        %gather3A_677 = tpu.vector_load_idx %arg12[%add3A_71, %broadcast_in_dim3A_674] : memref<64x128xf32, #tpu.memory_space<vmem>>[vector<16xi32>, vector<16xi32>], vector<16xf32>,
        %gather3A_678 = tpu.vector_load_idx %arg13[%add3A_71, %broadcast_in_dim3A_676] : memref<64x128xf32, #tpu.memory_space<vmem>>[vector<16xi32>, vector<16xi32>], vector<16xf32>,
        %add3A_679 = arith.addf %gather3A_677, %gather3A_678 : vector<16xf32>
        %mul3A_680 = arith.constant 2.000000e-01 : f32
        %mul3A_681 = vector.broadcast %mul3A_680 : f32 to vector<16xf32>
        %mul3A_682 = arith.mulf %mul3A_681, %add3A_679 : vector<16xf32>
        %max3A_683 = arith.maximumf %add3A_679, %mul3A_682 : vector<16xf32>
        %get3A_684 = arith.constant 640 : index
        %get3A_685 = tpu.vector_load %arg16[%get3A_684] {strides = array<i32>} : memref<1024xf32, #tpu.memory_space<vmem>>, vector<16xf32>,
        %mul3A_686 = arith.mulf %max3A_683, %get3A_685 : vector<16xf32>
        %add3A_687 = arith.addf %add3A_672, %mul3A_686 : vector<16xf32>
        %broadcast_in_dim3A_688 = arith.constant 41 : i32
        %broadcast_in_dim3A_689 = vector.broadcast %broadcast_in_dim3A_688 : i32 to vector<16xi32>
        %broadcast_in_dim3A_690 = arith.constant 105 : i32
        %broadcast_in_dim3A_691 = vector.broadcast %broadcast_in_dim3A_690 : i32 to vector<16xi32>
        %gather3A_692 = tpu.vector_load_idx %arg12[%add3A_71, %broadcast_in_dim3A_689] : memref<64x128xf32, #tpu.memory_space<vmem>>[vector<16xi32>, vector<16xi32>], vector<16xf32>,
        %gather3A_693 = tpu.vector_load_idx %arg13[%add3A_71, %broadcast_in_dim3A_691] : memref<64x128xf32, #tpu.memory_space<vmem>>[vector<16xi32>, vector<16xi32>], vector<16xf32>,
        %add3A_694 = arith.addf %gather3A_692, %gather3A_693 : vector<16xf32>
        %mul3A_695 = arith.constant 2.000000e-01 : f32
        %mul3A_696 = vector.broadcast %mul3A_695 : f32 to vector<16xf32>
        %mul3A_697 = arith.mulf %mul3A_696, %add3A_694 : vector<16xf32>
        %max3A_698 = arith.maximumf %add3A_694, %mul3A_697 : vector<16xf32>
        %get3A_699 = arith.constant 656 : index
        %get3A_700 = tpu.vector_load %arg16[%get3A_699] {strides = array<i32>} : memref<1024xf32, #tpu.memory_space<vmem>>, vector<16xf32>,
        %mul3A_701 = arith.mulf %max3A_698, %get3A_700 : vector<16xf32>
        %add3A_702 = arith.addf %add3A_687, %mul3A_701 : vector<16xf32>
        %broadcast_in_dim3A_703 = arith.constant 42 : i32
        %broadcast_in_dim3A_704 = vector.broadcast %broadcast_in_dim3A_703 : i32 to vector<16xi32>
        %broadcast_in_dim3A_705 = arith.constant 106 : i32
        %broadcast_in_dim3A_706 = vector.broadcast %broadcast_in_dim3A_705 : i32 to vector<16xi32>
        %gather3A_707 = tpu.vector_load_idx %arg12[%add3A_71, %broadcast_in_dim3A_704] : memref<64x128xf32, #tpu.memory_space<vmem>>[vector<16xi32>, vector<16xi32>], vector<16xf32>,
        %gather3A_708 = tpu.vector_load_idx %arg13[%add3A_71, %broadcast_in_dim3A_706] : memref<64x128xf32, #tpu.memory_space<vmem>>[vector<16xi32>, vector<16xi32>], vector<16xf32>,
        %add3A_709 = arith.addf %gather3A_707, %gather3A_708 : vector<16xf32>
        %mul3A_710 = arith.constant 2.000000e-01 : f32
        %mul3A_711 = vector.broadcast %mul3A_710 : f32 to vector<16xf32>
        %mul3A_712 = arith.mulf %mul3A_711, %add3A_709 : vector<16xf32>
        %max3A_713 = arith.maximumf %add3A_709, %mul3A_712 : vector<16xf32>
        %get3A_714 = arith.constant 672 : index
        %get3A_715 = tpu.vector_load %arg16[%get3A_714] {strides = array<i32>} : memref<1024xf32, #tpu.memory_space<vmem>>, vector<16xf32>,
        %mul3A_716 = arith.mulf %max3A_713, %get3A_715 : vector<16xf32>
        %add3A_717 = arith.addf %add3A_702, %mul3A_716 : vector<16xf32>
        %broadcast_in_dim3A_718 = arith.constant 43 : i32
        %broadcast_in_dim3A_719 = vector.broadcast %broadcast_in_dim3A_718 : i32 to vector<16xi32>
        %broadcast_in_dim3A_720 = arith.constant 107 : i32
        %broadcast_in_dim3A_721 = vector.broadcast %broadcast_in_dim3A_720 : i32 to vector<16xi32>
        %gather3A_722 = tpu.vector_load_idx %arg12[%add3A_71, %broadcast_in_dim3A_719] : memref<64x128xf32, #tpu.memory_space<vmem>>[vector<16xi32>, vector<16xi32>], vector<16xf32>,
        %gather3A_723 = tpu.vector_load_idx %arg13[%add3A_71, %broadcast_in_dim3A_721] : memref<64x128xf32, #tpu.memory_space<vmem>>[vector<16xi32>, vector<16xi32>], vector<16xf32>,
        %add3A_724 = arith.addf %gather3A_722, %gather3A_723 : vector<16xf32>
        %mul3A_725 = arith.constant 2.000000e-01 : f32
        %mul3A_726 = vector.broadcast %mul3A_725 : f32 to vector<16xf32>
        %mul3A_727 = arith.mulf %mul3A_726, %add3A_724 : vector<16xf32>
        %max3A_728 = arith.maximumf %add3A_724, %mul3A_727 : vector<16xf32>
        %get3A_729 = arith.constant 688 : index
        %get3A_730 = tpu.vector_load %arg16[%get3A_729] {strides = array<i32>} : memref<1024xf32, #tpu.memory_space<vmem>>, vector<16xf32>,
        %mul3A_731 = arith.mulf %max3A_728, %get3A_730 : vector<16xf32>
        %add3A_732 = arith.addf %add3A_717, %mul3A_731 : vector<16xf32>
        %broadcast_in_dim3A_733 = arith.constant 44 : i32
        %broadcast_in_dim3A_734 = vector.broadcast %broadcast_in_dim3A_733 : i32 to vector<16xi32>
        %broadcast_in_dim3A_735 = arith.constant 108 : i32
        %broadcast_in_dim3A_736 = vector.broadcast %broadcast_in_dim3A_735 : i32 to vector<16xi32>
        %gather3A_737 = tpu.vector_load_idx %arg12[%add3A_71, %broadcast_in_dim3A_734] : memref<64x128xf32, #tpu.memory_space<vmem>>[vector<16xi32>, vector<16xi32>], vector<16xf32>,
        %gather3A_738 = tpu.vector_load_idx %arg13[%add3A_71, %broadcast_in_dim3A_736] : memref<64x128xf32, #tpu.memory_space<vmem>>[vector<16xi32>, vector<16xi32>], vector<16xf32>,
        %add3A_739 = arith.addf %gather3A_737, %gather3A_738 : vector<16xf32>
        %mul3A_740 = arith.constant 2.000000e-01 : f32
        %mul3A_741 = vector.broadcast %mul3A_740 : f32 to vector<16xf32>
        %mul3A_742 = arith.mulf %mul3A_741, %add3A_739 : vector<16xf32>
        %max3A_743 = arith.maximumf %add3A_739, %mul3A_742 : vector<16xf32>
        %get3A_744 = arith.constant 704 : index
        %get3A_745 = tpu.vector_load %arg16[%get3A_744] {strides = array<i32>} : memref<1024xf32, #tpu.memory_space<vmem>>, vector<16xf32>,
        %mul3A_746 = arith.mulf %max3A_743, %get3A_745 : vector<16xf32>
        %add3A_747 = arith.addf %add3A_732, %mul3A_746 : vector<16xf32>
        %broadcast_in_dim3A_748 = arith.constant 45 : i32
        %broadcast_in_dim3A_749 = vector.broadcast %broadcast_in_dim3A_748 : i32 to vector<16xi32>
        %broadcast_in_dim3A_750 = arith.constant 109 : i32
        %broadcast_in_dim3A_751 = vector.broadcast %broadcast_in_dim3A_750 : i32 to vector<16xi32>
        %gather3A_752 = tpu.vector_load_idx %arg12[%add3A_71, %broadcast_in_dim3A_749] : memref<64x128xf32, #tpu.memory_space<vmem>>[vector<16xi32>, vector<16xi32>], vector<16xf32>,
        %gather3A_753 = tpu.vector_load_idx %arg13[%add3A_71, %broadcast_in_dim3A_751] : memref<64x128xf32, #tpu.memory_space<vmem>>[vector<16xi32>, vector<16xi32>], vector<16xf32>,
        %add3A_754 = arith.addf %gather3A_752, %gather3A_753 : vector<16xf32>
        %mul3A_755 = arith.constant 2.000000e-01 : f32
        %mul3A_756 = vector.broadcast %mul3A_755 : f32 to vector<16xf32>
        %mul3A_757 = arith.mulf %mul3A_756, %add3A_754 : vector<16xf32>
        %max3A_758 = arith.maximumf %add3A_754, %mul3A_757 : vector<16xf32>
        %get3A_759 = arith.constant 720 : index
        %get3A_760 = tpu.vector_load %arg16[%get3A_759] {strides = array<i32>} : memref<1024xf32, #tpu.memory_space<vmem>>, vector<16xf32>,
        %mul3A_761 = arith.mulf %max3A_758, %get3A_760 : vector<16xf32>
        %add3A_762 = arith.addf %add3A_747, %mul3A_761 : vector<16xf32>
        %broadcast_in_dim3A_763 = arith.constant 46 : i32
        %broadcast_in_dim3A_764 = vector.broadcast %broadcast_in_dim3A_763 : i32 to vector<16xi32>
        %broadcast_in_dim3A_765 = arith.constant 110 : i32
        %broadcast_in_dim3A_766 = vector.broadcast %broadcast_in_dim3A_765 : i32 to vector<16xi32>
        %gather3A_767 = tpu.vector_load_idx %arg12[%add3A_71, %broadcast_in_dim3A_764] : memref<64x128xf32, #tpu.memory_space<vmem>>[vector<16xi32>, vector<16xi32>], vector<16xf32>,
        %gather3A_768 = tpu.vector_load_idx %arg13[%add3A_71, %broadcast_in_dim3A_766] : memref<64x128xf32, #tpu.memory_space<vmem>>[vector<16xi32>, vector<16xi32>], vector<16xf32>,
        %add3A_769 = arith.addf %gather3A_767, %gather3A_768 : vector<16xf32>
        %mul3A_770 = arith.constant 2.000000e-01 : f32
        %mul3A_771 = vector.broadcast %mul3A_770 : f32 to vector<16xf32>
        %mul3A_772 = arith.mulf %mul3A_771, %add3A_769 : vector<16xf32>
        %max3A_773 = arith.maximumf %add3A_769, %mul3A_772 : vector<16xf32>
        %get3A_774 = arith.constant 736 : index
        %get3A_775 = tpu.vector_load %arg16[%get3A_774] {strides = array<i32>} : memref<1024xf32, #tpu.memory_space<vmem>>, vector<16xf32>,
        %mul3A_776 = arith.mulf %max3A_773, %get3A_775 : vector<16xf32>
        %add3A_777 = arith.addf %add3A_762, %mul3A_776 : vector<16xf32>
        %broadcast_in_dim3A_778 = arith.constant 47 : i32
        %broadcast_in_dim3A_779 = vector.broadcast %broadcast_in_dim3A_778 : i32 to vector<16xi32>
        %broadcast_in_dim3A_780 = arith.constant 111 : i32
        %broadcast_in_dim3A_781 = vector.broadcast %broadcast_in_dim3A_780 : i32 to vector<16xi32>
        %gather3A_782 = tpu.vector_load_idx %arg12[%add3A_71, %broadcast_in_dim3A_779] : memref<64x128xf32, #tpu.memory_space<vmem>>[vector<16xi32>, vector<16xi32>], vector<16xf32>,
        %gather3A_783 = tpu.vector_load_idx %arg13[%add3A_71, %broadcast_in_dim3A_781] : memref<64x128xf32, #tpu.memory_space<vmem>>[vector<16xi32>, vector<16xi32>], vector<16xf32>,
        %add3A_784 = arith.addf %gather3A_782, %gather3A_783 : vector<16xf32>
        %mul3A_785 = arith.constant 2.000000e-01 : f32
        %mul3A_786 = vector.broadcast %mul3A_785 : f32 to vector<16xf32>
        %mul3A_787 = arith.mulf %mul3A_786, %add3A_784 : vector<16xf32>
        %max3A_788 = arith.maximumf %add3A_784, %mul3A_787 : vector<16xf32>
        %get3A_789 = arith.constant 752 : index
        %get3A_790 = tpu.vector_load %arg16[%get3A_789] {strides = array<i32>} : memref<1024xf32, #tpu.memory_space<vmem>>, vector<16xf32>,
        %mul3A_791 = arith.mulf %max3A_788, %get3A_790 : vector<16xf32>
        %add3A_792 = arith.addf %add3A_777, %mul3A_791 : vector<16xf32>
        %broadcast_in_dim3A_793 = arith.constant 48 : i32
        %broadcast_in_dim3A_794 = vector.broadcast %broadcast_in_dim3A_793 : i32 to vector<16xi32>
        %broadcast_in_dim3A_795 = arith.constant 112 : i32
        %broadcast_in_dim3A_796 = vector.broadcast %broadcast_in_dim3A_795 : i32 to vector<16xi32>
        %gather3A_797 = tpu.vector_load_idx %arg12[%add3A_71, %broadcast_in_dim3A_794] : memref<64x128xf32, #tpu.memory_space<vmem>>[vector<16xi32>, vector<16xi32>], vector<16xf32>,
        %gather3A_798 = tpu.vector_load_idx %arg13[%add3A_71, %broadcast_in_dim3A_796] : memref<64x128xf32, #tpu.memory_space<vmem>>[vector<16xi32>, vector<16xi32>], vector<16xf32>,
        %add3A_799 = arith.addf %gather3A_797, %gather3A_798 : vector<16xf32>
        %mul3A_800 = arith.constant 2.000000e-01 : f32
        %mul3A_801 = vector.broadcast %mul3A_800 : f32 to vector<16xf32>
        %mul3A_802 = arith.mulf %mul3A_801, %add3A_799 : vector<16xf32>
        %max3A_803 = arith.maximumf %add3A_799, %mul3A_802 : vector<16xf32>
        %get3A_804 = arith.constant 768 : index
        %get3A_805 = tpu.vector_load %arg16[%get3A_804] {strides = array<i32>} : memref<1024xf32, #tpu.memory_space<vmem>>, vector<16xf32>,
        %mul3A_806 = arith.mulf %max3A_803, %get3A_805 : vector<16xf32>
        %add3A_807 = arith.addf %add3A_792, %mul3A_806 : vector<16xf32>
        %broadcast_in_dim3A_808 = arith.constant 49 : i32
        %broadcast_in_dim3A_809 = vector.broadcast %broadcast_in_dim3A_808 : i32 to vector<16xi32>
        %broadcast_in_dim3A_810 = arith.constant 113 : i32
        %broadcast_in_dim3A_811 = vector.broadcast %broadcast_in_dim3A_810 : i32 to vector<16xi32>
        %gather3A_812 = tpu.vector_load_idx %arg12[%add3A_71, %broadcast_in_dim3A_809] : memref<64x128xf32, #tpu.memory_space<vmem>>[vector<16xi32>, vector<16xi32>], vector<16xf32>,
        %gather3A_813 = tpu.vector_load_idx %arg13[%add3A_71, %broadcast_in_dim3A_811] : memref<64x128xf32, #tpu.memory_space<vmem>>[vector<16xi32>, vector<16xi32>], vector<16xf32>,
        %add3A_814 = arith.addf %gather3A_812, %gather3A_813 : vector<16xf32>
        %mul3A_815 = arith.constant 2.000000e-01 : f32
        %mul3A_816 = vector.broadcast %mul3A_815 : f32 to vector<16xf32>
        %mul3A_817 = arith.mulf %mul3A_816, %add3A_814 : vector<16xf32>
        %max3A_818 = arith.maximumf %add3A_814, %mul3A_817 : vector<16xf32>
        %get3A_819 = arith.constant 784 : index
        %get3A_820 = tpu.vector_load %arg16[%get3A_819] {strides = array<i32>} : memref<1024xf32, #tpu.memory_space<vmem>>, vector<16xf32>,
        %mul3A_821 = arith.mulf %max3A_818, %get3A_820 : vector<16xf32>
        %add3A_822 = arith.addf %add3A_807, %mul3A_821 : vector<16xf32>
        %broadcast_in_dim3A_823 = arith.constant 50 : i32
        %broadcast_in_dim3A_824 = vector.broadcast %broadcast_in_dim3A_823 : i32 to vector<16xi32>
        %broadcast_in_dim3A_825 = arith.constant 114 : i32
        %broadcast_in_dim3A_826 = vector.broadcast %broadcast_in_dim3A_825 : i32 to vector<16xi32>
        %gather3A_827 = tpu.vector_load_idx %arg12[%add3A_71, %broadcast_in_dim3A_824] : memref<64x128xf32, #tpu.memory_space<vmem>>[vector<16xi32>, vector<16xi32>], vector<16xf32>,
        %gather3A_828 = tpu.vector_load_idx %arg13[%add3A_71, %broadcast_in_dim3A_826] : memref<64x128xf32, #tpu.memory_space<vmem>>[vector<16xi32>, vector<16xi32>], vector<16xf32>,
        %add3A_829 = arith.addf %gather3A_827, %gather3A_828 : vector<16xf32>
        %mul3A_830 = arith.constant 2.000000e-01 : f32
        %mul3A_831 = vector.broadcast %mul3A_830 : f32 to vector<16xf32>
        %mul3A_832 = arith.mulf %mul3A_831, %add3A_829 : vector<16xf32>
        %max3A_833 = arith.maximumf %add3A_829, %mul3A_832 : vector<16xf32>
        %get3A_834 = arith.constant 800 : index
        %get3A_835 = tpu.vector_load %arg16[%get3A_834] {strides = array<i32>} : memref<1024xf32, #tpu.memory_space<vmem>>, vector<16xf32>,
        %mul3A_836 = arith.mulf %max3A_833, %get3A_835 : vector<16xf32>
        %add3A_837 = arith.addf %add3A_822, %mul3A_836 : vector<16xf32>
        %broadcast_in_dim3A_838 = arith.constant 51 : i32
        %broadcast_in_dim3A_839 = vector.broadcast %broadcast_in_dim3A_838 : i32 to vector<16xi32>
        %broadcast_in_dim3A_840 = arith.constant 115 : i32
        %broadcast_in_dim3A_841 = vector.broadcast %broadcast_in_dim3A_840 : i32 to vector<16xi32>
        %gather3A_842 = tpu.vector_load_idx %arg12[%add3A_71, %broadcast_in_dim3A_839] : memref<64x128xf32, #tpu.memory_space<vmem>>[vector<16xi32>, vector<16xi32>], vector<16xf32>,
        %gather3A_843 = tpu.vector_load_idx %arg13[%add3A_71, %broadcast_in_dim3A_841] : memref<64x128xf32, #tpu.memory_space<vmem>>[vector<16xi32>, vector<16xi32>], vector<16xf32>,
        %add3A_844 = arith.addf %gather3A_842, %gather3A_843 : vector<16xf32>
        %mul3A_845 = arith.constant 2.000000e-01 : f32
        %mul3A_846 = vector.broadcast %mul3A_845 : f32 to vector<16xf32>
        %mul3A_847 = arith.mulf %mul3A_846, %add3A_844 : vector<16xf32>
        %max3A_848 = arith.maximumf %add3A_844, %mul3A_847 : vector<16xf32>
        %get3A_849 = arith.constant 816 : index
        %get3A_850 = tpu.vector_load %arg16[%get3A_849] {strides = array<i32>} : memref<1024xf32, #tpu.memory_space<vmem>>, vector<16xf32>,
        %mul3A_851 = arith.mulf %max3A_848, %get3A_850 : vector<16xf32>
        %add3A_852 = arith.addf %add3A_837, %mul3A_851 : vector<16xf32>
        %broadcast_in_dim3A_853 = arith.constant 52 : i32
        %broadcast_in_dim3A_854 = vector.broadcast %broadcast_in_dim3A_853 : i32 to vector<16xi32>
        %broadcast_in_dim3A_855 = arith.constant 116 : i32
        %broadcast_in_dim3A_856 = vector.broadcast %broadcast_in_dim3A_855 : i32 to vector<16xi32>
        %gather3A_857 = tpu.vector_load_idx %arg12[%add3A_71, %broadcast_in_dim3A_854] : memref<64x128xf32, #tpu.memory_space<vmem>>[vector<16xi32>, vector<16xi32>], vector<16xf32>,
        %gather3A_858 = tpu.vector_load_idx %arg13[%add3A_71, %broadcast_in_dim3A_856] : memref<64x128xf32, #tpu.memory_space<vmem>>[vector<16xi32>, vector<16xi32>], vector<16xf32>,
        %add3A_859 = arith.addf %gather3A_857, %gather3A_858 : vector<16xf32>
        %mul3A_860 = arith.constant 2.000000e-01 : f32
        %mul3A_861 = vector.broadcast %mul3A_860 : f32 to vector<16xf32>
        %mul3A_862 = arith.mulf %mul3A_861, %add3A_859 : vector<16xf32>
        %max3A_863 = arith.maximumf %add3A_859, %mul3A_862 : vector<16xf32>
        %get3A_864 = arith.constant 832 : index
        %get3A_865 = tpu.vector_load %arg16[%get3A_864] {strides = array<i32>} : memref<1024xf32, #tpu.memory_space<vmem>>, vector<16xf32>,
        %mul3A_866 = arith.mulf %max3A_863, %get3A_865 : vector<16xf32>
        %add3A_867 = arith.addf %add3A_852, %mul3A_866 : vector<16xf32>
        %broadcast_in_dim3A_868 = arith.constant 53 : i32
        %broadcast_in_dim3A_869 = vector.broadcast %broadcast_in_dim3A_868 : i32 to vector<16xi32>
        %broadcast_in_dim3A_870 = arith.constant 117 : i32
        %broadcast_in_dim3A_871 = vector.broadcast %broadcast_in_dim3A_870 : i32 to vector<16xi32>
        %gather3A_872 = tpu.vector_load_idx %arg12[%add3A_71, %broadcast_in_dim3A_869] : memref<64x128xf32, #tpu.memory_space<vmem>>[vector<16xi32>, vector<16xi32>], vector<16xf32>,
        %gather3A_873 = tpu.vector_load_idx %arg13[%add3A_71, %broadcast_in_dim3A_871] : memref<64x128xf32, #tpu.memory_space<vmem>>[vector<16xi32>, vector<16xi32>], vector<16xf32>,
        %add3A_874 = arith.addf %gather3A_872, %gather3A_873 : vector<16xf32>
        %mul3A_875 = arith.constant 2.000000e-01 : f32
        %mul3A_876 = vector.broadcast %mul3A_875 : f32 to vector<16xf32>
        %mul3A_877 = arith.mulf %mul3A_876, %add3A_874 : vector<16xf32>
        %max3A_878 = arith.maximumf %add3A_874, %mul3A_877 : vector<16xf32>
        %get3A_879 = arith.constant 848 : index
        %get3A_880 = tpu.vector_load %arg16[%get3A_879] {strides = array<i32>} : memref<1024xf32, #tpu.memory_space<vmem>>, vector<16xf32>,
        %mul3A_881 = arith.mulf %max3A_878, %get3A_880 : vector<16xf32>
        %add3A_882 = arith.addf %add3A_867, %mul3A_881 : vector<16xf32>
        %broadcast_in_dim3A_883 = arith.constant 54 : i32
        %broadcast_in_dim3A_884 = vector.broadcast %broadcast_in_dim3A_883 : i32 to vector<16xi32>
        %broadcast_in_dim3A_885 = arith.constant 118 : i32
        %broadcast_in_dim3A_886 = vector.broadcast %broadcast_in_dim3A_885 : i32 to vector<16xi32>
        %gather3A_887 = tpu.vector_load_idx %arg12[%add3A_71, %broadcast_in_dim3A_884] : memref<64x128xf32, #tpu.memory_space<vmem>>[vector<16xi32>, vector<16xi32>], vector<16xf32>,
        %gather3A_888 = tpu.vector_load_idx %arg13[%add3A_71, %broadcast_in_dim3A_886] : memref<64x128xf32, #tpu.memory_space<vmem>>[vector<16xi32>, vector<16xi32>], vector<16xf32>,
        %add3A_889 = arith.addf %gather3A_887, %gather3A_888 : vector<16xf32>
        %mul3A_890 = arith.constant 2.000000e-01 : f32
        %mul3A_891 = vector.broadcast %mul3A_890 : f32 to vector<16xf32>
        %mul3A_892 = arith.mulf %mul3A_891, %add3A_889 : vector<16xf32>
        %max3A_893 = arith.maximumf %add3A_889, %mul3A_892 : vector<16xf32>
        %get3A_894 = arith.constant 864 : index
        %get3A_895 = tpu.vector_load %arg16[%get3A_894] {strides = array<i32>} : memref<1024xf32, #tpu.memory_space<vmem>>, vector<16xf32>,
        %mul3A_896 = arith.mulf %max3A_893, %get3A_895 : vector<16xf32>
        %add3A_897 = arith.addf %add3A_882, %mul3A_896 : vector<16xf32>
        %broadcast_in_dim3A_898 = arith.constant 55 : i32
        %broadcast_in_dim3A_899 = vector.broadcast %broadcast_in_dim3A_898 : i32 to vector<16xi32>
        %broadcast_in_dim3A_900 = arith.constant 119 : i32
        %broadcast_in_dim3A_901 = vector.broadcast %broadcast_in_dim3A_900 : i32 to vector<16xi32>
        %gather3A_902 = tpu.vector_load_idx %arg12[%add3A_71, %broadcast_in_dim3A_899] : memref<64x128xf32, #tpu.memory_space<vmem>>[vector<16xi32>, vector<16xi32>], vector<16xf32>,
        %gather3A_903 = tpu.vector_load_idx %arg13[%add3A_71, %broadcast_in_dim3A_901] : memref<64x128xf32, #tpu.memory_space<vmem>>[vector<16xi32>, vector<16xi32>], vector<16xf32>,
        %add3A_904 = arith.addf %gather3A_902, %gather3A_903 : vector<16xf32>
        %mul3A_905 = arith.constant 2.000000e-01 : f32
        %mul3A_906 = vector.broadcast %mul3A_905 : f32 to vector<16xf32>
        %mul3A_907 = arith.mulf %mul3A_906, %add3A_904 : vector<16xf32>
        %max3A_908 = arith.maximumf %add3A_904, %mul3A_907 : vector<16xf32>
        %get3A_909 = arith.constant 880 : index
        %get3A_910 = tpu.vector_load %arg16[%get3A_909] {strides = array<i32>} : memref<1024xf32, #tpu.memory_space<vmem>>, vector<16xf32>,
        %mul3A_911 = arith.mulf %max3A_908, %get3A_910 : vector<16xf32>
        %add3A_912 = arith.addf %add3A_897, %mul3A_911 : vector<16xf32>
        %broadcast_in_dim3A_913 = arith.constant 56 : i32
        %broadcast_in_dim3A_914 = vector.broadcast %broadcast_in_dim3A_913 : i32 to vector<16xi32>
        %broadcast_in_dim3A_915 = arith.constant 120 : i32
        %broadcast_in_dim3A_916 = vector.broadcast %broadcast_in_dim3A_915 : i32 to vector<16xi32>
        %gather3A_917 = tpu.vector_load_idx %arg12[%add3A_71, %broadcast_in_dim3A_914] : memref<64x128xf32, #tpu.memory_space<vmem>>[vector<16xi32>, vector<16xi32>], vector<16xf32>,
        %gather3A_918 = tpu.vector_load_idx %arg13[%add3A_71, %broadcast_in_dim3A_916] : memref<64x128xf32, #tpu.memory_space<vmem>>[vector<16xi32>, vector<16xi32>], vector<16xf32>,
        %add3A_919 = arith.addf %gather3A_917, %gather3A_918 : vector<16xf32>
        %mul3A_920 = arith.constant 2.000000e-01 : f32
        %mul3A_921 = vector.broadcast %mul3A_920 : f32 to vector<16xf32>
        %mul3A_922 = arith.mulf %mul3A_921, %add3A_919 : vector<16xf32>
        %max3A_923 = arith.maximumf %add3A_919, %mul3A_922 : vector<16xf32>
        %get3A_924 = arith.constant 896 : index
        %get3A_925 = tpu.vector_load %arg16[%get3A_924] {strides = array<i32>} : memref<1024xf32, #tpu.memory_space<vmem>>, vector<16xf32>,
        %mul3A_926 = arith.mulf %max3A_923, %get3A_925 : vector<16xf32>
        %add3A_927 = arith.addf %add3A_912, %mul3A_926 : vector<16xf32>
        %broadcast_in_dim3A_928 = arith.constant 57 : i32
        %broadcast_in_dim3A_929 = vector.broadcast %broadcast_in_dim3A_928 : i32 to vector<16xi32>
        %broadcast_in_dim3A_930 = arith.constant 121 : i32
        %broadcast_in_dim3A_931 = vector.broadcast %broadcast_in_dim3A_930 : i32 to vector<16xi32>
        %gather3A_932 = tpu.vector_load_idx %arg12[%add3A_71, %broadcast_in_dim3A_929] : memref<64x128xf32, #tpu.memory_space<vmem>>[vector<16xi32>, vector<16xi32>], vector<16xf32>,
        %gather3A_933 = tpu.vector_load_idx %arg13[%add3A_71, %broadcast_in_dim3A_931] : memref<64x128xf32, #tpu.memory_space<vmem>>[vector<16xi32>, vector<16xi32>], vector<16xf32>,
        %add3A_934 = arith.addf %gather3A_932, %gather3A_933 : vector<16xf32>
        %mul3A_935 = arith.constant 2.000000e-01 : f32
        %mul3A_936 = vector.broadcast %mul3A_935 : f32 to vector<16xf32>
        %mul3A_937 = arith.mulf %mul3A_936, %add3A_934 : vector<16xf32>
        %max3A_938 = arith.maximumf %add3A_934, %mul3A_937 : vector<16xf32>
        %get3A_939 = arith.constant 912 : index
        %get3A_940 = tpu.vector_load %arg16[%get3A_939] {strides = array<i32>} : memref<1024xf32, #tpu.memory_space<vmem>>, vector<16xf32>,
        %mul3A_941 = arith.mulf %max3A_938, %get3A_940 : vector<16xf32>
        %add3A_942 = arith.addf %add3A_927, %mul3A_941 : vector<16xf32>
        %broadcast_in_dim3A_943 = arith.constant 58 : i32
        %broadcast_in_dim3A_944 = vector.broadcast %broadcast_in_dim3A_943 : i32 to vector<16xi32>
        %broadcast_in_dim3A_945 = arith.constant 122 : i32
        %broadcast_in_dim3A_946 = vector.broadcast %broadcast_in_dim3A_945 : i32 to vector<16xi32>
        %gather3A_947 = tpu.vector_load_idx %arg12[%add3A_71, %broadcast_in_dim3A_944] : memref<64x128xf32, #tpu.memory_space<vmem>>[vector<16xi32>, vector<16xi32>], vector<16xf32>,
        %gather3A_948 = tpu.vector_load_idx %arg13[%add3A_71, %broadcast_in_dim3A_946] : memref<64x128xf32, #tpu.memory_space<vmem>>[vector<16xi32>, vector<16xi32>], vector<16xf32>,
        %add3A_949 = arith.addf %gather3A_947, %gather3A_948 : vector<16xf32>
        %mul3A_950 = arith.constant 2.000000e-01 : f32
        %mul3A_951 = vector.broadcast %mul3A_950 : f32 to vector<16xf32>
        %mul3A_952 = arith.mulf %mul3A_951, %add3A_949 : vector<16xf32>
        %max3A_953 = arith.maximumf %add3A_949, %mul3A_952 : vector<16xf32>
        %get3A_954 = arith.constant 928 : index
        %get3A_955 = tpu.vector_load %arg16[%get3A_954] {strides = array<i32>} : memref<1024xf32, #tpu.memory_space<vmem>>, vector<16xf32>,
        %mul3A_956 = arith.mulf %max3A_953, %get3A_955 : vector<16xf32>
        %add3A_957 = arith.addf %add3A_942, %mul3A_956 : vector<16xf32>
        %broadcast_in_dim3A_958 = arith.constant 59 : i32
        %broadcast_in_dim3A_959 = vector.broadcast %broadcast_in_dim3A_958 : i32 to vector<16xi32>
        %broadcast_in_dim3A_960 = arith.constant 123 : i32
        %broadcast_in_dim3A_961 = vector.broadcast %broadcast_in_dim3A_960 : i32 to vector<16xi32>
        %gather3A_962 = tpu.vector_load_idx %arg12[%add3A_71, %broadcast_in_dim3A_959] : memref<64x128xf32, #tpu.memory_space<vmem>>[vector<16xi32>, vector<16xi32>], vector<16xf32>,
        %gather3A_963 = tpu.vector_load_idx %arg13[%add3A_71, %broadcast_in_dim3A_961] : memref<64x128xf32, #tpu.memory_space<vmem>>[vector<16xi32>, vector<16xi32>], vector<16xf32>,
        %add3A_964 = arith.addf %gather3A_962, %gather3A_963 : vector<16xf32>
        %mul3A_965 = arith.constant 2.000000e-01 : f32
        %mul3A_966 = vector.broadcast %mul3A_965 : f32 to vector<16xf32>
        %mul3A_967 = arith.mulf %mul3A_966, %add3A_964 : vector<16xf32>
        %max3A_968 = arith.maximumf %add3A_964, %mul3A_967 : vector<16xf32>
        %get3A_969 = arith.constant 944 : index
        %get3A_970 = tpu.vector_load %arg16[%get3A_969] {strides = array<i32>} : memref<1024xf32, #tpu.memory_space<vmem>>, vector<16xf32>,
        %mul3A_971 = arith.mulf %max3A_968, %get3A_970 : vector<16xf32>
        %add3A_972 = arith.addf %add3A_957, %mul3A_971 : vector<16xf32>
        %broadcast_in_dim3A_973 = arith.constant 60 : i32
        %broadcast_in_dim3A_974 = vector.broadcast %broadcast_in_dim3A_973 : i32 to vector<16xi32>
        %broadcast_in_dim3A_975 = arith.constant 124 : i32
        %broadcast_in_dim3A_976 = vector.broadcast %broadcast_in_dim3A_975 : i32 to vector<16xi32>
        %gather3A_977 = tpu.vector_load_idx %arg12[%add3A_71, %broadcast_in_dim3A_974] : memref<64x128xf32, #tpu.memory_space<vmem>>[vector<16xi32>, vector<16xi32>], vector<16xf32>,
        %gather3A_978 = tpu.vector_load_idx %arg13[%add3A_71, %broadcast_in_dim3A_976] : memref<64x128xf32, #tpu.memory_space<vmem>>[vector<16xi32>, vector<16xi32>], vector<16xf32>,
        %add3A_979 = arith.addf %gather3A_977, %gather3A_978 : vector<16xf32>
        %mul3A_980 = arith.constant 2.000000e-01 : f32
        %mul3A_981 = vector.broadcast %mul3A_980 : f32 to vector<16xf32>
        %mul3A_982 = arith.mulf %mul3A_981, %add3A_979 : vector<16xf32>
        %max3A_983 = arith.maximumf %add3A_979, %mul3A_982 : vector<16xf32>
        %get3A_984 = arith.constant 960 : index
        %get3A_985 = tpu.vector_load %arg16[%get3A_984] {strides = array<i32>} : memref<1024xf32, #tpu.memory_space<vmem>>, vector<16xf32>,
        %mul3A_986 = arith.mulf %max3A_983, %get3A_985 : vector<16xf32>
        %add3A_987 = arith.addf %add3A_972, %mul3A_986 : vector<16xf32>
        %broadcast_in_dim3A_988 = arith.constant 61 : i32
        %broadcast_in_dim3A_989 = vector.broadcast %broadcast_in_dim3A_988 : i32 to vector<16xi32>
        %broadcast_in_dim3A_990 = arith.constant 125 : i32
        %broadcast_in_dim3A_991 = vector.broadcast %broadcast_in_dim3A_990 : i32 to vector<16xi32>
        %gather3A_992 = tpu.vector_load_idx %arg12[%add3A_71, %broadcast_in_dim3A_989] : memref<64x128xf32, #tpu.memory_space<vmem>>[vector<16xi32>, vector<16xi32>], vector<16xf32>,
        %gather3A_993 = tpu.vector_load_idx %arg13[%add3A_71, %broadcast_in_dim3A_991] : memref<64x128xf32, #tpu.memory_space<vmem>>[vector<16xi32>, vector<16xi32>], vector<16xf32>,
        %add3A_994 = arith.addf %gather3A_992, %gather3A_993 : vector<16xf32>
        %mul3A_995 = arith.constant 2.000000e-01 : f32
        %mul3A_996 = vector.broadcast %mul3A_995 : f32 to vector<16xf32>
        %mul3A_997 = arith.mulf %mul3A_996, %add3A_994 : vector<16xf32>
        %max3A_998 = arith.maximumf %add3A_994, %mul3A_997 : vector<16xf32>
        %get3A_999 = arith.constant 976 : index
        %get3A_1000 = tpu.vector_load %arg16[%get3A_999] {strides = array<i32>} : memref<1024xf32, #tpu.memory_space<vmem>>, vector<16xf32>,
        %mul3A_1001 = arith.mulf %max3A_998, %get3A_1000 : vector<16xf32>
        %add3A_1002 = arith.addf %add3A_987, %mul3A_1001 : vector<16xf32>
        %broadcast_in_dim3A_1003 = arith.constant 62 : i32
        %broadcast_in_dim3A_1004 = vector.broadcast %broadcast_in_dim3A_1003 : i32 to vector<16xi32>
        %broadcast_in_dim3A_1005 = arith.constant 126 : i32
        %broadcast_in_dim3A_1006 = vector.broadcast %broadcast_in_dim3A_1005 : i32 to vector<16xi32>
        %gather3A_1007 = tpu.vector_load_idx %arg12[%add3A_71, %broadcast_in_dim3A_1004] : memref<64x128xf32, #tpu.memory_space<vmem>>[vector<16xi32>, vector<16xi32>], vector<16xf32>,
        %gather3A_1008 = tpu.vector_load_idx %arg13[%add3A_71, %broadcast_in_dim3A_1006] : memref<64x128xf32, #tpu.memory_space<vmem>>[vector<16xi32>, vector<16xi32>], vector<16xf32>,
        %add3A_1009 = arith.addf %gather3A_1007, %gather3A_1008 : vector<16xf32>
        %mul3A_1010 = arith.constant 2.000000e-01 : f32
        %mul3A_1011 = vector.broadcast %mul3A_1010 : f32 to vector<16xf32>
        %mul3A_1012 = arith.mulf %mul3A_1011, %add3A_1009 : vector<16xf32>
        %max3A_1013 = arith.maximumf %add3A_1009, %mul3A_1012 : vector<16xf32>
        %get3A_1014 = arith.constant 992 : index
        %get3A_1015 = tpu.vector_load %arg16[%get3A_1014] {strides = array<i32>} : memref<1024xf32, #tpu.memory_space<vmem>>, vector<16xf32>,
        %mul3A_1016 = arith.mulf %max3A_1013, %get3A_1015 : vector<16xf32>
        %add3A_1017 = arith.addf %add3A_1002, %mul3A_1016 : vector<16xf32>
        %broadcast_in_dim3A_1018 = arith.constant 63 : i32
        %broadcast_in_dim3A_1019 = vector.broadcast %broadcast_in_dim3A_1018 : i32 to vector<16xi32>
        %broadcast_in_dim3A_1020 = arith.constant 127 : i32
        %broadcast_in_dim3A_1021 = vector.broadcast %broadcast_in_dim3A_1020 : i32 to vector<16xi32>
        %gather3A_1022 = tpu.vector_load_idx %arg12[%add3A_71, %broadcast_in_dim3A_1019] : memref<64x128xf32, #tpu.memory_space<vmem>>[vector<16xi32>, vector<16xi32>], vector<16xf32>,
        %gather3A_1023 = tpu.vector_load_idx %arg13[%add3A_71, %broadcast_in_dim3A_1021] : memref<64x128xf32, #tpu.memory_space<vmem>>[vector<16xi32>, vector<16xi32>], vector<16xf32>,
        %add3A_1024 = arith.addf %gather3A_1022, %gather3A_1023 : vector<16xf32>
        %mul3A_1025 = arith.constant 2.000000e-01 : f32
        %mul3A_1026 = vector.broadcast %mul3A_1025 : f32 to vector<16xf32>
        %mul3A_1027 = arith.mulf %mul3A_1026, %add3A_1024 : vector<16xf32>
        %max3A_1028 = arith.maximumf %add3A_1024, %mul3A_1027 : vector<16xf32>
        %get3A_1029 = arith.constant 1008 : index
        %get3A_1030 = tpu.vector_load %arg16[%get3A_1029] {strides = array<i32>} : memref<1024xf32, #tpu.memory_space<vmem>>, vector<16xf32>,
        %mul3A_1031 = arith.mulf %max3A_1028, %get3A_1030 : vector<16xf32>
        %add3A_1032 = arith.addf %add3A_1017, %mul3A_1031 : vector<16xf32>
        %exp3A = math.exp %add3A_552 : vector<16xf32>
        %exp3A_1033 = math.exp %add3A_1032 : vector<16xf32>
        tpu.vector_store_idx %arg14[%add3A_71], %exp3A : memref<64xf32, #tpu.memory_space<vmem>>[vector<16xi32>], vector<16xf32>,
        tpu.vector_store_idx %arg15[%add3A_71], %exp3A_1033 : memref<64xf32, #tpu.memory_space<vmem>>[vector<16xi32>], vector<16xf32>,
        %gather3A_1034 = tpu.vector_load_idx %arg11[%add3A_71] : memref<64xi32, #tpu.memory_space<vmem>>[vector<16xi32>], vector<16xi32>,
        %mul3A_1035 = arith.constant 2 : i32
        %mul3A_1036 = vector.broadcast %mul3A_1035 : i32 to vector<16xi32>
        %mul3A_1037 = arith.muli %gather3A_1034, %mul3A_1036 : vector<16xi32>
        %add3A_1038 = arith.constant 1 : i32
        %add3A_1039 = vector.broadcast %add3A_1038 : i32 to vector<16xi32>
        %add3A_1040 = arith.addi %mul3A_1037, %add3A_1039 : vector<16xi32>
        %shift_right_arithmetic3A = arith.constant 7 : i32
        %shift_right_arithmetic3A_1041 = vector.broadcast %shift_right_arithmetic3A : i32 to vector<16xi32>
        %shift_right_arithmetic3A_1042 = arith.shrsi %mul3A_1037, %shift_right_arithmetic3A_1041 : vector<16xi32>
        %and3A = arith.constant 127 : i32
        %and3A_1043 = vector.broadcast %and3A : i32 to vector<16xi32>
        %and3A_1044 = arith.andi %mul3A_1037, %and3A_1043 : vector<16xi32>
        tpu.vector_store_idx %arg17[%shift_right_arithmetic3A_1042, %and3A_1044], %exp3A {add = true} : memref<800x128xf32, #tpu.memory_space<vmem>>[vector<16xi32>, vector<16xi32>], vector<16xf32>,
        %shift_right_arithmetic3A_1045 = arith.constant 7 : i32
        %shift_right_arithmetic3A_1046 = vector.broadcast %shift_right_arithmetic3A_1045 : i32 to vector<16xi32>
        %shift_right_arithmetic3A_1047 = arith.shrsi %add3A_1040, %shift_right_arithmetic3A_1046 : vector<16xi32>
        %and3A_1048 = arith.constant 127 : i32
        %and3A_1049 = vector.broadcast %and3A_1048 : i32 to vector<16xi32>
        %and3A_1050 = arith.andi %add3A_1040, %and3A_1049 : vector<16xi32>
        tpu.vector_store_idx %arg17[%shift_right_arithmetic3A_1047, %and3A_1050], %exp3A_1033 {add = true} : memref<800x128xf32, #tpu.memory_space<vmem>>[vector<16xi32>, vector<16xi32>], vector<16xf32>,
        %scan3A_1051 = arith.constant 0 : i32
        scf.yield %scan3A_1051 : i32
      }
      %scan3A_63 = arith.constant 4 : i32
      "tpu.region"() ({
        %run_scoped3A = tpu.sem_alloc : memref<!tpu.dma_semaphore, #tpu.memory_space<semaphore_mem>>
        %dma_start3A_65 = tpu.memref_slice %arg7[%mul3A_46] : memref<800000xf32, #tpu.memory_space<hbm>> -> memref<64xf32, #tpu.memory_space<hbm>>
        %dma_start3A_66 = tpu.memref_slice %arg7[%mul3A_46] : memref<800000xf32, #tpu.memory_space<hbm>> -> memref<64xf32, #tpu.memory_space<hbm>>
        tpu.enqueue_dma source(%arg14 : memref<64xf32, #tpu.memory_space<vmem>>) target(%dma_start3A_66 : memref<64xf32, #tpu.memory_space<hbm>>) target_semaphore(%run_scoped3A : memref<!tpu.dma_semaphore, #tpu.memory_space<semaphore_mem>>)
        %dma_wait3A_67 = tpu.memref_slice %arg7[%mul3A_46] : memref<800000xf32, #tpu.memory_space<hbm>> -> memref<64xf32, #tpu.memory_space<hbm>>
        %dma_wait3A_68 = tpu.memref_slice %arg7[%mul3A_46] : memref<800000xf32, #tpu.memory_space<hbm>> -> memref<64xf32, #tpu.memory_space<hbm>>
        tpu.wait_dma2 semaphore(%run_scoped3A : memref<!tpu.dma_semaphore, #tpu.memory_space<semaphore_mem>>) src(%arg14 : memref<64xf32, #tpu.memory_space<vmem>>) dst(%dma_wait3A_68 : memref<64xf32, #tpu.memory_space<hbm>>)
        tpu.yield
      }) : () -> ()
      "tpu.region"() ({
        %run_scoped3A = tpu.sem_alloc : memref<!tpu.dma_semaphore, #tpu.memory_space<semaphore_mem>>
        %dma_start3A_65 = tpu.memref_slice %arg8[%mul3A_46] : memref<800000xf32, #tpu.memory_space<hbm>> -> memref<64xf32, #tpu.memory_space<hbm>>
        %dma_start3A_66 = tpu.memref_slice %arg8[%mul3A_46] : memref<800000xf32, #tpu.memory_space<hbm>> -> memref<64xf32, #tpu.memory_space<hbm>>
        tpu.enqueue_dma source(%arg15 : memref<64xf32, #tpu.memory_space<vmem>>) target(%dma_start3A_66 : memref<64xf32, #tpu.memory_space<hbm>>) target_semaphore(%run_scoped3A : memref<!tpu.dma_semaphore, #tpu.memory_space<semaphore_mem>>)
        %dma_wait3A_67 = tpu.memref_slice %arg8[%mul3A_46] : memref<800000xf32, #tpu.memory_space<hbm>> -> memref<64xf32, #tpu.memory_space<hbm>>
        %dma_wait3A_68 = tpu.memref_slice %arg8[%mul3A_46] : memref<800000xf32, #tpu.memory_space<hbm>> -> memref<64xf32, #tpu.memory_space<hbm>>
        tpu.wait_dma2 semaphore(%run_scoped3A : memref<!tpu.dma_semaphore, #tpu.memory_space<semaphore_mem>>) src(%arg15 : memref<64xf32, #tpu.memory_space<vmem>>) dst(%dma_wait3A_68 : memref<64xf32, #tpu.memory_space<hbm>>)
        tpu.yield
      }) : () -> ()
      %while3A_64 = arith.constant 0 : i32
      scf.yield %while3A_64 : i32
    }
    %while3A_27 = arith.constant 1 : i32
    %while3A_28 = scf.for %while3A_42 = %while3A_24 to %while3A_20 step %while3A_27 iter_args(%while3A_43 = %while3A_26) -> (i32)  : i32 {
      %add3A_44 = arith.addi %add3A_8, %while3A_42 : i32
      %mul3A_45 = arith.constant 64 : i32
      %mul3A_46 = arith.muli %add3A_44, %mul3A_45 : i32
      "tpu.region"() ({
        %run_scoped3A = tpu.sem_alloc : memref<!tpu.dma_semaphore, #tpu.memory_space<semaphore_mem>>
        %dma_start3A_65 = tpu.memref_slice %arg3[%mul3A_46] : memref<800000xi32, #tpu.memory_space<hbm>> -> memref<64xi32, #tpu.memory_space<hbm>>
        %dma_start3A_66 = tpu.memref_slice %arg3[%mul3A_46] : memref<800000xi32, #tpu.memory_space<hbm>> -> memref<64xi32, #tpu.memory_space<hbm>>
        tpu.enqueue_dma source(%dma_start3A_66 : memref<64xi32, #tpu.memory_space<hbm>>) target(%arg10 : memref<64xi32, #tpu.memory_space<vmem>>) target_semaphore(%run_scoped3A : memref<!tpu.dma_semaphore, #tpu.memory_space<semaphore_mem>>)
        %dma_wait3A_67 = tpu.memref_slice %arg3[%mul3A_46] : memref<800000xi32, #tpu.memory_space<hbm>> -> memref<64xi32, #tpu.memory_space<hbm>>
        %dma_wait3A_68 = tpu.memref_slice %arg3[%mul3A_46] : memref<800000xi32, #tpu.memory_space<hbm>> -> memref<64xi32, #tpu.memory_space<hbm>>
        tpu.wait_dma2 semaphore(%run_scoped3A : memref<!tpu.dma_semaphore, #tpu.memory_space<semaphore_mem>>) src(%dma_wait3A_68 : memref<64xi32, #tpu.memory_space<hbm>>) dst(%arg10 : memref<64xi32, #tpu.memory_space<vmem>>)
        tpu.yield
      }) : () -> ()
      "tpu.region"() ({
        %run_scoped3A = tpu.sem_alloc : memref<!tpu.dma_semaphore, #tpu.memory_space<semaphore_mem>>
        %dma_start3A_65 = tpu.memref_slice %arg4[%mul3A_46] : memref<800000xi32, #tpu.memory_space<hbm>> -> memref<64xi32, #tpu.memory_space<hbm>>
        %dma_start3A_66 = tpu.memref_slice %arg4[%mul3A_46] : memref<800000xi32, #tpu.memory_space<hbm>> -> memref<64xi32, #tpu.memory_space<hbm>>
        tpu.enqueue_dma source(%dma_start3A_66 : memref<64xi32, #tpu.memory_space<hbm>>) target(%arg11 : memref<64xi32, #tpu.memory_space<vmem>>) target_semaphore(%run_scoped3A : memref<!tpu.dma_semaphore, #tpu.memory_space<semaphore_mem>>)
        %dma_wait3A_67 = tpu.memref_slice %arg4[%mul3A_46] : memref<800000xi32, #tpu.memory_space<hbm>> -> memref<64xi32, #tpu.memory_space<hbm>>
        %dma_wait3A_68 = tpu.memref_slice %arg4[%mul3A_46] : memref<800000xi32, #tpu.memory_space<hbm>> -> memref<64xi32, #tpu.memory_space<hbm>>
        tpu.wait_dma2 semaphore(%run_scoped3A : memref<!tpu.dma_semaphore, #tpu.memory_space<semaphore_mem>>) src(%dma_wait3A_68 : memref<64xi32, #tpu.memory_space<hbm>>) dst(%arg11 : memref<64xi32, #tpu.memory_space<vmem>>)
        tpu.yield
      }) : () -> ()
      %dma_start3A = arith.constant 0 : i32
      %dma_start3A_47 = arith.constant 0 : i32
      %dma_start3A_48 = tpu.memref_slice %arg2[%dma_start3A, %dma_start3A_47] : memref<50000x128xf32, #tpu.memory_space<hbm>> -> memref<50000x128xf32, #tpu.memory_space<hbm>>
      tpu.enqueue_indirect_dma source(%dma_start3A_48 : memref<50000x128xf32, #tpu.memory_space<hbm>>) target(%arg12 : memref<64x128xf32, #tpu.memory_space<vmem>>) offsets(%arg10 : memref<64xi32, #tpu.memory_space<vmem>>) semaphore(%arg20 : memref<!tpu.dma_semaphore, #tpu.memory_space<semaphore_mem>>)
      %dma_wait3A = arith.constant 0 : i32
      %dma_wait3A_49 = arith.constant 0 : i32
      %dma_wait3A_50 = tpu.memref_slice %arg2[%dma_wait3A, %dma_wait3A_49] : memref<50000x128xf32, #tpu.memory_space<hbm>> -> memref<50000x128xf32, #tpu.memory_space<hbm>>
      tpu.wait_indirect_dma semaphore(%arg20 : memref<!tpu.dma_semaphore, #tpu.memory_space<semaphore_mem>>) src(%dma_wait3A_50 : memref<50000x128xf32, #tpu.memory_space<hbm>>) dst(%arg12 : memref<64x128xf32, #tpu.memory_space<vmem>>)
      %dma_start3A_51 = arith.constant 0 : i32
      %dma_start3A_52 = arith.constant 0 : i32
      %dma_start3A_53 = tpu.memref_slice %arg2[%dma_start3A_51, %dma_start3A_52] : memref<50000x128xf32, #tpu.memory_space<hbm>> -> memref<50000x128xf32, #tpu.memory_space<hbm>>
      tpu.enqueue_indirect_dma source(%dma_start3A_53 : memref<50000x128xf32, #tpu.memory_space<hbm>>) target(%arg13 : memref<64x128xf32, #tpu.memory_space<vmem>>) offsets(%arg11 : memref<64xi32, #tpu.memory_space<vmem>>) semaphore(%arg20 : memref<!tpu.dma_semaphore, #tpu.memory_space<semaphore_mem>>)
      %dma_wait3A_54 = arith.constant 0 : i32
      %dma_wait3A_55 = arith.constant 0 : i32
      %dma_wait3A_56 = tpu.memref_slice %arg2[%dma_wait3A_54, %dma_wait3A_55] : memref<50000x128xf32, #tpu.memory_space<hbm>> -> memref<50000x128xf32, #tpu.memory_space<hbm>>
      tpu.wait_indirect_dma semaphore(%arg20 : memref<!tpu.dma_semaphore, #tpu.memory_space<semaphore_mem>>) src(%dma_wait3A_56 : memref<50000x128xf32, #tpu.memory_space<hbm>>) dst(%arg13 : memref<64x128xf32, #tpu.memory_space<vmem>>)
      %scan3A_57 = arith.constant 0 : i32
      %scan3A_58 = arith.constant 0 : i32
      %scan3A_59 = arith.constant 4 : i32
      %scan3A_60 = arith.addi %scan3A_58, %scan3A_59 : i32
      %scan3A_61 = arith.constant 1 : i32
      %scan3A_62 = scf.for %scan3A_65 = %scan3A_58 to %scan3A_60 step %scan3A_61 iter_args(%scan3A_66 = %scan3A_57) -> (i32)  : i32 {
        %iota3A_67 = tpu.iota {dimensions = array<i32: 0>} : vector<16xi32>
        %mul3A_68 = arith.constant 16 : i32
        %mul3A_69 = arith.muli %scan3A_65, %mul3A_68 : i32
        %add3A_70 = vector.broadcast %mul3A_69 : i32 to vector<16xi32>
        %add3A_71 = arith.addi %iota3A_67, %add3A_70 : vector<16xi32>
        %broadcast_in_dim3A_72 = arith.constant 0.000000e+00 : f32
        %broadcast_in_dim3A_73 = vector.broadcast %broadcast_in_dim3A_72 : f32 to vector<16xf32>
        %broadcast_in_dim3A_74 = arith.constant 0.000000e+00 : f32
        %broadcast_in_dim3A_75 = vector.broadcast %broadcast_in_dim3A_74 : f32 to vector<16xf32>
        %broadcast_in_dim3A_76 = arith.constant 0 : i32
        %broadcast_in_dim3A_77 = vector.broadcast %broadcast_in_dim3A_76 : i32 to vector<16xi32>
        %broadcast_in_dim3A_78 = arith.constant 64 : i32
        %broadcast_in_dim3A_79 = vector.broadcast %broadcast_in_dim3A_78 : i32 to vector<16xi32>
        %gather3A = tpu.vector_load_idx %arg12[%add3A_71, %broadcast_in_dim3A_77] : memref<64x128xf32, #tpu.memory_space<vmem>>[vector<16xi32>, vector<16xi32>], vector<16xf32>,
        %gather3A_80 = tpu.vector_load_idx %arg13[%add3A_71, %broadcast_in_dim3A_79] : memref<64x128xf32, #tpu.memory_space<vmem>>[vector<16xi32>, vector<16xi32>], vector<16xf32>,
        %add3A_81 = arith.addf %gather3A, %gather3A_80 : vector<16xf32>
        %mul3A_82 = arith.constant 2.000000e-01 : f32
        %mul3A_83 = vector.broadcast %mul3A_82 : f32 to vector<16xf32>
        %mul3A_84 = arith.mulf %mul3A_83, %add3A_81 : vector<16xf32>
        %max3A = arith.maximumf %add3A_81, %mul3A_84 : vector<16xf32>
        %get3A = arith.constant 0 : index
        %get3A_85 = tpu.vector_load %arg16[%get3A] {strides = array<i32>} : memref<1024xf32, #tpu.memory_space<vmem>>, vector<16xf32>,
        %mul3A_86 = arith.mulf %max3A, %get3A_85 : vector<16xf32>
        %add3A_87 = arith.addf %broadcast_in_dim3A_73, %mul3A_86 : vector<16xf32>
        %broadcast_in_dim3A_88 = arith.constant 1 : i32
        %broadcast_in_dim3A_89 = vector.broadcast %broadcast_in_dim3A_88 : i32 to vector<16xi32>
        %broadcast_in_dim3A_90 = arith.constant 65 : i32
        %broadcast_in_dim3A_91 = vector.broadcast %broadcast_in_dim3A_90 : i32 to vector<16xi32>
        %gather3A_92 = tpu.vector_load_idx %arg12[%add3A_71, %broadcast_in_dim3A_89] : memref<64x128xf32, #tpu.memory_space<vmem>>[vector<16xi32>, vector<16xi32>], vector<16xf32>,
        %gather3A_93 = tpu.vector_load_idx %arg13[%add3A_71, %broadcast_in_dim3A_91] : memref<64x128xf32, #tpu.memory_space<vmem>>[vector<16xi32>, vector<16xi32>], vector<16xf32>,
        %add3A_94 = arith.addf %gather3A_92, %gather3A_93 : vector<16xf32>
        %mul3A_95 = arith.constant 2.000000e-01 : f32
        %mul3A_96 = vector.broadcast %mul3A_95 : f32 to vector<16xf32>
        %mul3A_97 = arith.mulf %mul3A_96, %add3A_94 : vector<16xf32>
        %max3A_98 = arith.maximumf %add3A_94, %mul3A_97 : vector<16xf32>
        %get3A_99 = arith.constant 16 : index
        %get3A_100 = tpu.vector_load %arg16[%get3A_99] {strides = array<i32>} : memref<1024xf32, #tpu.memory_space<vmem>>, vector<16xf32>,
        %mul3A_101 = arith.mulf %max3A_98, %get3A_100 : vector<16xf32>
        %add3A_102 = arith.addf %add3A_87, %mul3A_101 : vector<16xf32>
        %broadcast_in_dim3A_103 = arith.constant 2 : i32
        %broadcast_in_dim3A_104 = vector.broadcast %broadcast_in_dim3A_103 : i32 to vector<16xi32>
        %broadcast_in_dim3A_105 = arith.constant 66 : i32
        %broadcast_in_dim3A_106 = vector.broadcast %broadcast_in_dim3A_105 : i32 to vector<16xi32>
        %gather3A_107 = tpu.vector_load_idx %arg12[%add3A_71, %broadcast_in_dim3A_104] : memref<64x128xf32, #tpu.memory_space<vmem>>[vector<16xi32>, vector<16xi32>], vector<16xf32>,
        %gather3A_108 = tpu.vector_load_idx %arg13[%add3A_71, %broadcast_in_dim3A_106] : memref<64x128xf32, #tpu.memory_space<vmem>>[vector<16xi32>, vector<16xi32>], vector<16xf32>,
        %add3A_109 = arith.addf %gather3A_107, %gather3A_108 : vector<16xf32>
        %mul3A_110 = arith.constant 2.000000e-01 : f32
        %mul3A_111 = vector.broadcast %mul3A_110 : f32 to vector<16xf32>
        %mul3A_112 = arith.mulf %mul3A_111, %add3A_109 : vector<16xf32>
        %max3A_113 = arith.maximumf %add3A_109, %mul3A_112 : vector<16xf32>
        %get3A_114 = arith.constant 32 : index
        %get3A_115 = tpu.vector_load %arg16[%get3A_114] {strides = array<i32>} : memref<1024xf32, #tpu.memory_space<vmem>>, vector<16xf32>,
        %mul3A_116 = arith.mulf %max3A_113, %get3A_115 : vector<16xf32>
        %add3A_117 = arith.addf %add3A_102, %mul3A_116 : vector<16xf32>
        %broadcast_in_dim3A_118 = arith.constant 3 : i32
        %broadcast_in_dim3A_119 = vector.broadcast %broadcast_in_dim3A_118 : i32 to vector<16xi32>
        %broadcast_in_dim3A_120 = arith.constant 67 : i32
        %broadcast_in_dim3A_121 = vector.broadcast %broadcast_in_dim3A_120 : i32 to vector<16xi32>
        %gather3A_122 = tpu.vector_load_idx %arg12[%add3A_71, %broadcast_in_dim3A_119] : memref<64x128xf32, #tpu.memory_space<vmem>>[vector<16xi32>, vector<16xi32>], vector<16xf32>,
        %gather3A_123 = tpu.vector_load_idx %arg13[%add3A_71, %broadcast_in_dim3A_121] : memref<64x128xf32, #tpu.memory_space<vmem>>[vector<16xi32>, vector<16xi32>], vector<16xf32>,
        %add3A_124 = arith.addf %gather3A_122, %gather3A_123 : vector<16xf32>
        %mul3A_125 = arith.constant 2.000000e-01 : f32
        %mul3A_126 = vector.broadcast %mul3A_125 : f32 to vector<16xf32>
        %mul3A_127 = arith.mulf %mul3A_126, %add3A_124 : vector<16xf32>
        %max3A_128 = arith.maximumf %add3A_124, %mul3A_127 : vector<16xf32>
        %get3A_129 = arith.constant 48 : index
        %get3A_130 = tpu.vector_load %arg16[%get3A_129] {strides = array<i32>} : memref<1024xf32, #tpu.memory_space<vmem>>, vector<16xf32>,
        %mul3A_131 = arith.mulf %max3A_128, %get3A_130 : vector<16xf32>
        %add3A_132 = arith.addf %add3A_117, %mul3A_131 : vector<16xf32>
        %broadcast_in_dim3A_133 = arith.constant 4 : i32
        %broadcast_in_dim3A_134 = vector.broadcast %broadcast_in_dim3A_133 : i32 to vector<16xi32>
        %broadcast_in_dim3A_135 = arith.constant 68 : i32
        %broadcast_in_dim3A_136 = vector.broadcast %broadcast_in_dim3A_135 : i32 to vector<16xi32>
        %gather3A_137 = tpu.vector_load_idx %arg12[%add3A_71, %broadcast_in_dim3A_134] : memref<64x128xf32, #tpu.memory_space<vmem>>[vector<16xi32>, vector<16xi32>], vector<16xf32>,
        %gather3A_138 = tpu.vector_load_idx %arg13[%add3A_71, %broadcast_in_dim3A_136] : memref<64x128xf32, #tpu.memory_space<vmem>>[vector<16xi32>, vector<16xi32>], vector<16xf32>,
        %add3A_139 = arith.addf %gather3A_137, %gather3A_138 : vector<16xf32>
        %mul3A_140 = arith.constant 2.000000e-01 : f32
        %mul3A_141 = vector.broadcast %mul3A_140 : f32 to vector<16xf32>
        %mul3A_142 = arith.mulf %mul3A_141, %add3A_139 : vector<16xf32>
        %max3A_143 = arith.maximumf %add3A_139, %mul3A_142 : vector<16xf32>
        %get3A_144 = arith.constant 64 : index
        %get3A_145 = tpu.vector_load %arg16[%get3A_144] {strides = array<i32>} : memref<1024xf32, #tpu.memory_space<vmem>>, vector<16xf32>,
        %mul3A_146 = arith.mulf %max3A_143, %get3A_145 : vector<16xf32>
        %add3A_147 = arith.addf %add3A_132, %mul3A_146 : vector<16xf32>
        %broadcast_in_dim3A_148 = arith.constant 5 : i32
        %broadcast_in_dim3A_149 = vector.broadcast %broadcast_in_dim3A_148 : i32 to vector<16xi32>
        %broadcast_in_dim3A_150 = arith.constant 69 : i32
        %broadcast_in_dim3A_151 = vector.broadcast %broadcast_in_dim3A_150 : i32 to vector<16xi32>
        %gather3A_152 = tpu.vector_load_idx %arg12[%add3A_71, %broadcast_in_dim3A_149] : memref<64x128xf32, #tpu.memory_space<vmem>>[vector<16xi32>, vector<16xi32>], vector<16xf32>,
        %gather3A_153 = tpu.vector_load_idx %arg13[%add3A_71, %broadcast_in_dim3A_151] : memref<64x128xf32, #tpu.memory_space<vmem>>[vector<16xi32>, vector<16xi32>], vector<16xf32>,
        %add3A_154 = arith.addf %gather3A_152, %gather3A_153 : vector<16xf32>
        %mul3A_155 = arith.constant 2.000000e-01 : f32
        %mul3A_156 = vector.broadcast %mul3A_155 : f32 to vector<16xf32>
        %mul3A_157 = arith.mulf %mul3A_156, %add3A_154 : vector<16xf32>
        %max3A_158 = arith.maximumf %add3A_154, %mul3A_157 : vector<16xf32>
        %get3A_159 = arith.constant 80 : index
        %get3A_160 = tpu.vector_load %arg16[%get3A_159] {strides = array<i32>} : memref<1024xf32, #tpu.memory_space<vmem>>, vector<16xf32>,
        %mul3A_161 = arith.mulf %max3A_158, %get3A_160 : vector<16xf32>
        %add3A_162 = arith.addf %add3A_147, %mul3A_161 : vector<16xf32>
        %broadcast_in_dim3A_163 = arith.constant 6 : i32
        %broadcast_in_dim3A_164 = vector.broadcast %broadcast_in_dim3A_163 : i32 to vector<16xi32>
        %broadcast_in_dim3A_165 = arith.constant 70 : i32
        %broadcast_in_dim3A_166 = vector.broadcast %broadcast_in_dim3A_165 : i32 to vector<16xi32>
        %gather3A_167 = tpu.vector_load_idx %arg12[%add3A_71, %broadcast_in_dim3A_164] : memref<64x128xf32, #tpu.memory_space<vmem>>[vector<16xi32>, vector<16xi32>], vector<16xf32>,
        %gather3A_168 = tpu.vector_load_idx %arg13[%add3A_71, %broadcast_in_dim3A_166] : memref<64x128xf32, #tpu.memory_space<vmem>>[vector<16xi32>, vector<16xi32>], vector<16xf32>,
        %add3A_169 = arith.addf %gather3A_167, %gather3A_168 : vector<16xf32>
        %mul3A_170 = arith.constant 2.000000e-01 : f32
        %mul3A_171 = vector.broadcast %mul3A_170 : f32 to vector<16xf32>
        %mul3A_172 = arith.mulf %mul3A_171, %add3A_169 : vector<16xf32>
        %max3A_173 = arith.maximumf %add3A_169, %mul3A_172 : vector<16xf32>
        %get3A_174 = arith.constant 96 : index
        %get3A_175 = tpu.vector_load %arg16[%get3A_174] {strides = array<i32>} : memref<1024xf32, #tpu.memory_space<vmem>>, vector<16xf32>,
        %mul3A_176 = arith.mulf %max3A_173, %get3A_175 : vector<16xf32>
        %add3A_177 = arith.addf %add3A_162, %mul3A_176 : vector<16xf32>
        %broadcast_in_dim3A_178 = arith.constant 7 : i32
        %broadcast_in_dim3A_179 = vector.broadcast %broadcast_in_dim3A_178 : i32 to vector<16xi32>
        %broadcast_in_dim3A_180 = arith.constant 71 : i32
        %broadcast_in_dim3A_181 = vector.broadcast %broadcast_in_dim3A_180 : i32 to vector<16xi32>
        %gather3A_182 = tpu.vector_load_idx %arg12[%add3A_71, %broadcast_in_dim3A_179] : memref<64x128xf32, #tpu.memory_space<vmem>>[vector<16xi32>, vector<16xi32>], vector<16xf32>,
        %gather3A_183 = tpu.vector_load_idx %arg13[%add3A_71, %broadcast_in_dim3A_181] : memref<64x128xf32, #tpu.memory_space<vmem>>[vector<16xi32>, vector<16xi32>], vector<16xf32>,
        %add3A_184 = arith.addf %gather3A_182, %gather3A_183 : vector<16xf32>
        %mul3A_185 = arith.constant 2.000000e-01 : f32
        %mul3A_186 = vector.broadcast %mul3A_185 : f32 to vector<16xf32>
        %mul3A_187 = arith.mulf %mul3A_186, %add3A_184 : vector<16xf32>
        %max3A_188 = arith.maximumf %add3A_184, %mul3A_187 : vector<16xf32>
        %get3A_189 = arith.constant 112 : index
        %get3A_190 = tpu.vector_load %arg16[%get3A_189] {strides = array<i32>} : memref<1024xf32, #tpu.memory_space<vmem>>, vector<16xf32>,
        %mul3A_191 = arith.mulf %max3A_188, %get3A_190 : vector<16xf32>
        %add3A_192 = arith.addf %add3A_177, %mul3A_191 : vector<16xf32>
        %broadcast_in_dim3A_193 = arith.constant 8 : i32
        %broadcast_in_dim3A_194 = vector.broadcast %broadcast_in_dim3A_193 : i32 to vector<16xi32>
        %broadcast_in_dim3A_195 = arith.constant 72 : i32
        %broadcast_in_dim3A_196 = vector.broadcast %broadcast_in_dim3A_195 : i32 to vector<16xi32>
        %gather3A_197 = tpu.vector_load_idx %arg12[%add3A_71, %broadcast_in_dim3A_194] : memref<64x128xf32, #tpu.memory_space<vmem>>[vector<16xi32>, vector<16xi32>], vector<16xf32>,
        %gather3A_198 = tpu.vector_load_idx %arg13[%add3A_71, %broadcast_in_dim3A_196] : memref<64x128xf32, #tpu.memory_space<vmem>>[vector<16xi32>, vector<16xi32>], vector<16xf32>,
        %add3A_199 = arith.addf %gather3A_197, %gather3A_198 : vector<16xf32>
        %mul3A_200 = arith.constant 2.000000e-01 : f32
        %mul3A_201 = vector.broadcast %mul3A_200 : f32 to vector<16xf32>
        %mul3A_202 = arith.mulf %mul3A_201, %add3A_199 : vector<16xf32>
        %max3A_203 = arith.maximumf %add3A_199, %mul3A_202 : vector<16xf32>
        %get3A_204 = arith.constant 128 : index
        %get3A_205 = tpu.vector_load %arg16[%get3A_204] {strides = array<i32>} : memref<1024xf32, #tpu.memory_space<vmem>>, vector<16xf32>,
        %mul3A_206 = arith.mulf %max3A_203, %get3A_205 : vector<16xf32>
        %add3A_207 = arith.addf %add3A_192, %mul3A_206 : vector<16xf32>
        %broadcast_in_dim3A_208 = arith.constant 9 : i32
        %broadcast_in_dim3A_209 = vector.broadcast %broadcast_in_dim3A_208 : i32 to vector<16xi32>
        %broadcast_in_dim3A_210 = arith.constant 73 : i32
        %broadcast_in_dim3A_211 = vector.broadcast %broadcast_in_dim3A_210 : i32 to vector<16xi32>
        %gather3A_212 = tpu.vector_load_idx %arg12[%add3A_71, %broadcast_in_dim3A_209] : memref<64x128xf32, #tpu.memory_space<vmem>>[vector<16xi32>, vector<16xi32>], vector<16xf32>,
        %gather3A_213 = tpu.vector_load_idx %arg13[%add3A_71, %broadcast_in_dim3A_211] : memref<64x128xf32, #tpu.memory_space<vmem>>[vector<16xi32>, vector<16xi32>], vector<16xf32>,
        %add3A_214 = arith.addf %gather3A_212, %gather3A_213 : vector<16xf32>
        %mul3A_215 = arith.constant 2.000000e-01 : f32
        %mul3A_216 = vector.broadcast %mul3A_215 : f32 to vector<16xf32>
        %mul3A_217 = arith.mulf %mul3A_216, %add3A_214 : vector<16xf32>
        %max3A_218 = arith.maximumf %add3A_214, %mul3A_217 : vector<16xf32>
        %get3A_219 = arith.constant 144 : index
        %get3A_220 = tpu.vector_load %arg16[%get3A_219] {strides = array<i32>} : memref<1024xf32, #tpu.memory_space<vmem>>, vector<16xf32>,
        %mul3A_221 = arith.mulf %max3A_218, %get3A_220 : vector<16xf32>
        %add3A_222 = arith.addf %add3A_207, %mul3A_221 : vector<16xf32>
        %broadcast_in_dim3A_223 = arith.constant 10 : i32
        %broadcast_in_dim3A_224 = vector.broadcast %broadcast_in_dim3A_223 : i32 to vector<16xi32>
        %broadcast_in_dim3A_225 = arith.constant 74 : i32
        %broadcast_in_dim3A_226 = vector.broadcast %broadcast_in_dim3A_225 : i32 to vector<16xi32>
        %gather3A_227 = tpu.vector_load_idx %arg12[%add3A_71, %broadcast_in_dim3A_224] : memref<64x128xf32, #tpu.memory_space<vmem>>[vector<16xi32>, vector<16xi32>], vector<16xf32>,
        %gather3A_228 = tpu.vector_load_idx %arg13[%add3A_71, %broadcast_in_dim3A_226] : memref<64x128xf32, #tpu.memory_space<vmem>>[vector<16xi32>, vector<16xi32>], vector<16xf32>,
        %add3A_229 = arith.addf %gather3A_227, %gather3A_228 : vector<16xf32>
        %mul3A_230 = arith.constant 2.000000e-01 : f32
        %mul3A_231 = vector.broadcast %mul3A_230 : f32 to vector<16xf32>
        %mul3A_232 = arith.mulf %mul3A_231, %add3A_229 : vector<16xf32>
        %max3A_233 = arith.maximumf %add3A_229, %mul3A_232 : vector<16xf32>
        %get3A_234 = arith.constant 160 : index
        %get3A_235 = tpu.vector_load %arg16[%get3A_234] {strides = array<i32>} : memref<1024xf32, #tpu.memory_space<vmem>>, vector<16xf32>,
        %mul3A_236 = arith.mulf %max3A_233, %get3A_235 : vector<16xf32>
        %add3A_237 = arith.addf %add3A_222, %mul3A_236 : vector<16xf32>
        %broadcast_in_dim3A_238 = arith.constant 11 : i32
        %broadcast_in_dim3A_239 = vector.broadcast %broadcast_in_dim3A_238 : i32 to vector<16xi32>
        %broadcast_in_dim3A_240 = arith.constant 75 : i32
        %broadcast_in_dim3A_241 = vector.broadcast %broadcast_in_dim3A_240 : i32 to vector<16xi32>
        %gather3A_242 = tpu.vector_load_idx %arg12[%add3A_71, %broadcast_in_dim3A_239] : memref<64x128xf32, #tpu.memory_space<vmem>>[vector<16xi32>, vector<16xi32>], vector<16xf32>,
        %gather3A_243 = tpu.vector_load_idx %arg13[%add3A_71, %broadcast_in_dim3A_241] : memref<64x128xf32, #tpu.memory_space<vmem>>[vector<16xi32>, vector<16xi32>], vector<16xf32>,
        %add3A_244 = arith.addf %gather3A_242, %gather3A_243 : vector<16xf32>
        %mul3A_245 = arith.constant 2.000000e-01 : f32
        %mul3A_246 = vector.broadcast %mul3A_245 : f32 to vector<16xf32>
        %mul3A_247 = arith.mulf %mul3A_246, %add3A_244 : vector<16xf32>
        %max3A_248 = arith.maximumf %add3A_244, %mul3A_247 : vector<16xf32>
        %get3A_249 = arith.constant 176 : index
        %get3A_250 = tpu.vector_load %arg16[%get3A_249] {strides = array<i32>} : memref<1024xf32, #tpu.memory_space<vmem>>, vector<16xf32>,
        %mul3A_251 = arith.mulf %max3A_248, %get3A_250 : vector<16xf32>
        %add3A_252 = arith.addf %add3A_237, %mul3A_251 : vector<16xf32>
        %broadcast_in_dim3A_253 = arith.constant 12 : i32
        %broadcast_in_dim3A_254 = vector.broadcast %broadcast_in_dim3A_253 : i32 to vector<16xi32>
        %broadcast_in_dim3A_255 = arith.constant 76 : i32
        %broadcast_in_dim3A_256 = vector.broadcast %broadcast_in_dim3A_255 : i32 to vector<16xi32>
        %gather3A_257 = tpu.vector_load_idx %arg12[%add3A_71, %broadcast_in_dim3A_254] : memref<64x128xf32, #tpu.memory_space<vmem>>[vector<16xi32>, vector<16xi32>], vector<16xf32>,
        %gather3A_258 = tpu.vector_load_idx %arg13[%add3A_71, %broadcast_in_dim3A_256] : memref<64x128xf32, #tpu.memory_space<vmem>>[vector<16xi32>, vector<16xi32>], vector<16xf32>,
        %add3A_259 = arith.addf %gather3A_257, %gather3A_258 : vector<16xf32>
        %mul3A_260 = arith.constant 2.000000e-01 : f32
        %mul3A_261 = vector.broadcast %mul3A_260 : f32 to vector<16xf32>
        %mul3A_262 = arith.mulf %mul3A_261, %add3A_259 : vector<16xf32>
        %max3A_263 = arith.maximumf %add3A_259, %mul3A_262 : vector<16xf32>
        %get3A_264 = arith.constant 192 : index
        %get3A_265 = tpu.vector_load %arg16[%get3A_264] {strides = array<i32>} : memref<1024xf32, #tpu.memory_space<vmem>>, vector<16xf32>,
        %mul3A_266 = arith.mulf %max3A_263, %get3A_265 : vector<16xf32>
        %add3A_267 = arith.addf %add3A_252, %mul3A_266 : vector<16xf32>
        %broadcast_in_dim3A_268 = arith.constant 13 : i32
        %broadcast_in_dim3A_269 = vector.broadcast %broadcast_in_dim3A_268 : i32 to vector<16xi32>
        %broadcast_in_dim3A_270 = arith.constant 77 : i32
        %broadcast_in_dim3A_271 = vector.broadcast %broadcast_in_dim3A_270 : i32 to vector<16xi32>
        %gather3A_272 = tpu.vector_load_idx %arg12[%add3A_71, %broadcast_in_dim3A_269] : memref<64x128xf32, #tpu.memory_space<vmem>>[vector<16xi32>, vector<16xi32>], vector<16xf32>,
        %gather3A_273 = tpu.vector_load_idx %arg13[%add3A_71, %broadcast_in_dim3A_271] : memref<64x128xf32, #tpu.memory_space<vmem>>[vector<16xi32>, vector<16xi32>], vector<16xf32>,
        %add3A_274 = arith.addf %gather3A_272, %gather3A_273 : vector<16xf32>
        %mul3A_275 = arith.constant 2.000000e-01 : f32
        %mul3A_276 = vector.broadcast %mul3A_275 : f32 to vector<16xf32>
        %mul3A_277 = arith.mulf %mul3A_276, %add3A_274 : vector<16xf32>
        %max3A_278 = arith.maximumf %add3A_274, %mul3A_277 : vector<16xf32>
        %get3A_279 = arith.constant 208 : index
        %get3A_280 = tpu.vector_load %arg16[%get3A_279] {strides = array<i32>} : memref<1024xf32, #tpu.memory_space<vmem>>, vector<16xf32>,
        %mul3A_281 = arith.mulf %max3A_278, %get3A_280 : vector<16xf32>
        %add3A_282 = arith.addf %add3A_267, %mul3A_281 : vector<16xf32>
        %broadcast_in_dim3A_283 = arith.constant 14 : i32
        %broadcast_in_dim3A_284 = vector.broadcast %broadcast_in_dim3A_283 : i32 to vector<16xi32>
        %broadcast_in_dim3A_285 = arith.constant 78 : i32
        %broadcast_in_dim3A_286 = vector.broadcast %broadcast_in_dim3A_285 : i32 to vector<16xi32>
        %gather3A_287 = tpu.vector_load_idx %arg12[%add3A_71, %broadcast_in_dim3A_284] : memref<64x128xf32, #tpu.memory_space<vmem>>[vector<16xi32>, vector<16xi32>], vector<16xf32>,
        %gather3A_288 = tpu.vector_load_idx %arg13[%add3A_71, %broadcast_in_dim3A_286] : memref<64x128xf32, #tpu.memory_space<vmem>>[vector<16xi32>, vector<16xi32>], vector<16xf32>,
        %add3A_289 = arith.addf %gather3A_287, %gather3A_288 : vector<16xf32>
        %mul3A_290 = arith.constant 2.000000e-01 : f32
        %mul3A_291 = vector.broadcast %mul3A_290 : f32 to vector<16xf32>
        %mul3A_292 = arith.mulf %mul3A_291, %add3A_289 : vector<16xf32>
        %max3A_293 = arith.maximumf %add3A_289, %mul3A_292 : vector<16xf32>
        %get3A_294 = arith.constant 224 : index
        %get3A_295 = tpu.vector_load %arg16[%get3A_294] {strides = array<i32>} : memref<1024xf32, #tpu.memory_space<vmem>>, vector<16xf32>,
        %mul3A_296 = arith.mulf %max3A_293, %get3A_295 : vector<16xf32>
        %add3A_297 = arith.addf %add3A_282, %mul3A_296 : vector<16xf32>
        %broadcast_in_dim3A_298 = arith.constant 15 : i32
        %broadcast_in_dim3A_299 = vector.broadcast %broadcast_in_dim3A_298 : i32 to vector<16xi32>
        %broadcast_in_dim3A_300 = arith.constant 79 : i32
        %broadcast_in_dim3A_301 = vector.broadcast %broadcast_in_dim3A_300 : i32 to vector<16xi32>
        %gather3A_302 = tpu.vector_load_idx %arg12[%add3A_71, %broadcast_in_dim3A_299] : memref<64x128xf32, #tpu.memory_space<vmem>>[vector<16xi32>, vector<16xi32>], vector<16xf32>,
        %gather3A_303 = tpu.vector_load_idx %arg13[%add3A_71, %broadcast_in_dim3A_301] : memref<64x128xf32, #tpu.memory_space<vmem>>[vector<16xi32>, vector<16xi32>], vector<16xf32>,
        %add3A_304 = arith.addf %gather3A_302, %gather3A_303 : vector<16xf32>
        %mul3A_305 = arith.constant 2.000000e-01 : f32
        %mul3A_306 = vector.broadcast %mul3A_305 : f32 to vector<16xf32>
        %mul3A_307 = arith.mulf %mul3A_306, %add3A_304 : vector<16xf32>
        %max3A_308 = arith.maximumf %add3A_304, %mul3A_307 : vector<16xf32>
        %get3A_309 = arith.constant 240 : index
        %get3A_310 = tpu.vector_load %arg16[%get3A_309] {strides = array<i32>} : memref<1024xf32, #tpu.memory_space<vmem>>, vector<16xf32>,
        %mul3A_311 = arith.mulf %max3A_308, %get3A_310 : vector<16xf32>
        %add3A_312 = arith.addf %add3A_297, %mul3A_311 : vector<16xf32>
        %broadcast_in_dim3A_313 = arith.constant 16 : i32
        %broadcast_in_dim3A_314 = vector.broadcast %broadcast_in_dim3A_313 : i32 to vector<16xi32>
        %broadcast_in_dim3A_315 = arith.constant 80 : i32
        %broadcast_in_dim3A_316 = vector.broadcast %broadcast_in_dim3A_315 : i32 to vector<16xi32>
        %gather3A_317 = tpu.vector_load_idx %arg12[%add3A_71, %broadcast_in_dim3A_314] : memref<64x128xf32, #tpu.memory_space<vmem>>[vector<16xi32>, vector<16xi32>], vector<16xf32>,
        %gather3A_318 = tpu.vector_load_idx %arg13[%add3A_71, %broadcast_in_dim3A_316] : memref<64x128xf32, #tpu.memory_space<vmem>>[vector<16xi32>, vector<16xi32>], vector<16xf32>,
        %add3A_319 = arith.addf %gather3A_317, %gather3A_318 : vector<16xf32>
        %mul3A_320 = arith.constant 2.000000e-01 : f32
        %mul3A_321 = vector.broadcast %mul3A_320 : f32 to vector<16xf32>
        %mul3A_322 = arith.mulf %mul3A_321, %add3A_319 : vector<16xf32>
        %max3A_323 = arith.maximumf %add3A_319, %mul3A_322 : vector<16xf32>
        %get3A_324 = arith.constant 256 : index
        %get3A_325 = tpu.vector_load %arg16[%get3A_324] {strides = array<i32>} : memref<1024xf32, #tpu.memory_space<vmem>>, vector<16xf32>,
        %mul3A_326 = arith.mulf %max3A_323, %get3A_325 : vector<16xf32>
        %add3A_327 = arith.addf %add3A_312, %mul3A_326 : vector<16xf32>
        %broadcast_in_dim3A_328 = arith.constant 17 : i32
        %broadcast_in_dim3A_329 = vector.broadcast %broadcast_in_dim3A_328 : i32 to vector<16xi32>
        %broadcast_in_dim3A_330 = arith.constant 81 : i32
        %broadcast_in_dim3A_331 = vector.broadcast %broadcast_in_dim3A_330 : i32 to vector<16xi32>
        %gather3A_332 = tpu.vector_load_idx %arg12[%add3A_71, %broadcast_in_dim3A_329] : memref<64x128xf32, #tpu.memory_space<vmem>>[vector<16xi32>, vector<16xi32>], vector<16xf32>,
        %gather3A_333 = tpu.vector_load_idx %arg13[%add3A_71, %broadcast_in_dim3A_331] : memref<64x128xf32, #tpu.memory_space<vmem>>[vector<16xi32>, vector<16xi32>], vector<16xf32>,
        %add3A_334 = arith.addf %gather3A_332, %gather3A_333 : vector<16xf32>
        %mul3A_335 = arith.constant 2.000000e-01 : f32
        %mul3A_336 = vector.broadcast %mul3A_335 : f32 to vector<16xf32>
        %mul3A_337 = arith.mulf %mul3A_336, %add3A_334 : vector<16xf32>
        %max3A_338 = arith.maximumf %add3A_334, %mul3A_337 : vector<16xf32>
        %get3A_339 = arith.constant 272 : index
        %get3A_340 = tpu.vector_load %arg16[%get3A_339] {strides = array<i32>} : memref<1024xf32, #tpu.memory_space<vmem>>, vector<16xf32>,
        %mul3A_341 = arith.mulf %max3A_338, %get3A_340 : vector<16xf32>
        %add3A_342 = arith.addf %add3A_327, %mul3A_341 : vector<16xf32>
        %broadcast_in_dim3A_343 = arith.constant 18 : i32
        %broadcast_in_dim3A_344 = vector.broadcast %broadcast_in_dim3A_343 : i32 to vector<16xi32>
        %broadcast_in_dim3A_345 = arith.constant 82 : i32
        %broadcast_in_dim3A_346 = vector.broadcast %broadcast_in_dim3A_345 : i32 to vector<16xi32>
        %gather3A_347 = tpu.vector_load_idx %arg12[%add3A_71, %broadcast_in_dim3A_344] : memref<64x128xf32, #tpu.memory_space<vmem>>[vector<16xi32>, vector<16xi32>], vector<16xf32>,
        %gather3A_348 = tpu.vector_load_idx %arg13[%add3A_71, %broadcast_in_dim3A_346] : memref<64x128xf32, #tpu.memory_space<vmem>>[vector<16xi32>, vector<16xi32>], vector<16xf32>,
        %add3A_349 = arith.addf %gather3A_347, %gather3A_348 : vector<16xf32>
        %mul3A_350 = arith.constant 2.000000e-01 : f32
        %mul3A_351 = vector.broadcast %mul3A_350 : f32 to vector<16xf32>
        %mul3A_352 = arith.mulf %mul3A_351, %add3A_349 : vector<16xf32>
        %max3A_353 = arith.maximumf %add3A_349, %mul3A_352 : vector<16xf32>
        %get3A_354 = arith.constant 288 : index
        %get3A_355 = tpu.vector_load %arg16[%get3A_354] {strides = array<i32>} : memref<1024xf32, #tpu.memory_space<vmem>>, vector<16xf32>,
        %mul3A_356 = arith.mulf %max3A_353, %get3A_355 : vector<16xf32>
        %add3A_357 = arith.addf %add3A_342, %mul3A_356 : vector<16xf32>
        %broadcast_in_dim3A_358 = arith.constant 19 : i32
        %broadcast_in_dim3A_359 = vector.broadcast %broadcast_in_dim3A_358 : i32 to vector<16xi32>
        %broadcast_in_dim3A_360 = arith.constant 83 : i32
        %broadcast_in_dim3A_361 = vector.broadcast %broadcast_in_dim3A_360 : i32 to vector<16xi32>
        %gather3A_362 = tpu.vector_load_idx %arg12[%add3A_71, %broadcast_in_dim3A_359] : memref<64x128xf32, #tpu.memory_space<vmem>>[vector<16xi32>, vector<16xi32>], vector<16xf32>,
        %gather3A_363 = tpu.vector_load_idx %arg13[%add3A_71, %broadcast_in_dim3A_361] : memref<64x128xf32, #tpu.memory_space<vmem>>[vector<16xi32>, vector<16xi32>], vector<16xf32>,
        %add3A_364 = arith.addf %gather3A_362, %gather3A_363 : vector<16xf32>
        %mul3A_365 = arith.constant 2.000000e-01 : f32
        %mul3A_366 = vector.broadcast %mul3A_365 : f32 to vector<16xf32>
        %mul3A_367 = arith.mulf %mul3A_366, %add3A_364 : vector<16xf32>
        %max3A_368 = arith.maximumf %add3A_364, %mul3A_367 : vector<16xf32>
        %get3A_369 = arith.constant 304 : index
        %get3A_370 = tpu.vector_load %arg16[%get3A_369] {strides = array<i32>} : memref<1024xf32, #tpu.memory_space<vmem>>, vector<16xf32>,
        %mul3A_371 = arith.mulf %max3A_368, %get3A_370 : vector<16xf32>
        %add3A_372 = arith.addf %add3A_357, %mul3A_371 : vector<16xf32>
        %broadcast_in_dim3A_373 = arith.constant 20 : i32
        %broadcast_in_dim3A_374 = vector.broadcast %broadcast_in_dim3A_373 : i32 to vector<16xi32>
        %broadcast_in_dim3A_375 = arith.constant 84 : i32
        %broadcast_in_dim3A_376 = vector.broadcast %broadcast_in_dim3A_375 : i32 to vector<16xi32>
        %gather3A_377 = tpu.vector_load_idx %arg12[%add3A_71, %broadcast_in_dim3A_374] : memref<64x128xf32, #tpu.memory_space<vmem>>[vector<16xi32>, vector<16xi32>], vector<16xf32>,
        %gather3A_378 = tpu.vector_load_idx %arg13[%add3A_71, %broadcast_in_dim3A_376] : memref<64x128xf32, #tpu.memory_space<vmem>>[vector<16xi32>, vector<16xi32>], vector<16xf32>,
        %add3A_379 = arith.addf %gather3A_377, %gather3A_378 : vector<16xf32>
        %mul3A_380 = arith.constant 2.000000e-01 : f32
        %mul3A_381 = vector.broadcast %mul3A_380 : f32 to vector<16xf32>
        %mul3A_382 = arith.mulf %mul3A_381, %add3A_379 : vector<16xf32>
        %max3A_383 = arith.maximumf %add3A_379, %mul3A_382 : vector<16xf32>
        %get3A_384 = arith.constant 320 : index
        %get3A_385 = tpu.vector_load %arg16[%get3A_384] {strides = array<i32>} : memref<1024xf32, #tpu.memory_space<vmem>>, vector<16xf32>,
        %mul3A_386 = arith.mulf %max3A_383, %get3A_385 : vector<16xf32>
        %add3A_387 = arith.addf %add3A_372, %mul3A_386 : vector<16xf32>
        %broadcast_in_dim3A_388 = arith.constant 21 : i32
        %broadcast_in_dim3A_389 = vector.broadcast %broadcast_in_dim3A_388 : i32 to vector<16xi32>
        %broadcast_in_dim3A_390 = arith.constant 85 : i32
        %broadcast_in_dim3A_391 = vector.broadcast %broadcast_in_dim3A_390 : i32 to vector<16xi32>
        %gather3A_392 = tpu.vector_load_idx %arg12[%add3A_71, %broadcast_in_dim3A_389] : memref<64x128xf32, #tpu.memory_space<vmem>>[vector<16xi32>, vector<16xi32>], vector<16xf32>,
        %gather3A_393 = tpu.vector_load_idx %arg13[%add3A_71, %broadcast_in_dim3A_391] : memref<64x128xf32, #tpu.memory_space<vmem>>[vector<16xi32>, vector<16xi32>], vector<16xf32>,
        %add3A_394 = arith.addf %gather3A_392, %gather3A_393 : vector<16xf32>
        %mul3A_395 = arith.constant 2.000000e-01 : f32
        %mul3A_396 = vector.broadcast %mul3A_395 : f32 to vector<16xf32>
        %mul3A_397 = arith.mulf %mul3A_396, %add3A_394 : vector<16xf32>
        %max3A_398 = arith.maximumf %add3A_394, %mul3A_397 : vector<16xf32>
        %get3A_399 = arith.constant 336 : index
        %get3A_400 = tpu.vector_load %arg16[%get3A_399] {strides = array<i32>} : memref<1024xf32, #tpu.memory_space<vmem>>, vector<16xf32>,
        %mul3A_401 = arith.mulf %max3A_398, %get3A_400 : vector<16xf32>
        %add3A_402 = arith.addf %add3A_387, %mul3A_401 : vector<16xf32>
        %broadcast_in_dim3A_403 = arith.constant 22 : i32
        %broadcast_in_dim3A_404 = vector.broadcast %broadcast_in_dim3A_403 : i32 to vector<16xi32>
        %broadcast_in_dim3A_405 = arith.constant 86 : i32
        %broadcast_in_dim3A_406 = vector.broadcast %broadcast_in_dim3A_405 : i32 to vector<16xi32>
        %gather3A_407 = tpu.vector_load_idx %arg12[%add3A_71, %broadcast_in_dim3A_404] : memref<64x128xf32, #tpu.memory_space<vmem>>[vector<16xi32>, vector<16xi32>], vector<16xf32>,
        %gather3A_408 = tpu.vector_load_idx %arg13[%add3A_71, %broadcast_in_dim3A_406] : memref<64x128xf32, #tpu.memory_space<vmem>>[vector<16xi32>, vector<16xi32>], vector<16xf32>,
        %add3A_409 = arith.addf %gather3A_407, %gather3A_408 : vector<16xf32>
        %mul3A_410 = arith.constant 2.000000e-01 : f32
        %mul3A_411 = vector.broadcast %mul3A_410 : f32 to vector<16xf32>
        %mul3A_412 = arith.mulf %mul3A_411, %add3A_409 : vector<16xf32>
        %max3A_413 = arith.maximumf %add3A_409, %mul3A_412 : vector<16xf32>
        %get3A_414 = arith.constant 352 : index
        %get3A_415 = tpu.vector_load %arg16[%get3A_414] {strides = array<i32>} : memref<1024xf32, #tpu.memory_space<vmem>>, vector<16xf32>,
        %mul3A_416 = arith.mulf %max3A_413, %get3A_415 : vector<16xf32>
        %add3A_417 = arith.addf %add3A_402, %mul3A_416 : vector<16xf32>
        %broadcast_in_dim3A_418 = arith.constant 23 : i32
        %broadcast_in_dim3A_419 = vector.broadcast %broadcast_in_dim3A_418 : i32 to vector<16xi32>
        %broadcast_in_dim3A_420 = arith.constant 87 : i32
        %broadcast_in_dim3A_421 = vector.broadcast %broadcast_in_dim3A_420 : i32 to vector<16xi32>
        %gather3A_422 = tpu.vector_load_idx %arg12[%add3A_71, %broadcast_in_dim3A_419] : memref<64x128xf32, #tpu.memory_space<vmem>>[vector<16xi32>, vector<16xi32>], vector<16xf32>,
        %gather3A_423 = tpu.vector_load_idx %arg13[%add3A_71, %broadcast_in_dim3A_421] : memref<64x128xf32, #tpu.memory_space<vmem>>[vector<16xi32>, vector<16xi32>], vector<16xf32>,
        %add3A_424 = arith.addf %gather3A_422, %gather3A_423 : vector<16xf32>
        %mul3A_425 = arith.constant 2.000000e-01 : f32
        %mul3A_426 = vector.broadcast %mul3A_425 : f32 to vector<16xf32>
        %mul3A_427 = arith.mulf %mul3A_426, %add3A_424 : vector<16xf32>
        %max3A_428 = arith.maximumf %add3A_424, %mul3A_427 : vector<16xf32>
        %get3A_429 = arith.constant 368 : index
        %get3A_430 = tpu.vector_load %arg16[%get3A_429] {strides = array<i32>} : memref<1024xf32, #tpu.memory_space<vmem>>, vector<16xf32>,
        %mul3A_431 = arith.mulf %max3A_428, %get3A_430 : vector<16xf32>
        %add3A_432 = arith.addf %add3A_417, %mul3A_431 : vector<16xf32>
        %broadcast_in_dim3A_433 = arith.constant 24 : i32
        %broadcast_in_dim3A_434 = vector.broadcast %broadcast_in_dim3A_433 : i32 to vector<16xi32>
        %broadcast_in_dim3A_435 = arith.constant 88 : i32
        %broadcast_in_dim3A_436 = vector.broadcast %broadcast_in_dim3A_435 : i32 to vector<16xi32>
        %gather3A_437 = tpu.vector_load_idx %arg12[%add3A_71, %broadcast_in_dim3A_434] : memref<64x128xf32, #tpu.memory_space<vmem>>[vector<16xi32>, vector<16xi32>], vector<16xf32>,
        %gather3A_438 = tpu.vector_load_idx %arg13[%add3A_71, %broadcast_in_dim3A_436] : memref<64x128xf32, #tpu.memory_space<vmem>>[vector<16xi32>, vector<16xi32>], vector<16xf32>,
        %add3A_439 = arith.addf %gather3A_437, %gather3A_438 : vector<16xf32>
        %mul3A_440 = arith.constant 2.000000e-01 : f32
        %mul3A_441 = vector.broadcast %mul3A_440 : f32 to vector<16xf32>
        %mul3A_442 = arith.mulf %mul3A_441, %add3A_439 : vector<16xf32>
        %max3A_443 = arith.maximumf %add3A_439, %mul3A_442 : vector<16xf32>
        %get3A_444 = arith.constant 384 : index
        %get3A_445 = tpu.vector_load %arg16[%get3A_444] {strides = array<i32>} : memref<1024xf32, #tpu.memory_space<vmem>>, vector<16xf32>,
        %mul3A_446 = arith.mulf %max3A_443, %get3A_445 : vector<16xf32>
        %add3A_447 = arith.addf %add3A_432, %mul3A_446 : vector<16xf32>
        %broadcast_in_dim3A_448 = arith.constant 25 : i32
        %broadcast_in_dim3A_449 = vector.broadcast %broadcast_in_dim3A_448 : i32 to vector<16xi32>
        %broadcast_in_dim3A_450 = arith.constant 89 : i32
        %broadcast_in_dim3A_451 = vector.broadcast %broadcast_in_dim3A_450 : i32 to vector<16xi32>
        %gather3A_452 = tpu.vector_load_idx %arg12[%add3A_71, %broadcast_in_dim3A_449] : memref<64x128xf32, #tpu.memory_space<vmem>>[vector<16xi32>, vector<16xi32>], vector<16xf32>,
        %gather3A_453 = tpu.vector_load_idx %arg13[%add3A_71, %broadcast_in_dim3A_451] : memref<64x128xf32, #tpu.memory_space<vmem>>[vector<16xi32>, vector<16xi32>], vector<16xf32>,
        %add3A_454 = arith.addf %gather3A_452, %gather3A_453 : vector<16xf32>
        %mul3A_455 = arith.constant 2.000000e-01 : f32
        %mul3A_456 = vector.broadcast %mul3A_455 : f32 to vector<16xf32>
        %mul3A_457 = arith.mulf %mul3A_456, %add3A_454 : vector<16xf32>
        %max3A_458 = arith.maximumf %add3A_454, %mul3A_457 : vector<16xf32>
        %get3A_459 = arith.constant 400 : index
        %get3A_460 = tpu.vector_load %arg16[%get3A_459] {strides = array<i32>} : memref<1024xf32, #tpu.memory_space<vmem>>, vector<16xf32>,
        %mul3A_461 = arith.mulf %max3A_458, %get3A_460 : vector<16xf32>
        %add3A_462 = arith.addf %add3A_447, %mul3A_461 : vector<16xf32>
        %broadcast_in_dim3A_463 = arith.constant 26 : i32
        %broadcast_in_dim3A_464 = vector.broadcast %broadcast_in_dim3A_463 : i32 to vector<16xi32>
        %broadcast_in_dim3A_465 = arith.constant 90 : i32
        %broadcast_in_dim3A_466 = vector.broadcast %broadcast_in_dim3A_465 : i32 to vector<16xi32>
        %gather3A_467 = tpu.vector_load_idx %arg12[%add3A_71, %broadcast_in_dim3A_464] : memref<64x128xf32, #tpu.memory_space<vmem>>[vector<16xi32>, vector<16xi32>], vector<16xf32>,
        %gather3A_468 = tpu.vector_load_idx %arg13[%add3A_71, %broadcast_in_dim3A_466] : memref<64x128xf32, #tpu.memory_space<vmem>>[vector<16xi32>, vector<16xi32>], vector<16xf32>,
        %add3A_469 = arith.addf %gather3A_467, %gather3A_468 : vector<16xf32>
        %mul3A_470 = arith.constant 2.000000e-01 : f32
        %mul3A_471 = vector.broadcast %mul3A_470 : f32 to vector<16xf32>
        %mul3A_472 = arith.mulf %mul3A_471, %add3A_469 : vector<16xf32>
        %max3A_473 = arith.maximumf %add3A_469, %mul3A_472 : vector<16xf32>
        %get3A_474 = arith.constant 416 : index
        %get3A_475 = tpu.vector_load %arg16[%get3A_474] {strides = array<i32>} : memref<1024xf32, #tpu.memory_space<vmem>>, vector<16xf32>,
        %mul3A_476 = arith.mulf %max3A_473, %get3A_475 : vector<16xf32>
        %add3A_477 = arith.addf %add3A_462, %mul3A_476 : vector<16xf32>
        %broadcast_in_dim3A_478 = arith.constant 27 : i32
        %broadcast_in_dim3A_479 = vector.broadcast %broadcast_in_dim3A_478 : i32 to vector<16xi32>
        %broadcast_in_dim3A_480 = arith.constant 91 : i32
        %broadcast_in_dim3A_481 = vector.broadcast %broadcast_in_dim3A_480 : i32 to vector<16xi32>
        %gather3A_482 = tpu.vector_load_idx %arg12[%add3A_71, %broadcast_in_dim3A_479] : memref<64x128xf32, #tpu.memory_space<vmem>>[vector<16xi32>, vector<16xi32>], vector<16xf32>,
        %gather3A_483 = tpu.vector_load_idx %arg13[%add3A_71, %broadcast_in_dim3A_481] : memref<64x128xf32, #tpu.memory_space<vmem>>[vector<16xi32>, vector<16xi32>], vector<16xf32>,
        %add3A_484 = arith.addf %gather3A_482, %gather3A_483 : vector<16xf32>
        %mul3A_485 = arith.constant 2.000000e-01 : f32
        %mul3A_486 = vector.broadcast %mul3A_485 : f32 to vector<16xf32>
        %mul3A_487 = arith.mulf %mul3A_486, %add3A_484 : vector<16xf32>
        %max3A_488 = arith.maximumf %add3A_484, %mul3A_487 : vector<16xf32>
        %get3A_489 = arith.constant 432 : index
        %get3A_490 = tpu.vector_load %arg16[%get3A_489] {strides = array<i32>} : memref<1024xf32, #tpu.memory_space<vmem>>, vector<16xf32>,
        %mul3A_491 = arith.mulf %max3A_488, %get3A_490 : vector<16xf32>
        %add3A_492 = arith.addf %add3A_477, %mul3A_491 : vector<16xf32>
        %broadcast_in_dim3A_493 = arith.constant 28 : i32
        %broadcast_in_dim3A_494 = vector.broadcast %broadcast_in_dim3A_493 : i32 to vector<16xi32>
        %broadcast_in_dim3A_495 = arith.constant 92 : i32
        %broadcast_in_dim3A_496 = vector.broadcast %broadcast_in_dim3A_495 : i32 to vector<16xi32>
        %gather3A_497 = tpu.vector_load_idx %arg12[%add3A_71, %broadcast_in_dim3A_494] : memref<64x128xf32, #tpu.memory_space<vmem>>[vector<16xi32>, vector<16xi32>], vector<16xf32>,
        %gather3A_498 = tpu.vector_load_idx %arg13[%add3A_71, %broadcast_in_dim3A_496] : memref<64x128xf32, #tpu.memory_space<vmem>>[vector<16xi32>, vector<16xi32>], vector<16xf32>,
        %add3A_499 = arith.addf %gather3A_497, %gather3A_498 : vector<16xf32>
        %mul3A_500 = arith.constant 2.000000e-01 : f32
        %mul3A_501 = vector.broadcast %mul3A_500 : f32 to vector<16xf32>
        %mul3A_502 = arith.mulf %mul3A_501, %add3A_499 : vector<16xf32>
        %max3A_503 = arith.maximumf %add3A_499, %mul3A_502 : vector<16xf32>
        %get3A_504 = arith.constant 448 : index
        %get3A_505 = tpu.vector_load %arg16[%get3A_504] {strides = array<i32>} : memref<1024xf32, #tpu.memory_space<vmem>>, vector<16xf32>,
        %mul3A_506 = arith.mulf %max3A_503, %get3A_505 : vector<16xf32>
        %add3A_507 = arith.addf %add3A_492, %mul3A_506 : vector<16xf32>
        %broadcast_in_dim3A_508 = arith.constant 29 : i32
        %broadcast_in_dim3A_509 = vector.broadcast %broadcast_in_dim3A_508 : i32 to vector<16xi32>
        %broadcast_in_dim3A_510 = arith.constant 93 : i32
        %broadcast_in_dim3A_511 = vector.broadcast %broadcast_in_dim3A_510 : i32 to vector<16xi32>
        %gather3A_512 = tpu.vector_load_idx %arg12[%add3A_71, %broadcast_in_dim3A_509] : memref<64x128xf32, #tpu.memory_space<vmem>>[vector<16xi32>, vector<16xi32>], vector<16xf32>,
        %gather3A_513 = tpu.vector_load_idx %arg13[%add3A_71, %broadcast_in_dim3A_511] : memref<64x128xf32, #tpu.memory_space<vmem>>[vector<16xi32>, vector<16xi32>], vector<16xf32>,
        %add3A_514 = arith.addf %gather3A_512, %gather3A_513 : vector<16xf32>
        %mul3A_515 = arith.constant 2.000000e-01 : f32
        %mul3A_516 = vector.broadcast %mul3A_515 : f32 to vector<16xf32>
        %mul3A_517 = arith.mulf %mul3A_516, %add3A_514 : vector<16xf32>
        %max3A_518 = arith.maximumf %add3A_514, %mul3A_517 : vector<16xf32>
        %get3A_519 = arith.constant 464 : index
        %get3A_520 = tpu.vector_load %arg16[%get3A_519] {strides = array<i32>} : memref<1024xf32, #tpu.memory_space<vmem>>, vector<16xf32>,
        %mul3A_521 = arith.mulf %max3A_518, %get3A_520 : vector<16xf32>
        %add3A_522 = arith.addf %add3A_507, %mul3A_521 : vector<16xf32>
        %broadcast_in_dim3A_523 = arith.constant 30 : i32
        %broadcast_in_dim3A_524 = vector.broadcast %broadcast_in_dim3A_523 : i32 to vector<16xi32>
        %broadcast_in_dim3A_525 = arith.constant 94 : i32
        %broadcast_in_dim3A_526 = vector.broadcast %broadcast_in_dim3A_525 : i32 to vector<16xi32>
        %gather3A_527 = tpu.vector_load_idx %arg12[%add3A_71, %broadcast_in_dim3A_524] : memref<64x128xf32, #tpu.memory_space<vmem>>[vector<16xi32>, vector<16xi32>], vector<16xf32>,
        %gather3A_528 = tpu.vector_load_idx %arg13[%add3A_71, %broadcast_in_dim3A_526] : memref<64x128xf32, #tpu.memory_space<vmem>>[vector<16xi32>, vector<16xi32>], vector<16xf32>,
        %add3A_529 = arith.addf %gather3A_527, %gather3A_528 : vector<16xf32>
        %mul3A_530 = arith.constant 2.000000e-01 : f32
        %mul3A_531 = vector.broadcast %mul3A_530 : f32 to vector<16xf32>
        %mul3A_532 = arith.mulf %mul3A_531, %add3A_529 : vector<16xf32>
        %max3A_533 = arith.maximumf %add3A_529, %mul3A_532 : vector<16xf32>
        %get3A_534 = arith.constant 480 : index
        %get3A_535 = tpu.vector_load %arg16[%get3A_534] {strides = array<i32>} : memref<1024xf32, #tpu.memory_space<vmem>>, vector<16xf32>,
        %mul3A_536 = arith.mulf %max3A_533, %get3A_535 : vector<16xf32>
        %add3A_537 = arith.addf %add3A_522, %mul3A_536 : vector<16xf32>
        %broadcast_in_dim3A_538 = arith.constant 31 : i32
        %broadcast_in_dim3A_539 = vector.broadcast %broadcast_in_dim3A_538 : i32 to vector<16xi32>
        %broadcast_in_dim3A_540 = arith.constant 95 : i32
        %broadcast_in_dim3A_541 = vector.broadcast %broadcast_in_dim3A_540 : i32 to vector<16xi32>
        %gather3A_542 = tpu.vector_load_idx %arg12[%add3A_71, %broadcast_in_dim3A_539] : memref<64x128xf32, #tpu.memory_space<vmem>>[vector<16xi32>, vector<16xi32>], vector<16xf32>,
        %gather3A_543 = tpu.vector_load_idx %arg13[%add3A_71, %broadcast_in_dim3A_541] : memref<64x128xf32, #tpu.memory_space<vmem>>[vector<16xi32>, vector<16xi32>], vector<16xf32>,
        %add3A_544 = arith.addf %gather3A_542, %gather3A_543 : vector<16xf32>
        %mul3A_545 = arith.constant 2.000000e-01 : f32
        %mul3A_546 = vector.broadcast %mul3A_545 : f32 to vector<16xf32>
        %mul3A_547 = arith.mulf %mul3A_546, %add3A_544 : vector<16xf32>
        %max3A_548 = arith.maximumf %add3A_544, %mul3A_547 : vector<16xf32>
        %get3A_549 = arith.constant 496 : index
        %get3A_550 = tpu.vector_load %arg16[%get3A_549] {strides = array<i32>} : memref<1024xf32, #tpu.memory_space<vmem>>, vector<16xf32>,
        %mul3A_551 = arith.mulf %max3A_548, %get3A_550 : vector<16xf32>
        %add3A_552 = arith.addf %add3A_537, %mul3A_551 : vector<16xf32>
        %broadcast_in_dim3A_553 = arith.constant 32 : i32
        %broadcast_in_dim3A_554 = vector.broadcast %broadcast_in_dim3A_553 : i32 to vector<16xi32>
        %broadcast_in_dim3A_555 = arith.constant 96 : i32
        %broadcast_in_dim3A_556 = vector.broadcast %broadcast_in_dim3A_555 : i32 to vector<16xi32>
        %gather3A_557 = tpu.vector_load_idx %arg12[%add3A_71, %broadcast_in_dim3A_554] : memref<64x128xf32, #tpu.memory_space<vmem>>[vector<16xi32>, vector<16xi32>], vector<16xf32>,
        %gather3A_558 = tpu.vector_load_idx %arg13[%add3A_71, %broadcast_in_dim3A_556] : memref<64x128xf32, #tpu.memory_space<vmem>>[vector<16xi32>, vector<16xi32>], vector<16xf32>,
        %add3A_559 = arith.addf %gather3A_557, %gather3A_558 : vector<16xf32>
        %mul3A_560 = arith.constant 2.000000e-01 : f32
        %mul3A_561 = vector.broadcast %mul3A_560 : f32 to vector<16xf32>
        %mul3A_562 = arith.mulf %mul3A_561, %add3A_559 : vector<16xf32>
        %max3A_563 = arith.maximumf %add3A_559, %mul3A_562 : vector<16xf32>
        %get3A_564 = arith.constant 512 : index
        %get3A_565 = tpu.vector_load %arg16[%get3A_564] {strides = array<i32>} : memref<1024xf32, #tpu.memory_space<vmem>>, vector<16xf32>,
        %mul3A_566 = arith.mulf %max3A_563, %get3A_565 : vector<16xf32>
        %add3A_567 = arith.addf %broadcast_in_dim3A_75, %mul3A_566 : vector<16xf32>
        %broadcast_in_dim3A_568 = arith.constant 33 : i32
        %broadcast_in_dim3A_569 = vector.broadcast %broadcast_in_dim3A_568 : i32 to vector<16xi32>
        %broadcast_in_dim3A_570 = arith.constant 97 : i32
        %broadcast_in_dim3A_571 = vector.broadcast %broadcast_in_dim3A_570 : i32 to vector<16xi32>
        %gather3A_572 = tpu.vector_load_idx %arg12[%add3A_71, %broadcast_in_dim3A_569] : memref<64x128xf32, #tpu.memory_space<vmem>>[vector<16xi32>, vector<16xi32>], vector<16xf32>,
        %gather3A_573 = tpu.vector_load_idx %arg13[%add3A_71, %broadcast_in_dim3A_571] : memref<64x128xf32, #tpu.memory_space<vmem>>[vector<16xi32>, vector<16xi32>], vector<16xf32>,
        %add3A_574 = arith.addf %gather3A_572, %gather3A_573 : vector<16xf32>
        %mul3A_575 = arith.constant 2.000000e-01 : f32
        %mul3A_576 = vector.broadcast %mul3A_575 : f32 to vector<16xf32>
        %mul3A_577 = arith.mulf %mul3A_576, %add3A_574 : vector<16xf32>
        %max3A_578 = arith.maximumf %add3A_574, %mul3A_577 : vector<16xf32>
        %get3A_579 = arith.constant 528 : index
        %get3A_580 = tpu.vector_load %arg16[%get3A_579] {strides = array<i32>} : memref<1024xf32, #tpu.memory_space<vmem>>, vector<16xf32>,
        %mul3A_581 = arith.mulf %max3A_578, %get3A_580 : vector<16xf32>
        %add3A_582 = arith.addf %add3A_567, %mul3A_581 : vector<16xf32>
        %broadcast_in_dim3A_583 = arith.constant 34 : i32
        %broadcast_in_dim3A_584 = vector.broadcast %broadcast_in_dim3A_583 : i32 to vector<16xi32>
        %broadcast_in_dim3A_585 = arith.constant 98 : i32
        %broadcast_in_dim3A_586 = vector.broadcast %broadcast_in_dim3A_585 : i32 to vector<16xi32>
        %gather3A_587 = tpu.vector_load_idx %arg12[%add3A_71, %broadcast_in_dim3A_584] : memref<64x128xf32, #tpu.memory_space<vmem>>[vector<16xi32>, vector<16xi32>], vector<16xf32>,
        %gather3A_588 = tpu.vector_load_idx %arg13[%add3A_71, %broadcast_in_dim3A_586] : memref<64x128xf32, #tpu.memory_space<vmem>>[vector<16xi32>, vector<16xi32>], vector<16xf32>,
        %add3A_589 = arith.addf %gather3A_587, %gather3A_588 : vector<16xf32>
        %mul3A_590 = arith.constant 2.000000e-01 : f32
        %mul3A_591 = vector.broadcast %mul3A_590 : f32 to vector<16xf32>
        %mul3A_592 = arith.mulf %mul3A_591, %add3A_589 : vector<16xf32>
        %max3A_593 = arith.maximumf %add3A_589, %mul3A_592 : vector<16xf32>
        %get3A_594 = arith.constant 544 : index
        %get3A_595 = tpu.vector_load %arg16[%get3A_594] {strides = array<i32>} : memref<1024xf32, #tpu.memory_space<vmem>>, vector<16xf32>,
        %mul3A_596 = arith.mulf %max3A_593, %get3A_595 : vector<16xf32>
        %add3A_597 = arith.addf %add3A_582, %mul3A_596 : vector<16xf32>
        %broadcast_in_dim3A_598 = arith.constant 35 : i32
        %broadcast_in_dim3A_599 = vector.broadcast %broadcast_in_dim3A_598 : i32 to vector<16xi32>
        %broadcast_in_dim3A_600 = arith.constant 99 : i32
        %broadcast_in_dim3A_601 = vector.broadcast %broadcast_in_dim3A_600 : i32 to vector<16xi32>
        %gather3A_602 = tpu.vector_load_idx %arg12[%add3A_71, %broadcast_in_dim3A_599] : memref<64x128xf32, #tpu.memory_space<vmem>>[vector<16xi32>, vector<16xi32>], vector<16xf32>,
        %gather3A_603 = tpu.vector_load_idx %arg13[%add3A_71, %broadcast_in_dim3A_601] : memref<64x128xf32, #tpu.memory_space<vmem>>[vector<16xi32>, vector<16xi32>], vector<16xf32>,
        %add3A_604 = arith.addf %gather3A_602, %gather3A_603 : vector<16xf32>
        %mul3A_605 = arith.constant 2.000000e-01 : f32
        %mul3A_606 = vector.broadcast %mul3A_605 : f32 to vector<16xf32>
        %mul3A_607 = arith.mulf %mul3A_606, %add3A_604 : vector<16xf32>
        %max3A_608 = arith.maximumf %add3A_604, %mul3A_607 : vector<16xf32>
        %get3A_609 = arith.constant 560 : index
        %get3A_610 = tpu.vector_load %arg16[%get3A_609] {strides = array<i32>} : memref<1024xf32, #tpu.memory_space<vmem>>, vector<16xf32>,
        %mul3A_611 = arith.mulf %max3A_608, %get3A_610 : vector<16xf32>
        %add3A_612 = arith.addf %add3A_597, %mul3A_611 : vector<16xf32>
        %broadcast_in_dim3A_613 = arith.constant 36 : i32
        %broadcast_in_dim3A_614 = vector.broadcast %broadcast_in_dim3A_613 : i32 to vector<16xi32>
        %broadcast_in_dim3A_615 = arith.constant 100 : i32
        %broadcast_in_dim3A_616 = vector.broadcast %broadcast_in_dim3A_615 : i32 to vector<16xi32>
        %gather3A_617 = tpu.vector_load_idx %arg12[%add3A_71, %broadcast_in_dim3A_614] : memref<64x128xf32, #tpu.memory_space<vmem>>[vector<16xi32>, vector<16xi32>], vector<16xf32>,
        %gather3A_618 = tpu.vector_load_idx %arg13[%add3A_71, %broadcast_in_dim3A_616] : memref<64x128xf32, #tpu.memory_space<vmem>>[vector<16xi32>, vector<16xi32>], vector<16xf32>,
        %add3A_619 = arith.addf %gather3A_617, %gather3A_618 : vector<16xf32>
        %mul3A_620 = arith.constant 2.000000e-01 : f32
        %mul3A_621 = vector.broadcast %mul3A_620 : f32 to vector<16xf32>
        %mul3A_622 = arith.mulf %mul3A_621, %add3A_619 : vector<16xf32>
        %max3A_623 = arith.maximumf %add3A_619, %mul3A_622 : vector<16xf32>
        %get3A_624 = arith.constant 576 : index
        %get3A_625 = tpu.vector_load %arg16[%get3A_624] {strides = array<i32>} : memref<1024xf32, #tpu.memory_space<vmem>>, vector<16xf32>,
        %mul3A_626 = arith.mulf %max3A_623, %get3A_625 : vector<16xf32>
        %add3A_627 = arith.addf %add3A_612, %mul3A_626 : vector<16xf32>
        %broadcast_in_dim3A_628 = arith.constant 37 : i32
        %broadcast_in_dim3A_629 = vector.broadcast %broadcast_in_dim3A_628 : i32 to vector<16xi32>
        %broadcast_in_dim3A_630 = arith.constant 101 : i32
        %broadcast_in_dim3A_631 = vector.broadcast %broadcast_in_dim3A_630 : i32 to vector<16xi32>
        %gather3A_632 = tpu.vector_load_idx %arg12[%add3A_71, %broadcast_in_dim3A_629] : memref<64x128xf32, #tpu.memory_space<vmem>>[vector<16xi32>, vector<16xi32>], vector<16xf32>,
        %gather3A_633 = tpu.vector_load_idx %arg13[%add3A_71, %broadcast_in_dim3A_631] : memref<64x128xf32, #tpu.memory_space<vmem>>[vector<16xi32>, vector<16xi32>], vector<16xf32>,
        %add3A_634 = arith.addf %gather3A_632, %gather3A_633 : vector<16xf32>
        %mul3A_635 = arith.constant 2.000000e-01 : f32
        %mul3A_636 = vector.broadcast %mul3A_635 : f32 to vector<16xf32>
        %mul3A_637 = arith.mulf %mul3A_636, %add3A_634 : vector<16xf32>
        %max3A_638 = arith.maximumf %add3A_634, %mul3A_637 : vector<16xf32>
        %get3A_639 = arith.constant 592 : index
        %get3A_640 = tpu.vector_load %arg16[%get3A_639] {strides = array<i32>} : memref<1024xf32, #tpu.memory_space<vmem>>, vector<16xf32>,
        %mul3A_641 = arith.mulf %max3A_638, %get3A_640 : vector<16xf32>
        %add3A_642 = arith.addf %add3A_627, %mul3A_641 : vector<16xf32>
        %broadcast_in_dim3A_643 = arith.constant 38 : i32
        %broadcast_in_dim3A_644 = vector.broadcast %broadcast_in_dim3A_643 : i32 to vector<16xi32>
        %broadcast_in_dim3A_645 = arith.constant 102 : i32
        %broadcast_in_dim3A_646 = vector.broadcast %broadcast_in_dim3A_645 : i32 to vector<16xi32>
        %gather3A_647 = tpu.vector_load_idx %arg12[%add3A_71, %broadcast_in_dim3A_644] : memref<64x128xf32, #tpu.memory_space<vmem>>[vector<16xi32>, vector<16xi32>], vector<16xf32>,
        %gather3A_648 = tpu.vector_load_idx %arg13[%add3A_71, %broadcast_in_dim3A_646] : memref<64x128xf32, #tpu.memory_space<vmem>>[vector<16xi32>, vector<16xi32>], vector<16xf32>,
        %add3A_649 = arith.addf %gather3A_647, %gather3A_648 : vector<16xf32>
        %mul3A_650 = arith.constant 2.000000e-01 : f32
        %mul3A_651 = vector.broadcast %mul3A_650 : f32 to vector<16xf32>
        %mul3A_652 = arith.mulf %mul3A_651, %add3A_649 : vector<16xf32>
        %max3A_653 = arith.maximumf %add3A_649, %mul3A_652 : vector<16xf32>
        %get3A_654 = arith.constant 608 : index
        %get3A_655 = tpu.vector_load %arg16[%get3A_654] {strides = array<i32>} : memref<1024xf32, #tpu.memory_space<vmem>>, vector<16xf32>,
        %mul3A_656 = arith.mulf %max3A_653, %get3A_655 : vector<16xf32>
        %add3A_657 = arith.addf %add3A_642, %mul3A_656 : vector<16xf32>
        %broadcast_in_dim3A_658 = arith.constant 39 : i32
        %broadcast_in_dim3A_659 = vector.broadcast %broadcast_in_dim3A_658 : i32 to vector<16xi32>
        %broadcast_in_dim3A_660 = arith.constant 103 : i32
        %broadcast_in_dim3A_661 = vector.broadcast %broadcast_in_dim3A_660 : i32 to vector<16xi32>
        %gather3A_662 = tpu.vector_load_idx %arg12[%add3A_71, %broadcast_in_dim3A_659] : memref<64x128xf32, #tpu.memory_space<vmem>>[vector<16xi32>, vector<16xi32>], vector<16xf32>,
        %gather3A_663 = tpu.vector_load_idx %arg13[%add3A_71, %broadcast_in_dim3A_661] : memref<64x128xf32, #tpu.memory_space<vmem>>[vector<16xi32>, vector<16xi32>], vector<16xf32>,
        %add3A_664 = arith.addf %gather3A_662, %gather3A_663 : vector<16xf32>
        %mul3A_665 = arith.constant 2.000000e-01 : f32
        %mul3A_666 = vector.broadcast %mul3A_665 : f32 to vector<16xf32>
        %mul3A_667 = arith.mulf %mul3A_666, %add3A_664 : vector<16xf32>
        %max3A_668 = arith.maximumf %add3A_664, %mul3A_667 : vector<16xf32>
        %get3A_669 = arith.constant 624 : index
        %get3A_670 = tpu.vector_load %arg16[%get3A_669] {strides = array<i32>} : memref<1024xf32, #tpu.memory_space<vmem>>, vector<16xf32>,
        %mul3A_671 = arith.mulf %max3A_668, %get3A_670 : vector<16xf32>
        %add3A_672 = arith.addf %add3A_657, %mul3A_671 : vector<16xf32>
        %broadcast_in_dim3A_673 = arith.constant 40 : i32
        %broadcast_in_dim3A_674 = vector.broadcast %broadcast_in_dim3A_673 : i32 to vector<16xi32>
        %broadcast_in_dim3A_675 = arith.constant 104 : i32
        %broadcast_in_dim3A_676 = vector.broadcast %broadcast_in_dim3A_675 : i32 to vector<16xi32>
        %gather3A_677 = tpu.vector_load_idx %arg12[%add3A_71, %broadcast_in_dim3A_674] : memref<64x128xf32, #tpu.memory_space<vmem>>[vector<16xi32>, vector<16xi32>], vector<16xf32>,
        %gather3A_678 = tpu.vector_load_idx %arg13[%add3A_71, %broadcast_in_dim3A_676] : memref<64x128xf32, #tpu.memory_space<vmem>>[vector<16xi32>, vector<16xi32>], vector<16xf32>,
        %add3A_679 = arith.addf %gather3A_677, %gather3A_678 : vector<16xf32>
        %mul3A_680 = arith.constant 2.000000e-01 : f32
        %mul3A_681 = vector.broadcast %mul3A_680 : f32 to vector<16xf32>
        %mul3A_682 = arith.mulf %mul3A_681, %add3A_679 : vector<16xf32>
        %max3A_683 = arith.maximumf %add3A_679, %mul3A_682 : vector<16xf32>
        %get3A_684 = arith.constant 640 : index
        %get3A_685 = tpu.vector_load %arg16[%get3A_684] {strides = array<i32>} : memref<1024xf32, #tpu.memory_space<vmem>>, vector<16xf32>,
        %mul3A_686 = arith.mulf %max3A_683, %get3A_685 : vector<16xf32>
        %add3A_687 = arith.addf %add3A_672, %mul3A_686 : vector<16xf32>
        %broadcast_in_dim3A_688 = arith.constant 41 : i32
        %broadcast_in_dim3A_689 = vector.broadcast %broadcast_in_dim3A_688 : i32 to vector<16xi32>
        %broadcast_in_dim3A_690 = arith.constant 105 : i32
        %broadcast_in_dim3A_691 = vector.broadcast %broadcast_in_dim3A_690 : i32 to vector<16xi32>
        %gather3A_692 = tpu.vector_load_idx %arg12[%add3A_71, %broadcast_in_dim3A_689] : memref<64x128xf32, #tpu.memory_space<vmem>>[vector<16xi32>, vector<16xi32>], vector<16xf32>,
        %gather3A_693 = tpu.vector_load_idx %arg13[%add3A_71, %broadcast_in_dim3A_691] : memref<64x128xf32, #tpu.memory_space<vmem>>[vector<16xi32>, vector<16xi32>], vector<16xf32>,
        %add3A_694 = arith.addf %gather3A_692, %gather3A_693 : vector<16xf32>
        %mul3A_695 = arith.constant 2.000000e-01 : f32
        %mul3A_696 = vector.broadcast %mul3A_695 : f32 to vector<16xf32>
        %mul3A_697 = arith.mulf %mul3A_696, %add3A_694 : vector<16xf32>
        %max3A_698 = arith.maximumf %add3A_694, %mul3A_697 : vector<16xf32>
        %get3A_699 = arith.constant 656 : index
        %get3A_700 = tpu.vector_load %arg16[%get3A_699] {strides = array<i32>} : memref<1024xf32, #tpu.memory_space<vmem>>, vector<16xf32>,
        %mul3A_701 = arith.mulf %max3A_698, %get3A_700 : vector<16xf32>
        %add3A_702 = arith.addf %add3A_687, %mul3A_701 : vector<16xf32>
        %broadcast_in_dim3A_703 = arith.constant 42 : i32
        %broadcast_in_dim3A_704 = vector.broadcast %broadcast_in_dim3A_703 : i32 to vector<16xi32>
        %broadcast_in_dim3A_705 = arith.constant 106 : i32
        %broadcast_in_dim3A_706 = vector.broadcast %broadcast_in_dim3A_705 : i32 to vector<16xi32>
        %gather3A_707 = tpu.vector_load_idx %arg12[%add3A_71, %broadcast_in_dim3A_704] : memref<64x128xf32, #tpu.memory_space<vmem>>[vector<16xi32>, vector<16xi32>], vector<16xf32>,
        %gather3A_708 = tpu.vector_load_idx %arg13[%add3A_71, %broadcast_in_dim3A_706] : memref<64x128xf32, #tpu.memory_space<vmem>>[vector<16xi32>, vector<16xi32>], vector<16xf32>,
        %add3A_709 = arith.addf %gather3A_707, %gather3A_708 : vector<16xf32>
        %mul3A_710 = arith.constant 2.000000e-01 : f32
        %mul3A_711 = vector.broadcast %mul3A_710 : f32 to vector<16xf32>
        %mul3A_712 = arith.mulf %mul3A_711, %add3A_709 : vector<16xf32>
        %max3A_713 = arith.maximumf %add3A_709, %mul3A_712 : vector<16xf32>
        %get3A_714 = arith.constant 672 : index
        %get3A_715 = tpu.vector_load %arg16[%get3A_714] {strides = array<i32>} : memref<1024xf32, #tpu.memory_space<vmem>>, vector<16xf32>,
        %mul3A_716 = arith.mulf %max3A_713, %get3A_715 : vector<16xf32>
        %add3A_717 = arith.addf %add3A_702, %mul3A_716 : vector<16xf32>
        %broadcast_in_dim3A_718 = arith.constant 43 : i32
        %broadcast_in_dim3A_719 = vector.broadcast %broadcast_in_dim3A_718 : i32 to vector<16xi32>
        %broadcast_in_dim3A_720 = arith.constant 107 : i32
        %broadcast_in_dim3A_721 = vector.broadcast %broadcast_in_dim3A_720 : i32 to vector<16xi32>
        %gather3A_722 = tpu.vector_load_idx %arg12[%add3A_71, %broadcast_in_dim3A_719] : memref<64x128xf32, #tpu.memory_space<vmem>>[vector<16xi32>, vector<16xi32>], vector<16xf32>,
        %gather3A_723 = tpu.vector_load_idx %arg13[%add3A_71, %broadcast_in_dim3A_721] : memref<64x128xf32, #tpu.memory_space<vmem>>[vector<16xi32>, vector<16xi32>], vector<16xf32>,
        %add3A_724 = arith.addf %gather3A_722, %gather3A_723 : vector<16xf32>
        %mul3A_725 = arith.constant 2.000000e-01 : f32
        %mul3A_726 = vector.broadcast %mul3A_725 : f32 to vector<16xf32>
        %mul3A_727 = arith.mulf %mul3A_726, %add3A_724 : vector<16xf32>
        %max3A_728 = arith.maximumf %add3A_724, %mul3A_727 : vector<16xf32>
        %get3A_729 = arith.constant 688 : index
        %get3A_730 = tpu.vector_load %arg16[%get3A_729] {strides = array<i32>} : memref<1024xf32, #tpu.memory_space<vmem>>, vector<16xf32>,
        %mul3A_731 = arith.mulf %max3A_728, %get3A_730 : vector<16xf32>
        %add3A_732 = arith.addf %add3A_717, %mul3A_731 : vector<16xf32>
        %broadcast_in_dim3A_733 = arith.constant 44 : i32
        %broadcast_in_dim3A_734 = vector.broadcast %broadcast_in_dim3A_733 : i32 to vector<16xi32>
        %broadcast_in_dim3A_735 = arith.constant 108 : i32
        %broadcast_in_dim3A_736 = vector.broadcast %broadcast_in_dim3A_735 : i32 to vector<16xi32>
        %gather3A_737 = tpu.vector_load_idx %arg12[%add3A_71, %broadcast_in_dim3A_734] : memref<64x128xf32, #tpu.memory_space<vmem>>[vector<16xi32>, vector<16xi32>], vector<16xf32>,
        %gather3A_738 = tpu.vector_load_idx %arg13[%add3A_71, %broadcast_in_dim3A_736] : memref<64x128xf32, #tpu.memory_space<vmem>>[vector<16xi32>, vector<16xi32>], vector<16xf32>,
        %add3A_739 = arith.addf %gather3A_737, %gather3A_738 : vector<16xf32>
        %mul3A_740 = arith.constant 2.000000e-01 : f32
        %mul3A_741 = vector.broadcast %mul3A_740 : f32 to vector<16xf32>
        %mul3A_742 = arith.mulf %mul3A_741, %add3A_739 : vector<16xf32>
        %max3A_743 = arith.maximumf %add3A_739, %mul3A_742 : vector<16xf32>
        %get3A_744 = arith.constant 704 : index
        %get3A_745 = tpu.vector_load %arg16[%get3A_744] {strides = array<i32>} : memref<1024xf32, #tpu.memory_space<vmem>>, vector<16xf32>,
        %mul3A_746 = arith.mulf %max3A_743, %get3A_745 : vector<16xf32>
        %add3A_747 = arith.addf %add3A_732, %mul3A_746 : vector<16xf32>
        %broadcast_in_dim3A_748 = arith.constant 45 : i32
        %broadcast_in_dim3A_749 = vector.broadcast %broadcast_in_dim3A_748 : i32 to vector<16xi32>
        %broadcast_in_dim3A_750 = arith.constant 109 : i32
        %broadcast_in_dim3A_751 = vector.broadcast %broadcast_in_dim3A_750 : i32 to vector<16xi32>
        %gather3A_752 = tpu.vector_load_idx %arg12[%add3A_71, %broadcast_in_dim3A_749] : memref<64x128xf32, #tpu.memory_space<vmem>>[vector<16xi32>, vector<16xi32>], vector<16xf32>,
        %gather3A_753 = tpu.vector_load_idx %arg13[%add3A_71, %broadcast_in_dim3A_751] : memref<64x128xf32, #tpu.memory_space<vmem>>[vector<16xi32>, vector<16xi32>], vector<16xf32>,
        %add3A_754 = arith.addf %gather3A_752, %gather3A_753 : vector<16xf32>
        %mul3A_755 = arith.constant 2.000000e-01 : f32
        %mul3A_756 = vector.broadcast %mul3A_755 : f32 to vector<16xf32>
        %mul3A_757 = arith.mulf %mul3A_756, %add3A_754 : vector<16xf32>
        %max3A_758 = arith.maximumf %add3A_754, %mul3A_757 : vector<16xf32>
        %get3A_759 = arith.constant 720 : index
        %get3A_760 = tpu.vector_load %arg16[%get3A_759] {strides = array<i32>} : memref<1024xf32, #tpu.memory_space<vmem>>, vector<16xf32>,
        %mul3A_761 = arith.mulf %max3A_758, %get3A_760 : vector<16xf32>
        %add3A_762 = arith.addf %add3A_747, %mul3A_761 : vector<16xf32>
        %broadcast_in_dim3A_763 = arith.constant 46 : i32
        %broadcast_in_dim3A_764 = vector.broadcast %broadcast_in_dim3A_763 : i32 to vector<16xi32>
        %broadcast_in_dim3A_765 = arith.constant 110 : i32
        %broadcast_in_dim3A_766 = vector.broadcast %broadcast_in_dim3A_765 : i32 to vector<16xi32>
        %gather3A_767 = tpu.vector_load_idx %arg12[%add3A_71, %broadcast_in_dim3A_764] : memref<64x128xf32, #tpu.memory_space<vmem>>[vector<16xi32>, vector<16xi32>], vector<16xf32>,
        %gather3A_768 = tpu.vector_load_idx %arg13[%add3A_71, %broadcast_in_dim3A_766] : memref<64x128xf32, #tpu.memory_space<vmem>>[vector<16xi32>, vector<16xi32>], vector<16xf32>,
        %add3A_769 = arith.addf %gather3A_767, %gather3A_768 : vector<16xf32>
        %mul3A_770 = arith.constant 2.000000e-01 : f32
        %mul3A_771 = vector.broadcast %mul3A_770 : f32 to vector<16xf32>
        %mul3A_772 = arith.mulf %mul3A_771, %add3A_769 : vector<16xf32>
        %max3A_773 = arith.maximumf %add3A_769, %mul3A_772 : vector<16xf32>
        %get3A_774 = arith.constant 736 : index
        %get3A_775 = tpu.vector_load %arg16[%get3A_774] {strides = array<i32>} : memref<1024xf32, #tpu.memory_space<vmem>>, vector<16xf32>,
        %mul3A_776 = arith.mulf %max3A_773, %get3A_775 : vector<16xf32>
        %add3A_777 = arith.addf %add3A_762, %mul3A_776 : vector<16xf32>
        %broadcast_in_dim3A_778 = arith.constant 47 : i32
        %broadcast_in_dim3A_779 = vector.broadcast %broadcast_in_dim3A_778 : i32 to vector<16xi32>
        %broadcast_in_dim3A_780 = arith.constant 111 : i32
        %broadcast_in_dim3A_781 = vector.broadcast %broadcast_in_dim3A_780 : i32 to vector<16xi32>
        %gather3A_782 = tpu.vector_load_idx %arg12[%add3A_71, %broadcast_in_dim3A_779] : memref<64x128xf32, #tpu.memory_space<vmem>>[vector<16xi32>, vector<16xi32>], vector<16xf32>,
        %gather3A_783 = tpu.vector_load_idx %arg13[%add3A_71, %broadcast_in_dim3A_781] : memref<64x128xf32, #tpu.memory_space<vmem>>[vector<16xi32>, vector<16xi32>], vector<16xf32>,
        %add3A_784 = arith.addf %gather3A_782, %gather3A_783 : vector<16xf32>
        %mul3A_785 = arith.constant 2.000000e-01 : f32
        %mul3A_786 = vector.broadcast %mul3A_785 : f32 to vector<16xf32>
        %mul3A_787 = arith.mulf %mul3A_786, %add3A_784 : vector<16xf32>
        %max3A_788 = arith.maximumf %add3A_784, %mul3A_787 : vector<16xf32>
        %get3A_789 = arith.constant 752 : index
        %get3A_790 = tpu.vector_load %arg16[%get3A_789] {strides = array<i32>} : memref<1024xf32, #tpu.memory_space<vmem>>, vector<16xf32>,
        %mul3A_791 = arith.mulf %max3A_788, %get3A_790 : vector<16xf32>
        %add3A_792 = arith.addf %add3A_777, %mul3A_791 : vector<16xf32>
        %broadcast_in_dim3A_793 = arith.constant 48 : i32
        %broadcast_in_dim3A_794 = vector.broadcast %broadcast_in_dim3A_793 : i32 to vector<16xi32>
        %broadcast_in_dim3A_795 = arith.constant 112 : i32
        %broadcast_in_dim3A_796 = vector.broadcast %broadcast_in_dim3A_795 : i32 to vector<16xi32>
        %gather3A_797 = tpu.vector_load_idx %arg12[%add3A_71, %broadcast_in_dim3A_794] : memref<64x128xf32, #tpu.memory_space<vmem>>[vector<16xi32>, vector<16xi32>], vector<16xf32>,
        %gather3A_798 = tpu.vector_load_idx %arg13[%add3A_71, %broadcast_in_dim3A_796] : memref<64x128xf32, #tpu.memory_space<vmem>>[vector<16xi32>, vector<16xi32>], vector<16xf32>,
        %add3A_799 = arith.addf %gather3A_797, %gather3A_798 : vector<16xf32>
        %mul3A_800 = arith.constant 2.000000e-01 : f32
        %mul3A_801 = vector.broadcast %mul3A_800 : f32 to vector<16xf32>
        %mul3A_802 = arith.mulf %mul3A_801, %add3A_799 : vector<16xf32>
        %max3A_803 = arith.maximumf %add3A_799, %mul3A_802 : vector<16xf32>
        %get3A_804 = arith.constant 768 : index
        %get3A_805 = tpu.vector_load %arg16[%get3A_804] {strides = array<i32>} : memref<1024xf32, #tpu.memory_space<vmem>>, vector<16xf32>,
        %mul3A_806 = arith.mulf %max3A_803, %get3A_805 : vector<16xf32>
        %add3A_807 = arith.addf %add3A_792, %mul3A_806 : vector<16xf32>
        %broadcast_in_dim3A_808 = arith.constant 49 : i32
        %broadcast_in_dim3A_809 = vector.broadcast %broadcast_in_dim3A_808 : i32 to vector<16xi32>
        %broadcast_in_dim3A_810 = arith.constant 113 : i32
        %broadcast_in_dim3A_811 = vector.broadcast %broadcast_in_dim3A_810 : i32 to vector<16xi32>
        %gather3A_812 = tpu.vector_load_idx %arg12[%add3A_71, %broadcast_in_dim3A_809] : memref<64x128xf32, #tpu.memory_space<vmem>>[vector<16xi32>, vector<16xi32>], vector<16xf32>,
        %gather3A_813 = tpu.vector_load_idx %arg13[%add3A_71, %broadcast_in_dim3A_811] : memref<64x128xf32, #tpu.memory_space<vmem>>[vector<16xi32>, vector<16xi32>], vector<16xf32>,
        %add3A_814 = arith.addf %gather3A_812, %gather3A_813 : vector<16xf32>
        %mul3A_815 = arith.constant 2.000000e-01 : f32
        %mul3A_816 = vector.broadcast %mul3A_815 : f32 to vector<16xf32>
        %mul3A_817 = arith.mulf %mul3A_816, %add3A_814 : vector<16xf32>
        %max3A_818 = arith.maximumf %add3A_814, %mul3A_817 : vector<16xf32>
        %get3A_819 = arith.constant 784 : index
        %get3A_820 = tpu.vector_load %arg16[%get3A_819] {strides = array<i32>} : memref<1024xf32, #tpu.memory_space<vmem>>, vector<16xf32>,
        %mul3A_821 = arith.mulf %max3A_818, %get3A_820 : vector<16xf32>
        %add3A_822 = arith.addf %add3A_807, %mul3A_821 : vector<16xf32>
        %broadcast_in_dim3A_823 = arith.constant 50 : i32
        %broadcast_in_dim3A_824 = vector.broadcast %broadcast_in_dim3A_823 : i32 to vector<16xi32>
        %broadcast_in_dim3A_825 = arith.constant 114 : i32
        %broadcast_in_dim3A_826 = vector.broadcast %broadcast_in_dim3A_825 : i32 to vector<16xi32>
        %gather3A_827 = tpu.vector_load_idx %arg12[%add3A_71, %broadcast_in_dim3A_824] : memref<64x128xf32, #tpu.memory_space<vmem>>[vector<16xi32>, vector<16xi32>], vector<16xf32>,
        %gather3A_828 = tpu.vector_load_idx %arg13[%add3A_71, %broadcast_in_dim3A_826] : memref<64x128xf32, #tpu.memory_space<vmem>>[vector<16xi32>, vector<16xi32>], vector<16xf32>,
        %add3A_829 = arith.addf %gather3A_827, %gather3A_828 : vector<16xf32>
        %mul3A_830 = arith.constant 2.000000e-01 : f32
        %mul3A_831 = vector.broadcast %mul3A_830 : f32 to vector<16xf32>
        %mul3A_832 = arith.mulf %mul3A_831, %add3A_829 : vector<16xf32>
        %max3A_833 = arith.maximumf %add3A_829, %mul3A_832 : vector<16xf32>
        %get3A_834 = arith.constant 800 : index
        %get3A_835 = tpu.vector_load %arg16[%get3A_834] {strides = array<i32>} : memref<1024xf32, #tpu.memory_space<vmem>>, vector<16xf32>,
        %mul3A_836 = arith.mulf %max3A_833, %get3A_835 : vector<16xf32>
        %add3A_837 = arith.addf %add3A_822, %mul3A_836 : vector<16xf32>
        %broadcast_in_dim3A_838 = arith.constant 51 : i32
        %broadcast_in_dim3A_839 = vector.broadcast %broadcast_in_dim3A_838 : i32 to vector<16xi32>
        %broadcast_in_dim3A_840 = arith.constant 115 : i32
        %broadcast_in_dim3A_841 = vector.broadcast %broadcast_in_dim3A_840 : i32 to vector<16xi32>
        %gather3A_842 = tpu.vector_load_idx %arg12[%add3A_71, %broadcast_in_dim3A_839] : memref<64x128xf32, #tpu.memory_space<vmem>>[vector<16xi32>, vector<16xi32>], vector<16xf32>,
        %gather3A_843 = tpu.vector_load_idx %arg13[%add3A_71, %broadcast_in_dim3A_841] : memref<64x128xf32, #tpu.memory_space<vmem>>[vector<16xi32>, vector<16xi32>], vector<16xf32>,
        %add3A_844 = arith.addf %gather3A_842, %gather3A_843 : vector<16xf32>
        %mul3A_845 = arith.constant 2.000000e-01 : f32
        %mul3A_846 = vector.broadcast %mul3A_845 : f32 to vector<16xf32>
        %mul3A_847 = arith.mulf %mul3A_846, %add3A_844 : vector<16xf32>
        %max3A_848 = arith.maximumf %add3A_844, %mul3A_847 : vector<16xf32>
        %get3A_849 = arith.constant 816 : index
        %get3A_850 = tpu.vector_load %arg16[%get3A_849] {strides = array<i32>} : memref<1024xf32, #tpu.memory_space<vmem>>, vector<16xf32>,
        %mul3A_851 = arith.mulf %max3A_848, %get3A_850 : vector<16xf32>
        %add3A_852 = arith.addf %add3A_837, %mul3A_851 : vector<16xf32>
        %broadcast_in_dim3A_853 = arith.constant 52 : i32
        %broadcast_in_dim3A_854 = vector.broadcast %broadcast_in_dim3A_853 : i32 to vector<16xi32>
        %broadcast_in_dim3A_855 = arith.constant 116 : i32
        %broadcast_in_dim3A_856 = vector.broadcast %broadcast_in_dim3A_855 : i32 to vector<16xi32>
        %gather3A_857 = tpu.vector_load_idx %arg12[%add3A_71, %broadcast_in_dim3A_854] : memref<64x128xf32, #tpu.memory_space<vmem>>[vector<16xi32>, vector<16xi32>], vector<16xf32>,
        %gather3A_858 = tpu.vector_load_idx %arg13[%add3A_71, %broadcast_in_dim3A_856] : memref<64x128xf32, #tpu.memory_space<vmem>>[vector<16xi32>, vector<16xi32>], vector<16xf32>,
        %add3A_859 = arith.addf %gather3A_857, %gather3A_858 : vector<16xf32>
        %mul3A_860 = arith.constant 2.000000e-01 : f32
        %mul3A_861 = vector.broadcast %mul3A_860 : f32 to vector<16xf32>
        %mul3A_862 = arith.mulf %mul3A_861, %add3A_859 : vector<16xf32>
        %max3A_863 = arith.maximumf %add3A_859, %mul3A_862 : vector<16xf32>
        %get3A_864 = arith.constant 832 : index
        %get3A_865 = tpu.vector_load %arg16[%get3A_864] {strides = array<i32>} : memref<1024xf32, #tpu.memory_space<vmem>>, vector<16xf32>,
        %mul3A_866 = arith.mulf %max3A_863, %get3A_865 : vector<16xf32>
        %add3A_867 = arith.addf %add3A_852, %mul3A_866 : vector<16xf32>
        %broadcast_in_dim3A_868 = arith.constant 53 : i32
        %broadcast_in_dim3A_869 = vector.broadcast %broadcast_in_dim3A_868 : i32 to vector<16xi32>
        %broadcast_in_dim3A_870 = arith.constant 117 : i32
        %broadcast_in_dim3A_871 = vector.broadcast %broadcast_in_dim3A_870 : i32 to vector<16xi32>
        %gather3A_872 = tpu.vector_load_idx %arg12[%add3A_71, %broadcast_in_dim3A_869] : memref<64x128xf32, #tpu.memory_space<vmem>>[vector<16xi32>, vector<16xi32>], vector<16xf32>,
        %gather3A_873 = tpu.vector_load_idx %arg13[%add3A_71, %broadcast_in_dim3A_871] : memref<64x128xf32, #tpu.memory_space<vmem>>[vector<16xi32>, vector<16xi32>], vector<16xf32>,
        %add3A_874 = arith.addf %gather3A_872, %gather3A_873 : vector<16xf32>
        %mul3A_875 = arith.constant 2.000000e-01 : f32
        %mul3A_876 = vector.broadcast %mul3A_875 : f32 to vector<16xf32>
        %mul3A_877 = arith.mulf %mul3A_876, %add3A_874 : vector<16xf32>
        %max3A_878 = arith.maximumf %add3A_874, %mul3A_877 : vector<16xf32>
        %get3A_879 = arith.constant 848 : index
        %get3A_880 = tpu.vector_load %arg16[%get3A_879] {strides = array<i32>} : memref<1024xf32, #tpu.memory_space<vmem>>, vector<16xf32>,
        %mul3A_881 = arith.mulf %max3A_878, %get3A_880 : vector<16xf32>
        %add3A_882 = arith.addf %add3A_867, %mul3A_881 : vector<16xf32>
        %broadcast_in_dim3A_883 = arith.constant 54 : i32
        %broadcast_in_dim3A_884 = vector.broadcast %broadcast_in_dim3A_883 : i32 to vector<16xi32>
        %broadcast_in_dim3A_885 = arith.constant 118 : i32
        %broadcast_in_dim3A_886 = vector.broadcast %broadcast_in_dim3A_885 : i32 to vector<16xi32>
        %gather3A_887 = tpu.vector_load_idx %arg12[%add3A_71, %broadcast_in_dim3A_884] : memref<64x128xf32, #tpu.memory_space<vmem>>[vector<16xi32>, vector<16xi32>], vector<16xf32>,
        %gather3A_888 = tpu.vector_load_idx %arg13[%add3A_71, %broadcast_in_dim3A_886] : memref<64x128xf32, #tpu.memory_space<vmem>>[vector<16xi32>, vector<16xi32>], vector<16xf32>,
        %add3A_889 = arith.addf %gather3A_887, %gather3A_888 : vector<16xf32>
        %mul3A_890 = arith.constant 2.000000e-01 : f32
        %mul3A_891 = vector.broadcast %mul3A_890 : f32 to vector<16xf32>
        %mul3A_892 = arith.mulf %mul3A_891, %add3A_889 : vector<16xf32>
        %max3A_893 = arith.maximumf %add3A_889, %mul3A_892 : vector<16xf32>
        %get3A_894 = arith.constant 864 : index
        %get3A_895 = tpu.vector_load %arg16[%get3A_894] {strides = array<i32>} : memref<1024xf32, #tpu.memory_space<vmem>>, vector<16xf32>,
        %mul3A_896 = arith.mulf %max3A_893, %get3A_895 : vector<16xf32>
        %add3A_897 = arith.addf %add3A_882, %mul3A_896 : vector<16xf32>
        %broadcast_in_dim3A_898 = arith.constant 55 : i32
        %broadcast_in_dim3A_899 = vector.broadcast %broadcast_in_dim3A_898 : i32 to vector<16xi32>
        %broadcast_in_dim3A_900 = arith.constant 119 : i32
        %broadcast_in_dim3A_901 = vector.broadcast %broadcast_in_dim3A_900 : i32 to vector<16xi32>
        %gather3A_902 = tpu.vector_load_idx %arg12[%add3A_71, %broadcast_in_dim3A_899] : memref<64x128xf32, #tpu.memory_space<vmem>>[vector<16xi32>, vector<16xi32>], vector<16xf32>,
        %gather3A_903 = tpu.vector_load_idx %arg13[%add3A_71, %broadcast_in_dim3A_901] : memref<64x128xf32, #tpu.memory_space<vmem>>[vector<16xi32>, vector<16xi32>], vector<16xf32>,
        %add3A_904 = arith.addf %gather3A_902, %gather3A_903 : vector<16xf32>
        %mul3A_905 = arith.constant 2.000000e-01 : f32
        %mul3A_906 = vector.broadcast %mul3A_905 : f32 to vector<16xf32>
        %mul3A_907 = arith.mulf %mul3A_906, %add3A_904 : vector<16xf32>
        %max3A_908 = arith.maximumf %add3A_904, %mul3A_907 : vector<16xf32>
        %get3A_909 = arith.constant 880 : index
        %get3A_910 = tpu.vector_load %arg16[%get3A_909] {strides = array<i32>} : memref<1024xf32, #tpu.memory_space<vmem>>, vector<16xf32>,
        %mul3A_911 = arith.mulf %max3A_908, %get3A_910 : vector<16xf32>
        %add3A_912 = arith.addf %add3A_897, %mul3A_911 : vector<16xf32>
        %broadcast_in_dim3A_913 = arith.constant 56 : i32
        %broadcast_in_dim3A_914 = vector.broadcast %broadcast_in_dim3A_913 : i32 to vector<16xi32>
        %broadcast_in_dim3A_915 = arith.constant 120 : i32
        %broadcast_in_dim3A_916 = vector.broadcast %broadcast_in_dim3A_915 : i32 to vector<16xi32>
        %gather3A_917 = tpu.vector_load_idx %arg12[%add3A_71, %broadcast_in_dim3A_914] : memref<64x128xf32, #tpu.memory_space<vmem>>[vector<16xi32>, vector<16xi32>], vector<16xf32>,
        %gather3A_918 = tpu.vector_load_idx %arg13[%add3A_71, %broadcast_in_dim3A_916] : memref<64x128xf32, #tpu.memory_space<vmem>>[vector<16xi32>, vector<16xi32>], vector<16xf32>,
        %add3A_919 = arith.addf %gather3A_917, %gather3A_918 : vector<16xf32>
        %mul3A_920 = arith.constant 2.000000e-01 : f32
        %mul3A_921 = vector.broadcast %mul3A_920 : f32 to vector<16xf32>
        %mul3A_922 = arith.mulf %mul3A_921, %add3A_919 : vector<16xf32>
        %max3A_923 = arith.maximumf %add3A_919, %mul3A_922 : vector<16xf32>
        %get3A_924 = arith.constant 896 : index
        %get3A_925 = tpu.vector_load %arg16[%get3A_924] {strides = array<i32>} : memref<1024xf32, #tpu.memory_space<vmem>>, vector<16xf32>,
        %mul3A_926 = arith.mulf %max3A_923, %get3A_925 : vector<16xf32>
        %add3A_927 = arith.addf %add3A_912, %mul3A_926 : vector<16xf32>
        %broadcast_in_dim3A_928 = arith.constant 57 : i32
        %broadcast_in_dim3A_929 = vector.broadcast %broadcast_in_dim3A_928 : i32 to vector<16xi32>
        %broadcast_in_dim3A_930 = arith.constant 121 : i32
        %broadcast_in_dim3A_931 = vector.broadcast %broadcast_in_dim3A_930 : i32 to vector<16xi32>
        %gather3A_932 = tpu.vector_load_idx %arg12[%add3A_71, %broadcast_in_dim3A_929] : memref<64x128xf32, #tpu.memory_space<vmem>>[vector<16xi32>, vector<16xi32>], vector<16xf32>,
        %gather3A_933 = tpu.vector_load_idx %arg13[%add3A_71, %broadcast_in_dim3A_931] : memref<64x128xf32, #tpu.memory_space<vmem>>[vector<16xi32>, vector<16xi32>], vector<16xf32>,
        %add3A_934 = arith.addf %gather3A_932, %gather3A_933 : vector<16xf32>
        %mul3A_935 = arith.constant 2.000000e-01 : f32
        %mul3A_936 = vector.broadcast %mul3A_935 : f32 to vector<16xf32>
        %mul3A_937 = arith.mulf %mul3A_936, %add3A_934 : vector<16xf32>
        %max3A_938 = arith.maximumf %add3A_934, %mul3A_937 : vector<16xf32>
        %get3A_939 = arith.constant 912 : index
        %get3A_940 = tpu.vector_load %arg16[%get3A_939] {strides = array<i32>} : memref<1024xf32, #tpu.memory_space<vmem>>, vector<16xf32>,
        %mul3A_941 = arith.mulf %max3A_938, %get3A_940 : vector<16xf32>
        %add3A_942 = arith.addf %add3A_927, %mul3A_941 : vector<16xf32>
        %broadcast_in_dim3A_943 = arith.constant 58 : i32
        %broadcast_in_dim3A_944 = vector.broadcast %broadcast_in_dim3A_943 : i32 to vector<16xi32>
        %broadcast_in_dim3A_945 = arith.constant 122 : i32
        %broadcast_in_dim3A_946 = vector.broadcast %broadcast_in_dim3A_945 : i32 to vector<16xi32>
        %gather3A_947 = tpu.vector_load_idx %arg12[%add3A_71, %broadcast_in_dim3A_944] : memref<64x128xf32, #tpu.memory_space<vmem>>[vector<16xi32>, vector<16xi32>], vector<16xf32>,
        %gather3A_948 = tpu.vector_load_idx %arg13[%add3A_71, %broadcast_in_dim3A_946] : memref<64x128xf32, #tpu.memory_space<vmem>>[vector<16xi32>, vector<16xi32>], vector<16xf32>,
        %add3A_949 = arith.addf %gather3A_947, %gather3A_948 : vector<16xf32>
        %mul3A_950 = arith.constant 2.000000e-01 : f32
        %mul3A_951 = vector.broadcast %mul3A_950 : f32 to vector<16xf32>
        %mul3A_952 = arith.mulf %mul3A_951, %add3A_949 : vector<16xf32>
        %max3A_953 = arith.maximumf %add3A_949, %mul3A_952 : vector<16xf32>
        %get3A_954 = arith.constant 928 : index
        %get3A_955 = tpu.vector_load %arg16[%get3A_954] {strides = array<i32>} : memref<1024xf32, #tpu.memory_space<vmem>>, vector<16xf32>,
        %mul3A_956 = arith.mulf %max3A_953, %get3A_955 : vector<16xf32>
        %add3A_957 = arith.addf %add3A_942, %mul3A_956 : vector<16xf32>
        %broadcast_in_dim3A_958 = arith.constant 59 : i32
        %broadcast_in_dim3A_959 = vector.broadcast %broadcast_in_dim3A_958 : i32 to vector<16xi32>
        %broadcast_in_dim3A_960 = arith.constant 123 : i32
        %broadcast_in_dim3A_961 = vector.broadcast %broadcast_in_dim3A_960 : i32 to vector<16xi32>
        %gather3A_962 = tpu.vector_load_idx %arg12[%add3A_71, %broadcast_in_dim3A_959] : memref<64x128xf32, #tpu.memory_space<vmem>>[vector<16xi32>, vector<16xi32>], vector<16xf32>,
        %gather3A_963 = tpu.vector_load_idx %arg13[%add3A_71, %broadcast_in_dim3A_961] : memref<64x128xf32, #tpu.memory_space<vmem>>[vector<16xi32>, vector<16xi32>], vector<16xf32>,
        %add3A_964 = arith.addf %gather3A_962, %gather3A_963 : vector<16xf32>
        %mul3A_965 = arith.constant 2.000000e-01 : f32
        %mul3A_966 = vector.broadcast %mul3A_965 : f32 to vector<16xf32>
        %mul3A_967 = arith.mulf %mul3A_966, %add3A_964 : vector<16xf32>
        %max3A_968 = arith.maximumf %add3A_964, %mul3A_967 : vector<16xf32>
        %get3A_969 = arith.constant 944 : index
        %get3A_970 = tpu.vector_load %arg16[%get3A_969] {strides = array<i32>} : memref<1024xf32, #tpu.memory_space<vmem>>, vector<16xf32>,
        %mul3A_971 = arith.mulf %max3A_968, %get3A_970 : vector<16xf32>
        %add3A_972 = arith.addf %add3A_957, %mul3A_971 : vector<16xf32>
        %broadcast_in_dim3A_973 = arith.constant 60 : i32
        %broadcast_in_dim3A_974 = vector.broadcast %broadcast_in_dim3A_973 : i32 to vector<16xi32>
        %broadcast_in_dim3A_975 = arith.constant 124 : i32
        %broadcast_in_dim3A_976 = vector.broadcast %broadcast_in_dim3A_975 : i32 to vector<16xi32>
        %gather3A_977 = tpu.vector_load_idx %arg12[%add3A_71, %broadcast_in_dim3A_974] : memref<64x128xf32, #tpu.memory_space<vmem>>[vector<16xi32>, vector<16xi32>], vector<16xf32>,
        %gather3A_978 = tpu.vector_load_idx %arg13[%add3A_71, %broadcast_in_dim3A_976] : memref<64x128xf32, #tpu.memory_space<vmem>>[vector<16xi32>, vector<16xi32>], vector<16xf32>,
        %add3A_979 = arith.addf %gather3A_977, %gather3A_978 : vector<16xf32>
        %mul3A_980 = arith.constant 2.000000e-01 : f32
        %mul3A_981 = vector.broadcast %mul3A_980 : f32 to vector<16xf32>
        %mul3A_982 = arith.mulf %mul3A_981, %add3A_979 : vector<16xf32>
        %max3A_983 = arith.maximumf %add3A_979, %mul3A_982 : vector<16xf32>
        %get3A_984 = arith.constant 960 : index
        %get3A_985 = tpu.vector_load %arg16[%get3A_984] {strides = array<i32>} : memref<1024xf32, #tpu.memory_space<vmem>>, vector<16xf32>,
        %mul3A_986 = arith.mulf %max3A_983, %get3A_985 : vector<16xf32>
        %add3A_987 = arith.addf %add3A_972, %mul3A_986 : vector<16xf32>
        %broadcast_in_dim3A_988 = arith.constant 61 : i32
        %broadcast_in_dim3A_989 = vector.broadcast %broadcast_in_dim3A_988 : i32 to vector<16xi32>
        %broadcast_in_dim3A_990 = arith.constant 125 : i32
        %broadcast_in_dim3A_991 = vector.broadcast %broadcast_in_dim3A_990 : i32 to vector<16xi32>
        %gather3A_992 = tpu.vector_load_idx %arg12[%add3A_71, %broadcast_in_dim3A_989] : memref<64x128xf32, #tpu.memory_space<vmem>>[vector<16xi32>, vector<16xi32>], vector<16xf32>,
        %gather3A_993 = tpu.vector_load_idx %arg13[%add3A_71, %broadcast_in_dim3A_991] : memref<64x128xf32, #tpu.memory_space<vmem>>[vector<16xi32>, vector<16xi32>], vector<16xf32>,
        %add3A_994 = arith.addf %gather3A_992, %gather3A_993 : vector<16xf32>
        %mul3A_995 = arith.constant 2.000000e-01 : f32
        %mul3A_996 = vector.broadcast %mul3A_995 : f32 to vector<16xf32>
        %mul3A_997 = arith.mulf %mul3A_996, %add3A_994 : vector<16xf32>
        %max3A_998 = arith.maximumf %add3A_994, %mul3A_997 : vector<16xf32>
        %get3A_999 = arith.constant 976 : index
        %get3A_1000 = tpu.vector_load %arg16[%get3A_999] {strides = array<i32>} : memref<1024xf32, #tpu.memory_space<vmem>>, vector<16xf32>,
        %mul3A_1001 = arith.mulf %max3A_998, %get3A_1000 : vector<16xf32>
        %add3A_1002 = arith.addf %add3A_987, %mul3A_1001 : vector<16xf32>
        %broadcast_in_dim3A_1003 = arith.constant 62 : i32
        %broadcast_in_dim3A_1004 = vector.broadcast %broadcast_in_dim3A_1003 : i32 to vector<16xi32>
        %broadcast_in_dim3A_1005 = arith.constant 126 : i32
        %broadcast_in_dim3A_1006 = vector.broadcast %broadcast_in_dim3A_1005 : i32 to vector<16xi32>
        %gather3A_1007 = tpu.vector_load_idx %arg12[%add3A_71, %broadcast_in_dim3A_1004] : memref<64x128xf32, #tpu.memory_space<vmem>>[vector<16xi32>, vector<16xi32>], vector<16xf32>,
        %gather3A_1008 = tpu.vector_load_idx %arg13[%add3A_71, %broadcast_in_dim3A_1006] : memref<64x128xf32, #tpu.memory_space<vmem>>[vector<16xi32>, vector<16xi32>], vector<16xf32>,
        %add3A_1009 = arith.addf %gather3A_1007, %gather3A_1008 : vector<16xf32>
        %mul3A_1010 = arith.constant 2.000000e-01 : f32
        %mul3A_1011 = vector.broadcast %mul3A_1010 : f32 to vector<16xf32>
        %mul3A_1012 = arith.mulf %mul3A_1011, %add3A_1009 : vector<16xf32>
        %max3A_1013 = arith.maximumf %add3A_1009, %mul3A_1012 : vector<16xf32>
        %get3A_1014 = arith.constant 992 : index
        %get3A_1015 = tpu.vector_load %arg16[%get3A_1014] {strides = array<i32>} : memref<1024xf32, #tpu.memory_space<vmem>>, vector<16xf32>,
        %mul3A_1016 = arith.mulf %max3A_1013, %get3A_1015 : vector<16xf32>
        %add3A_1017 = arith.addf %add3A_1002, %mul3A_1016 : vector<16xf32>
        %broadcast_in_dim3A_1018 = arith.constant 63 : i32
        %broadcast_in_dim3A_1019 = vector.broadcast %broadcast_in_dim3A_1018 : i32 to vector<16xi32>
        %broadcast_in_dim3A_1020 = arith.constant 127 : i32
        %broadcast_in_dim3A_1021 = vector.broadcast %broadcast_in_dim3A_1020 : i32 to vector<16xi32>
        %gather3A_1022 = tpu.vector_load_idx %arg12[%add3A_71, %broadcast_in_dim3A_1019] : memref<64x128xf32, #tpu.memory_space<vmem>>[vector<16xi32>, vector<16xi32>], vector<16xf32>,
        %gather3A_1023 = tpu.vector_load_idx %arg13[%add3A_71, %broadcast_in_dim3A_1021] : memref<64x128xf32, #tpu.memory_space<vmem>>[vector<16xi32>, vector<16xi32>], vector<16xf32>,
        %add3A_1024 = arith.addf %gather3A_1022, %gather3A_1023 : vector<16xf32>
        %mul3A_1025 = arith.constant 2.000000e-01 : f32
        %mul3A_1026 = vector.broadcast %mul3A_1025 : f32 to vector<16xf32>
        %mul3A_1027 = arith.mulf %mul3A_1026, %add3A_1024 : vector<16xf32>
        %max3A_1028 = arith.maximumf %add3A_1024, %mul3A_1027 : vector<16xf32>
        %get3A_1029 = arith.constant 1008 : index
        %get3A_1030 = tpu.vector_load %arg16[%get3A_1029] {strides = array<i32>} : memref<1024xf32, #tpu.memory_space<vmem>>, vector<16xf32>,
        %mul3A_1031 = arith.mulf %max3A_1028, %get3A_1030 : vector<16xf32>
        %add3A_1032 = arith.addf %add3A_1017, %mul3A_1031 : vector<16xf32>
        %exp3A = math.exp %add3A_552 : vector<16xf32>
        %exp3A_1033 = math.exp %add3A_1032 : vector<16xf32>
        tpu.vector_store_idx %arg14[%add3A_71], %exp3A : memref<64xf32, #tpu.memory_space<vmem>>[vector<16xi32>], vector<16xf32>,
        tpu.vector_store_idx %arg15[%add3A_71], %exp3A_1033 : memref<64xf32, #tpu.memory_space<vmem>>[vector<16xi32>], vector<16xf32>,
        %gather3A_1034 = tpu.vector_load_idx %arg11[%add3A_71] : memref<64xi32, #tpu.memory_space<vmem>>[vector<16xi32>], vector<16xi32>,
        %mul3A_1035 = arith.constant 2 : i32
        %mul3A_1036 = vector.broadcast %mul3A_1035 : i32 to vector<16xi32>
        %mul3A_1037 = arith.muli %gather3A_1034, %mul3A_1036 : vector<16xi32>
        %add3A_1038 = arith.constant 1 : i32
        %add3A_1039 = vector.broadcast %add3A_1038 : i32 to vector<16xi32>
        %add3A_1040 = arith.addi %mul3A_1037, %add3A_1039 : vector<16xi32>
        %shift_right_arithmetic3A = arith.constant 7 : i32
        %shift_right_arithmetic3A_1041 = vector.broadcast %shift_right_arithmetic3A : i32 to vector<16xi32>
        %shift_right_arithmetic3A_1042 = arith.shrsi %mul3A_1037, %shift_right_arithmetic3A_1041 : vector<16xi32>
        %and3A = arith.constant 127 : i32
        %and3A_1043 = vector.broadcast %and3A : i32 to vector<16xi32>
        %and3A_1044 = arith.andi %mul3A_1037, %and3A_1043 : vector<16xi32>
        tpu.vector_store_idx %arg17[%shift_right_arithmetic3A_1042, %and3A_1044], %exp3A {add = true} : memref<800x128xf32, #tpu.memory_space<vmem>>[vector<16xi32>, vector<16xi32>], vector<16xf32>,
        %shift_right_arithmetic3A_1045 = arith.constant 7 : i32
        %shift_right_arithmetic3A_1046 = vector.broadcast %shift_right_arithmetic3A_1045 : i32 to vector<16xi32>
        %shift_right_arithmetic3A_1047 = arith.shrsi %add3A_1040, %shift_right_arithmetic3A_1046 : vector<16xi32>
        %and3A_1048 = arith.constant 127 : i32
        %and3A_1049 = vector.broadcast %and3A_1048 : i32 to vector<16xi32>
        %and3A_1050 = arith.andi %add3A_1040, %and3A_1049 : vector<16xi32>
        tpu.vector_store_idx %arg17[%shift_right_arithmetic3A_1047, %and3A_1050], %exp3A_1033 {add = true} : memref<800x128xf32, #tpu.memory_space<vmem>>[vector<16xi32>, vector<16xi32>], vector<16xf32>,
        %scan3A_1051 = arith.constant 0 : i32
        scf.yield %scan3A_1051 : i32
      }
      %scan3A_63 = arith.constant 4 : i32
      "tpu.region"() ({
        %run_scoped3A = tpu.sem_alloc : memref<!tpu.dma_semaphore, #tpu.memory_space<semaphore_mem>>
        %dma_start3A_65 = tpu.memref_slice %arg7[%mul3A_46] : memref<800000xf32, #tpu.memory_space<hbm>> -> memref<64xf32, #tpu.memory_space<hbm>>
        %dma_start3A_66 = tpu.memref_slice %arg7[%mul3A_46] : memref<800000xf32, #tpu.memory_space<hbm>> -> memref<64xf32, #tpu.memory_space<hbm>>
        tpu.enqueue_dma source(%arg14 : memref<64xf32, #tpu.memory_space<vmem>>) target(%dma_start3A_66 : memref<64xf32, #tpu.memory_space<hbm>>) target_semaphore(%run_scoped3A : memref<!tpu.dma_semaphore, #tpu.memory_space<semaphore_mem>>)
        %dma_wait3A_67 = tpu.memref_slice %arg7[%mul3A_46] : memref<800000xf32, #tpu.memory_space<hbm>> -> memref<64xf32, #tpu.memory_space<hbm>>
        %dma_wait3A_68 = tpu.memref_slice %arg7[%mul3A_46] : memref<800000xf32, #tpu.memory_space<hbm>> -> memref<64xf32, #tpu.memory_space<hbm>>
        tpu.wait_dma2 semaphore(%run_scoped3A : memref<!tpu.dma_semaphore, #tpu.memory_space<semaphore_mem>>) src(%arg14 : memref<64xf32, #tpu.memory_space<vmem>>) dst(%dma_wait3A_68 : memref<64xf32, #tpu.memory_space<hbm>>)
        tpu.yield
      }) : () -> ()
      "tpu.region"() ({
        %run_scoped3A = tpu.sem_alloc : memref<!tpu.dma_semaphore, #tpu.memory_space<semaphore_mem>>
        %dma_start3A_65 = tpu.memref_slice %arg8[%mul3A_46] : memref<800000xf32, #tpu.memory_space<hbm>> -> memref<64xf32, #tpu.memory_space<hbm>>
        %dma_start3A_66 = tpu.memref_slice %arg8[%mul3A_46] : memref<800000xf32, #tpu.memory_space<hbm>> -> memref<64xf32, #tpu.memory_space<hbm>>
        tpu.enqueue_dma source(%arg15 : memref<64xf32, #tpu.memory_space<vmem>>) target(%dma_start3A_66 : memref<64xf32, #tpu.memory_space<hbm>>) target_semaphore(%run_scoped3A : memref<!tpu.dma_semaphore, #tpu.memory_space<semaphore_mem>>)
        %dma_wait3A_67 = tpu.memref_slice %arg8[%mul3A_46] : memref<800000xf32, #tpu.memory_space<hbm>> -> memref<64xf32, #tpu.memory_space<hbm>>
        %dma_wait3A_68 = tpu.memref_slice %arg8[%mul3A_46] : memref<800000xf32, #tpu.memory_space<hbm>> -> memref<64xf32, #tpu.memory_space<hbm>>
        tpu.wait_dma2 semaphore(%run_scoped3A : memref<!tpu.dma_semaphore, #tpu.memory_space<semaphore_mem>>) src(%arg15 : memref<64xf32, #tpu.memory_space<vmem>>) dst(%dma_wait3A_68 : memref<64xf32, #tpu.memory_space<hbm>>)
        tpu.yield
      }) : () -> ()
      %while3A_64 = arith.constant 0 : i32
      scf.yield %while3A_64 : i32
    }
    %barrier3A = arith.constant 0 : index
    tpu.barrier barrier_id(%barrier3A)
    %scan3A_29 = arith.constant 0 : i32
    %scan3A_30 = arith.constant 0 : i32
    %scan3A_31 = arith.constant 10 : i32
    %scan3A_32 = arith.addi %scan3A_30, %scan3A_31 : i32
    %scan3A_33 = arith.constant 1 : i32
    %scan3A_34 = scf.for %scan3A_42 = %scan3A_30 to %scan3A_32 step %scan3A_33 iter_args(%scan3A_43 = %scan3A_29) -> (i32)  : i32 {
      %mul3A_44 = arith.constant 80 : i32
      %mul3A_45 = arith.muli %scan3A_42, %mul3A_44 : i32
      %add3A_46 = arith.constant 0 : i32
      %add3A_47 = vector.broadcast %add3A_46 : i32 to vector<16xi32>
      %add3A_48 = arith.addi %iota3A, %add3A_47 : vector<16xi32>
      %add3A_49 = arith.constant 0 : i32
      %add3A_50 = arith.addi %mul3A_45, %add3A_49 : i32
      %add3A_51 = vector.broadcast %add3A_50 : i32 to vector<16xi32>
      %add3A_52 = arith.addi %iota3A, %add3A_51 : vector<16xi32>
      tpu.vector_store_idx %arg18[%add3A_48], %add3A_52 : memref<80xi32, #tpu.memory_space<vmem>>[vector<16xi32>], vector<16xi32>,
      %add3A_53 = arith.constant 16 : i32
      %add3A_54 = vector.broadcast %add3A_53 : i32 to vector<16xi32>
      %add3A_55 = arith.addi %iota3A, %add3A_54 : vector<16xi32>
      %add3A_56 = arith.constant 16 : i32
      %add3A_57 = arith.addi %mul3A_45, %add3A_56 : i32
      %add3A_58 = vector.broadcast %add3A_57 : i32 to vector<16xi32>
      %add3A_59 = arith.addi %iota3A, %add3A_58 : vector<16xi32>
      tpu.vector_store_idx %arg18[%add3A_55], %add3A_59 : memref<80xi32, #tpu.memory_space<vmem>>[vector<16xi32>], vector<16xi32>,
      %add3A_60 = arith.constant 32 : i32
      %add3A_61 = vector.broadcast %add3A_60 : i32 to vector<16xi32>
      %add3A_62 = arith.addi %iota3A, %add3A_61 : vector<16xi32>
      %add3A_63 = arith.constant 32 : i32
      %add3A_64 = arith.addi %mul3A_45, %add3A_63 : i32
      %add3A_65 = vector.broadcast %add3A_64 : i32 to vector<16xi32>
      %add3A_66 = arith.addi %iota3A, %add3A_65 : vector<16xi32>
      tpu.vector_store_idx %arg18[%add3A_62], %add3A_66 : memref<80xi32, #tpu.memory_space<vmem>>[vector<16xi32>], vector<16xi32>,
      %add3A_67 = arith.constant 48 : i32
      %add3A_68 = vector.broadcast %add3A_67 : i32 to vector<16xi32>
      %add3A_69 = arith.addi %iota3A, %add3A_68 : vector<16xi32>
      %add3A_70 = arith.constant 48 : i32
      %add3A_71 = arith.addi %mul3A_45, %add3A_70 : i32
      %add3A_72 = vector.broadcast %add3A_71 : i32 to vector<16xi32>
      %add3A_73 = arith.addi %iota3A, %add3A_72 : vector<16xi32>
      tpu.vector_store_idx %arg18[%add3A_69], %add3A_73 : memref<80xi32, #tpu.memory_space<vmem>>[vector<16xi32>], vector<16xi32>,
      %add3A_74 = arith.constant 64 : i32
      %add3A_75 = vector.broadcast %add3A_74 : i32 to vector<16xi32>
      %add3A_76 = arith.addi %iota3A, %add3A_75 : vector<16xi32>
      %add3A_77 = arith.constant 64 : i32
      %add3A_78 = arith.addi %mul3A_45, %add3A_77 : i32
      %add3A_79 = vector.broadcast %add3A_78 : i32 to vector<16xi32>
      %add3A_80 = arith.addi %iota3A, %add3A_79 : vector<16xi32>
      tpu.vector_store_idx %arg18[%add3A_76], %add3A_80 : memref<80xi32, #tpu.memory_space<vmem>>[vector<16xi32>], vector<16xi32>,
      "tpu.region"() ({
        %run_scoped3A = tpu.sem_alloc : memref<!tpu.dma_semaphore, #tpu.memory_space<semaphore_mem>>
        %dma_start3A = arith.constant 0 : i32
        %dma_start3A_82 = tpu.memref_slice %arg17[%mul3A_45, %dma_start3A] : memref<800x128xf32, #tpu.memory_space<vmem>> -> memref<80x128xf32, #tpu.memory_space<vmem>>
        %dma_start3A_83 = arith.constant 0 : i32
        %dma_start3A_84 = arith.constant 0 : i32
        %dma_start3A_85 = tpu.memref_slice %arg19[%dma_start3A_83, %dma_start3A_84] : memref<800x128xf32, #tpu.memory_space<vmem_shared>> -> memref<800x128xf32, #tpu.memory_space<vmem_shared>>
        tpu.enqueue_indirect_dma source(%dma_start3A_82 : memref<80x128xf32, #tpu.memory_space<vmem>>) target(%dma_start3A_85 : memref<800x128xf32, #tpu.memory_space<vmem_shared>>) offsets(%arg18 : memref<80xi32, #tpu.memory_space<vmem>>) semaphore(%run_scoped3A : memref<!tpu.dma_semaphore, #tpu.memory_space<semaphore_mem>>) {add = true}
        %dma_wait3A = arith.constant 0 : i32
        %dma_wait3A_86 = tpu.memref_slice %arg17[%mul3A_45, %dma_wait3A] : memref<800x128xf32, #tpu.memory_space<vmem>> -> memref<80x128xf32, #tpu.memory_space<vmem>>
        %dma_wait3A_87 = arith.constant 0 : i32
        %dma_wait3A_88 = arith.constant 0 : i32
        %dma_wait3A_89 = tpu.memref_slice %arg19[%dma_wait3A_87, %dma_wait3A_88] : memref<800x128xf32, #tpu.memory_space<vmem_shared>> -> memref<800x128xf32, #tpu.memory_space<vmem_shared>>
        tpu.wait_indirect_dma semaphore(%run_scoped3A : memref<!tpu.dma_semaphore, #tpu.memory_space<semaphore_mem>>) src(%dma_wait3A_86 : memref<80x128xf32, #tpu.memory_space<vmem>>) dst(%dma_wait3A_89 : memref<800x128xf32, #tpu.memory_space<vmem_shared>>)
        tpu.yield
      }) : () -> ()
      %scan3A_81 = arith.constant 0 : i32
      scf.yield %scan3A_81 : i32
    }
    %scan3A_35 = arith.constant 10 : i32
    %barrier3A_36 = arith.constant 0 : index
    tpu.barrier barrier_id(%barrier3A_36)
    %eq3A_37 = arith.constant 0 : i32
    %eq3A_38 = arith.cmpi eq, %arg1, %eq3A_37 : i32
    %convert_element_type3A_39 = arith.extui %eq3A_38 : i1 to i32
    %cond3A_40 = arith.constant 0 : i32
    %cond3A_41 = arith.cmpi ne, %convert_element_type3A_39, %cond3A_40 : i32
    scf.if %cond3A_41 {
      %mul3A_42 = arith.constant 800 : i32
      %mul3A_43 = arith.muli %arg0, %mul3A_42 : i32
      "tpu.region"() ({
        %run_scoped3A = tpu.sem_alloc : memref<!tpu.dma_semaphore, #tpu.memory_space<semaphore_mem>>
        %dma_start3A = arith.constant 0 : i32
        %dma_start3A_44 = tpu.memref_slice %arg9[%mul3A_43, %dma_start3A] : memref<1600x128xf32, #tpu.memory_space<hbm>> -> memref<800x128xf32, #tpu.memory_space<hbm>>
        tpu.enqueue_dma source(%arg19 : memref<800x128xf32, #tpu.memory_space<vmem_shared>>) target(%dma_start3A_44 : memref<800x128xf32, #tpu.memory_space<hbm>>) target_semaphore(%run_scoped3A : memref<!tpu.dma_semaphore, #tpu.memory_space<semaphore_mem>>)
        %dma_wait3A = arith.constant 0 : i32
        %dma_wait3A_45 = tpu.memref_slice %arg9[%mul3A_43, %dma_wait3A] : memref<1600x128xf32, #tpu.memory_space<hbm>> -> memref<800x128xf32, #tpu.memory_space<hbm>>
        tpu.wait_dma2 semaphore(%run_scoped3A : memref<!tpu.dma_semaphore, #tpu.memory_space<semaphore_mem>>) src(%arg19 : memref<800x128xf32, #tpu.memory_space<vmem_shared>>) dst(%dma_wait3A_45 : memref<800x128xf32, #tpu.memory_space<hbm>>)
        tpu.yield
      }) : () -> ()
    } else {
    }
    return
  }
}

#map = affine_map<(d0, d1) -> (0, 0)>
#map1 = affine_map<(d0, d1) -> (0)>
#map2 = affine_map<(d0, d1) -> (0, 0, 0)>
module attributes {stable_mosaic.version = 14 : i64} {
  func.func @k(%arg0: i32, %arg1: i32, %arg2: memref<50000x128xf32, #tpu.memory_space<hbm>>, %arg3: memref<800000xi32, #tpu.memory_space<hbm>>, %arg4: memref<800000xi32, #tpu.memory_space<hbm>>, %arg5: memref<800000xf32, #tpu.memory_space<hbm>>, %arg6: memref<800000xf32, #tpu.memory_space<hbm>>, %arg7: memref<1600x128xf32, #tpu.memory_space<hbm>>, %arg8: memref<50000x32xf32, #tpu.memory_space<hbm>>, %arg9: memref<2x50000x32xf32, #tpu.memory_space<hbm>>, %arg10: memref<64xi32, #tpu.memory_space<vmem>>, %arg11: memref<64xi32, #tpu.memory_space<vmem>>, %arg12: memref<64xi32, #tpu.memory_space<vmem>>, %arg13: memref<64x128xf32, #tpu.memory_space<vmem>>, %arg14: memref<64xf32, #tpu.memory_space<vmem>>, %arg15: memref<64xf32, #tpu.memory_space<vmem>>, %arg16: memref<64x128xf32, #tpu.memory_space<vmem>>, %arg17: memref<64x128xf32, #tpu.memory_space<vmem>>, %arg18: memref<64x32xf32, #tpu.memory_space<vmem>>, %arg19: memref<50000x32xf32, #tpu.memory_space<vmem_shared>>, %arg20: memref<!tpu.dma_semaphore, #tpu.memory_space<semaphore_mem>>) attributes {dimension_semantics = [#tpu.dimension_semantics<core_parallel>, #tpu.dimension_semantics<subcore_parallel>], iteration_bounds = array<i64: 2, 16>, scalar_prefetch = 0 : i64, scratch_operands = 11 : i64, tpu.core_type = #tpu.core_type<sc_vector_subcore>, window_params = [{transform_indices = #map}, {transform_indices = #map1}, {transform_indices = #map1}, {transform_indices = #map1}, {transform_indices = #map1}, {transform_indices = #map}, {transform_indices = #map}, {transform_indices = #map2}]} {
    %mul3A = arith.constant 2 : i32
    %mul3A_0 = arith.muli %arg1, %mul3A : i32
    %add3A = arith.addi %mul3A_0, %arg0 : i32
    %lt3A = arith.constant 20 : i32
    %lt3A_1 = arith.cmpi slt, %add3A, %lt3A : i32
    %jit3A = arith.constant 1 : i32
    %jit3A_2 = arith.constant 0 : i32
    %select_n3A = arith.select %lt3A_1, %jit3A, %jit3A_2 : i32
    %add3A_3 = arith.constant 390 : i32
    %add3A_4 = arith.addi %add3A_3, %select_n3A : i32
    %mul3A_5 = arith.constant 390 : i32
    %mul3A_6 = arith.muli %add3A, %mul3A_5 : i32
    %min3A = arith.constant 20 : i32
    %min3A_7 = arith.minsi %add3A, %min3A : i32
    %add3A_8 = arith.addi %mul3A_6, %min3A_7 : i32
    %eq3A = arith.constant 0 : i32
    %eq3A_9 = arith.cmpi eq, %arg1, %eq3A : i32
    %convert_element_type3A = arith.extui %eq3A_9 : i1 to i32
    %cond3A = arith.constant 0 : i32
    %cond3A_10 = arith.cmpi ne, %convert_element_type3A, %cond3A : i32
    scf.if %cond3A_10 {
      "tpu.region"() ({
        %run_scoped3A = tpu.sem_alloc : memref<!tpu.dma_semaphore, #tpu.memory_space<semaphore_mem>>
        tpu.enqueue_dma source(%arg8 : memref<50000x32xf32, #tpu.memory_space<hbm>>) target(%arg19 : memref<50000x32xf32, #tpu.memory_space<vmem_shared>>) target_semaphore(%run_scoped3A : memref<!tpu.dma_semaphore, #tpu.memory_space<semaphore_mem>>)
        tpu.wait_dma2 semaphore(%run_scoped3A : memref<!tpu.dma_semaphore, #tpu.memory_space<semaphore_mem>>) src(%arg8 : memref<50000x32xf32, #tpu.memory_space<hbm>>) dst(%arg19 : memref<50000x32xf32, #tpu.memory_space<vmem_shared>>)
        tpu.yield
      }) : () -> ()
    } else {
    }
    %barrier3A = arith.constant 0 : index
    tpu.barrier barrier_id(%barrier3A)
    %iota3A = tpu.iota {dimensions = array<i32: 0>} : vector<16xi32>
    %while3A = arith.constant 0 : i32
    %while3A_11 = arith.constant 0 : i32
    %while3A_12 = arith.subi %add3A_4, %while3A : i32
    %while3A_13 = arith.addi %while3A, %while3A_12 : i32
    %while3A_14 = arith.constant 1 : i32
    %while3A_15 = arith.divsi %while3A_12, %while3A_14 : i32
    %while3A_16 = arith.muli %while3A_15, %while3A_14 : i32
    %while3A_17 = arith.addi %while3A, %while3A_16 : i32
    %while3A_18 = arith.constant 1 : i32
    %while3A_19 = scf.for %while3A_28 = %while3A to %while3A_17 step %while3A_18 iter_args(%while3A_29 = %while3A_11) -> (i32)  : i32 {
      %add3A_30 = arith.addi %add3A_8, %while3A_28 : i32
      %mul3A_31 = arith.constant 64 : i32
      %mul3A_32 = arith.muli %add3A_30, %mul3A_31 : i32
      "tpu.region"() ({
        %run_scoped3A = tpu.sem_alloc : memref<!tpu.dma_semaphore, #tpu.memory_space<semaphore_mem>>
        %dma_start3A_70 = tpu.memref_slice %arg3[%mul3A_32] : memref<800000xi32, #tpu.memory_space<hbm>> -> memref<64xi32, #tpu.memory_space<hbm>>
        %dma_start3A_71 = tpu.memref_slice %arg3[%mul3A_32] : memref<800000xi32, #tpu.memory_space<hbm>> -> memref<64xi32, #tpu.memory_space<hbm>>
        tpu.enqueue_dma source(%dma_start3A_71 : memref<64xi32, #tpu.memory_space<hbm>>) target(%arg10 : memref<64xi32, #tpu.memory_space<vmem>>) target_semaphore(%run_scoped3A : memref<!tpu.dma_semaphore, #tpu.memory_space<semaphore_mem>>)
        %dma_wait3A_72 = tpu.memref_slice %arg3[%mul3A_32] : memref<800000xi32, #tpu.memory_space<hbm>> -> memref<64xi32, #tpu.memory_space<hbm>>
        %dma_wait3A_73 = tpu.memref_slice %arg3[%mul3A_32] : memref<800000xi32, #tpu.memory_space<hbm>> -> memref<64xi32, #tpu.memory_space<hbm>>
        tpu.wait_dma2 semaphore(%run_scoped3A : memref<!tpu.dma_semaphore, #tpu.memory_space<semaphore_mem>>) src(%dma_wait3A_73 : memref<64xi32, #tpu.memory_space<hbm>>) dst(%arg10 : memref<64xi32, #tpu.memory_space<vmem>>)
        tpu.yield
      }) : () -> ()
      "tpu.region"() ({
        %run_scoped3A = tpu.sem_alloc : memref<!tpu.dma_semaphore, #tpu.memory_space<semaphore_mem>>
        %dma_start3A_70 = tpu.memref_slice %arg4[%mul3A_32] : memref<800000xi32, #tpu.memory_space<hbm>> -> memref<64xi32, #tpu.memory_space<hbm>>
        %dma_start3A_71 = tpu.memref_slice %arg4[%mul3A_32] : memref<800000xi32, #tpu.memory_space<hbm>> -> memref<64xi32, #tpu.memory_space<hbm>>
        tpu.enqueue_dma source(%dma_start3A_71 : memref<64xi32, #tpu.memory_space<hbm>>) target(%arg11 : memref<64xi32, #tpu.memory_space<vmem>>) target_semaphore(%run_scoped3A : memref<!tpu.dma_semaphore, #tpu.memory_space<semaphore_mem>>)
        %dma_wait3A_72 = tpu.memref_slice %arg4[%mul3A_32] : memref<800000xi32, #tpu.memory_space<hbm>> -> memref<64xi32, #tpu.memory_space<hbm>>
        %dma_wait3A_73 = tpu.memref_slice %arg4[%mul3A_32] : memref<800000xi32, #tpu.memory_space<hbm>> -> memref<64xi32, #tpu.memory_space<hbm>>
        tpu.wait_dma2 semaphore(%run_scoped3A : memref<!tpu.dma_semaphore, #tpu.memory_space<semaphore_mem>>) src(%dma_wait3A_73 : memref<64xi32, #tpu.memory_space<hbm>>) dst(%arg11 : memref<64xi32, #tpu.memory_space<vmem>>)
        tpu.yield
      }) : () -> ()
      "tpu.region"() ({
        %run_scoped3A = tpu.sem_alloc : memref<!tpu.dma_semaphore, #tpu.memory_space<semaphore_mem>>
        %dma_start3A_70 = tpu.memref_slice %arg5[%mul3A_32] : memref<800000xf32, #tpu.memory_space<hbm>> -> memref<64xf32, #tpu.memory_space<hbm>>
        %dma_start3A_71 = tpu.memref_slice %arg5[%mul3A_32] : memref<800000xf32, #tpu.memory_space<hbm>> -> memref<64xf32, #tpu.memory_space<hbm>>
        tpu.enqueue_dma source(%dma_start3A_71 : memref<64xf32, #tpu.memory_space<hbm>>) target(%arg14 : memref<64xf32, #tpu.memory_space<vmem>>) target_semaphore(%run_scoped3A : memref<!tpu.dma_semaphore, #tpu.memory_space<semaphore_mem>>)
        %dma_wait3A_72 = tpu.memref_slice %arg5[%mul3A_32] : memref<800000xf32, #tpu.memory_space<hbm>> -> memref<64xf32, #tpu.memory_space<hbm>>
        %dma_wait3A_73 = tpu.memref_slice %arg5[%mul3A_32] : memref<800000xf32, #tpu.memory_space<hbm>> -> memref<64xf32, #tpu.memory_space<hbm>>
        tpu.wait_dma2 semaphore(%run_scoped3A : memref<!tpu.dma_semaphore, #tpu.memory_space<semaphore_mem>>) src(%dma_wait3A_73 : memref<64xf32, #tpu.memory_space<hbm>>) dst(%arg14 : memref<64xf32, #tpu.memory_space<vmem>>)
        tpu.yield
      }) : () -> ()
      "tpu.region"() ({
        %run_scoped3A = tpu.sem_alloc : memref<!tpu.dma_semaphore, #tpu.memory_space<semaphore_mem>>
        %dma_start3A_70 = tpu.memref_slice %arg6[%mul3A_32] : memref<800000xf32, #tpu.memory_space<hbm>> -> memref<64xf32, #tpu.memory_space<hbm>>
        %dma_start3A_71 = tpu.memref_slice %arg6[%mul3A_32] : memref<800000xf32, #tpu.memory_space<hbm>> -> memref<64xf32, #tpu.memory_space<hbm>>
        tpu.enqueue_dma source(%dma_start3A_71 : memref<64xf32, #tpu.memory_space<hbm>>) target(%arg15 : memref<64xf32, #tpu.memory_space<vmem>>) target_semaphore(%run_scoped3A : memref<!tpu.dma_semaphore, #tpu.memory_space<semaphore_mem>>)
        %dma_wait3A_72 = tpu.memref_slice %arg6[%mul3A_32] : memref<800000xf32, #tpu.memory_space<hbm>> -> memref<64xf32, #tpu.memory_space<hbm>>
        %dma_wait3A_73 = tpu.memref_slice %arg6[%mul3A_32] : memref<800000xf32, #tpu.memory_space<hbm>> -> memref<64xf32, #tpu.memory_space<hbm>>
        tpu.wait_dma2 semaphore(%run_scoped3A : memref<!tpu.dma_semaphore, #tpu.memory_space<semaphore_mem>>) src(%dma_wait3A_73 : memref<64xf32, #tpu.memory_space<hbm>>) dst(%arg15 : memref<64xf32, #tpu.memory_space<vmem>>)
        tpu.yield
      }) : () -> ()
      %scan3A = arith.constant 0 : i32
      %scan3A_33 = arith.constant 0 : i32
      %scan3A_34 = arith.constant 4 : i32
      %scan3A_35 = arith.addi %scan3A_33, %scan3A_34 : i32
      %scan3A_36 = arith.constant 1 : i32
      %scan3A_37 = scf.for %scan3A_70 = %scan3A_33 to %scan3A_35 step %scan3A_36 iter_args(%scan3A_71 = %scan3A) -> (i32)  : i32 {
        %mul3A_72 = arith.constant 16 : i32
        %mul3A_73 = arith.muli %scan3A_70, %mul3A_72 : i32
        %add3A_74 = vector.broadcast %mul3A_73 : i32 to vector<16xi32>
        %add3A_75 = arith.addi %iota3A, %add3A_74 : vector<16xi32>
        %gather3A = tpu.vector_load_idx %arg11[%add3A_75] : memref<64xi32, #tpu.memory_space<vmem>>[vector<16xi32>], vector<16xi32>,
        %mul3A_76 = arith.constant 2 : i32
        %mul3A_77 = vector.broadcast %mul3A_76 : i32 to vector<16xi32>
        %mul3A_78 = arith.muli %gather3A, %mul3A_77 : vector<16xi32>
        %shift_right_arithmetic3A = arith.constant 7 : i32
        %shift_right_arithmetic3A_79 = vector.broadcast %shift_right_arithmetic3A : i32 to vector<16xi32>
        %shift_right_arithmetic3A_80 = arith.shrsi %mul3A_78, %shift_right_arithmetic3A_79 : vector<16xi32>
        tpu.vector_store_idx %arg12[%add3A_75], %shift_right_arithmetic3A_80 : memref<64xi32, #tpu.memory_space<vmem>>[vector<16xi32>], vector<16xi32>,
        %scan3A_81 = arith.constant 0 : i32
        scf.yield %scan3A_81 : i32
      }
      %scan3A_38 = arith.constant 4 : i32
      %dma_start3A = arith.constant 0 : i32
      %dma_start3A_39 = arith.constant 0 : i32
      %dma_start3A_40 = tpu.memref_slice %arg2[%dma_start3A, %dma_start3A_39] : memref<50000x128xf32, #tpu.memory_space<hbm>> -> memref<50000x128xf32, #tpu.memory_space<hbm>>
      tpu.enqueue_indirect_dma source(%dma_start3A_40 : memref<50000x128xf32, #tpu.memory_space<hbm>>) target(%arg13 : memref<64x128xf32, #tpu.memory_space<vmem>>) offsets(%arg10 : memref<64xi32, #tpu.memory_space<vmem>>) semaphore(%arg20 : memref<!tpu.dma_semaphore, #tpu.memory_space<semaphore_mem>>)
      %dma_wait3A = arith.constant 0 : i32
      %dma_wait3A_41 = arith.constant 0 : i32
      %dma_wait3A_42 = tpu.memref_slice %arg2[%dma_wait3A, %dma_wait3A_41] : memref<50000x128xf32, #tpu.memory_space<hbm>> -> memref<50000x128xf32, #tpu.memory_space<hbm>>
      tpu.wait_indirect_dma semaphore(%arg20 : memref<!tpu.dma_semaphore, #tpu.memory_space<semaphore_mem>>) src(%dma_wait3A_42 : memref<50000x128xf32, #tpu.memory_space<hbm>>) dst(%arg13 : memref<64x128xf32, #tpu.memory_space<vmem>>)
      %dma_start3A_43 = arith.constant 0 : i32
      %dma_start3A_44 = arith.constant 0 : i32
      %dma_start3A_45 = tpu.memref_slice %arg7[%dma_start3A_43, %dma_start3A_44] : memref<1600x128xf32, #tpu.memory_space<hbm>> -> memref<1600x128xf32, #tpu.memory_space<hbm>>
      tpu.enqueue_indirect_dma source(%dma_start3A_45 : memref<1600x128xf32, #tpu.memory_space<hbm>>) target(%arg16 : memref<64x128xf32, #tpu.memory_space<vmem>>) offsets(%arg12 : memref<64xi32, #tpu.memory_space<vmem>>) semaphore(%arg20 : memref<!tpu.dma_semaphore, #tpu.memory_space<semaphore_mem>>)
      %dma_wait3A_46 = arith.constant 0 : i32
      %dma_wait3A_47 = arith.constant 0 : i32
      %dma_wait3A_48 = tpu.memref_slice %arg7[%dma_wait3A_46, %dma_wait3A_47] : memref<1600x128xf32, #tpu.memory_space<hbm>> -> memref<1600x128xf32, #tpu.memory_space<hbm>>
      tpu.wait_indirect_dma semaphore(%arg20 : memref<!tpu.dma_semaphore, #tpu.memory_space<semaphore_mem>>) src(%dma_wait3A_48 : memref<1600x128xf32, #tpu.memory_space<hbm>>) dst(%arg16 : memref<64x128xf32, #tpu.memory_space<vmem>>)
      %scan3A_49 = arith.constant 0 : i32
      %scan3A_50 = arith.constant 0 : i32
      %scan3A_51 = arith.constant 4 : i32
      %scan3A_52 = arith.addi %scan3A_50, %scan3A_51 : i32
      %scan3A_53 = arith.constant 1 : i32
      %scan3A_54 = scf.for %scan3A_70 = %scan3A_50 to %scan3A_52 step %scan3A_53 iter_args(%scan3A_71 = %scan3A_49) -> (i32)  : i32 {
        %mul3A_72 = arith.constant 16 : i32
        %mul3A_73 = arith.muli %scan3A_70, %mul3A_72 : i32
        %add3A_74 = vector.broadcast %mul3A_73 : i32 to vector<16xi32>
        %add3A_75 = arith.addi %iota3A, %add3A_74 : vector<16xi32>
        %gather3A = tpu.vector_load_idx %arg12[%add3A_75] : memref<64xi32, #tpu.memory_space<vmem>>[vector<16xi32>], vector<16xi32>,
        %add3A_76 = arith.constant 800 : i32
        %add3A_77 = vector.broadcast %add3A_76 : i32 to vector<16xi32>
        %add3A_78 = arith.addi %gather3A, %add3A_77 : vector<16xi32>
        tpu.vector_store_idx %arg12[%add3A_75], %add3A_78 : memref<64xi32, #tpu.memory_space<vmem>>[vector<16xi32>], vector<16xi32>,
        %scan3A_79 = arith.constant 0 : i32
        scf.yield %scan3A_79 : i32
      }
      %scan3A_55 = arith.constant 4 : i32
      %dma_start3A_56 = arith.constant 0 : i32
      %dma_start3A_57 = arith.constant 0 : i32
      %dma_start3A_58 = tpu.memref_slice %arg7[%dma_start3A_56, %dma_start3A_57] : memref<1600x128xf32, #tpu.memory_space<hbm>> -> memref<1600x128xf32, #tpu.memory_space<hbm>>
      tpu.enqueue_indirect_dma source(%dma_start3A_58 : memref<1600x128xf32, #tpu.memory_space<hbm>>) target(%arg17 : memref<64x128xf32, #tpu.memory_space<vmem>>) offsets(%arg12 : memref<64xi32, #tpu.memory_space<vmem>>) semaphore(%arg20 : memref<!tpu.dma_semaphore, #tpu.memory_space<semaphore_mem>>)
      %dma_wait3A_59 = arith.constant 0 : i32
      %dma_wait3A_60 = arith.constant 0 : i32
      %dma_wait3A_61 = tpu.memref_slice %arg7[%dma_wait3A_59, %dma_wait3A_60] : memref<1600x128xf32, #tpu.memory_space<hbm>> -> memref<1600x128xf32, #tpu.memory_space<hbm>>
      tpu.wait_indirect_dma semaphore(%arg20 : memref<!tpu.dma_semaphore, #tpu.memory_space<semaphore_mem>>) src(%dma_wait3A_61 : memref<1600x128xf32, #tpu.memory_space<hbm>>) dst(%arg17 : memref<64x128xf32, #tpu.memory_space<vmem>>)
      %scan3A_62 = arith.constant 0 : i32
      %scan3A_63 = arith.constant 0 : i32
      %scan3A_64 = arith.constant 4 : i32
      %scan3A_65 = arith.addi %scan3A_63, %scan3A_64 : i32
      %scan3A_66 = arith.constant 1 : i32
      %scan3A_67 = scf.for %scan3A_70 = %scan3A_63 to %scan3A_65 step %scan3A_66 iter_args(%scan3A_71 = %scan3A_62) -> (i32)  : i32 {
        %mul3A_72 = arith.constant 16 : i32
        %mul3A_73 = arith.muli %scan3A_70, %mul3A_72 : i32
        %add3A_74 = vector.broadcast %mul3A_73 : i32 to vector<16xi32>
        %add3A_75 = arith.addi %iota3A, %add3A_74 : vector<16xi32>
        %gather3A = tpu.vector_load_idx %arg14[%add3A_75] : memref<64xf32, #tpu.memory_space<vmem>>[vector<16xi32>], vector<16xf32>,
        %gather3A_76 = tpu.vector_load_idx %arg15[%add3A_75] : memref<64xf32, #tpu.memory_space<vmem>>[vector<16xi32>], vector<16xf32>,
        %gather3A_77 = tpu.vector_load_idx %arg11[%add3A_75] : memref<64xi32, #tpu.memory_space<vmem>>[vector<16xi32>], vector<16xi32>,
        %mul3A_78 = arith.constant 2 : i32
        %mul3A_79 = vector.broadcast %mul3A_78 : i32 to vector<16xi32>
        %mul3A_80 = arith.muli %gather3A_77, %mul3A_79 : vector<16xi32>
        %and3A = arith.constant 127 : i32
        %and3A_81 = vector.broadcast %and3A : i32 to vector<16xi32>
        %and3A_82 = arith.andi %mul3A_80, %and3A_81 : vector<16xi32>
        %gather3A_83 = tpu.vector_load_idx %arg16[%add3A_75, %and3A_82] : memref<64x128xf32, #tpu.memory_space<vmem>>[vector<16xi32>, vector<16xi32>], vector<16xf32>,
        %gather3A_84 = tpu.vector_load_idx %arg17[%add3A_75, %and3A_82] : memref<64x128xf32, #tpu.memory_space<vmem>>[vector<16xi32>, vector<16xi32>], vector<16xf32>,
        %add3A_85 = arith.addf %gather3A_83, %gather3A_84 : vector<16xf32>
        %add3A_86 = arith.constant 1 : i32
        %add3A_87 = vector.broadcast %add3A_86 : i32 to vector<16xi32>
        %add3A_88 = arith.addi %and3A_82, %add3A_87 : vector<16xi32>
        %gather3A_89 = tpu.vector_load_idx %arg16[%add3A_75, %add3A_88] : memref<64x128xf32, #tpu.memory_space<vmem>>[vector<16xi32>, vector<16xi32>], vector<16xf32>,
        %add3A_90 = arith.constant 1 : i32
        %add3A_91 = vector.broadcast %add3A_90 : i32 to vector<16xi32>
        %add3A_92 = arith.addi %and3A_82, %add3A_91 : vector<16xi32>
        %gather3A_93 = tpu.vector_load_idx %arg17[%add3A_75, %add3A_92] : memref<64x128xf32, #tpu.memory_space<vmem>>[vector<16xi32>, vector<16xi32>], vector<16xf32>,
        %add3A_94 = arith.addf %gather3A_89, %gather3A_93 : vector<16xf32>
        %mul3A_95 = arith.constant 5.000000e-01 : f32
        %mul3A_96 = vector.broadcast %mul3A_95 : f32 to vector<16xf32>
        %mul3A_97 = arith.mulf %mul3A_96, %gather3A : vector<16xf32>
        %add3A_98 = arith.constant 1.000000e-16 : f32
        %add3A_99 = vector.broadcast %add3A_98 : f32 to vector<16xf32>
        %add3A_100 = arith.addf %add3A_85, %add3A_99 : vector<16xf32>
        %div3A = arith.divf %mul3A_97, %add3A_100 : vector<16xf32>
        %mul3A_101 = arith.constant 5.000000e-01 : f32
        %mul3A_102 = vector.broadcast %mul3A_101 : f32 to vector<16xf32>
        %mul3A_103 = arith.mulf %mul3A_102, %gather3A_76 : vector<16xf32>
        %add3A_104 = arith.constant 1.000000e-16 : f32
        %add3A_105 = vector.broadcast %add3A_104 : f32 to vector<16xf32>
        %add3A_106 = arith.addf %add3A_94, %add3A_105 : vector<16xf32>
        %div3A_107 = arith.divf %mul3A_103, %add3A_106 : vector<16xf32>
        %broadcast_in_dim3A = arith.constant 0 : i32
        %broadcast_in_dim3A_108 = vector.broadcast %broadcast_in_dim3A : i32 to vector<16xi32>
        %broadcast_in_dim3A_109 = arith.constant 32 : i32
        %broadcast_in_dim3A_110 = vector.broadcast %broadcast_in_dim3A_109 : i32 to vector<16xi32>
        %gather3A_111 = tpu.vector_load_idx %arg13[%add3A_75, %broadcast_in_dim3A_108] : memref<64x128xf32, #tpu.memory_space<vmem>>[vector<16xi32>, vector<16xi32>], vector<16xf32>,
        %gather3A_112 = tpu.vector_load_idx %arg13[%add3A_75, %broadcast_in_dim3A_110] : memref<64x128xf32, #tpu.memory_space<vmem>>[vector<16xi32>, vector<16xi32>], vector<16xf32>,
        %mul3A_113 = arith.mulf %gather3A_111, %div3A : vector<16xf32>
        %mul3A_114 = arith.mulf %gather3A_112, %div3A_107 : vector<16xf32>
        %add3A_115 = arith.addf %mul3A_113, %mul3A_114 : vector<16xf32>
        tpu.vector_store_idx %arg18[%add3A_75, %broadcast_in_dim3A_108], %add3A_115 : memref<64x32xf32, #tpu.memory_space<vmem>>[vector<16xi32>, vector<16xi32>], vector<16xf32>,
        %broadcast_in_dim3A_116 = arith.constant 1 : i32
        %broadcast_in_dim3A_117 = vector.broadcast %broadcast_in_dim3A_116 : i32 to vector<16xi32>
        %broadcast_in_dim3A_118 = arith.constant 33 : i32
        %broadcast_in_dim3A_119 = vector.broadcast %broadcast_in_dim3A_118 : i32 to vector<16xi32>
        %gather3A_120 = tpu.vector_load_idx %arg13[%add3A_75, %broadcast_in_dim3A_117] : memref<64x128xf32, #tpu.memory_space<vmem>>[vector<16xi32>, vector<16xi32>], vector<16xf32>,
        %gather3A_121 = tpu.vector_load_idx %arg13[%add3A_75, %broadcast_in_dim3A_119] : memref<64x128xf32, #tpu.memory_space<vmem>>[vector<16xi32>, vector<16xi32>], vector<16xf32>,
        %mul3A_122 = arith.mulf %gather3A_120, %div3A : vector<16xf32>
        %mul3A_123 = arith.mulf %gather3A_121, %div3A_107 : vector<16xf32>
        %add3A_124 = arith.addf %mul3A_122, %mul3A_123 : vector<16xf32>
        tpu.vector_store_idx %arg18[%add3A_75, %broadcast_in_dim3A_117], %add3A_124 : memref<64x32xf32, #tpu.memory_space<vmem>>[vector<16xi32>, vector<16xi32>], vector<16xf32>,
        %broadcast_in_dim3A_125 = arith.constant 2 : i32
        %broadcast_in_dim3A_126 = vector.broadcast %broadcast_in_dim3A_125 : i32 to vector<16xi32>
        %broadcast_in_dim3A_127 = arith.constant 34 : i32
        %broadcast_in_dim3A_128 = vector.broadcast %broadcast_in_dim3A_127 : i32 to vector<16xi32>
        %gather3A_129 = tpu.vector_load_idx %arg13[%add3A_75, %broadcast_in_dim3A_126] : memref<64x128xf32, #tpu.memory_space<vmem>>[vector<16xi32>, vector<16xi32>], vector<16xf32>,
        %gather3A_130 = tpu.vector_load_idx %arg13[%add3A_75, %broadcast_in_dim3A_128] : memref<64x128xf32, #tpu.memory_space<vmem>>[vector<16xi32>, vector<16xi32>], vector<16xf32>,
        %mul3A_131 = arith.mulf %gather3A_129, %div3A : vector<16xf32>
        %mul3A_132 = arith.mulf %gather3A_130, %div3A_107 : vector<16xf32>
        %add3A_133 = arith.addf %mul3A_131, %mul3A_132 : vector<16xf32>
        tpu.vector_store_idx %arg18[%add3A_75, %broadcast_in_dim3A_126], %add3A_133 : memref<64x32xf32, #tpu.memory_space<vmem>>[vector<16xi32>, vector<16xi32>], vector<16xf32>,
        %broadcast_in_dim3A_134 = arith.constant 3 : i32
        %broadcast_in_dim3A_135 = vector.broadcast %broadcast_in_dim3A_134 : i32 to vector<16xi32>
        %broadcast_in_dim3A_136 = arith.constant 35 : i32
        %broadcast_in_dim3A_137 = vector.broadcast %broadcast_in_dim3A_136 : i32 to vector<16xi32>
        %gather3A_138 = tpu.vector_load_idx %arg13[%add3A_75, %broadcast_in_dim3A_135] : memref<64x128xf32, #tpu.memory_space<vmem>>[vector<16xi32>, vector<16xi32>], vector<16xf32>,
        %gather3A_139 = tpu.vector_load_idx %arg13[%add3A_75, %broadcast_in_dim3A_137] : memref<64x128xf32, #tpu.memory_space<vmem>>[vector<16xi32>, vector<16xi32>], vector<16xf32>,
        %mul3A_140 = arith.mulf %gather3A_138, %div3A : vector<16xf32>
        %mul3A_141 = arith.mulf %gather3A_139, %div3A_107 : vector<16xf32>
        %add3A_142 = arith.addf %mul3A_140, %mul3A_141 : vector<16xf32>
        tpu.vector_store_idx %arg18[%add3A_75, %broadcast_in_dim3A_135], %add3A_142 : memref<64x32xf32, #tpu.memory_space<vmem>>[vector<16xi32>, vector<16xi32>], vector<16xf32>,
        %broadcast_in_dim3A_143 = arith.constant 4 : i32
        %broadcast_in_dim3A_144 = vector.broadcast %broadcast_in_dim3A_143 : i32 to vector<16xi32>
        %broadcast_in_dim3A_145 = arith.constant 36 : i32
        %broadcast_in_dim3A_146 = vector.broadcast %broadcast_in_dim3A_145 : i32 to vector<16xi32>
        %gather3A_147 = tpu.vector_load_idx %arg13[%add3A_75, %broadcast_in_dim3A_144] : memref<64x128xf32, #tpu.memory_space<vmem>>[vector<16xi32>, vector<16xi32>], vector<16xf32>,
        %gather3A_148 = tpu.vector_load_idx %arg13[%add3A_75, %broadcast_in_dim3A_146] : memref<64x128xf32, #tpu.memory_space<vmem>>[vector<16xi32>, vector<16xi32>], vector<16xf32>,
        %mul3A_149 = arith.mulf %gather3A_147, %div3A : vector<16xf32>
        %mul3A_150 = arith.mulf %gather3A_148, %div3A_107 : vector<16xf32>
        %add3A_151 = arith.addf %mul3A_149, %mul3A_150 : vector<16xf32>
        tpu.vector_store_idx %arg18[%add3A_75, %broadcast_in_dim3A_144], %add3A_151 : memref<64x32xf32, #tpu.memory_space<vmem>>[vector<16xi32>, vector<16xi32>], vector<16xf32>,
        %broadcast_in_dim3A_152 = arith.constant 5 : i32
        %broadcast_in_dim3A_153 = vector.broadcast %broadcast_in_dim3A_152 : i32 to vector<16xi32>
        %broadcast_in_dim3A_154 = arith.constant 37 : i32
        %broadcast_in_dim3A_155 = vector.broadcast %broadcast_in_dim3A_154 : i32 to vector<16xi32>
        %gather3A_156 = tpu.vector_load_idx %arg13[%add3A_75, %broadcast_in_dim3A_153] : memref<64x128xf32, #tpu.memory_space<vmem>>[vector<16xi32>, vector<16xi32>], vector<16xf32>,
        %gather3A_157 = tpu.vector_load_idx %arg13[%add3A_75, %broadcast_in_dim3A_155] : memref<64x128xf32, #tpu.memory_space<vmem>>[vector<16xi32>, vector<16xi32>], vector<16xf32>,
        %mul3A_158 = arith.mulf %gather3A_156, %div3A : vector<16xf32>
        %mul3A_159 = arith.mulf %gather3A_157, %div3A_107 : vector<16xf32>
        %add3A_160 = arith.addf %mul3A_158, %mul3A_159 : vector<16xf32>
        tpu.vector_store_idx %arg18[%add3A_75, %broadcast_in_dim3A_153], %add3A_160 : memref<64x32xf32, #tpu.memory_space<vmem>>[vector<16xi32>, vector<16xi32>], vector<16xf32>,
        %broadcast_in_dim3A_161 = arith.constant 6 : i32
        %broadcast_in_dim3A_162 = vector.broadcast %broadcast_in_dim3A_161 : i32 to vector<16xi32>
        %broadcast_in_dim3A_163 = arith.constant 38 : i32
        %broadcast_in_dim3A_164 = vector.broadcast %broadcast_in_dim3A_163 : i32 to vector<16xi32>
        %gather3A_165 = tpu.vector_load_idx %arg13[%add3A_75, %broadcast_in_dim3A_162] : memref<64x128xf32, #tpu.memory_space<vmem>>[vector<16xi32>, vector<16xi32>], vector<16xf32>,
        %gather3A_166 = tpu.vector_load_idx %arg13[%add3A_75, %broadcast_in_dim3A_164] : memref<64x128xf32, #tpu.memory_space<vmem>>[vector<16xi32>, vector<16xi32>], vector<16xf32>,
        %mul3A_167 = arith.mulf %gather3A_165, %div3A : vector<16xf32>
        %mul3A_168 = arith.mulf %gather3A_166, %div3A_107 : vector<16xf32>
        %add3A_169 = arith.addf %mul3A_167, %mul3A_168 : vector<16xf32>
        tpu.vector_store_idx %arg18[%add3A_75, %broadcast_in_dim3A_162], %add3A_169 : memref<64x32xf32, #tpu.memory_space<vmem>>[vector<16xi32>, vector<16xi32>], vector<16xf32>,
        %broadcast_in_dim3A_170 = arith.constant 7 : i32
        %broadcast_in_dim3A_171 = vector.broadcast %broadcast_in_dim3A_170 : i32 to vector<16xi32>
        %broadcast_in_dim3A_172 = arith.constant 39 : i32
        %broadcast_in_dim3A_173 = vector.broadcast %broadcast_in_dim3A_172 : i32 to vector<16xi32>
        %gather3A_174 = tpu.vector_load_idx %arg13[%add3A_75, %broadcast_in_dim3A_171] : memref<64x128xf32, #tpu.memory_space<vmem>>[vector<16xi32>, vector<16xi32>], vector<16xf32>,
        %gather3A_175 = tpu.vector_load_idx %arg13[%add3A_75, %broadcast_in_dim3A_173] : memref<64x128xf32, #tpu.memory_space<vmem>>[vector<16xi32>, vector<16xi32>], vector<16xf32>,
        %mul3A_176 = arith.mulf %gather3A_174, %div3A : vector<16xf32>
        %mul3A_177 = arith.mulf %gather3A_175, %div3A_107 : vector<16xf32>
        %add3A_178 = arith.addf %mul3A_176, %mul3A_177 : vector<16xf32>
        tpu.vector_store_idx %arg18[%add3A_75, %broadcast_in_dim3A_171], %add3A_178 : memref<64x32xf32, #tpu.memory_space<vmem>>[vector<16xi32>, vector<16xi32>], vector<16xf32>,
        %broadcast_in_dim3A_179 = arith.constant 8 : i32
        %broadcast_in_dim3A_180 = vector.broadcast %broadcast_in_dim3A_179 : i32 to vector<16xi32>
        %broadcast_in_dim3A_181 = arith.constant 40 : i32
        %broadcast_in_dim3A_182 = vector.broadcast %broadcast_in_dim3A_181 : i32 to vector<16xi32>
        %gather3A_183 = tpu.vector_load_idx %arg13[%add3A_75, %broadcast_in_dim3A_180] : memref<64x128xf32, #tpu.memory_space<vmem>>[vector<16xi32>, vector<16xi32>], vector<16xf32>,
        %gather3A_184 = tpu.vector_load_idx %arg13[%add3A_75, %broadcast_in_dim3A_182] : memref<64x128xf32, #tpu.memory_space<vmem>>[vector<16xi32>, vector<16xi32>], vector<16xf32>,
        %mul3A_185 = arith.mulf %gather3A_183, %div3A : vector<16xf32>
        %mul3A_186 = arith.mulf %gather3A_184, %div3A_107 : vector<16xf32>
        %add3A_187 = arith.addf %mul3A_185, %mul3A_186 : vector<16xf32>
        tpu.vector_store_idx %arg18[%add3A_75, %broadcast_in_dim3A_180], %add3A_187 : memref<64x32xf32, #tpu.memory_space<vmem>>[vector<16xi32>, vector<16xi32>], vector<16xf32>,
        %broadcast_in_dim3A_188 = arith.constant 9 : i32
        %broadcast_in_dim3A_189 = vector.broadcast %broadcast_in_dim3A_188 : i32 to vector<16xi32>
        %broadcast_in_dim3A_190 = arith.constant 41 : i32
        %broadcast_in_dim3A_191 = vector.broadcast %broadcast_in_dim3A_190 : i32 to vector<16xi32>
        %gather3A_192 = tpu.vector_load_idx %arg13[%add3A_75, %broadcast_in_dim3A_189] : memref<64x128xf32, #tpu.memory_space<vmem>>[vector<16xi32>, vector<16xi32>], vector<16xf32>,
        %gather3A_193 = tpu.vector_load_idx %arg13[%add3A_75, %broadcast_in_dim3A_191] : memref<64x128xf32, #tpu.memory_space<vmem>>[vector<16xi32>, vector<16xi32>], vector<16xf32>,
        %mul3A_194 = arith.mulf %gather3A_192, %div3A : vector<16xf32>
        %mul3A_195 = arith.mulf %gather3A_193, %div3A_107 : vector<16xf32>
        %add3A_196 = arith.addf %mul3A_194, %mul3A_195 : vector<16xf32>
        tpu.vector_store_idx %arg18[%add3A_75, %broadcast_in_dim3A_189], %add3A_196 : memref<64x32xf32, #tpu.memory_space<vmem>>[vector<16xi32>, vector<16xi32>], vector<16xf32>,
        %broadcast_in_dim3A_197 = arith.constant 10 : i32
        %broadcast_in_dim3A_198 = vector.broadcast %broadcast_in_dim3A_197 : i32 to vector<16xi32>
        %broadcast_in_dim3A_199 = arith.constant 42 : i32
        %broadcast_in_dim3A_200 = vector.broadcast %broadcast_in_dim3A_199 : i32 to vector<16xi32>
        %gather3A_201 = tpu.vector_load_idx %arg13[%add3A_75, %broadcast_in_dim3A_198] : memref<64x128xf32, #tpu.memory_space<vmem>>[vector<16xi32>, vector<16xi32>], vector<16xf32>,
        %gather3A_202 = tpu.vector_load_idx %arg13[%add3A_75, %broadcast_in_dim3A_200] : memref<64x128xf32, #tpu.memory_space<vmem>>[vector<16xi32>, vector<16xi32>], vector<16xf32>,
        %mul3A_203 = arith.mulf %gather3A_201, %div3A : vector<16xf32>
        %mul3A_204 = arith.mulf %gather3A_202, %div3A_107 : vector<16xf32>
        %add3A_205 = arith.addf %mul3A_203, %mul3A_204 : vector<16xf32>
        tpu.vector_store_idx %arg18[%add3A_75, %broadcast_in_dim3A_198], %add3A_205 : memref<64x32xf32, #tpu.memory_space<vmem>>[vector<16xi32>, vector<16xi32>], vector<16xf32>,
        %broadcast_in_dim3A_206 = arith.constant 11 : i32
        %broadcast_in_dim3A_207 = vector.broadcast %broadcast_in_dim3A_206 : i32 to vector<16xi32>
        %broadcast_in_dim3A_208 = arith.constant 43 : i32
        %broadcast_in_dim3A_209 = vector.broadcast %broadcast_in_dim3A_208 : i32 to vector<16xi32>
        %gather3A_210 = tpu.vector_load_idx %arg13[%add3A_75, %broadcast_in_dim3A_207] : memref<64x128xf32, #tpu.memory_space<vmem>>[vector<16xi32>, vector<16xi32>], vector<16xf32>,
        %gather3A_211 = tpu.vector_load_idx %arg13[%add3A_75, %broadcast_in_dim3A_209] : memref<64x128xf32, #tpu.memory_space<vmem>>[vector<16xi32>, vector<16xi32>], vector<16xf32>,
        %mul3A_212 = arith.mulf %gather3A_210, %div3A : vector<16xf32>
        %mul3A_213 = arith.mulf %gather3A_211, %div3A_107 : vector<16xf32>
        %add3A_214 = arith.addf %mul3A_212, %mul3A_213 : vector<16xf32>
        tpu.vector_store_idx %arg18[%add3A_75, %broadcast_in_dim3A_207], %add3A_214 : memref<64x32xf32, #tpu.memory_space<vmem>>[vector<16xi32>, vector<16xi32>], vector<16xf32>,
        %broadcast_in_dim3A_215 = arith.constant 12 : i32
        %broadcast_in_dim3A_216 = vector.broadcast %broadcast_in_dim3A_215 : i32 to vector<16xi32>
        %broadcast_in_dim3A_217 = arith.constant 44 : i32
        %broadcast_in_dim3A_218 = vector.broadcast %broadcast_in_dim3A_217 : i32 to vector<16xi32>
        %gather3A_219 = tpu.vector_load_idx %arg13[%add3A_75, %broadcast_in_dim3A_216] : memref<64x128xf32, #tpu.memory_space<vmem>>[vector<16xi32>, vector<16xi32>], vector<16xf32>,
        %gather3A_220 = tpu.vector_load_idx %arg13[%add3A_75, %broadcast_in_dim3A_218] : memref<64x128xf32, #tpu.memory_space<vmem>>[vector<16xi32>, vector<16xi32>], vector<16xf32>,
        %mul3A_221 = arith.mulf %gather3A_219, %div3A : vector<16xf32>
        %mul3A_222 = arith.mulf %gather3A_220, %div3A_107 : vector<16xf32>
        %add3A_223 = arith.addf %mul3A_221, %mul3A_222 : vector<16xf32>
        tpu.vector_store_idx %arg18[%add3A_75, %broadcast_in_dim3A_216], %add3A_223 : memref<64x32xf32, #tpu.memory_space<vmem>>[vector<16xi32>, vector<16xi32>], vector<16xf32>,
        %broadcast_in_dim3A_224 = arith.constant 13 : i32
        %broadcast_in_dim3A_225 = vector.broadcast %broadcast_in_dim3A_224 : i32 to vector<16xi32>
        %broadcast_in_dim3A_226 = arith.constant 45 : i32
        %broadcast_in_dim3A_227 = vector.broadcast %broadcast_in_dim3A_226 : i32 to vector<16xi32>
        %gather3A_228 = tpu.vector_load_idx %arg13[%add3A_75, %broadcast_in_dim3A_225] : memref<64x128xf32, #tpu.memory_space<vmem>>[vector<16xi32>, vector<16xi32>], vector<16xf32>,
        %gather3A_229 = tpu.vector_load_idx %arg13[%add3A_75, %broadcast_in_dim3A_227] : memref<64x128xf32, #tpu.memory_space<vmem>>[vector<16xi32>, vector<16xi32>], vector<16xf32>,
        %mul3A_230 = arith.mulf %gather3A_228, %div3A : vector<16xf32>
        %mul3A_231 = arith.mulf %gather3A_229, %div3A_107 : vector<16xf32>
        %add3A_232 = arith.addf %mul3A_230, %mul3A_231 : vector<16xf32>
        tpu.vector_store_idx %arg18[%add3A_75, %broadcast_in_dim3A_225], %add3A_232 : memref<64x32xf32, #tpu.memory_space<vmem>>[vector<16xi32>, vector<16xi32>], vector<16xf32>,
        %broadcast_in_dim3A_233 = arith.constant 14 : i32
        %broadcast_in_dim3A_234 = vector.broadcast %broadcast_in_dim3A_233 : i32 to vector<16xi32>
        %broadcast_in_dim3A_235 = arith.constant 46 : i32
        %broadcast_in_dim3A_236 = vector.broadcast %broadcast_in_dim3A_235 : i32 to vector<16xi32>
        %gather3A_237 = tpu.vector_load_idx %arg13[%add3A_75, %broadcast_in_dim3A_234] : memref<64x128xf32, #tpu.memory_space<vmem>>[vector<16xi32>, vector<16xi32>], vector<16xf32>,
        %gather3A_238 = tpu.vector_load_idx %arg13[%add3A_75, %broadcast_in_dim3A_236] : memref<64x128xf32, #tpu.memory_space<vmem>>[vector<16xi32>, vector<16xi32>], vector<16xf32>,
        %mul3A_239 = arith.mulf %gather3A_237, %div3A : vector<16xf32>
        %mul3A_240 = arith.mulf %gather3A_238, %div3A_107 : vector<16xf32>
        %add3A_241 = arith.addf %mul3A_239, %mul3A_240 : vector<16xf32>
        tpu.vector_store_idx %arg18[%add3A_75, %broadcast_in_dim3A_234], %add3A_241 : memref<64x32xf32, #tpu.memory_space<vmem>>[vector<16xi32>, vector<16xi32>], vector<16xf32>,
        %broadcast_in_dim3A_242 = arith.constant 15 : i32
        %broadcast_in_dim3A_243 = vector.broadcast %broadcast_in_dim3A_242 : i32 to vector<16xi32>
        %broadcast_in_dim3A_244 = arith.constant 47 : i32
        %broadcast_in_dim3A_245 = vector.broadcast %broadcast_in_dim3A_244 : i32 to vector<16xi32>
        %gather3A_246 = tpu.vector_load_idx %arg13[%add3A_75, %broadcast_in_dim3A_243] : memref<64x128xf32, #tpu.memory_space<vmem>>[vector<16xi32>, vector<16xi32>], vector<16xf32>,
        %gather3A_247 = tpu.vector_load_idx %arg13[%add3A_75, %broadcast_in_dim3A_245] : memref<64x128xf32, #tpu.memory_space<vmem>>[vector<16xi32>, vector<16xi32>], vector<16xf32>,
        %mul3A_248 = arith.mulf %gather3A_246, %div3A : vector<16xf32>
        %mul3A_249 = arith.mulf %gather3A_247, %div3A_107 : vector<16xf32>
        %add3A_250 = arith.addf %mul3A_248, %mul3A_249 : vector<16xf32>
        tpu.vector_store_idx %arg18[%add3A_75, %broadcast_in_dim3A_243], %add3A_250 : memref<64x32xf32, #tpu.memory_space<vmem>>[vector<16xi32>, vector<16xi32>], vector<16xf32>,
        %broadcast_in_dim3A_251 = arith.constant 16 : i32
        %broadcast_in_dim3A_252 = vector.broadcast %broadcast_in_dim3A_251 : i32 to vector<16xi32>
        %broadcast_in_dim3A_253 = arith.constant 48 : i32
        %broadcast_in_dim3A_254 = vector.broadcast %broadcast_in_dim3A_253 : i32 to vector<16xi32>
        %gather3A_255 = tpu.vector_load_idx %arg13[%add3A_75, %broadcast_in_dim3A_252] : memref<64x128xf32, #tpu.memory_space<vmem>>[vector<16xi32>, vector<16xi32>], vector<16xf32>,
        %gather3A_256 = tpu.vector_load_idx %arg13[%add3A_75, %broadcast_in_dim3A_254] : memref<64x128xf32, #tpu.memory_space<vmem>>[vector<16xi32>, vector<16xi32>], vector<16xf32>,
        %mul3A_257 = arith.mulf %gather3A_255, %div3A : vector<16xf32>
        %mul3A_258 = arith.mulf %gather3A_256, %div3A_107 : vector<16xf32>
        %add3A_259 = arith.addf %mul3A_257, %mul3A_258 : vector<16xf32>
        tpu.vector_store_idx %arg18[%add3A_75, %broadcast_in_dim3A_252], %add3A_259 : memref<64x32xf32, #tpu.memory_space<vmem>>[vector<16xi32>, vector<16xi32>], vector<16xf32>,
        %broadcast_in_dim3A_260 = arith.constant 17 : i32
        %broadcast_in_dim3A_261 = vector.broadcast %broadcast_in_dim3A_260 : i32 to vector<16xi32>
        %broadcast_in_dim3A_262 = arith.constant 49 : i32
        %broadcast_in_dim3A_263 = vector.broadcast %broadcast_in_dim3A_262 : i32 to vector<16xi32>
        %gather3A_264 = tpu.vector_load_idx %arg13[%add3A_75, %broadcast_in_dim3A_261] : memref<64x128xf32, #tpu.memory_space<vmem>>[vector<16xi32>, vector<16xi32>], vector<16xf32>,
        %gather3A_265 = tpu.vector_load_idx %arg13[%add3A_75, %broadcast_in_dim3A_263] : memref<64x128xf32, #tpu.memory_space<vmem>>[vector<16xi32>, vector<16xi32>], vector<16xf32>,
        %mul3A_266 = arith.mulf %gather3A_264, %div3A : vector<16xf32>
        %mul3A_267 = arith.mulf %gather3A_265, %div3A_107 : vector<16xf32>
        %add3A_268 = arith.addf %mul3A_266, %mul3A_267 : vector<16xf32>
        tpu.vector_store_idx %arg18[%add3A_75, %broadcast_in_dim3A_261], %add3A_268 : memref<64x32xf32, #tpu.memory_space<vmem>>[vector<16xi32>, vector<16xi32>], vector<16xf32>,
        %broadcast_in_dim3A_269 = arith.constant 18 : i32
        %broadcast_in_dim3A_270 = vector.broadcast %broadcast_in_dim3A_269 : i32 to vector<16xi32>
        %broadcast_in_dim3A_271 = arith.constant 50 : i32
        %broadcast_in_dim3A_272 = vector.broadcast %broadcast_in_dim3A_271 : i32 to vector<16xi32>
        %gather3A_273 = tpu.vector_load_idx %arg13[%add3A_75, %broadcast_in_dim3A_270] : memref<64x128xf32, #tpu.memory_space<vmem>>[vector<16xi32>, vector<16xi32>], vector<16xf32>,
        %gather3A_274 = tpu.vector_load_idx %arg13[%add3A_75, %broadcast_in_dim3A_272] : memref<64x128xf32, #tpu.memory_space<vmem>>[vector<16xi32>, vector<16xi32>], vector<16xf32>,
        %mul3A_275 = arith.mulf %gather3A_273, %div3A : vector<16xf32>
        %mul3A_276 = arith.mulf %gather3A_274, %div3A_107 : vector<16xf32>
        %add3A_277 = arith.addf %mul3A_275, %mul3A_276 : vector<16xf32>
        tpu.vector_store_idx %arg18[%add3A_75, %broadcast_in_dim3A_270], %add3A_277 : memref<64x32xf32, #tpu.memory_space<vmem>>[vector<16xi32>, vector<16xi32>], vector<16xf32>,
        %broadcast_in_dim3A_278 = arith.constant 19 : i32
        %broadcast_in_dim3A_279 = vector.broadcast %broadcast_in_dim3A_278 : i32 to vector<16xi32>
        %broadcast_in_dim3A_280 = arith.constant 51 : i32
        %broadcast_in_dim3A_281 = vector.broadcast %broadcast_in_dim3A_280 : i32 to vector<16xi32>
        %gather3A_282 = tpu.vector_load_idx %arg13[%add3A_75, %broadcast_in_dim3A_279] : memref<64x128xf32, #tpu.memory_space<vmem>>[vector<16xi32>, vector<16xi32>], vector<16xf32>,
        %gather3A_283 = tpu.vector_load_idx %arg13[%add3A_75, %broadcast_in_dim3A_281] : memref<64x128xf32, #tpu.memory_space<vmem>>[vector<16xi32>, vector<16xi32>], vector<16xf32>,
        %mul3A_284 = arith.mulf %gather3A_282, %div3A : vector<16xf32>
        %mul3A_285 = arith.mulf %gather3A_283, %div3A_107 : vector<16xf32>
        %add3A_286 = arith.addf %mul3A_284, %mul3A_285 : vector<16xf32>
        tpu.vector_store_idx %arg18[%add3A_75, %broadcast_in_dim3A_279], %add3A_286 : memref<64x32xf32, #tpu.memory_space<vmem>>[vector<16xi32>, vector<16xi32>], vector<16xf32>,
        %broadcast_in_dim3A_287 = arith.constant 20 : i32
        %broadcast_in_dim3A_288 = vector.broadcast %broadcast_in_dim3A_287 : i32 to vector<16xi32>
        %broadcast_in_dim3A_289 = arith.constant 52 : i32
        %broadcast_in_dim3A_290 = vector.broadcast %broadcast_in_dim3A_289 : i32 to vector<16xi32>
        %gather3A_291 = tpu.vector_load_idx %arg13[%add3A_75, %broadcast_in_dim3A_288] : memref<64x128xf32, #tpu.memory_space<vmem>>[vector<16xi32>, vector<16xi32>], vector<16xf32>,
        %gather3A_292 = tpu.vector_load_idx %arg13[%add3A_75, %broadcast_in_dim3A_290] : memref<64x128xf32, #tpu.memory_space<vmem>>[vector<16xi32>, vector<16xi32>], vector<16xf32>,
        %mul3A_293 = arith.mulf %gather3A_291, %div3A : vector<16xf32>
        %mul3A_294 = arith.mulf %gather3A_292, %div3A_107 : vector<16xf32>
        %add3A_295 = arith.addf %mul3A_293, %mul3A_294 : vector<16xf32>
        tpu.vector_store_idx %arg18[%add3A_75, %broadcast_in_dim3A_288], %add3A_295 : memref<64x32xf32, #tpu.memory_space<vmem>>[vector<16xi32>, vector<16xi32>], vector<16xf32>,
        %broadcast_in_dim3A_296 = arith.constant 21 : i32
        %broadcast_in_dim3A_297 = vector.broadcast %broadcast_in_dim3A_296 : i32 to vector<16xi32>
        %broadcast_in_dim3A_298 = arith.constant 53 : i32
        %broadcast_in_dim3A_299 = vector.broadcast %broadcast_in_dim3A_298 : i32 to vector<16xi32>
        %gather3A_300 = tpu.vector_load_idx %arg13[%add3A_75, %broadcast_in_dim3A_297] : memref<64x128xf32, #tpu.memory_space<vmem>>[vector<16xi32>, vector<16xi32>], vector<16xf32>,
        %gather3A_301 = tpu.vector_load_idx %arg13[%add3A_75, %broadcast_in_dim3A_299] : memref<64x128xf32, #tpu.memory_space<vmem>>[vector<16xi32>, vector<16xi32>], vector<16xf32>,
        %mul3A_302 = arith.mulf %gather3A_300, %div3A : vector<16xf32>
        %mul3A_303 = arith.mulf %gather3A_301, %div3A_107 : vector<16xf32>
        %add3A_304 = arith.addf %mul3A_302, %mul3A_303 : vector<16xf32>
        tpu.vector_store_idx %arg18[%add3A_75, %broadcast_in_dim3A_297], %add3A_304 : memref<64x32xf32, #tpu.memory_space<vmem>>[vector<16xi32>, vector<16xi32>], vector<16xf32>,
        %broadcast_in_dim3A_305 = arith.constant 22 : i32
        %broadcast_in_dim3A_306 = vector.broadcast %broadcast_in_dim3A_305 : i32 to vector<16xi32>
        %broadcast_in_dim3A_307 = arith.constant 54 : i32
        %broadcast_in_dim3A_308 = vector.broadcast %broadcast_in_dim3A_307 : i32 to vector<16xi32>
        %gather3A_309 = tpu.vector_load_idx %arg13[%add3A_75, %broadcast_in_dim3A_306] : memref<64x128xf32, #tpu.memory_space<vmem>>[vector<16xi32>, vector<16xi32>], vector<16xf32>,
        %gather3A_310 = tpu.vector_load_idx %arg13[%add3A_75, %broadcast_in_dim3A_308] : memref<64x128xf32, #tpu.memory_space<vmem>>[vector<16xi32>, vector<16xi32>], vector<16xf32>,
        %mul3A_311 = arith.mulf %gather3A_309, %div3A : vector<16xf32>
        %mul3A_312 = arith.mulf %gather3A_310, %div3A_107 : vector<16xf32>
        %add3A_313 = arith.addf %mul3A_311, %mul3A_312 : vector<16xf32>
        tpu.vector_store_idx %arg18[%add3A_75, %broadcast_in_dim3A_306], %add3A_313 : memref<64x32xf32, #tpu.memory_space<vmem>>[vector<16xi32>, vector<16xi32>], vector<16xf32>,
        %broadcast_in_dim3A_314 = arith.constant 23 : i32
        %broadcast_in_dim3A_315 = vector.broadcast %broadcast_in_dim3A_314 : i32 to vector<16xi32>
        %broadcast_in_dim3A_316 = arith.constant 55 : i32
        %broadcast_in_dim3A_317 = vector.broadcast %broadcast_in_dim3A_316 : i32 to vector<16xi32>
        %gather3A_318 = tpu.vector_load_idx %arg13[%add3A_75, %broadcast_in_dim3A_315] : memref<64x128xf32, #tpu.memory_space<vmem>>[vector<16xi32>, vector<16xi32>], vector<16xf32>,
        %gather3A_319 = tpu.vector_load_idx %arg13[%add3A_75, %broadcast_in_dim3A_317] : memref<64x128xf32, #tpu.memory_space<vmem>>[vector<16xi32>, vector<16xi32>], vector<16xf32>,
        %mul3A_320 = arith.mulf %gather3A_318, %div3A : vector<16xf32>
        %mul3A_321 = arith.mulf %gather3A_319, %div3A_107 : vector<16xf32>
        %add3A_322 = arith.addf %mul3A_320, %mul3A_321 : vector<16xf32>
        tpu.vector_store_idx %arg18[%add3A_75, %broadcast_in_dim3A_315], %add3A_322 : memref<64x32xf32, #tpu.memory_space<vmem>>[vector<16xi32>, vector<16xi32>], vector<16xf32>,
        %broadcast_in_dim3A_323 = arith.constant 24 : i32
        %broadcast_in_dim3A_324 = vector.broadcast %broadcast_in_dim3A_323 : i32 to vector<16xi32>
        %broadcast_in_dim3A_325 = arith.constant 56 : i32
        %broadcast_in_dim3A_326 = vector.broadcast %broadcast_in_dim3A_325 : i32 to vector<16xi32>
        %gather3A_327 = tpu.vector_load_idx %arg13[%add3A_75, %broadcast_in_dim3A_324] : memref<64x128xf32, #tpu.memory_space<vmem>>[vector<16xi32>, vector<16xi32>], vector<16xf32>,
        %gather3A_328 = tpu.vector_load_idx %arg13[%add3A_75, %broadcast_in_dim3A_326] : memref<64x128xf32, #tpu.memory_space<vmem>>[vector<16xi32>, vector<16xi32>], vector<16xf32>,
        %mul3A_329 = arith.mulf %gather3A_327, %div3A : vector<16xf32>
        %mul3A_330 = arith.mulf %gather3A_328, %div3A_107 : vector<16xf32>
        %add3A_331 = arith.addf %mul3A_329, %mul3A_330 : vector<16xf32>
        tpu.vector_store_idx %arg18[%add3A_75, %broadcast_in_dim3A_324], %add3A_331 : memref<64x32xf32, #tpu.memory_space<vmem>>[vector<16xi32>, vector<16xi32>], vector<16xf32>,
        %broadcast_in_dim3A_332 = arith.constant 25 : i32
        %broadcast_in_dim3A_333 = vector.broadcast %broadcast_in_dim3A_332 : i32 to vector<16xi32>
        %broadcast_in_dim3A_334 = arith.constant 57 : i32
        %broadcast_in_dim3A_335 = vector.broadcast %broadcast_in_dim3A_334 : i32 to vector<16xi32>
        %gather3A_336 = tpu.vector_load_idx %arg13[%add3A_75, %broadcast_in_dim3A_333] : memref<64x128xf32, #tpu.memory_space<vmem>>[vector<16xi32>, vector<16xi32>], vector<16xf32>,
        %gather3A_337 = tpu.vector_load_idx %arg13[%add3A_75, %broadcast_in_dim3A_335] : memref<64x128xf32, #tpu.memory_space<vmem>>[vector<16xi32>, vector<16xi32>], vector<16xf32>,
        %mul3A_338 = arith.mulf %gather3A_336, %div3A : vector<16xf32>
        %mul3A_339 = arith.mulf %gather3A_337, %div3A_107 : vector<16xf32>
        %add3A_340 = arith.addf %mul3A_338, %mul3A_339 : vector<16xf32>
        tpu.vector_store_idx %arg18[%add3A_75, %broadcast_in_dim3A_333], %add3A_340 : memref<64x32xf32, #tpu.memory_space<vmem>>[vector<16xi32>, vector<16xi32>], vector<16xf32>,
        %broadcast_in_dim3A_341 = arith.constant 26 : i32
        %broadcast_in_dim3A_342 = vector.broadcast %broadcast_in_dim3A_341 : i32 to vector<16xi32>
        %broadcast_in_dim3A_343 = arith.constant 58 : i32
        %broadcast_in_dim3A_344 = vector.broadcast %broadcast_in_dim3A_343 : i32 to vector<16xi32>
        %gather3A_345 = tpu.vector_load_idx %arg13[%add3A_75, %broadcast_in_dim3A_342] : memref<64x128xf32, #tpu.memory_space<vmem>>[vector<16xi32>, vector<16xi32>], vector<16xf32>,
        %gather3A_346 = tpu.vector_load_idx %arg13[%add3A_75, %broadcast_in_dim3A_344] : memref<64x128xf32, #tpu.memory_space<vmem>>[vector<16xi32>, vector<16xi32>], vector<16xf32>,
        %mul3A_347 = arith.mulf %gather3A_345, %div3A : vector<16xf32>
        %mul3A_348 = arith.mulf %gather3A_346, %div3A_107 : vector<16xf32>
        %add3A_349 = arith.addf %mul3A_347, %mul3A_348 : vector<16xf32>
        tpu.vector_store_idx %arg18[%add3A_75, %broadcast_in_dim3A_342], %add3A_349 : memref<64x32xf32, #tpu.memory_space<vmem>>[vector<16xi32>, vector<16xi32>], vector<16xf32>,
        %broadcast_in_dim3A_350 = arith.constant 27 : i32
        %broadcast_in_dim3A_351 = vector.broadcast %broadcast_in_dim3A_350 : i32 to vector<16xi32>
        %broadcast_in_dim3A_352 = arith.constant 59 : i32
        %broadcast_in_dim3A_353 = vector.broadcast %broadcast_in_dim3A_352 : i32 to vector<16xi32>
        %gather3A_354 = tpu.vector_load_idx %arg13[%add3A_75, %broadcast_in_dim3A_351] : memref<64x128xf32, #tpu.memory_space<vmem>>[vector<16xi32>, vector<16xi32>], vector<16xf32>,
        %gather3A_355 = tpu.vector_load_idx %arg13[%add3A_75, %broadcast_in_dim3A_353] : memref<64x128xf32, #tpu.memory_space<vmem>>[vector<16xi32>, vector<16xi32>], vector<16xf32>,
        %mul3A_356 = arith.mulf %gather3A_354, %div3A : vector<16xf32>
        %mul3A_357 = arith.mulf %gather3A_355, %div3A_107 : vector<16xf32>
        %add3A_358 = arith.addf %mul3A_356, %mul3A_357 : vector<16xf32>
        tpu.vector_store_idx %arg18[%add3A_75, %broadcast_in_dim3A_351], %add3A_358 : memref<64x32xf32, #tpu.memory_space<vmem>>[vector<16xi32>, vector<16xi32>], vector<16xf32>,
        %broadcast_in_dim3A_359 = arith.constant 28 : i32
        %broadcast_in_dim3A_360 = vector.broadcast %broadcast_in_dim3A_359 : i32 to vector<16xi32>
        %broadcast_in_dim3A_361 = arith.constant 60 : i32
        %broadcast_in_dim3A_362 = vector.broadcast %broadcast_in_dim3A_361 : i32 to vector<16xi32>
        %gather3A_363 = tpu.vector_load_idx %arg13[%add3A_75, %broadcast_in_dim3A_360] : memref<64x128xf32, #tpu.memory_space<vmem>>[vector<16xi32>, vector<16xi32>], vector<16xf32>,
        %gather3A_364 = tpu.vector_load_idx %arg13[%add3A_75, %broadcast_in_dim3A_362] : memref<64x128xf32, #tpu.memory_space<vmem>>[vector<16xi32>, vector<16xi32>], vector<16xf32>,
        %mul3A_365 = arith.mulf %gather3A_363, %div3A : vector<16xf32>
        %mul3A_366 = arith.mulf %gather3A_364, %div3A_107 : vector<16xf32>
        %add3A_367 = arith.addf %mul3A_365, %mul3A_366 : vector<16xf32>
        tpu.vector_store_idx %arg18[%add3A_75, %broadcast_in_dim3A_360], %add3A_367 : memref<64x32xf32, #tpu.memory_space<vmem>>[vector<16xi32>, vector<16xi32>], vector<16xf32>,
        %broadcast_in_dim3A_368 = arith.constant 29 : i32
        %broadcast_in_dim3A_369 = vector.broadcast %broadcast_in_dim3A_368 : i32 to vector<16xi32>
        %broadcast_in_dim3A_370 = arith.constant 61 : i32
        %broadcast_in_dim3A_371 = vector.broadcast %broadcast_in_dim3A_370 : i32 to vector<16xi32>
        %gather3A_372 = tpu.vector_load_idx %arg13[%add3A_75, %broadcast_in_dim3A_369] : memref<64x128xf32, #tpu.memory_space<vmem>>[vector<16xi32>, vector<16xi32>], vector<16xf32>,
        %gather3A_373 = tpu.vector_load_idx %arg13[%add3A_75, %broadcast_in_dim3A_371] : memref<64x128xf32, #tpu.memory_space<vmem>>[vector<16xi32>, vector<16xi32>], vector<16xf32>,
        %mul3A_374 = arith.mulf %gather3A_372, %div3A : vector<16xf32>
        %mul3A_375 = arith.mulf %gather3A_373, %div3A_107 : vector<16xf32>
        %add3A_376 = arith.addf %mul3A_374, %mul3A_375 : vector<16xf32>
        tpu.vector_store_idx %arg18[%add3A_75, %broadcast_in_dim3A_369], %add3A_376 : memref<64x32xf32, #tpu.memory_space<vmem>>[vector<16xi32>, vector<16xi32>], vector<16xf32>,
        %broadcast_in_dim3A_377 = arith.constant 30 : i32
        %broadcast_in_dim3A_378 = vector.broadcast %broadcast_in_dim3A_377 : i32 to vector<16xi32>
        %broadcast_in_dim3A_379 = arith.constant 62 : i32
        %broadcast_in_dim3A_380 = vector.broadcast %broadcast_in_dim3A_379 : i32 to vector<16xi32>
        %gather3A_381 = tpu.vector_load_idx %arg13[%add3A_75, %broadcast_in_dim3A_378] : memref<64x128xf32, #tpu.memory_space<vmem>>[vector<16xi32>, vector<16xi32>], vector<16xf32>,
        %gather3A_382 = tpu.vector_load_idx %arg13[%add3A_75, %broadcast_in_dim3A_380] : memref<64x128xf32, #tpu.memory_space<vmem>>[vector<16xi32>, vector<16xi32>], vector<16xf32>,
        %mul3A_383 = arith.mulf %gather3A_381, %div3A : vector<16xf32>
        %mul3A_384 = arith.mulf %gather3A_382, %div3A_107 : vector<16xf32>
        %add3A_385 = arith.addf %mul3A_383, %mul3A_384 : vector<16xf32>
        tpu.vector_store_idx %arg18[%add3A_75, %broadcast_in_dim3A_378], %add3A_385 : memref<64x32xf32, #tpu.memory_space<vmem>>[vector<16xi32>, vector<16xi32>], vector<16xf32>,
        %broadcast_in_dim3A_386 = arith.constant 31 : i32
        %broadcast_in_dim3A_387 = vector.broadcast %broadcast_in_dim3A_386 : i32 to vector<16xi32>
        %broadcast_in_dim3A_388 = arith.constant 63 : i32
        %broadcast_in_dim3A_389 = vector.broadcast %broadcast_in_dim3A_388 : i32 to vector<16xi32>
        %gather3A_390 = tpu.vector_load_idx %arg13[%add3A_75, %broadcast_in_dim3A_387] : memref<64x128xf32, #tpu.memory_space<vmem>>[vector<16xi32>, vector<16xi32>], vector<16xf32>,
        %gather3A_391 = tpu.vector_load_idx %arg13[%add3A_75, %broadcast_in_dim3A_389] : memref<64x128xf32, #tpu.memory_space<vmem>>[vector<16xi32>, vector<16xi32>], vector<16xf32>,
        %mul3A_392 = arith.mulf %gather3A_390, %div3A : vector<16xf32>
        %mul3A_393 = arith.mulf %gather3A_391, %div3A_107 : vector<16xf32>
        %add3A_394 = arith.addf %mul3A_392, %mul3A_393 : vector<16xf32>
        tpu.vector_store_idx %arg18[%add3A_75, %broadcast_in_dim3A_387], %add3A_394 : memref<64x32xf32, #tpu.memory_space<vmem>>[vector<16xi32>, vector<16xi32>], vector<16xf32>,
        %scan3A_395 = arith.constant 0 : i32
        scf.yield %scan3A_395 : i32
      }
      %scan3A_68 = arith.constant 4 : i32
      "tpu.region"() ({
        %run_scoped3A = tpu.sem_alloc : memref<!tpu.dma_semaphore, #tpu.memory_space<semaphore_mem>>
        %dma_start3A_70 = arith.constant 0 : i32
        %dma_start3A_71 = arith.constant 0 : i32
        %dma_start3A_72 = tpu.memref_slice %arg19[%dma_start3A_70, %dma_start3A_71] : memref<50000x32xf32, #tpu.memory_space<vmem_shared>> -> memref<50000x32xf32, #tpu.memory_space<vmem_shared>>
        tpu.enqueue_indirect_dma source(%arg18 : memref<64x32xf32, #tpu.memory_space<vmem>>) target(%dma_start3A_72 : memref<50000x32xf32, #tpu.memory_space<vmem_shared>>) offsets(%arg11 : memref<64xi32, #tpu.memory_space<vmem>>) semaphore(%run_scoped3A : memref<!tpu.dma_semaphore, #tpu.memory_space<semaphore_mem>>) {add = true}
        %dma_wait3A_73 = arith.constant 0 : i32
        %dma_wait3A_74 = arith.constant 0 : i32
        %dma_wait3A_75 = tpu.memref_slice %arg19[%dma_wait3A_73, %dma_wait3A_74] : memref<50000x32xf32, #tpu.memory_space<vmem_shared>> -> memref<50000x32xf32, #tpu.memory_space<vmem_shared>>
        tpu.wait_indirect_dma semaphore(%run_scoped3A : memref<!tpu.dma_semaphore, #tpu.memory_space<semaphore_mem>>) src(%arg18 : memref<64x32xf32, #tpu.memory_space<vmem>>) dst(%dma_wait3A_75 : memref<50000x32xf32, #tpu.memory_space<vmem_shared>>)
        tpu.yield
      }) : () -> ()
      %while3A_69 = arith.constant 0 : i32
      scf.yield %while3A_69 : i32
    }
    %while3A_20 = arith.constant 1 : i32
    %while3A_21 = scf.for %while3A_28 = %while3A_17 to %while3A_13 step %while3A_20 iter_args(%while3A_29 = %while3A_19) -> (i32)  : i32 {
      %add3A_30 = arith.addi %add3A_8, %while3A_28 : i32
      %mul3A_31 = arith.constant 64 : i32
      %mul3A_32 = arith.muli %add3A_30, %mul3A_31 : i32
      "tpu.region"() ({
        %run_scoped3A = tpu.sem_alloc : memref<!tpu.dma_semaphore, #tpu.memory_space<semaphore_mem>>
        %dma_start3A_70 = tpu.memref_slice %arg3[%mul3A_32] : memref<800000xi32, #tpu.memory_space<hbm>> -> memref<64xi32, #tpu.memory_space<hbm>>
        %dma_start3A_71 = tpu.memref_slice %arg3[%mul3A_32] : memref<800000xi32, #tpu.memory_space<hbm>> -> memref<64xi32, #tpu.memory_space<hbm>>
        tpu.enqueue_dma source(%dma_start3A_71 : memref<64xi32, #tpu.memory_space<hbm>>) target(%arg10 : memref<64xi32, #tpu.memory_space<vmem>>) target_semaphore(%run_scoped3A : memref<!tpu.dma_semaphore, #tpu.memory_space<semaphore_mem>>)
        %dma_wait3A_72 = tpu.memref_slice %arg3[%mul3A_32] : memref<800000xi32, #tpu.memory_space<hbm>> -> memref<64xi32, #tpu.memory_space<hbm>>
        %dma_wait3A_73 = tpu.memref_slice %arg3[%mul3A_32] : memref<800000xi32, #tpu.memory_space<hbm>> -> memref<64xi32, #tpu.memory_space<hbm>>
        tpu.wait_dma2 semaphore(%run_scoped3A : memref<!tpu.dma_semaphore, #tpu.memory_space<semaphore_mem>>) src(%dma_wait3A_73 : memref<64xi32, #tpu.memory_space<hbm>>) dst(%arg10 : memref<64xi32, #tpu.memory_space<vmem>>)
        tpu.yield
      }) : () -> ()
      "tpu.region"() ({
        %run_scoped3A = tpu.sem_alloc : memref<!tpu.dma_semaphore, #tpu.memory_space<semaphore_mem>>
        %dma_start3A_70 = tpu.memref_slice %arg4[%mul3A_32] : memref<800000xi32, #tpu.memory_space<hbm>> -> memref<64xi32, #tpu.memory_space<hbm>>
        %dma_start3A_71 = tpu.memref_slice %arg4[%mul3A_32] : memref<800000xi32, #tpu.memory_space<hbm>> -> memref<64xi32, #tpu.memory_space<hbm>>
        tpu.enqueue_dma source(%dma_start3A_71 : memref<64xi32, #tpu.memory_space<hbm>>) target(%arg11 : memref<64xi32, #tpu.memory_space<vmem>>) target_semaphore(%run_scoped3A : memref<!tpu.dma_semaphore, #tpu.memory_space<semaphore_mem>>)
        %dma_wait3A_72 = tpu.memref_slice %arg4[%mul3A_32] : memref<800000xi32, #tpu.memory_space<hbm>> -> memref<64xi32, #tpu.memory_space<hbm>>
        %dma_wait3A_73 = tpu.memref_slice %arg4[%mul3A_32] : memref<800000xi32, #tpu.memory_space<hbm>> -> memref<64xi32, #tpu.memory_space<hbm>>
        tpu.wait_dma2 semaphore(%run_scoped3A : memref<!tpu.dma_semaphore, #tpu.memory_space<semaphore_mem>>) src(%dma_wait3A_73 : memref<64xi32, #tpu.memory_space<hbm>>) dst(%arg11 : memref<64xi32, #tpu.memory_space<vmem>>)
        tpu.yield
      }) : () -> ()
      "tpu.region"() ({
        %run_scoped3A = tpu.sem_alloc : memref<!tpu.dma_semaphore, #tpu.memory_space<semaphore_mem>>
        %dma_start3A_70 = tpu.memref_slice %arg5[%mul3A_32] : memref<800000xf32, #tpu.memory_space<hbm>> -> memref<64xf32, #tpu.memory_space<hbm>>
        %dma_start3A_71 = tpu.memref_slice %arg5[%mul3A_32] : memref<800000xf32, #tpu.memory_space<hbm>> -> memref<64xf32, #tpu.memory_space<hbm>>
        tpu.enqueue_dma source(%dma_start3A_71 : memref<64xf32, #tpu.memory_space<hbm>>) target(%arg14 : memref<64xf32, #tpu.memory_space<vmem>>) target_semaphore(%run_scoped3A : memref<!tpu.dma_semaphore, #tpu.memory_space<semaphore_mem>>)
        %dma_wait3A_72 = tpu.memref_slice %arg5[%mul3A_32] : memref<800000xf32, #tpu.memory_space<hbm>> -> memref<64xf32, #tpu.memory_space<hbm>>
        %dma_wait3A_73 = tpu.memref_slice %arg5[%mul3A_32] : memref<800000xf32, #tpu.memory_space<hbm>> -> memref<64xf32, #tpu.memory_space<hbm>>
        tpu.wait_dma2 semaphore(%run_scoped3A : memref<!tpu.dma_semaphore, #tpu.memory_space<semaphore_mem>>) src(%dma_wait3A_73 : memref<64xf32, #tpu.memory_space<hbm>>) dst(%arg14 : memref<64xf32, #tpu.memory_space<vmem>>)
        tpu.yield
      }) : () -> ()
      "tpu.region"() ({
        %run_scoped3A = tpu.sem_alloc : memref<!tpu.dma_semaphore, #tpu.memory_space<semaphore_mem>>
        %dma_start3A_70 = tpu.memref_slice %arg6[%mul3A_32] : memref<800000xf32, #tpu.memory_space<hbm>> -> memref<64xf32, #tpu.memory_space<hbm>>
        %dma_start3A_71 = tpu.memref_slice %arg6[%mul3A_32] : memref<800000xf32, #tpu.memory_space<hbm>> -> memref<64xf32, #tpu.memory_space<hbm>>
        tpu.enqueue_dma source(%dma_start3A_71 : memref<64xf32, #tpu.memory_space<hbm>>) target(%arg15 : memref<64xf32, #tpu.memory_space<vmem>>) target_semaphore(%run_scoped3A : memref<!tpu.dma_semaphore, #tpu.memory_space<semaphore_mem>>)
        %dma_wait3A_72 = tpu.memref_slice %arg6[%mul3A_32] : memref<800000xf32, #tpu.memory_space<hbm>> -> memref<64xf32, #tpu.memory_space<hbm>>
        %dma_wait3A_73 = tpu.memref_slice %arg6[%mul3A_32] : memref<800000xf32, #tpu.memory_space<hbm>> -> memref<64xf32, #tpu.memory_space<hbm>>
        tpu.wait_dma2 semaphore(%run_scoped3A : memref<!tpu.dma_semaphore, #tpu.memory_space<semaphore_mem>>) src(%dma_wait3A_73 : memref<64xf32, #tpu.memory_space<hbm>>) dst(%arg15 : memref<64xf32, #tpu.memory_space<vmem>>)
        tpu.yield
      }) : () -> ()
      %scan3A = arith.constant 0 : i32
      %scan3A_33 = arith.constant 0 : i32
      %scan3A_34 = arith.constant 4 : i32
      %scan3A_35 = arith.addi %scan3A_33, %scan3A_34 : i32
      %scan3A_36 = arith.constant 1 : i32
      %scan3A_37 = scf.for %scan3A_70 = %scan3A_33 to %scan3A_35 step %scan3A_36 iter_args(%scan3A_71 = %scan3A) -> (i32)  : i32 {
        %mul3A_72 = arith.constant 16 : i32
        %mul3A_73 = arith.muli %scan3A_70, %mul3A_72 : i32
        %add3A_74 = vector.broadcast %mul3A_73 : i32 to vector<16xi32>
        %add3A_75 = arith.addi %iota3A, %add3A_74 : vector<16xi32>
        %gather3A = tpu.vector_load_idx %arg11[%add3A_75] : memref<64xi32, #tpu.memory_space<vmem>>[vector<16xi32>], vector<16xi32>,
        %mul3A_76 = arith.constant 2 : i32
        %mul3A_77 = vector.broadcast %mul3A_76 : i32 to vector<16xi32>
        %mul3A_78 = arith.muli %gather3A, %mul3A_77 : vector<16xi32>
        %shift_right_arithmetic3A = arith.constant 7 : i32
        %shift_right_arithmetic3A_79 = vector.broadcast %shift_right_arithmetic3A : i32 to vector<16xi32>
        %shift_right_arithmetic3A_80 = arith.shrsi %mul3A_78, %shift_right_arithmetic3A_79 : vector<16xi32>
        tpu.vector_store_idx %arg12[%add3A_75], %shift_right_arithmetic3A_80 : memref<64xi32, #tpu.memory_space<vmem>>[vector<16xi32>], vector<16xi32>,
        %scan3A_81 = arith.constant 0 : i32
        scf.yield %scan3A_81 : i32
      }
      %scan3A_38 = arith.constant 4 : i32
      %dma_start3A = arith.constant 0 : i32
      %dma_start3A_39 = arith.constant 0 : i32
      %dma_start3A_40 = tpu.memref_slice %arg2[%dma_start3A, %dma_start3A_39] : memref<50000x128xf32, #tpu.memory_space<hbm>> -> memref<50000x128xf32, #tpu.memory_space<hbm>>
      tpu.enqueue_indirect_dma source(%dma_start3A_40 : memref<50000x128xf32, #tpu.memory_space<hbm>>) target(%arg13 : memref<64x128xf32, #tpu.memory_space<vmem>>) offsets(%arg10 : memref<64xi32, #tpu.memory_space<vmem>>) semaphore(%arg20 : memref<!tpu.dma_semaphore, #tpu.memory_space<semaphore_mem>>)
      %dma_wait3A = arith.constant 0 : i32
      %dma_wait3A_41 = arith.constant 0 : i32
      %dma_wait3A_42 = tpu.memref_slice %arg2[%dma_wait3A, %dma_wait3A_41] : memref<50000x128xf32, #tpu.memory_space<hbm>> -> memref<50000x128xf32, #tpu.memory_space<hbm>>
      tpu.wait_indirect_dma semaphore(%arg20 : memref<!tpu.dma_semaphore, #tpu.memory_space<semaphore_mem>>) src(%dma_wait3A_42 : memref<50000x128xf32, #tpu.memory_space<hbm>>) dst(%arg13 : memref<64x128xf32, #tpu.memory_space<vmem>>)
      %dma_start3A_43 = arith.constant 0 : i32
      %dma_start3A_44 = arith.constant 0 : i32
      %dma_start3A_45 = tpu.memref_slice %arg7[%dma_start3A_43, %dma_start3A_44] : memref<1600x128xf32, #tpu.memory_space<hbm>> -> memref<1600x128xf32, #tpu.memory_space<hbm>>
      tpu.enqueue_indirect_dma source(%dma_start3A_45 : memref<1600x128xf32, #tpu.memory_space<hbm>>) target(%arg16 : memref<64x128xf32, #tpu.memory_space<vmem>>) offsets(%arg12 : memref<64xi32, #tpu.memory_space<vmem>>) semaphore(%arg20 : memref<!tpu.dma_semaphore, #tpu.memory_space<semaphore_mem>>)
      %dma_wait3A_46 = arith.constant 0 : i32
      %dma_wait3A_47 = arith.constant 0 : i32
      %dma_wait3A_48 = tpu.memref_slice %arg7[%dma_wait3A_46, %dma_wait3A_47] : memref<1600x128xf32, #tpu.memory_space<hbm>> -> memref<1600x128xf32, #tpu.memory_space<hbm>>
      tpu.wait_indirect_dma semaphore(%arg20 : memref<!tpu.dma_semaphore, #tpu.memory_space<semaphore_mem>>) src(%dma_wait3A_48 : memref<1600x128xf32, #tpu.memory_space<hbm>>) dst(%arg16 : memref<64x128xf32, #tpu.memory_space<vmem>>)
      %scan3A_49 = arith.constant 0 : i32
      %scan3A_50 = arith.constant 0 : i32
      %scan3A_51 = arith.constant 4 : i32
      %scan3A_52 = arith.addi %scan3A_50, %scan3A_51 : i32
      %scan3A_53 = arith.constant 1 : i32
      %scan3A_54 = scf.for %scan3A_70 = %scan3A_50 to %scan3A_52 step %scan3A_53 iter_args(%scan3A_71 = %scan3A_49) -> (i32)  : i32 {
        %mul3A_72 = arith.constant 16 : i32
        %mul3A_73 = arith.muli %scan3A_70, %mul3A_72 : i32
        %add3A_74 = vector.broadcast %mul3A_73 : i32 to vector<16xi32>
        %add3A_75 = arith.addi %iota3A, %add3A_74 : vector<16xi32>
        %gather3A = tpu.vector_load_idx %arg12[%add3A_75] : memref<64xi32, #tpu.memory_space<vmem>>[vector<16xi32>], vector<16xi32>,
        %add3A_76 = arith.constant 800 : i32
        %add3A_77 = vector.broadcast %add3A_76 : i32 to vector<16xi32>
        %add3A_78 = arith.addi %gather3A, %add3A_77 : vector<16xi32>
        tpu.vector_store_idx %arg12[%add3A_75], %add3A_78 : memref<64xi32, #tpu.memory_space<vmem>>[vector<16xi32>], vector<16xi32>,
        %scan3A_79 = arith.constant 0 : i32
        scf.yield %scan3A_79 : i32
      }
      %scan3A_55 = arith.constant 4 : i32
      %dma_start3A_56 = arith.constant 0 : i32
      %dma_start3A_57 = arith.constant 0 : i32
      %dma_start3A_58 = tpu.memref_slice %arg7[%dma_start3A_56, %dma_start3A_57] : memref<1600x128xf32, #tpu.memory_space<hbm>> -> memref<1600x128xf32, #tpu.memory_space<hbm>>
      tpu.enqueue_indirect_dma source(%dma_start3A_58 : memref<1600x128xf32, #tpu.memory_space<hbm>>) target(%arg17 : memref<64x128xf32, #tpu.memory_space<vmem>>) offsets(%arg12 : memref<64xi32, #tpu.memory_space<vmem>>) semaphore(%arg20 : memref<!tpu.dma_semaphore, #tpu.memory_space<semaphore_mem>>)
      %dma_wait3A_59 = arith.constant 0 : i32
      %dma_wait3A_60 = arith.constant 0 : i32
      %dma_wait3A_61 = tpu.memref_slice %arg7[%dma_wait3A_59, %dma_wait3A_60] : memref<1600x128xf32, #tpu.memory_space<hbm>> -> memref<1600x128xf32, #tpu.memory_space<hbm>>
      tpu.wait_indirect_dma semaphore(%arg20 : memref<!tpu.dma_semaphore, #tpu.memory_space<semaphore_mem>>) src(%dma_wait3A_61 : memref<1600x128xf32, #tpu.memory_space<hbm>>) dst(%arg17 : memref<64x128xf32, #tpu.memory_space<vmem>>)
      %scan3A_62 = arith.constant 0 : i32
      %scan3A_63 = arith.constant 0 : i32
      %scan3A_64 = arith.constant 4 : i32
      %scan3A_65 = arith.addi %scan3A_63, %scan3A_64 : i32
      %scan3A_66 = arith.constant 1 : i32
      %scan3A_67 = scf.for %scan3A_70 = %scan3A_63 to %scan3A_65 step %scan3A_66 iter_args(%scan3A_71 = %scan3A_62) -> (i32)  : i32 {
        %mul3A_72 = arith.constant 16 : i32
        %mul3A_73 = arith.muli %scan3A_70, %mul3A_72 : i32
        %add3A_74 = vector.broadcast %mul3A_73 : i32 to vector<16xi32>
        %add3A_75 = arith.addi %iota3A, %add3A_74 : vector<16xi32>
        %gather3A = tpu.vector_load_idx %arg14[%add3A_75] : memref<64xf32, #tpu.memory_space<vmem>>[vector<16xi32>], vector<16xf32>,
        %gather3A_76 = tpu.vector_load_idx %arg15[%add3A_75] : memref<64xf32, #tpu.memory_space<vmem>>[vector<16xi32>], vector<16xf32>,
        %gather3A_77 = tpu.vector_load_idx %arg11[%add3A_75] : memref<64xi32, #tpu.memory_space<vmem>>[vector<16xi32>], vector<16xi32>,
        %mul3A_78 = arith.constant 2 : i32
        %mul3A_79 = vector.broadcast %mul3A_78 : i32 to vector<16xi32>
        %mul3A_80 = arith.muli %gather3A_77, %mul3A_79 : vector<16xi32>
        %and3A = arith.constant 127 : i32
        %and3A_81 = vector.broadcast %and3A : i32 to vector<16xi32>
        %and3A_82 = arith.andi %mul3A_80, %and3A_81 : vector<16xi32>
        %gather3A_83 = tpu.vector_load_idx %arg16[%add3A_75, %and3A_82] : memref<64x128xf32, #tpu.memory_space<vmem>>[vector<16xi32>, vector<16xi32>], vector<16xf32>,
        %gather3A_84 = tpu.vector_load_idx %arg17[%add3A_75, %and3A_82] : memref<64x128xf32, #tpu.memory_space<vmem>>[vector<16xi32>, vector<16xi32>], vector<16xf32>,
        %add3A_85 = arith.addf %gather3A_83, %gather3A_84 : vector<16xf32>
        %add3A_86 = arith.constant 1 : i32
        %add3A_87 = vector.broadcast %add3A_86 : i32 to vector<16xi32>
        %add3A_88 = arith.addi %and3A_82, %add3A_87 : vector<16xi32>
        %gather3A_89 = tpu.vector_load_idx %arg16[%add3A_75, %add3A_88] : memref<64x128xf32, #tpu.memory_space<vmem>>[vector<16xi32>, vector<16xi32>], vector<16xf32>,
        %add3A_90 = arith.constant 1 : i32
        %add3A_91 = vector.broadcast %add3A_90 : i32 to vector<16xi32>
        %add3A_92 = arith.addi %and3A_82, %add3A_91 : vector<16xi32>
        %gather3A_93 = tpu.vector_load_idx %arg17[%add3A_75, %add3A_92] : memref<64x128xf32, #tpu.memory_space<vmem>>[vector<16xi32>, vector<16xi32>], vector<16xf32>,
        %add3A_94 = arith.addf %gather3A_89, %gather3A_93 : vector<16xf32>
        %mul3A_95 = arith.constant 5.000000e-01 : f32
        %mul3A_96 = vector.broadcast %mul3A_95 : f32 to vector<16xf32>
        %mul3A_97 = arith.mulf %mul3A_96, %gather3A : vector<16xf32>
        %add3A_98 = arith.constant 1.000000e-16 : f32
        %add3A_99 = vector.broadcast %add3A_98 : f32 to vector<16xf32>
        %add3A_100 = arith.addf %add3A_85, %add3A_99 : vector<16xf32>
        %div3A = arith.divf %mul3A_97, %add3A_100 : vector<16xf32>
        %mul3A_101 = arith.constant 5.000000e-01 : f32
        %mul3A_102 = vector.broadcast %mul3A_101 : f32 to vector<16xf32>
        %mul3A_103 = arith.mulf %mul3A_102, %gather3A_76 : vector<16xf32>
        %add3A_104 = arith.constant 1.000000e-16 : f32
        %add3A_105 = vector.broadcast %add3A_104 : f32 to vector<16xf32>
        %add3A_106 = arith.addf %add3A_94, %add3A_105 : vector<16xf32>
        %div3A_107 = arith.divf %mul3A_103, %add3A_106 : vector<16xf32>
        %broadcast_in_dim3A = arith.constant 0 : i32
        %broadcast_in_dim3A_108 = vector.broadcast %broadcast_in_dim3A : i32 to vector<16xi32>
        %broadcast_in_dim3A_109 = arith.constant 32 : i32
        %broadcast_in_dim3A_110 = vector.broadcast %broadcast_in_dim3A_109 : i32 to vector<16xi32>
        %gather3A_111 = tpu.vector_load_idx %arg13[%add3A_75, %broadcast_in_dim3A_108] : memref<64x128xf32, #tpu.memory_space<vmem>>[vector<16xi32>, vector<16xi32>], vector<16xf32>,
        %gather3A_112 = tpu.vector_load_idx %arg13[%add3A_75, %broadcast_in_dim3A_110] : memref<64x128xf32, #tpu.memory_space<vmem>>[vector<16xi32>, vector<16xi32>], vector<16xf32>,
        %mul3A_113 = arith.mulf %gather3A_111, %div3A : vector<16xf32>
        %mul3A_114 = arith.mulf %gather3A_112, %div3A_107 : vector<16xf32>
        %add3A_115 = arith.addf %mul3A_113, %mul3A_114 : vector<16xf32>
        tpu.vector_store_idx %arg18[%add3A_75, %broadcast_in_dim3A_108], %add3A_115 : memref<64x32xf32, #tpu.memory_space<vmem>>[vector<16xi32>, vector<16xi32>], vector<16xf32>,
        %broadcast_in_dim3A_116 = arith.constant 1 : i32
        %broadcast_in_dim3A_117 = vector.broadcast %broadcast_in_dim3A_116 : i32 to vector<16xi32>
        %broadcast_in_dim3A_118 = arith.constant 33 : i32
        %broadcast_in_dim3A_119 = vector.broadcast %broadcast_in_dim3A_118 : i32 to vector<16xi32>
        %gather3A_120 = tpu.vector_load_idx %arg13[%add3A_75, %broadcast_in_dim3A_117] : memref<64x128xf32, #tpu.memory_space<vmem>>[vector<16xi32>, vector<16xi32>], vector<16xf32>,
        %gather3A_121 = tpu.vector_load_idx %arg13[%add3A_75, %broadcast_in_dim3A_119] : memref<64x128xf32, #tpu.memory_space<vmem>>[vector<16xi32>, vector<16xi32>], vector<16xf32>,
        %mul3A_122 = arith.mulf %gather3A_120, %div3A : vector<16xf32>
        %mul3A_123 = arith.mulf %gather3A_121, %div3A_107 : vector<16xf32>
        %add3A_124 = arith.addf %mul3A_122, %mul3A_123 : vector<16xf32>
        tpu.vector_store_idx %arg18[%add3A_75, %broadcast_in_dim3A_117], %add3A_124 : memref<64x32xf32, #tpu.memory_space<vmem>>[vector<16xi32>, vector<16xi32>], vector<16xf32>,
        %broadcast_in_dim3A_125 = arith.constant 2 : i32
        %broadcast_in_dim3A_126 = vector.broadcast %broadcast_in_dim3A_125 : i32 to vector<16xi32>
        %broadcast_in_dim3A_127 = arith.constant 34 : i32
        %broadcast_in_dim3A_128 = vector.broadcast %broadcast_in_dim3A_127 : i32 to vector<16xi32>
        %gather3A_129 = tpu.vector_load_idx %arg13[%add3A_75, %broadcast_in_dim3A_126] : memref<64x128xf32, #tpu.memory_space<vmem>>[vector<16xi32>, vector<16xi32>], vector<16xf32>,
        %gather3A_130 = tpu.vector_load_idx %arg13[%add3A_75, %broadcast_in_dim3A_128] : memref<64x128xf32, #tpu.memory_space<vmem>>[vector<16xi32>, vector<16xi32>], vector<16xf32>,
        %mul3A_131 = arith.mulf %gather3A_129, %div3A : vector<16xf32>
        %mul3A_132 = arith.mulf %gather3A_130, %div3A_107 : vector<16xf32>
        %add3A_133 = arith.addf %mul3A_131, %mul3A_132 : vector<16xf32>
        tpu.vector_store_idx %arg18[%add3A_75, %broadcast_in_dim3A_126], %add3A_133 : memref<64x32xf32, #tpu.memory_space<vmem>>[vector<16xi32>, vector<16xi32>], vector<16xf32>,
        %broadcast_in_dim3A_134 = arith.constant 3 : i32
        %broadcast_in_dim3A_135 = vector.broadcast %broadcast_in_dim3A_134 : i32 to vector<16xi32>
        %broadcast_in_dim3A_136 = arith.constant 35 : i32
        %broadcast_in_dim3A_137 = vector.broadcast %broadcast_in_dim3A_136 : i32 to vector<16xi32>
        %gather3A_138 = tpu.vector_load_idx %arg13[%add3A_75, %broadcast_in_dim3A_135] : memref<64x128xf32, #tpu.memory_space<vmem>>[vector<16xi32>, vector<16xi32>], vector<16xf32>,
        %gather3A_139 = tpu.vector_load_idx %arg13[%add3A_75, %broadcast_in_dim3A_137] : memref<64x128xf32, #tpu.memory_space<vmem>>[vector<16xi32>, vector<16xi32>], vector<16xf32>,
        %mul3A_140 = arith.mulf %gather3A_138, %div3A : vector<16xf32>
        %mul3A_141 = arith.mulf %gather3A_139, %div3A_107 : vector<16xf32>
        %add3A_142 = arith.addf %mul3A_140, %mul3A_141 : vector<16xf32>
        tpu.vector_store_idx %arg18[%add3A_75, %broadcast_in_dim3A_135], %add3A_142 : memref<64x32xf32, #tpu.memory_space<vmem>>[vector<16xi32>, vector<16xi32>], vector<16xf32>,
        %broadcast_in_dim3A_143 = arith.constant 4 : i32
        %broadcast_in_dim3A_144 = vector.broadcast %broadcast_in_dim3A_143 : i32 to vector<16xi32>
        %broadcast_in_dim3A_145 = arith.constant 36 : i32
        %broadcast_in_dim3A_146 = vector.broadcast %broadcast_in_dim3A_145 : i32 to vector<16xi32>
        %gather3A_147 = tpu.vector_load_idx %arg13[%add3A_75, %broadcast_in_dim3A_144] : memref<64x128xf32, #tpu.memory_space<vmem>>[vector<16xi32>, vector<16xi32>], vector<16xf32>,
        %gather3A_148 = tpu.vector_load_idx %arg13[%add3A_75, %broadcast_in_dim3A_146] : memref<64x128xf32, #tpu.memory_space<vmem>>[vector<16xi32>, vector<16xi32>], vector<16xf32>,
        %mul3A_149 = arith.mulf %gather3A_147, %div3A : vector<16xf32>
        %mul3A_150 = arith.mulf %gather3A_148, %div3A_107 : vector<16xf32>
        %add3A_151 = arith.addf %mul3A_149, %mul3A_150 : vector<16xf32>
        tpu.vector_store_idx %arg18[%add3A_75, %broadcast_in_dim3A_144], %add3A_151 : memref<64x32xf32, #tpu.memory_space<vmem>>[vector<16xi32>, vector<16xi32>], vector<16xf32>,
        %broadcast_in_dim3A_152 = arith.constant 5 : i32
        %broadcast_in_dim3A_153 = vector.broadcast %broadcast_in_dim3A_152 : i32 to vector<16xi32>
        %broadcast_in_dim3A_154 = arith.constant 37 : i32
        %broadcast_in_dim3A_155 = vector.broadcast %broadcast_in_dim3A_154 : i32 to vector<16xi32>
        %gather3A_156 = tpu.vector_load_idx %arg13[%add3A_75, %broadcast_in_dim3A_153] : memref<64x128xf32, #tpu.memory_space<vmem>>[vector<16xi32>, vector<16xi32>], vector<16xf32>,
        %gather3A_157 = tpu.vector_load_idx %arg13[%add3A_75, %broadcast_in_dim3A_155] : memref<64x128xf32, #tpu.memory_space<vmem>>[vector<16xi32>, vector<16xi32>], vector<16xf32>,
        %mul3A_158 = arith.mulf %gather3A_156, %div3A : vector<16xf32>
        %mul3A_159 = arith.mulf %gather3A_157, %div3A_107 : vector<16xf32>
        %add3A_160 = arith.addf %mul3A_158, %mul3A_159 : vector<16xf32>
        tpu.vector_store_idx %arg18[%add3A_75, %broadcast_in_dim3A_153], %add3A_160 : memref<64x32xf32, #tpu.memory_space<vmem>>[vector<16xi32>, vector<16xi32>], vector<16xf32>,
        %broadcast_in_dim3A_161 = arith.constant 6 : i32
        %broadcast_in_dim3A_162 = vector.broadcast %broadcast_in_dim3A_161 : i32 to vector<16xi32>
        %broadcast_in_dim3A_163 = arith.constant 38 : i32
        %broadcast_in_dim3A_164 = vector.broadcast %broadcast_in_dim3A_163 : i32 to vector<16xi32>
        %gather3A_165 = tpu.vector_load_idx %arg13[%add3A_75, %broadcast_in_dim3A_162] : memref<64x128xf32, #tpu.memory_space<vmem>>[vector<16xi32>, vector<16xi32>], vector<16xf32>,
        %gather3A_166 = tpu.vector_load_idx %arg13[%add3A_75, %broadcast_in_dim3A_164] : memref<64x128xf32, #tpu.memory_space<vmem>>[vector<16xi32>, vector<16xi32>], vector<16xf32>,
        %mul3A_167 = arith.mulf %gather3A_165, %div3A : vector<16xf32>
        %mul3A_168 = arith.mulf %gather3A_166, %div3A_107 : vector<16xf32>
        %add3A_169 = arith.addf %mul3A_167, %mul3A_168 : vector<16xf32>
        tpu.vector_store_idx %arg18[%add3A_75, %broadcast_in_dim3A_162], %add3A_169 : memref<64x32xf32, #tpu.memory_space<vmem>>[vector<16xi32>, vector<16xi32>], vector<16xf32>,
        %broadcast_in_dim3A_170 = arith.constant 7 : i32
        %broadcast_in_dim3A_171 = vector.broadcast %broadcast_in_dim3A_170 : i32 to vector<16xi32>
        %broadcast_in_dim3A_172 = arith.constant 39 : i32
        %broadcast_in_dim3A_173 = vector.broadcast %broadcast_in_dim3A_172 : i32 to vector<16xi32>
        %gather3A_174 = tpu.vector_load_idx %arg13[%add3A_75, %broadcast_in_dim3A_171] : memref<64x128xf32, #tpu.memory_space<vmem>>[vector<16xi32>, vector<16xi32>], vector<16xf32>,
        %gather3A_175 = tpu.vector_load_idx %arg13[%add3A_75, %broadcast_in_dim3A_173] : memref<64x128xf32, #tpu.memory_space<vmem>>[vector<16xi32>, vector<16xi32>], vector<16xf32>,
        %mul3A_176 = arith.mulf %gather3A_174, %div3A : vector<16xf32>
        %mul3A_177 = arith.mulf %gather3A_175, %div3A_107 : vector<16xf32>
        %add3A_178 = arith.addf %mul3A_176, %mul3A_177 : vector<16xf32>
        tpu.vector_store_idx %arg18[%add3A_75, %broadcast_in_dim3A_171], %add3A_178 : memref<64x32xf32, #tpu.memory_space<vmem>>[vector<16xi32>, vector<16xi32>], vector<16xf32>,
        %broadcast_in_dim3A_179 = arith.constant 8 : i32
        %broadcast_in_dim3A_180 = vector.broadcast %broadcast_in_dim3A_179 : i32 to vector<16xi32>
        %broadcast_in_dim3A_181 = arith.constant 40 : i32
        %broadcast_in_dim3A_182 = vector.broadcast %broadcast_in_dim3A_181 : i32 to vector<16xi32>
        %gather3A_183 = tpu.vector_load_idx %arg13[%add3A_75, %broadcast_in_dim3A_180] : memref<64x128xf32, #tpu.memory_space<vmem>>[vector<16xi32>, vector<16xi32>], vector<16xf32>,
        %gather3A_184 = tpu.vector_load_idx %arg13[%add3A_75, %broadcast_in_dim3A_182] : memref<64x128xf32, #tpu.memory_space<vmem>>[vector<16xi32>, vector<16xi32>], vector<16xf32>,
        %mul3A_185 = arith.mulf %gather3A_183, %div3A : vector<16xf32>
        %mul3A_186 = arith.mulf %gather3A_184, %div3A_107 : vector<16xf32>
        %add3A_187 = arith.addf %mul3A_185, %mul3A_186 : vector<16xf32>
        tpu.vector_store_idx %arg18[%add3A_75, %broadcast_in_dim3A_180], %add3A_187 : memref<64x32xf32, #tpu.memory_space<vmem>>[vector<16xi32>, vector<16xi32>], vector<16xf32>,
        %broadcast_in_dim3A_188 = arith.constant 9 : i32
        %broadcast_in_dim3A_189 = vector.broadcast %broadcast_in_dim3A_188 : i32 to vector<16xi32>
        %broadcast_in_dim3A_190 = arith.constant 41 : i32
        %broadcast_in_dim3A_191 = vector.broadcast %broadcast_in_dim3A_190 : i32 to vector<16xi32>
        %gather3A_192 = tpu.vector_load_idx %arg13[%add3A_75, %broadcast_in_dim3A_189] : memref<64x128xf32, #tpu.memory_space<vmem>>[vector<16xi32>, vector<16xi32>], vector<16xf32>,
        %gather3A_193 = tpu.vector_load_idx %arg13[%add3A_75, %broadcast_in_dim3A_191] : memref<64x128xf32, #tpu.memory_space<vmem>>[vector<16xi32>, vector<16xi32>], vector<16xf32>,
        %mul3A_194 = arith.mulf %gather3A_192, %div3A : vector<16xf32>
        %mul3A_195 = arith.mulf %gather3A_193, %div3A_107 : vector<16xf32>
        %add3A_196 = arith.addf %mul3A_194, %mul3A_195 : vector<16xf32>
        tpu.vector_store_idx %arg18[%add3A_75, %broadcast_in_dim3A_189], %add3A_196 : memref<64x32xf32, #tpu.memory_space<vmem>>[vector<16xi32>, vector<16xi32>], vector<16xf32>,
        %broadcast_in_dim3A_197 = arith.constant 10 : i32
        %broadcast_in_dim3A_198 = vector.broadcast %broadcast_in_dim3A_197 : i32 to vector<16xi32>
        %broadcast_in_dim3A_199 = arith.constant 42 : i32
        %broadcast_in_dim3A_200 = vector.broadcast %broadcast_in_dim3A_199 : i32 to vector<16xi32>
        %gather3A_201 = tpu.vector_load_idx %arg13[%add3A_75, %broadcast_in_dim3A_198] : memref<64x128xf32, #tpu.memory_space<vmem>>[vector<16xi32>, vector<16xi32>], vector<16xf32>,
        %gather3A_202 = tpu.vector_load_idx %arg13[%add3A_75, %broadcast_in_dim3A_200] : memref<64x128xf32, #tpu.memory_space<vmem>>[vector<16xi32>, vector<16xi32>], vector<16xf32>,
        %mul3A_203 = arith.mulf %gather3A_201, %div3A : vector<16xf32>
        %mul3A_204 = arith.mulf %gather3A_202, %div3A_107 : vector<16xf32>
        %add3A_205 = arith.addf %mul3A_203, %mul3A_204 : vector<16xf32>
        tpu.vector_store_idx %arg18[%add3A_75, %broadcast_in_dim3A_198], %add3A_205 : memref<64x32xf32, #tpu.memory_space<vmem>>[vector<16xi32>, vector<16xi32>], vector<16xf32>,
        %broadcast_in_dim3A_206 = arith.constant 11 : i32
        %broadcast_in_dim3A_207 = vector.broadcast %broadcast_in_dim3A_206 : i32 to vector<16xi32>
        %broadcast_in_dim3A_208 = arith.constant 43 : i32
        %broadcast_in_dim3A_209 = vector.broadcast %broadcast_in_dim3A_208 : i32 to vector<16xi32>
        %gather3A_210 = tpu.vector_load_idx %arg13[%add3A_75, %broadcast_in_dim3A_207] : memref<64x128xf32, #tpu.memory_space<vmem>>[vector<16xi32>, vector<16xi32>], vector<16xf32>,
        %gather3A_211 = tpu.vector_load_idx %arg13[%add3A_75, %broadcast_in_dim3A_209] : memref<64x128xf32, #tpu.memory_space<vmem>>[vector<16xi32>, vector<16xi32>], vector<16xf32>,
        %mul3A_212 = arith.mulf %gather3A_210, %div3A : vector<16xf32>
        %mul3A_213 = arith.mulf %gather3A_211, %div3A_107 : vector<16xf32>
        %add3A_214 = arith.addf %mul3A_212, %mul3A_213 : vector<16xf32>
        tpu.vector_store_idx %arg18[%add3A_75, %broadcast_in_dim3A_207], %add3A_214 : memref<64x32xf32, #tpu.memory_space<vmem>>[vector<16xi32>, vector<16xi32>], vector<16xf32>,
        %broadcast_in_dim3A_215 = arith.constant 12 : i32
        %broadcast_in_dim3A_216 = vector.broadcast %broadcast_in_dim3A_215 : i32 to vector<16xi32>
        %broadcast_in_dim3A_217 = arith.constant 44 : i32
        %broadcast_in_dim3A_218 = vector.broadcast %broadcast_in_dim3A_217 : i32 to vector<16xi32>
        %gather3A_219 = tpu.vector_load_idx %arg13[%add3A_75, %broadcast_in_dim3A_216] : memref<64x128xf32, #tpu.memory_space<vmem>>[vector<16xi32>, vector<16xi32>], vector<16xf32>,
        %gather3A_220 = tpu.vector_load_idx %arg13[%add3A_75, %broadcast_in_dim3A_218] : memref<64x128xf32, #tpu.memory_space<vmem>>[vector<16xi32>, vector<16xi32>], vector<16xf32>,
        %mul3A_221 = arith.mulf %gather3A_219, %div3A : vector<16xf32>
        %mul3A_222 = arith.mulf %gather3A_220, %div3A_107 : vector<16xf32>
        %add3A_223 = arith.addf %mul3A_221, %mul3A_222 : vector<16xf32>
        tpu.vector_store_idx %arg18[%add3A_75, %broadcast_in_dim3A_216], %add3A_223 : memref<64x32xf32, #tpu.memory_space<vmem>>[vector<16xi32>, vector<16xi32>], vector<16xf32>,
        %broadcast_in_dim3A_224 = arith.constant 13 : i32
        %broadcast_in_dim3A_225 = vector.broadcast %broadcast_in_dim3A_224 : i32 to vector<16xi32>
        %broadcast_in_dim3A_226 = arith.constant 45 : i32
        %broadcast_in_dim3A_227 = vector.broadcast %broadcast_in_dim3A_226 : i32 to vector<16xi32>
        %gather3A_228 = tpu.vector_load_idx %arg13[%add3A_75, %broadcast_in_dim3A_225] : memref<64x128xf32, #tpu.memory_space<vmem>>[vector<16xi32>, vector<16xi32>], vector<16xf32>,
        %gather3A_229 = tpu.vector_load_idx %arg13[%add3A_75, %broadcast_in_dim3A_227] : memref<64x128xf32, #tpu.memory_space<vmem>>[vector<16xi32>, vector<16xi32>], vector<16xf32>,
        %mul3A_230 = arith.mulf %gather3A_228, %div3A : vector<16xf32>
        %mul3A_231 = arith.mulf %gather3A_229, %div3A_107 : vector<16xf32>
        %add3A_232 = arith.addf %mul3A_230, %mul3A_231 : vector<16xf32>
        tpu.vector_store_idx %arg18[%add3A_75, %broadcast_in_dim3A_225], %add3A_232 : memref<64x32xf32, #tpu.memory_space<vmem>>[vector<16xi32>, vector<16xi32>], vector<16xf32>,
        %broadcast_in_dim3A_233 = arith.constant 14 : i32
        %broadcast_in_dim3A_234 = vector.broadcast %broadcast_in_dim3A_233 : i32 to vector<16xi32>
        %broadcast_in_dim3A_235 = arith.constant 46 : i32
        %broadcast_in_dim3A_236 = vector.broadcast %broadcast_in_dim3A_235 : i32 to vector<16xi32>
        %gather3A_237 = tpu.vector_load_idx %arg13[%add3A_75, %broadcast_in_dim3A_234] : memref<64x128xf32, #tpu.memory_space<vmem>>[vector<16xi32>, vector<16xi32>], vector<16xf32>,
        %gather3A_238 = tpu.vector_load_idx %arg13[%add3A_75, %broadcast_in_dim3A_236] : memref<64x128xf32, #tpu.memory_space<vmem>>[vector<16xi32>, vector<16xi32>], vector<16xf32>,
        %mul3A_239 = arith.mulf %gather3A_237, %div3A : vector<16xf32>
        %mul3A_240 = arith.mulf %gather3A_238, %div3A_107 : vector<16xf32>
        %add3A_241 = arith.addf %mul3A_239, %mul3A_240 : vector<16xf32>
        tpu.vector_store_idx %arg18[%add3A_75, %broadcast_in_dim3A_234], %add3A_241 : memref<64x32xf32, #tpu.memory_space<vmem>>[vector<16xi32>, vector<16xi32>], vector<16xf32>,
        %broadcast_in_dim3A_242 = arith.constant 15 : i32
        %broadcast_in_dim3A_243 = vector.broadcast %broadcast_in_dim3A_242 : i32 to vector<16xi32>
        %broadcast_in_dim3A_244 = arith.constant 47 : i32
        %broadcast_in_dim3A_245 = vector.broadcast %broadcast_in_dim3A_244 : i32 to vector<16xi32>
        %gather3A_246 = tpu.vector_load_idx %arg13[%add3A_75, %broadcast_in_dim3A_243] : memref<64x128xf32, #tpu.memory_space<vmem>>[vector<16xi32>, vector<16xi32>], vector<16xf32>,
        %gather3A_247 = tpu.vector_load_idx %arg13[%add3A_75, %broadcast_in_dim3A_245] : memref<64x128xf32, #tpu.memory_space<vmem>>[vector<16xi32>, vector<16xi32>], vector<16xf32>,
        %mul3A_248 = arith.mulf %gather3A_246, %div3A : vector<16xf32>
        %mul3A_249 = arith.mulf %gather3A_247, %div3A_107 : vector<16xf32>
        %add3A_250 = arith.addf %mul3A_248, %mul3A_249 : vector<16xf32>
        tpu.vector_store_idx %arg18[%add3A_75, %broadcast_in_dim3A_243], %add3A_250 : memref<64x32xf32, #tpu.memory_space<vmem>>[vector<16xi32>, vector<16xi32>], vector<16xf32>,
        %broadcast_in_dim3A_251 = arith.constant 16 : i32
        %broadcast_in_dim3A_252 = vector.broadcast %broadcast_in_dim3A_251 : i32 to vector<16xi32>
        %broadcast_in_dim3A_253 = arith.constant 48 : i32
        %broadcast_in_dim3A_254 = vector.broadcast %broadcast_in_dim3A_253 : i32 to vector<16xi32>
        %gather3A_255 = tpu.vector_load_idx %arg13[%add3A_75, %broadcast_in_dim3A_252] : memref<64x128xf32, #tpu.memory_space<vmem>>[vector<16xi32>, vector<16xi32>], vector<16xf32>,
        %gather3A_256 = tpu.vector_load_idx %arg13[%add3A_75, %broadcast_in_dim3A_254] : memref<64x128xf32, #tpu.memory_space<vmem>>[vector<16xi32>, vector<16xi32>], vector<16xf32>,
        %mul3A_257 = arith.mulf %gather3A_255, %div3A : vector<16xf32>
        %mul3A_258 = arith.mulf %gather3A_256, %div3A_107 : vector<16xf32>
        %add3A_259 = arith.addf %mul3A_257, %mul3A_258 : vector<16xf32>
        tpu.vector_store_idx %arg18[%add3A_75, %broadcast_in_dim3A_252], %add3A_259 : memref<64x32xf32, #tpu.memory_space<vmem>>[vector<16xi32>, vector<16xi32>], vector<16xf32>,
        %broadcast_in_dim3A_260 = arith.constant 17 : i32
        %broadcast_in_dim3A_261 = vector.broadcast %broadcast_in_dim3A_260 : i32 to vector<16xi32>
        %broadcast_in_dim3A_262 = arith.constant 49 : i32
        %broadcast_in_dim3A_263 = vector.broadcast %broadcast_in_dim3A_262 : i32 to vector<16xi32>
        %gather3A_264 = tpu.vector_load_idx %arg13[%add3A_75, %broadcast_in_dim3A_261] : memref<64x128xf32, #tpu.memory_space<vmem>>[vector<16xi32>, vector<16xi32>], vector<16xf32>,
        %gather3A_265 = tpu.vector_load_idx %arg13[%add3A_75, %broadcast_in_dim3A_263] : memref<64x128xf32, #tpu.memory_space<vmem>>[vector<16xi32>, vector<16xi32>], vector<16xf32>,
        %mul3A_266 = arith.mulf %gather3A_264, %div3A : vector<16xf32>
        %mul3A_267 = arith.mulf %gather3A_265, %div3A_107 : vector<16xf32>
        %add3A_268 = arith.addf %mul3A_266, %mul3A_267 : vector<16xf32>
        tpu.vector_store_idx %arg18[%add3A_75, %broadcast_in_dim3A_261], %add3A_268 : memref<64x32xf32, #tpu.memory_space<vmem>>[vector<16xi32>, vector<16xi32>], vector<16xf32>,
        %broadcast_in_dim3A_269 = arith.constant 18 : i32
        %broadcast_in_dim3A_270 = vector.broadcast %broadcast_in_dim3A_269 : i32 to vector<16xi32>
        %broadcast_in_dim3A_271 = arith.constant 50 : i32
        %broadcast_in_dim3A_272 = vector.broadcast %broadcast_in_dim3A_271 : i32 to vector<16xi32>
        %gather3A_273 = tpu.vector_load_idx %arg13[%add3A_75, %broadcast_in_dim3A_270] : memref<64x128xf32, #tpu.memory_space<vmem>>[vector<16xi32>, vector<16xi32>], vector<16xf32>,
        %gather3A_274 = tpu.vector_load_idx %arg13[%add3A_75, %broadcast_in_dim3A_272] : memref<64x128xf32, #tpu.memory_space<vmem>>[vector<16xi32>, vector<16xi32>], vector<16xf32>,
        %mul3A_275 = arith.mulf %gather3A_273, %div3A : vector<16xf32>
        %mul3A_276 = arith.mulf %gather3A_274, %div3A_107 : vector<16xf32>
        %add3A_277 = arith.addf %mul3A_275, %mul3A_276 : vector<16xf32>
        tpu.vector_store_idx %arg18[%add3A_75, %broadcast_in_dim3A_270], %add3A_277 : memref<64x32xf32, #tpu.memory_space<vmem>>[vector<16xi32>, vector<16xi32>], vector<16xf32>,
        %broadcast_in_dim3A_278 = arith.constant 19 : i32
        %broadcast_in_dim3A_279 = vector.broadcast %broadcast_in_dim3A_278 : i32 to vector<16xi32>
        %broadcast_in_dim3A_280 = arith.constant 51 : i32
        %broadcast_in_dim3A_281 = vector.broadcast %broadcast_in_dim3A_280 : i32 to vector<16xi32>
        %gather3A_282 = tpu.vector_load_idx %arg13[%add3A_75, %broadcast_in_dim3A_279] : memref<64x128xf32, #tpu.memory_space<vmem>>[vector<16xi32>, vector<16xi32>], vector<16xf32>,
        %gather3A_283 = tpu.vector_load_idx %arg13[%add3A_75, %broadcast_in_dim3A_281] : memref<64x128xf32, #tpu.memory_space<vmem>>[vector<16xi32>, vector<16xi32>], vector<16xf32>,
        %mul3A_284 = arith.mulf %gather3A_282, %div3A : vector<16xf32>
        %mul3A_285 = arith.mulf %gather3A_283, %div3A_107 : vector<16xf32>
        %add3A_286 = arith.addf %mul3A_284, %mul3A_285 : vector<16xf32>
        tpu.vector_store_idx %arg18[%add3A_75, %broadcast_in_dim3A_279], %add3A_286 : memref<64x32xf32, #tpu.memory_space<vmem>>[vector<16xi32>, vector<16xi32>], vector<16xf32>,
        %broadcast_in_dim3A_287 = arith.constant 20 : i32
        %broadcast_in_dim3A_288 = vector.broadcast %broadcast_in_dim3A_287 : i32 to vector<16xi32>
        %broadcast_in_dim3A_289 = arith.constant 52 : i32
        %broadcast_in_dim3A_290 = vector.broadcast %broadcast_in_dim3A_289 : i32 to vector<16xi32>
        %gather3A_291 = tpu.vector_load_idx %arg13[%add3A_75, %broadcast_in_dim3A_288] : memref<64x128xf32, #tpu.memory_space<vmem>>[vector<16xi32>, vector<16xi32>], vector<16xf32>,
        %gather3A_292 = tpu.vector_load_idx %arg13[%add3A_75, %broadcast_in_dim3A_290] : memref<64x128xf32, #tpu.memory_space<vmem>>[vector<16xi32>, vector<16xi32>], vector<16xf32>,
        %mul3A_293 = arith.mulf %gather3A_291, %div3A : vector<16xf32>
        %mul3A_294 = arith.mulf %gather3A_292, %div3A_107 : vector<16xf32>
        %add3A_295 = arith.addf %mul3A_293, %mul3A_294 : vector<16xf32>
        tpu.vector_store_idx %arg18[%add3A_75, %broadcast_in_dim3A_288], %add3A_295 : memref<64x32xf32, #tpu.memory_space<vmem>>[vector<16xi32>, vector<16xi32>], vector<16xf32>,
        %broadcast_in_dim3A_296 = arith.constant 21 : i32
        %broadcast_in_dim3A_297 = vector.broadcast %broadcast_in_dim3A_296 : i32 to vector<16xi32>
        %broadcast_in_dim3A_298 = arith.constant 53 : i32
        %broadcast_in_dim3A_299 = vector.broadcast %broadcast_in_dim3A_298 : i32 to vector<16xi32>
        %gather3A_300 = tpu.vector_load_idx %arg13[%add3A_75, %broadcast_in_dim3A_297] : memref<64x128xf32, #tpu.memory_space<vmem>>[vector<16xi32>, vector<16xi32>], vector<16xf32>,
        %gather3A_301 = tpu.vector_load_idx %arg13[%add3A_75, %broadcast_in_dim3A_299] : memref<64x128xf32, #tpu.memory_space<vmem>>[vector<16xi32>, vector<16xi32>], vector<16xf32>,
        %mul3A_302 = arith.mulf %gather3A_300, %div3A : vector<16xf32>
        %mul3A_303 = arith.mulf %gather3A_301, %div3A_107 : vector<16xf32>
        %add3A_304 = arith.addf %mul3A_302, %mul3A_303 : vector<16xf32>
        tpu.vector_store_idx %arg18[%add3A_75, %broadcast_in_dim3A_297], %add3A_304 : memref<64x32xf32, #tpu.memory_space<vmem>>[vector<16xi32>, vector<16xi32>], vector<16xf32>,
        %broadcast_in_dim3A_305 = arith.constant 22 : i32
        %broadcast_in_dim3A_306 = vector.broadcast %broadcast_in_dim3A_305 : i32 to vector<16xi32>
        %broadcast_in_dim3A_307 = arith.constant 54 : i32
        %broadcast_in_dim3A_308 = vector.broadcast %broadcast_in_dim3A_307 : i32 to vector<16xi32>
        %gather3A_309 = tpu.vector_load_idx %arg13[%add3A_75, %broadcast_in_dim3A_306] : memref<64x128xf32, #tpu.memory_space<vmem>>[vector<16xi32>, vector<16xi32>], vector<16xf32>,
        %gather3A_310 = tpu.vector_load_idx %arg13[%add3A_75, %broadcast_in_dim3A_308] : memref<64x128xf32, #tpu.memory_space<vmem>>[vector<16xi32>, vector<16xi32>], vector<16xf32>,
        %mul3A_311 = arith.mulf %gather3A_309, %div3A : vector<16xf32>
        %mul3A_312 = arith.mulf %gather3A_310, %div3A_107 : vector<16xf32>
        %add3A_313 = arith.addf %mul3A_311, %mul3A_312 : vector<16xf32>
        tpu.vector_store_idx %arg18[%add3A_75, %broadcast_in_dim3A_306], %add3A_313 : memref<64x32xf32, #tpu.memory_space<vmem>>[vector<16xi32>, vector<16xi32>], vector<16xf32>,
        %broadcast_in_dim3A_314 = arith.constant 23 : i32
        %broadcast_in_dim3A_315 = vector.broadcast %broadcast_in_dim3A_314 : i32 to vector<16xi32>
        %broadcast_in_dim3A_316 = arith.constant 55 : i32
        %broadcast_in_dim3A_317 = vector.broadcast %broadcast_in_dim3A_316 : i32 to vector<16xi32>
        %gather3A_318 = tpu.vector_load_idx %arg13[%add3A_75, %broadcast_in_dim3A_315] : memref<64x128xf32, #tpu.memory_space<vmem>>[vector<16xi32>, vector<16xi32>], vector<16xf32>,
        %gather3A_319 = tpu.vector_load_idx %arg13[%add3A_75, %broadcast_in_dim3A_317] : memref<64x128xf32, #tpu.memory_space<vmem>>[vector<16xi32>, vector<16xi32>], vector<16xf32>,
        %mul3A_320 = arith.mulf %gather3A_318, %div3A : vector<16xf32>
        %mul3A_321 = arith.mulf %gather3A_319, %div3A_107 : vector<16xf32>
        %add3A_322 = arith.addf %mul3A_320, %mul3A_321 : vector<16xf32>
        tpu.vector_store_idx %arg18[%add3A_75, %broadcast_in_dim3A_315], %add3A_322 : memref<64x32xf32, #tpu.memory_space<vmem>>[vector<16xi32>, vector<16xi32>], vector<16xf32>,
        %broadcast_in_dim3A_323 = arith.constant 24 : i32
        %broadcast_in_dim3A_324 = vector.broadcast %broadcast_in_dim3A_323 : i32 to vector<16xi32>
        %broadcast_in_dim3A_325 = arith.constant 56 : i32
        %broadcast_in_dim3A_326 = vector.broadcast %broadcast_in_dim3A_325 : i32 to vector<16xi32>
        %gather3A_327 = tpu.vector_load_idx %arg13[%add3A_75, %broadcast_in_dim3A_324] : memref<64x128xf32, #tpu.memory_space<vmem>>[vector<16xi32>, vector<16xi32>], vector<16xf32>,
        %gather3A_328 = tpu.vector_load_idx %arg13[%add3A_75, %broadcast_in_dim3A_326] : memref<64x128xf32, #tpu.memory_space<vmem>>[vector<16xi32>, vector<16xi32>], vector<16xf32>,
        %mul3A_329 = arith.mulf %gather3A_327, %div3A : vector<16xf32>
        %mul3A_330 = arith.mulf %gather3A_328, %div3A_107 : vector<16xf32>
        %add3A_331 = arith.addf %mul3A_329, %mul3A_330 : vector<16xf32>
        tpu.vector_store_idx %arg18[%add3A_75, %broadcast_in_dim3A_324], %add3A_331 : memref<64x32xf32, #tpu.memory_space<vmem>>[vector<16xi32>, vector<16xi32>], vector<16xf32>,
        %broadcast_in_dim3A_332 = arith.constant 25 : i32
        %broadcast_in_dim3A_333 = vector.broadcast %broadcast_in_dim3A_332 : i32 to vector<16xi32>
        %broadcast_in_dim3A_334 = arith.constant 57 : i32
        %broadcast_in_dim3A_335 = vector.broadcast %broadcast_in_dim3A_334 : i32 to vector<16xi32>
        %gather3A_336 = tpu.vector_load_idx %arg13[%add3A_75, %broadcast_in_dim3A_333] : memref<64x128xf32, #tpu.memory_space<vmem>>[vector<16xi32>, vector<16xi32>], vector<16xf32>,
        %gather3A_337 = tpu.vector_load_idx %arg13[%add3A_75, %broadcast_in_dim3A_335] : memref<64x128xf32, #tpu.memory_space<vmem>>[vector<16xi32>, vector<16xi32>], vector<16xf32>,
        %mul3A_338 = arith.mulf %gather3A_336, %div3A : vector<16xf32>
        %mul3A_339 = arith.mulf %gather3A_337, %div3A_107 : vector<16xf32>
        %add3A_340 = arith.addf %mul3A_338, %mul3A_339 : vector<16xf32>
        tpu.vector_store_idx %arg18[%add3A_75, %broadcast_in_dim3A_333], %add3A_340 : memref<64x32xf32, #tpu.memory_space<vmem>>[vector<16xi32>, vector<16xi32>], vector<16xf32>,
        %broadcast_in_dim3A_341 = arith.constant 26 : i32
        %broadcast_in_dim3A_342 = vector.broadcast %broadcast_in_dim3A_341 : i32 to vector<16xi32>
        %broadcast_in_dim3A_343 = arith.constant 58 : i32
        %broadcast_in_dim3A_344 = vector.broadcast %broadcast_in_dim3A_343 : i32 to vector<16xi32>
        %gather3A_345 = tpu.vector_load_idx %arg13[%add3A_75, %broadcast_in_dim3A_342] : memref<64x128xf32, #tpu.memory_space<vmem>>[vector<16xi32>, vector<16xi32>], vector<16xf32>,
        %gather3A_346 = tpu.vector_load_idx %arg13[%add3A_75, %broadcast_in_dim3A_344] : memref<64x128xf32, #tpu.memory_space<vmem>>[vector<16xi32>, vector<16xi32>], vector<16xf32>,
        %mul3A_347 = arith.mulf %gather3A_345, %div3A : vector<16xf32>
        %mul3A_348 = arith.mulf %gather3A_346, %div3A_107 : vector<16xf32>
        %add3A_349 = arith.addf %mul3A_347, %mul3A_348 : vector<16xf32>
        tpu.vector_store_idx %arg18[%add3A_75, %broadcast_in_dim3A_342], %add3A_349 : memref<64x32xf32, #tpu.memory_space<vmem>>[vector<16xi32>, vector<16xi32>], vector<16xf32>,
        %broadcast_in_dim3A_350 = arith.constant 27 : i32
        %broadcast_in_dim3A_351 = vector.broadcast %broadcast_in_dim3A_350 : i32 to vector<16xi32>
        %broadcast_in_dim3A_352 = arith.constant 59 : i32
        %broadcast_in_dim3A_353 = vector.broadcast %broadcast_in_dim3A_352 : i32 to vector<16xi32>
        %gather3A_354 = tpu.vector_load_idx %arg13[%add3A_75, %broadcast_in_dim3A_351] : memref<64x128xf32, #tpu.memory_space<vmem>>[vector<16xi32>, vector<16xi32>], vector<16xf32>,
        %gather3A_355 = tpu.vector_load_idx %arg13[%add3A_75, %broadcast_in_dim3A_353] : memref<64x128xf32, #tpu.memory_space<vmem>>[vector<16xi32>, vector<16xi32>], vector<16xf32>,
        %mul3A_356 = arith.mulf %gather3A_354, %div3A : vector<16xf32>
        %mul3A_357 = arith.mulf %gather3A_355, %div3A_107 : vector<16xf32>
        %add3A_358 = arith.addf %mul3A_356, %mul3A_357 : vector<16xf32>
        tpu.vector_store_idx %arg18[%add3A_75, %broadcast_in_dim3A_351], %add3A_358 : memref<64x32xf32, #tpu.memory_space<vmem>>[vector<16xi32>, vector<16xi32>], vector<16xf32>,
        %broadcast_in_dim3A_359 = arith.constant 28 : i32
        %broadcast_in_dim3A_360 = vector.broadcast %broadcast_in_dim3A_359 : i32 to vector<16xi32>
        %broadcast_in_dim3A_361 = arith.constant 60 : i32
        %broadcast_in_dim3A_362 = vector.broadcast %broadcast_in_dim3A_361 : i32 to vector<16xi32>
        %gather3A_363 = tpu.vector_load_idx %arg13[%add3A_75, %broadcast_in_dim3A_360] : memref<64x128xf32, #tpu.memory_space<vmem>>[vector<16xi32>, vector<16xi32>], vector<16xf32>,
        %gather3A_364 = tpu.vector_load_idx %arg13[%add3A_75, %broadcast_in_dim3A_362] : memref<64x128xf32, #tpu.memory_space<vmem>>[vector<16xi32>, vector<16xi32>], vector<16xf32>,
        %mul3A_365 = arith.mulf %gather3A_363, %div3A : vector<16xf32>
        %mul3A_366 = arith.mulf %gather3A_364, %div3A_107 : vector<16xf32>
        %add3A_367 = arith.addf %mul3A_365, %mul3A_366 : vector<16xf32>
        tpu.vector_store_idx %arg18[%add3A_75, %broadcast_in_dim3A_360], %add3A_367 : memref<64x32xf32, #tpu.memory_space<vmem>>[vector<16xi32>, vector<16xi32>], vector<16xf32>,
        %broadcast_in_dim3A_368 = arith.constant 29 : i32
        %broadcast_in_dim3A_369 = vector.broadcast %broadcast_in_dim3A_368 : i32 to vector<16xi32>
        %broadcast_in_dim3A_370 = arith.constant 61 : i32
        %broadcast_in_dim3A_371 = vector.broadcast %broadcast_in_dim3A_370 : i32 to vector<16xi32>
        %gather3A_372 = tpu.vector_load_idx %arg13[%add3A_75, %broadcast_in_dim3A_369] : memref<64x128xf32, #tpu.memory_space<vmem>>[vector<16xi32>, vector<16xi32>], vector<16xf32>,
        %gather3A_373 = tpu.vector_load_idx %arg13[%add3A_75, %broadcast_in_dim3A_371] : memref<64x128xf32, #tpu.memory_space<vmem>>[vector<16xi32>, vector<16xi32>], vector<16xf32>,
        %mul3A_374 = arith.mulf %gather3A_372, %div3A : vector<16xf32>
        %mul3A_375 = arith.mulf %gather3A_373, %div3A_107 : vector<16xf32>
        %add3A_376 = arith.addf %mul3A_374, %mul3A_375 : vector<16xf32>
        tpu.vector_store_idx %arg18[%add3A_75, %broadcast_in_dim3A_369], %add3A_376 : memref<64x32xf32, #tpu.memory_space<vmem>>[vector<16xi32>, vector<16xi32>], vector<16xf32>,
        %broadcast_in_dim3A_377 = arith.constant 30 : i32
        %broadcast_in_dim3A_378 = vector.broadcast %broadcast_in_dim3A_377 : i32 to vector<16xi32>
        %broadcast_in_dim3A_379 = arith.constant 62 : i32
        %broadcast_in_dim3A_380 = vector.broadcast %broadcast_in_dim3A_379 : i32 to vector<16xi32>
        %gather3A_381 = tpu.vector_load_idx %arg13[%add3A_75, %broadcast_in_dim3A_378] : memref<64x128xf32, #tpu.memory_space<vmem>>[vector<16xi32>, vector<16xi32>], vector<16xf32>,
        %gather3A_382 = tpu.vector_load_idx %arg13[%add3A_75, %broadcast_in_dim3A_380] : memref<64x128xf32, #tpu.memory_space<vmem>>[vector<16xi32>, vector<16xi32>], vector<16xf32>,
        %mul3A_383 = arith.mulf %gather3A_381, %div3A : vector<16xf32>
        %mul3A_384 = arith.mulf %gather3A_382, %div3A_107 : vector<16xf32>
        %add3A_385 = arith.addf %mul3A_383, %mul3A_384 : vector<16xf32>
        tpu.vector_store_idx %arg18[%add3A_75, %broadcast_in_dim3A_378], %add3A_385 : memref<64x32xf32, #tpu.memory_space<vmem>>[vector<16xi32>, vector<16xi32>], vector<16xf32>,
        %broadcast_in_dim3A_386 = arith.constant 31 : i32
        %broadcast_in_dim3A_387 = vector.broadcast %broadcast_in_dim3A_386 : i32 to vector<16xi32>
        %broadcast_in_dim3A_388 = arith.constant 63 : i32
        %broadcast_in_dim3A_389 = vector.broadcast %broadcast_in_dim3A_388 : i32 to vector<16xi32>
        %gather3A_390 = tpu.vector_load_idx %arg13[%add3A_75, %broadcast_in_dim3A_387] : memref<64x128xf32, #tpu.memory_space<vmem>>[vector<16xi32>, vector<16xi32>], vector<16xf32>,
        %gather3A_391 = tpu.vector_load_idx %arg13[%add3A_75, %broadcast_in_dim3A_389] : memref<64x128xf32, #tpu.memory_space<vmem>>[vector<16xi32>, vector<16xi32>], vector<16xf32>,
        %mul3A_392 = arith.mulf %gather3A_390, %div3A : vector<16xf32>
        %mul3A_393 = arith.mulf %gather3A_391, %div3A_107 : vector<16xf32>
        %add3A_394 = arith.addf %mul3A_392, %mul3A_393 : vector<16xf32>
        tpu.vector_store_idx %arg18[%add3A_75, %broadcast_in_dim3A_387], %add3A_394 : memref<64x32xf32, #tpu.memory_space<vmem>>[vector<16xi32>, vector<16xi32>], vector<16xf32>,
        %scan3A_395 = arith.constant 0 : i32
        scf.yield %scan3A_395 : i32
      }
      %scan3A_68 = arith.constant 4 : i32
      "tpu.region"() ({
        %run_scoped3A = tpu.sem_alloc : memref<!tpu.dma_semaphore, #tpu.memory_space<semaphore_mem>>
        %dma_start3A_70 = arith.constant 0 : i32
        %dma_start3A_71 = arith.constant 0 : i32
        %dma_start3A_72 = tpu.memref_slice %arg19[%dma_start3A_70, %dma_start3A_71] : memref<50000x32xf32, #tpu.memory_space<vmem_shared>> -> memref<50000x32xf32, #tpu.memory_space<vmem_shared>>
        tpu.enqueue_indirect_dma source(%arg18 : memref<64x32xf32, #tpu.memory_space<vmem>>) target(%dma_start3A_72 : memref<50000x32xf32, #tpu.memory_space<vmem_shared>>) offsets(%arg11 : memref<64xi32, #tpu.memory_space<vmem>>) semaphore(%run_scoped3A : memref<!tpu.dma_semaphore, #tpu.memory_space<semaphore_mem>>) {add = true}
        %dma_wait3A_73 = arith.constant 0 : i32
        %dma_wait3A_74 = arith.constant 0 : i32
        %dma_wait3A_75 = tpu.memref_slice %arg19[%dma_wait3A_73, %dma_wait3A_74] : memref<50000x32xf32, #tpu.memory_space<vmem_shared>> -> memref<50000x32xf32, #tpu.memory_space<vmem_shared>>
        tpu.wait_indirect_dma semaphore(%run_scoped3A : memref<!tpu.dma_semaphore, #tpu.memory_space<semaphore_mem>>) src(%arg18 : memref<64x32xf32, #tpu.memory_space<vmem>>) dst(%dma_wait3A_75 : memref<50000x32xf32, #tpu.memory_space<vmem_shared>>)
        tpu.yield
      }) : () -> ()
      %while3A_69 = arith.constant 0 : i32
      scf.yield %while3A_69 : i32
    }
    %barrier3A_22 = arith.constant 0 : index
    tpu.barrier barrier_id(%barrier3A_22)
    %eq3A_23 = arith.constant 0 : i32
    %eq3A_24 = arith.cmpi eq, %arg1, %eq3A_23 : i32
    %convert_element_type3A_25 = arith.extui %eq3A_24 : i1 to i32
    %cond3A_26 = arith.constant 0 : i32
    %cond3A_27 = arith.cmpi ne, %convert_element_type3A_25, %cond3A_26 : i32
    scf.if %cond3A_27 {
      "tpu.region"() ({
        %run_scoped3A = tpu.sem_alloc : memref<!tpu.dma_semaphore, #tpu.memory_space<semaphore_mem>>
        %dma_start3A = arith.constant 0 : i32
        %dma_start3A_28 = arith.constant 0 : i32
        %dma_start3A_29 = tpu.memref_slice %arg9[%arg0, %dma_start3A, %dma_start3A_28] : memref<2x50000x32xf32, #tpu.memory_space<hbm>> -> memref<1x50000x32xf32, #tpu.memory_space<hbm>>
        %dma_start3A_30 = tpu.memref_squeeze %dma_start3A_29 : memref<1x50000x32xf32, #tpu.memory_space<hbm>> -> memref<50000x32xf32, #tpu.memory_space<hbm>>
        tpu.enqueue_dma source(%arg19 : memref<50000x32xf32, #tpu.memory_space<vmem_shared>>) target(%dma_start3A_30 : memref<50000x32xf32, #tpu.memory_space<hbm>>) target_semaphore(%run_scoped3A : memref<!tpu.dma_semaphore, #tpu.memory_space<semaphore_mem>>)
        %dma_wait3A = arith.constant 0 : i32
        %dma_wait3A_31 = arith.constant 0 : i32
        %dma_wait3A_32 = tpu.memref_slice %arg9[%arg0, %dma_wait3A, %dma_wait3A_31] : memref<2x50000x32xf32, #tpu.memory_space<hbm>> -> memref<1x50000x32xf32, #tpu.memory_space<hbm>>
        %dma_wait3A_33 = tpu.memref_squeeze %dma_wait3A_32 : memref<1x50000x32xf32, #tpu.memory_space<hbm>> -> memref<50000x32xf32, #tpu.memory_space<hbm>>
        tpu.wait_dma2 semaphore(%run_scoped3A : memref<!tpu.dma_semaphore, #tpu.memory_space<semaphore_mem>>) src(%arg19 : memref<50000x32xf32, #tpu.memory_space<vmem_shared>>) dst(%dma_wait3A_33 : memref<50000x32xf32, #tpu.memory_space<hbm>>)
        tpu.yield
      }) : () -> ()
    } else {
    }
    return
  }
}

module attributes {stable_mosaic.version = 14 : i64} {
  func.func @_lstm_body(%arg0: i32, %arg1: memref<2000x80xf32, #tpu.memory_space<vmem>>, %arg2: memref<4x128xf32, #tpu.memory_space<vmem>>, %arg3: memref<32x128xf32, #tpu.memory_space<vmem>>, %arg4: memref<1x128xf32, #tpu.memory_space<vmem>>, %arg5: memref<32x64xf32, #tpu.memory_space<vmem>>, %arg6: memref<1x64xf32, #tpu.memory_space<vmem>>, %arg7: memref<32x64xf32, #tpu.memory_space<vmem>>, %arg8: memref<1x64xf32, #tpu.memory_space<vmem>>, %arg9: memref<2000x128xf32, #tpu.memory_space<vmem>>) attributes {dimension_semantics = [#tpu.dimension_semantics<arbitrary>], iteration_bounds = array<i64: 25>, scalar_prefetch = 0 : i64, scratch_operands = 0 : i64, tpu.core_type = #tpu.core_type<tc>, window_params = [{transform_indices = @transform_0, window_bounds = array<i64: 2000, 80>}, {pipeline_mode = #tpu.pipeline_mode<synchronous>, transform_indices = @transform_1, window_bounds = array<i64: 4, 128>}, {pipeline_mode = #tpu.pipeline_mode<synchronous>, transform_indices = @transform_2, window_bounds = array<i64: 32, 128>}, {pipeline_mode = #tpu.pipeline_mode<synchronous>, transform_indices = @transform_3, window_bounds = array<i64: 1, 128>}, {pipeline_mode = #tpu.pipeline_mode<synchronous>, transform_indices = @transform_4, window_bounds = array<i64: 32, 64>}, {pipeline_mode = #tpu.pipeline_mode<synchronous>, transform_indices = @transform_5, window_bounds = array<i64: 1, 64>}, {pipeline_mode = #tpu.pipeline_mode<synchronous>, transform_indices = @transform_6, window_bounds = array<i64: 32, 64>}, {pipeline_mode = #tpu.pipeline_mode<synchronous>, transform_indices = @transform_7, window_bounds = array<i64: 1, 64>}, {transform_indices = @transform_8, window_bounds = array<i64: 2000, 128>}]} {
    %get3A = arith.constant 0 : index
    %get3A_0 = arith.constant 0 : index
    %get3A_1 = vector.load %arg1[%get3A, %get3A_0] : memref<2000x80xf32, #tpu.memory_space<vmem>>, vector<2000x80xf32>
    %broadcast_in_dim3A = arith.constant 0.000000e+00 : f32
    %broadcast_in_dim3A_2 = vector.broadcast %broadcast_in_dim3A : f32 to vector<2000x32xf32>
    %broadcast_in_dim3A_3 = arith.constant 0.000000e+00 : f32
    %broadcast_in_dim3A_4 = vector.broadcast %broadcast_in_dim3A_3 : f32 to vector<2000x32xf32>
    %get3A_5 = arith.constant 0 : index
    %get3A_6 = arith.constant 0 : index
    %get3A_7 = vector.load %arg2[%get3A_5, %get3A_6] : memref<4x128xf32, #tpu.memory_space<vmem>>, vector<4x128xf32>
    %get3A_8 = arith.constant 0 : index
    %get3A_9 = arith.constant 0 : index
    %get3A_10 = vector.load %arg3[%get3A_8, %get3A_9] : memref<32x128xf32, #tpu.memory_space<vmem>>, vector<32x128xf32>
    %get3A_11 = arith.constant 0 : index
    %get3A_12 = arith.constant 0 : index
    %get3A_13 = vector.load %arg4[%get3A_11, %get3A_12] : memref<1x128xf32, #tpu.memory_space<vmem>>, vector<1x128xf32>
    %slice3A = vector.extract_strided_slice %get3A_1 {offsets = [0, 0], sizes = [2000, 4], strides = [1, 1]} : vector<2000x80xf32> to vector<2000x4xf32>
    %dot_general3A = arith.constant dense<0.000000e+00> : vector<2000x128xf32>
    %dot_general3A_14 = tpu.matmul %slice3A, %get3A_7, %dot_general3A {dimension_numbers = #tpu.dot_dimension_numbers<[1], [0], [0], [1], [0, 0, 1, 1], [], []>, transpose_lhs_hint = false} : vector<2000x4xf32>, vector<4x128xf32>, vector<2000x128xf32> -> vector<2000x128xf32>
    %dot_general3A_15 = arith.constant dense<0.000000e+00> : vector<2000x128xf32>
    %dot_general3A_16 = tpu.matmul %broadcast_in_dim3A_2, %get3A_10, %dot_general3A_15 {dimension_numbers = #tpu.dot_dimension_numbers<[1], [0], [0], [1], [0, 0, 1, 1], [], []>, transpose_lhs_hint = false} : vector<2000x32xf32>, vector<32x128xf32>, vector<2000x128xf32> -> vector<2000x128xf32>
    %add3A = arith.addf %dot_general3A_14, %dot_general3A_16 : vector<2000x128xf32>
    %add3A_17 = vector.broadcast %get3A_13 : vector<1x128xf32> to vector<2000x128xf32>
    %add3A_18 = arith.addf %add3A, %add3A_17 : vector<2000x128xf32>
    %slice3A_19 = vector.extract_strided_slice %add3A_18 {offsets = [0, 0], sizes = [2000, 32], strides = [1, 1]} : vector<2000x128xf32> to vector<2000x32xf32>
    %logistic3A = arith.negf %slice3A_19 : vector<2000x32xf32>
    %logistic3A_20 = math.exp %logistic3A : vector<2000x32xf32>
    %logistic3A_21 = arith.constant 1.000000e+00 : f32
    %logistic3A_22 = vector.broadcast %logistic3A_21 : f32 to vector<2000x32xf32>
    %logistic3A_23 = arith.addf %logistic3A_22, %logistic3A_20 : vector<2000x32xf32>
    %logistic3A_24 = arith.divf %logistic3A_22, %logistic3A_23 : vector<2000x32xf32>
    %slice3A_25 = vector.extract_strided_slice %add3A_18 {offsets = [0, 32], sizes = [2000, 32], strides = [1, 1]} : vector<2000x128xf32> to vector<2000x32xf32>
    %logistic3A_26 = arith.negf %slice3A_25 : vector<2000x32xf32>
    %logistic3A_27 = math.exp %logistic3A_26 : vector<2000x32xf32>
    %logistic3A_28 = arith.constant 1.000000e+00 : f32
    %logistic3A_29 = vector.broadcast %logistic3A_28 : f32 to vector<2000x32xf32>
    %logistic3A_30 = arith.addf %logistic3A_29, %logistic3A_27 : vector<2000x32xf32>
    %logistic3A_31 = arith.divf %logistic3A_29, %logistic3A_30 : vector<2000x32xf32>
    %slice3A_32 = vector.extract_strided_slice %add3A_18 {offsets = [0, 64], sizes = [2000, 32], strides = [1, 1]} : vector<2000x128xf32> to vector<2000x32xf32>
    %tanh3A = math.tanh %slice3A_32 : vector<2000x32xf32>
    %slice3A_33 = vector.extract_strided_slice %add3A_18 {offsets = [0, 96], sizes = [2000, 32], strides = [1, 1]} : vector<2000x128xf32> to vector<2000x32xf32>
    %logistic3A_34 = arith.negf %slice3A_33 : vector<2000x32xf32>
    %logistic3A_35 = math.exp %logistic3A_34 : vector<2000x32xf32>
    %logistic3A_36 = arith.constant 1.000000e+00 : f32
    %logistic3A_37 = vector.broadcast %logistic3A_36 : f32 to vector<2000x32xf32>
    %logistic3A_38 = arith.addf %logistic3A_37, %logistic3A_35 : vector<2000x32xf32>
    %logistic3A_39 = arith.divf %logistic3A_37, %logistic3A_38 : vector<2000x32xf32>
    %mul3A = arith.mulf %logistic3A_31, %broadcast_in_dim3A_4 : vector<2000x32xf32>
    %mul3A_40 = arith.mulf %logistic3A_24, %tanh3A : vector<2000x32xf32>
    %add3A_41 = arith.addf %mul3A, %mul3A_40 : vector<2000x32xf32>
    %tanh3A_42 = math.tanh %add3A_41 : vector<2000x32xf32>
    %mul3A_43 = arith.mulf %logistic3A_39, %tanh3A_42 : vector<2000x32xf32>
    %slice3A_44 = vector.extract_strided_slice %get3A_1 {offsets = [0, 4], sizes = [2000, 4], strides = [1, 1]} : vector<2000x80xf32> to vector<2000x4xf32>
    %dot_general3A_45 = arith.constant dense<0.000000e+00> : vector<2000x128xf32>
    %dot_general3A_46 = tpu.matmul %slice3A_44, %get3A_7, %dot_general3A_45 {dimension_numbers = #tpu.dot_dimension_numbers<[1], [0], [0], [1], [0, 0, 1, 1], [], []>, transpose_lhs_hint = false} : vector<2000x4xf32>, vector<4x128xf32>, vector<2000x128xf32> -> vector<2000x128xf32>
    %dot_general3A_47 = arith.constant dense<0.000000e+00> : vector<2000x128xf32>
    %dot_general3A_48 = tpu.matmul %mul3A_43, %get3A_10, %dot_general3A_47 {dimension_numbers = #tpu.dot_dimension_numbers<[1], [0], [0], [1], [0, 0, 1, 1], [], []>, transpose_lhs_hint = false} : vector<2000x32xf32>, vector<32x128xf32>, vector<2000x128xf32> -> vector<2000x128xf32>
    %add3A_49 = arith.addf %dot_general3A_46, %dot_general3A_48 : vector<2000x128xf32>
    %add3A_50 = vector.broadcast %get3A_13 : vector<1x128xf32> to vector<2000x128xf32>
    %add3A_51 = arith.addf %add3A_49, %add3A_50 : vector<2000x128xf32>
    %slice3A_52 = vector.extract_strided_slice %add3A_51 {offsets = [0, 0], sizes = [2000, 32], strides = [1, 1]} : vector<2000x128xf32> to vector<2000x32xf32>
    %logistic3A_53 = arith.negf %slice3A_52 : vector<2000x32xf32>
    %logistic3A_54 = math.exp %logistic3A_53 : vector<2000x32xf32>
    %logistic3A_55 = arith.constant 1.000000e+00 : f32
    %logistic3A_56 = vector.broadcast %logistic3A_55 : f32 to vector<2000x32xf32>
    %logistic3A_57 = arith.addf %logistic3A_56, %logistic3A_54 : vector<2000x32xf32>
    %logistic3A_58 = arith.divf %logistic3A_56, %logistic3A_57 : vector<2000x32xf32>
    %slice3A_59 = vector.extract_strided_slice %add3A_51 {offsets = [0, 32], sizes = [2000, 32], strides = [1, 1]} : vector<2000x128xf32> to vector<2000x32xf32>
    %logistic3A_60 = arith.negf %slice3A_59 : vector<2000x32xf32>
    %logistic3A_61 = math.exp %logistic3A_60 : vector<2000x32xf32>
    %logistic3A_62 = arith.constant 1.000000e+00 : f32
    %logistic3A_63 = vector.broadcast %logistic3A_62 : f32 to vector<2000x32xf32>
    %logistic3A_64 = arith.addf %logistic3A_63, %logistic3A_61 : vector<2000x32xf32>
    %logistic3A_65 = arith.divf %logistic3A_63, %logistic3A_64 : vector<2000x32xf32>
    %slice3A_66 = vector.extract_strided_slice %add3A_51 {offsets = [0, 64], sizes = [2000, 32], strides = [1, 1]} : vector<2000x128xf32> to vector<2000x32xf32>
    %tanh3A_67 = math.tanh %slice3A_66 : vector<2000x32xf32>
    %slice3A_68 = vector.extract_strided_slice %add3A_51 {offsets = [0, 96], sizes = [2000, 32], strides = [1, 1]} : vector<2000x128xf32> to vector<2000x32xf32>
    %logistic3A_69 = arith.negf %slice3A_68 : vector<2000x32xf32>
    %logistic3A_70 = math.exp %logistic3A_69 : vector<2000x32xf32>
    %logistic3A_71 = arith.constant 1.000000e+00 : f32
    %logistic3A_72 = vector.broadcast %logistic3A_71 : f32 to vector<2000x32xf32>
    %logistic3A_73 = arith.addf %logistic3A_72, %logistic3A_70 : vector<2000x32xf32>
    %logistic3A_74 = arith.divf %logistic3A_72, %logistic3A_73 : vector<2000x32xf32>
    %mul3A_75 = arith.mulf %logistic3A_65, %add3A_41 : vector<2000x32xf32>
    %mul3A_76 = arith.mulf %logistic3A_58, %tanh3A_67 : vector<2000x32xf32>
    %add3A_77 = arith.addf %mul3A_75, %mul3A_76 : vector<2000x32xf32>
    %tanh3A_78 = math.tanh %add3A_77 : vector<2000x32xf32>
    %mul3A_79 = arith.mulf %logistic3A_74, %tanh3A_78 : vector<2000x32xf32>
    %slice3A_80 = vector.extract_strided_slice %get3A_1 {offsets = [0, 8], sizes = [2000, 4], strides = [1, 1]} : vector<2000x80xf32> to vector<2000x4xf32>
    %dot_general3A_81 = arith.constant dense<0.000000e+00> : vector<2000x128xf32>
    %dot_general3A_82 = tpu.matmul %slice3A_80, %get3A_7, %dot_general3A_81 {dimension_numbers = #tpu.dot_dimension_numbers<[1], [0], [0], [1], [0, 0, 1, 1], [], []>, transpose_lhs_hint = false} : vector<2000x4xf32>, vector<4x128xf32>, vector<2000x128xf32> -> vector<2000x128xf32>
    %dot_general3A_83 = arith.constant dense<0.000000e+00> : vector<2000x128xf32>
    %dot_general3A_84 = tpu.matmul %mul3A_79, %get3A_10, %dot_general3A_83 {dimension_numbers = #tpu.dot_dimension_numbers<[1], [0], [0], [1], [0, 0, 1, 1], [], []>, transpose_lhs_hint = false} : vector<2000x32xf32>, vector<32x128xf32>, vector<2000x128xf32> -> vector<2000x128xf32>
    %add3A_85 = arith.addf %dot_general3A_82, %dot_general3A_84 : vector<2000x128xf32>
    %add3A_86 = vector.broadcast %get3A_13 : vector<1x128xf32> to vector<2000x128xf32>
    %add3A_87 = arith.addf %add3A_85, %add3A_86 : vector<2000x128xf32>
    %slice3A_88 = vector.extract_strided_slice %add3A_87 {offsets = [0, 0], sizes = [2000, 32], strides = [1, 1]} : vector<2000x128xf32> to vector<2000x32xf32>
    %logistic3A_89 = arith.negf %slice3A_88 : vector<2000x32xf32>
    %logistic3A_90 = math.exp %logistic3A_89 : vector<2000x32xf32>
    %logistic3A_91 = arith.constant 1.000000e+00 : f32
    %logistic3A_92 = vector.broadcast %logistic3A_91 : f32 to vector<2000x32xf32>
    %logistic3A_93 = arith.addf %logistic3A_92, %logistic3A_90 : vector<2000x32xf32>
    %logistic3A_94 = arith.divf %logistic3A_92, %logistic3A_93 : vector<2000x32xf32>
    %slice3A_95 = vector.extract_strided_slice %add3A_87 {offsets = [0, 32], sizes = [2000, 32], strides = [1, 1]} : vector<2000x128xf32> to vector<2000x32xf32>
    %logistic3A_96 = arith.negf %slice3A_95 : vector<2000x32xf32>
    %logistic3A_97 = math.exp %logistic3A_96 : vector<2000x32xf32>
    %logistic3A_98 = arith.constant 1.000000e+00 : f32
    %logistic3A_99 = vector.broadcast %logistic3A_98 : f32 to vector<2000x32xf32>
    %logistic3A_100 = arith.addf %logistic3A_99, %logistic3A_97 : vector<2000x32xf32>
    %logistic3A_101 = arith.divf %logistic3A_99, %logistic3A_100 : vector<2000x32xf32>
    %slice3A_102 = vector.extract_strided_slice %add3A_87 {offsets = [0, 64], sizes = [2000, 32], strides = [1, 1]} : vector<2000x128xf32> to vector<2000x32xf32>
    %tanh3A_103 = math.tanh %slice3A_102 : vector<2000x32xf32>
    %slice3A_104 = vector.extract_strided_slice %add3A_87 {offsets = [0, 96], sizes = [2000, 32], strides = [1, 1]} : vector<2000x128xf32> to vector<2000x32xf32>
    %logistic3A_105 = arith.negf %slice3A_104 : vector<2000x32xf32>
    %logistic3A_106 = math.exp %logistic3A_105 : vector<2000x32xf32>
    %logistic3A_107 = arith.constant 1.000000e+00 : f32
    %logistic3A_108 = vector.broadcast %logistic3A_107 : f32 to vector<2000x32xf32>
    %logistic3A_109 = arith.addf %logistic3A_108, %logistic3A_106 : vector<2000x32xf32>
    %logistic3A_110 = arith.divf %logistic3A_108, %logistic3A_109 : vector<2000x32xf32>
    %mul3A_111 = arith.mulf %logistic3A_101, %add3A_77 : vector<2000x32xf32>
    %mul3A_112 = arith.mulf %logistic3A_94, %tanh3A_103 : vector<2000x32xf32>
    %add3A_113 = arith.addf %mul3A_111, %mul3A_112 : vector<2000x32xf32>
    %tanh3A_114 = math.tanh %add3A_113 : vector<2000x32xf32>
    %mul3A_115 = arith.mulf %logistic3A_110, %tanh3A_114 : vector<2000x32xf32>
    %slice3A_116 = vector.extract_strided_slice %get3A_1 {offsets = [0, 12], sizes = [2000, 4], strides = [1, 1]} : vector<2000x80xf32> to vector<2000x4xf32>
    %dot_general3A_117 = arith.constant dense<0.000000e+00> : vector<2000x128xf32>
    %dot_general3A_118 = tpu.matmul %slice3A_116, %get3A_7, %dot_general3A_117 {dimension_numbers = #tpu.dot_dimension_numbers<[1], [0], [0], [1], [0, 0, 1, 1], [], []>, transpose_lhs_hint = false} : vector<2000x4xf32>, vector<4x128xf32>, vector<2000x128xf32> -> vector<2000x128xf32>
    %dot_general3A_119 = arith.constant dense<0.000000e+00> : vector<2000x128xf32>
    %dot_general3A_120 = tpu.matmul %mul3A_115, %get3A_10, %dot_general3A_119 {dimension_numbers = #tpu.dot_dimension_numbers<[1], [0], [0], [1], [0, 0, 1, 1], [], []>, transpose_lhs_hint = false} : vector<2000x32xf32>, vector<32x128xf32>, vector<2000x128xf32> -> vector<2000x128xf32>
    %add3A_121 = arith.addf %dot_general3A_118, %dot_general3A_120 : vector<2000x128xf32>
    %add3A_122 = vector.broadcast %get3A_13 : vector<1x128xf32> to vector<2000x128xf32>
    %add3A_123 = arith.addf %add3A_121, %add3A_122 : vector<2000x128xf32>
    %slice3A_124 = vector.extract_strided_slice %add3A_123 {offsets = [0, 0], sizes = [2000, 32], strides = [1, 1]} : vector<2000x128xf32> to vector<2000x32xf32>
    %logistic3A_125 = arith.negf %slice3A_124 : vector<2000x32xf32>
    %logistic3A_126 = math.exp %logistic3A_125 : vector<2000x32xf32>
    %logistic3A_127 = arith.constant 1.000000e+00 : f32
    %logistic3A_128 = vector.broadcast %logistic3A_127 : f32 to vector<2000x32xf32>
    %logistic3A_129 = arith.addf %logistic3A_128, %logistic3A_126 : vector<2000x32xf32>
    %logistic3A_130 = arith.divf %logistic3A_128, %logistic3A_129 : vector<2000x32xf32>
    %slice3A_131 = vector.extract_strided_slice %add3A_123 {offsets = [0, 32], sizes = [2000, 32], strides = [1, 1]} : vector<2000x128xf32> to vector<2000x32xf32>
    %logistic3A_132 = arith.negf %slice3A_131 : vector<2000x32xf32>
    %logistic3A_133 = math.exp %logistic3A_132 : vector<2000x32xf32>
    %logistic3A_134 = arith.constant 1.000000e+00 : f32
    %logistic3A_135 = vector.broadcast %logistic3A_134 : f32 to vector<2000x32xf32>
    %logistic3A_136 = arith.addf %logistic3A_135, %logistic3A_133 : vector<2000x32xf32>
    %logistic3A_137 = arith.divf %logistic3A_135, %logistic3A_136 : vector<2000x32xf32>
    %slice3A_138 = vector.extract_strided_slice %add3A_123 {offsets = [0, 64], sizes = [2000, 32], strides = [1, 1]} : vector<2000x128xf32> to vector<2000x32xf32>
    %tanh3A_139 = math.tanh %slice3A_138 : vector<2000x32xf32>
    %slice3A_140 = vector.extract_strided_slice %add3A_123 {offsets = [0, 96], sizes = [2000, 32], strides = [1, 1]} : vector<2000x128xf32> to vector<2000x32xf32>
    %logistic3A_141 = arith.negf %slice3A_140 : vector<2000x32xf32>
    %logistic3A_142 = math.exp %logistic3A_141 : vector<2000x32xf32>
    %logistic3A_143 = arith.constant 1.000000e+00 : f32
    %logistic3A_144 = vector.broadcast %logistic3A_143 : f32 to vector<2000x32xf32>
    %logistic3A_145 = arith.addf %logistic3A_144, %logistic3A_142 : vector<2000x32xf32>
    %logistic3A_146 = arith.divf %logistic3A_144, %logistic3A_145 : vector<2000x32xf32>
    %mul3A_147 = arith.mulf %logistic3A_137, %add3A_113 : vector<2000x32xf32>
    %mul3A_148 = arith.mulf %logistic3A_130, %tanh3A_139 : vector<2000x32xf32>
    %add3A_149 = arith.addf %mul3A_147, %mul3A_148 : vector<2000x32xf32>
    %tanh3A_150 = math.tanh %add3A_149 : vector<2000x32xf32>
    %mul3A_151 = arith.mulf %logistic3A_146, %tanh3A_150 : vector<2000x32xf32>
    %slice3A_152 = vector.extract_strided_slice %get3A_1 {offsets = [0, 16], sizes = [2000, 4], strides = [1, 1]} : vector<2000x80xf32> to vector<2000x4xf32>
    %dot_general3A_153 = arith.constant dense<0.000000e+00> : vector<2000x128xf32>
    %dot_general3A_154 = tpu.matmul %slice3A_152, %get3A_7, %dot_general3A_153 {dimension_numbers = #tpu.dot_dimension_numbers<[1], [0], [0], [1], [0, 0, 1, 1], [], []>, transpose_lhs_hint = false} : vector<2000x4xf32>, vector<4x128xf32>, vector<2000x128xf32> -> vector<2000x128xf32>
    %dot_general3A_155 = arith.constant dense<0.000000e+00> : vector<2000x128xf32>
    %dot_general3A_156 = tpu.matmul %mul3A_151, %get3A_10, %dot_general3A_155 {dimension_numbers = #tpu.dot_dimension_numbers<[1], [0], [0], [1], [0, 0, 1, 1], [], []>, transpose_lhs_hint = false} : vector<2000x32xf32>, vector<32x128xf32>, vector<2000x128xf32> -> vector<2000x128xf32>
    %add3A_157 = arith.addf %dot_general3A_154, %dot_general3A_156 : vector<2000x128xf32>
    %add3A_158 = vector.broadcast %get3A_13 : vector<1x128xf32> to vector<2000x128xf32>
    %add3A_159 = arith.addf %add3A_157, %add3A_158 : vector<2000x128xf32>
    %slice3A_160 = vector.extract_strided_slice %add3A_159 {offsets = [0, 0], sizes = [2000, 32], strides = [1, 1]} : vector<2000x128xf32> to vector<2000x32xf32>
    %logistic3A_161 = arith.negf %slice3A_160 : vector<2000x32xf32>
    %logistic3A_162 = math.exp %logistic3A_161 : vector<2000x32xf32>
    %logistic3A_163 = arith.constant 1.000000e+00 : f32
    %logistic3A_164 = vector.broadcast %logistic3A_163 : f32 to vector<2000x32xf32>
    %logistic3A_165 = arith.addf %logistic3A_164, %logistic3A_162 : vector<2000x32xf32>
    %logistic3A_166 = arith.divf %logistic3A_164, %logistic3A_165 : vector<2000x32xf32>
    %slice3A_167 = vector.extract_strided_slice %add3A_159 {offsets = [0, 32], sizes = [2000, 32], strides = [1, 1]} : vector<2000x128xf32> to vector<2000x32xf32>
    %logistic3A_168 = arith.negf %slice3A_167 : vector<2000x32xf32>
    %logistic3A_169 = math.exp %logistic3A_168 : vector<2000x32xf32>
    %logistic3A_170 = arith.constant 1.000000e+00 : f32
    %logistic3A_171 = vector.broadcast %logistic3A_170 : f32 to vector<2000x32xf32>
    %logistic3A_172 = arith.addf %logistic3A_171, %logistic3A_169 : vector<2000x32xf32>
    %logistic3A_173 = arith.divf %logistic3A_171, %logistic3A_172 : vector<2000x32xf32>
    %slice3A_174 = vector.extract_strided_slice %add3A_159 {offsets = [0, 64], sizes = [2000, 32], strides = [1, 1]} : vector<2000x128xf32> to vector<2000x32xf32>
    %tanh3A_175 = math.tanh %slice3A_174 : vector<2000x32xf32>
    %slice3A_176 = vector.extract_strided_slice %add3A_159 {offsets = [0, 96], sizes = [2000, 32], strides = [1, 1]} : vector<2000x128xf32> to vector<2000x32xf32>
    %logistic3A_177 = arith.negf %slice3A_176 : vector<2000x32xf32>
    %logistic3A_178 = math.exp %logistic3A_177 : vector<2000x32xf32>
    %logistic3A_179 = arith.constant 1.000000e+00 : f32
    %logistic3A_180 = vector.broadcast %logistic3A_179 : f32 to vector<2000x32xf32>
    %logistic3A_181 = arith.addf %logistic3A_180, %logistic3A_178 : vector<2000x32xf32>
    %logistic3A_182 = arith.divf %logistic3A_180, %logistic3A_181 : vector<2000x32xf32>
    %mul3A_183 = arith.mulf %logistic3A_173, %add3A_149 : vector<2000x32xf32>
    %mul3A_184 = arith.mulf %logistic3A_166, %tanh3A_175 : vector<2000x32xf32>
    %add3A_185 = arith.addf %mul3A_183, %mul3A_184 : vector<2000x32xf32>
    %tanh3A_186 = math.tanh %add3A_185 : vector<2000x32xf32>
    %mul3A_187 = arith.mulf %logistic3A_182, %tanh3A_186 : vector<2000x32xf32>
    %slice3A_188 = vector.extract_strided_slice %get3A_1 {offsets = [0, 20], sizes = [2000, 4], strides = [1, 1]} : vector<2000x80xf32> to vector<2000x4xf32>
    %dot_general3A_189 = arith.constant dense<0.000000e+00> : vector<2000x128xf32>
    %dot_general3A_190 = tpu.matmul %slice3A_188, %get3A_7, %dot_general3A_189 {dimension_numbers = #tpu.dot_dimension_numbers<[1], [0], [0], [1], [0, 0, 1, 1], [], []>, transpose_lhs_hint = false} : vector<2000x4xf32>, vector<4x128xf32>, vector<2000x128xf32> -> vector<2000x128xf32>
    %dot_general3A_191 = arith.constant dense<0.000000e+00> : vector<2000x128xf32>
    %dot_general3A_192 = tpu.matmul %mul3A_187, %get3A_10, %dot_general3A_191 {dimension_numbers = #tpu.dot_dimension_numbers<[1], [0], [0], [1], [0, 0, 1, 1], [], []>, transpose_lhs_hint = false} : vector<2000x32xf32>, vector<32x128xf32>, vector<2000x128xf32> -> vector<2000x128xf32>
    %add3A_193 = arith.addf %dot_general3A_190, %dot_general3A_192 : vector<2000x128xf32>
    %add3A_194 = vector.broadcast %get3A_13 : vector<1x128xf32> to vector<2000x128xf32>
    %add3A_195 = arith.addf %add3A_193, %add3A_194 : vector<2000x128xf32>
    %slice3A_196 = vector.extract_strided_slice %add3A_195 {offsets = [0, 0], sizes = [2000, 32], strides = [1, 1]} : vector<2000x128xf32> to vector<2000x32xf32>
    %logistic3A_197 = arith.negf %slice3A_196 : vector<2000x32xf32>
    %logistic3A_198 = math.exp %logistic3A_197 : vector<2000x32xf32>
    %logistic3A_199 = arith.constant 1.000000e+00 : f32
    %logistic3A_200 = vector.broadcast %logistic3A_199 : f32 to vector<2000x32xf32>
    %logistic3A_201 = arith.addf %logistic3A_200, %logistic3A_198 : vector<2000x32xf32>
    %logistic3A_202 = arith.divf %logistic3A_200, %logistic3A_201 : vector<2000x32xf32>
    %slice3A_203 = vector.extract_strided_slice %add3A_195 {offsets = [0, 32], sizes = [2000, 32], strides = [1, 1]} : vector<2000x128xf32> to vector<2000x32xf32>
    %logistic3A_204 = arith.negf %slice3A_203 : vector<2000x32xf32>
    %logistic3A_205 = math.exp %logistic3A_204 : vector<2000x32xf32>
    %logistic3A_206 = arith.constant 1.000000e+00 : f32
    %logistic3A_207 = vector.broadcast %logistic3A_206 : f32 to vector<2000x32xf32>
    %logistic3A_208 = arith.addf %logistic3A_207, %logistic3A_205 : vector<2000x32xf32>
    %logistic3A_209 = arith.divf %logistic3A_207, %logistic3A_208 : vector<2000x32xf32>
    %slice3A_210 = vector.extract_strided_slice %add3A_195 {offsets = [0, 64], sizes = [2000, 32], strides = [1, 1]} : vector<2000x128xf32> to vector<2000x32xf32>
    %tanh3A_211 = math.tanh %slice3A_210 : vector<2000x32xf32>
    %slice3A_212 = vector.extract_strided_slice %add3A_195 {offsets = [0, 96], sizes = [2000, 32], strides = [1, 1]} : vector<2000x128xf32> to vector<2000x32xf32>
    %logistic3A_213 = arith.negf %slice3A_212 : vector<2000x32xf32>
    %logistic3A_214 = math.exp %logistic3A_213 : vector<2000x32xf32>
    %logistic3A_215 = arith.constant 1.000000e+00 : f32
    %logistic3A_216 = vector.broadcast %logistic3A_215 : f32 to vector<2000x32xf32>
    %logistic3A_217 = arith.addf %logistic3A_216, %logistic3A_214 : vector<2000x32xf32>
    %logistic3A_218 = arith.divf %logistic3A_216, %logistic3A_217 : vector<2000x32xf32>
    %mul3A_219 = arith.mulf %logistic3A_209, %add3A_185 : vector<2000x32xf32>
    %mul3A_220 = arith.mulf %logistic3A_202, %tanh3A_211 : vector<2000x32xf32>
    %add3A_221 = arith.addf %mul3A_219, %mul3A_220 : vector<2000x32xf32>
    %tanh3A_222 = math.tanh %add3A_221 : vector<2000x32xf32>
    %mul3A_223 = arith.mulf %logistic3A_218, %tanh3A_222 : vector<2000x32xf32>
    %slice3A_224 = vector.extract_strided_slice %get3A_1 {offsets = [0, 24], sizes = [2000, 4], strides = [1, 1]} : vector<2000x80xf32> to vector<2000x4xf32>
    %dot_general3A_225 = arith.constant dense<0.000000e+00> : vector<2000x128xf32>
    %dot_general3A_226 = tpu.matmul %slice3A_224, %get3A_7, %dot_general3A_225 {dimension_numbers = #tpu.dot_dimension_numbers<[1], [0], [0], [1], [0, 0, 1, 1], [], []>, transpose_lhs_hint = false} : vector<2000x4xf32>, vector<4x128xf32>, vector<2000x128xf32> -> vector<2000x128xf32>
    %dot_general3A_227 = arith.constant dense<0.000000e+00> : vector<2000x128xf32>
    %dot_general3A_228 = tpu.matmul %mul3A_223, %get3A_10, %dot_general3A_227 {dimension_numbers = #tpu.dot_dimension_numbers<[1], [0], [0], [1], [0, 0, 1, 1], [], []>, transpose_lhs_hint = false} : vector<2000x32xf32>, vector<32x128xf32>, vector<2000x128xf32> -> vector<2000x128xf32>
    %add3A_229 = arith.addf %dot_general3A_226, %dot_general3A_228 : vector<2000x128xf32>
    %add3A_230 = vector.broadcast %get3A_13 : vector<1x128xf32> to vector<2000x128xf32>
    %add3A_231 = arith.addf %add3A_229, %add3A_230 : vector<2000x128xf32>
    %slice3A_232 = vector.extract_strided_slice %add3A_231 {offsets = [0, 0], sizes = [2000, 32], strides = [1, 1]} : vector<2000x128xf32> to vector<2000x32xf32>
    %logistic3A_233 = arith.negf %slice3A_232 : vector<2000x32xf32>
    %logistic3A_234 = math.exp %logistic3A_233 : vector<2000x32xf32>
    %logistic3A_235 = arith.constant 1.000000e+00 : f32
    %logistic3A_236 = vector.broadcast %logistic3A_235 : f32 to vector<2000x32xf32>
    %logistic3A_237 = arith.addf %logistic3A_236, %logistic3A_234 : vector<2000x32xf32>
    %logistic3A_238 = arith.divf %logistic3A_236, %logistic3A_237 : vector<2000x32xf32>
    %slice3A_239 = vector.extract_strided_slice %add3A_231 {offsets = [0, 32], sizes = [2000, 32], strides = [1, 1]} : vector<2000x128xf32> to vector<2000x32xf32>
    %logistic3A_240 = arith.negf %slice3A_239 : vector<2000x32xf32>
    %logistic3A_241 = math.exp %logistic3A_240 : vector<2000x32xf32>
    %logistic3A_242 = arith.constant 1.000000e+00 : f32
    %logistic3A_243 = vector.broadcast %logistic3A_242 : f32 to vector<2000x32xf32>
    %logistic3A_244 = arith.addf %logistic3A_243, %logistic3A_241 : vector<2000x32xf32>
    %logistic3A_245 = arith.divf %logistic3A_243, %logistic3A_244 : vector<2000x32xf32>
    %slice3A_246 = vector.extract_strided_slice %add3A_231 {offsets = [0, 64], sizes = [2000, 32], strides = [1, 1]} : vector<2000x128xf32> to vector<2000x32xf32>
    %tanh3A_247 = math.tanh %slice3A_246 : vector<2000x32xf32>
    %slice3A_248 = vector.extract_strided_slice %add3A_231 {offsets = [0, 96], sizes = [2000, 32], strides = [1, 1]} : vector<2000x128xf32> to vector<2000x32xf32>
    %logistic3A_249 = arith.negf %slice3A_248 : vector<2000x32xf32>
    %logistic3A_250 = math.exp %logistic3A_249 : vector<2000x32xf32>
    %logistic3A_251 = arith.constant 1.000000e+00 : f32
    %logistic3A_252 = vector.broadcast %logistic3A_251 : f32 to vector<2000x32xf32>
    %logistic3A_253 = arith.addf %logistic3A_252, %logistic3A_250 : vector<2000x32xf32>
    %logistic3A_254 = arith.divf %logistic3A_252, %logistic3A_253 : vector<2000x32xf32>
    %mul3A_255 = arith.mulf %logistic3A_245, %add3A_221 : vector<2000x32xf32>
    %mul3A_256 = arith.mulf %logistic3A_238, %tanh3A_247 : vector<2000x32xf32>
    %add3A_257 = arith.addf %mul3A_255, %mul3A_256 : vector<2000x32xf32>
    %tanh3A_258 = math.tanh %add3A_257 : vector<2000x32xf32>
    %mul3A_259 = arith.mulf %logistic3A_254, %tanh3A_258 : vector<2000x32xf32>
    %slice3A_260 = vector.extract_strided_slice %get3A_1 {offsets = [0, 28], sizes = [2000, 4], strides = [1, 1]} : vector<2000x80xf32> to vector<2000x4xf32>
    %dot_general3A_261 = arith.constant dense<0.000000e+00> : vector<2000x128xf32>
    %dot_general3A_262 = tpu.matmul %slice3A_260, %get3A_7, %dot_general3A_261 {dimension_numbers = #tpu.dot_dimension_numbers<[1], [0], [0], [1], [0, 0, 1, 1], [], []>, transpose_lhs_hint = false} : vector<2000x4xf32>, vector<4x128xf32>, vector<2000x128xf32> -> vector<2000x128xf32>
    %dot_general3A_263 = arith.constant dense<0.000000e+00> : vector<2000x128xf32>
    %dot_general3A_264 = tpu.matmul %mul3A_259, %get3A_10, %dot_general3A_263 {dimension_numbers = #tpu.dot_dimension_numbers<[1], [0], [0], [1], [0, 0, 1, 1], [], []>, transpose_lhs_hint = false} : vector<2000x32xf32>, vector<32x128xf32>, vector<2000x128xf32> -> vector<2000x128xf32>
    %add3A_265 = arith.addf %dot_general3A_262, %dot_general3A_264 : vector<2000x128xf32>
    %add3A_266 = vector.broadcast %get3A_13 : vector<1x128xf32> to vector<2000x128xf32>
    %add3A_267 = arith.addf %add3A_265, %add3A_266 : vector<2000x128xf32>
    %slice3A_268 = vector.extract_strided_slice %add3A_267 {offsets = [0, 0], sizes = [2000, 32], strides = [1, 1]} : vector<2000x128xf32> to vector<2000x32xf32>
    %logistic3A_269 = arith.negf %slice3A_268 : vector<2000x32xf32>
    %logistic3A_270 = math.exp %logistic3A_269 : vector<2000x32xf32>
    %logistic3A_271 = arith.constant 1.000000e+00 : f32
    %logistic3A_272 = vector.broadcast %logistic3A_271 : f32 to vector<2000x32xf32>
    %logistic3A_273 = arith.addf %logistic3A_272, %logistic3A_270 : vector<2000x32xf32>
    %logistic3A_274 = arith.divf %logistic3A_272, %logistic3A_273 : vector<2000x32xf32>
    %slice3A_275 = vector.extract_strided_slice %add3A_267 {offsets = [0, 32], sizes = [2000, 32], strides = [1, 1]} : vector<2000x128xf32> to vector<2000x32xf32>
    %logistic3A_276 = arith.negf %slice3A_275 : vector<2000x32xf32>
    %logistic3A_277 = math.exp %logistic3A_276 : vector<2000x32xf32>
    %logistic3A_278 = arith.constant 1.000000e+00 : f32
    %logistic3A_279 = vector.broadcast %logistic3A_278 : f32 to vector<2000x32xf32>
    %logistic3A_280 = arith.addf %logistic3A_279, %logistic3A_277 : vector<2000x32xf32>
    %logistic3A_281 = arith.divf %logistic3A_279, %logistic3A_280 : vector<2000x32xf32>
    %slice3A_282 = vector.extract_strided_slice %add3A_267 {offsets = [0, 64], sizes = [2000, 32], strides = [1, 1]} : vector<2000x128xf32> to vector<2000x32xf32>
    %tanh3A_283 = math.tanh %slice3A_282 : vector<2000x32xf32>
    %slice3A_284 = vector.extract_strided_slice %add3A_267 {offsets = [0, 96], sizes = [2000, 32], strides = [1, 1]} : vector<2000x128xf32> to vector<2000x32xf32>
    %logistic3A_285 = arith.negf %slice3A_284 : vector<2000x32xf32>
    %logistic3A_286 = math.exp %logistic3A_285 : vector<2000x32xf32>
    %logistic3A_287 = arith.constant 1.000000e+00 : f32
    %logistic3A_288 = vector.broadcast %logistic3A_287 : f32 to vector<2000x32xf32>
    %logistic3A_289 = arith.addf %logistic3A_288, %logistic3A_286 : vector<2000x32xf32>
    %logistic3A_290 = arith.divf %logistic3A_288, %logistic3A_289 : vector<2000x32xf32>
    %mul3A_291 = arith.mulf %logistic3A_281, %add3A_257 : vector<2000x32xf32>
    %mul3A_292 = arith.mulf %logistic3A_274, %tanh3A_283 : vector<2000x32xf32>
    %add3A_293 = arith.addf %mul3A_291, %mul3A_292 : vector<2000x32xf32>
    %tanh3A_294 = math.tanh %add3A_293 : vector<2000x32xf32>
    %mul3A_295 = arith.mulf %logistic3A_290, %tanh3A_294 : vector<2000x32xf32>
    %slice3A_296 = vector.extract_strided_slice %get3A_1 {offsets = [0, 32], sizes = [2000, 4], strides = [1, 1]} : vector<2000x80xf32> to vector<2000x4xf32>
    %dot_general3A_297 = arith.constant dense<0.000000e+00> : vector<2000x128xf32>
    %dot_general3A_298 = tpu.matmul %slice3A_296, %get3A_7, %dot_general3A_297 {dimension_numbers = #tpu.dot_dimension_numbers<[1], [0], [0], [1], [0, 0, 1, 1], [], []>, transpose_lhs_hint = false} : vector<2000x4xf32>, vector<4x128xf32>, vector<2000x128xf32> -> vector<2000x128xf32>
    %dot_general3A_299 = arith.constant dense<0.000000e+00> : vector<2000x128xf32>
    %dot_general3A_300 = tpu.matmul %mul3A_295, %get3A_10, %dot_general3A_299 {dimension_numbers = #tpu.dot_dimension_numbers<[1], [0], [0], [1], [0, 0, 1, 1], [], []>, transpose_lhs_hint = false} : vector<2000x32xf32>, vector<32x128xf32>, vector<2000x128xf32> -> vector<2000x128xf32>
    %add3A_301 = arith.addf %dot_general3A_298, %dot_general3A_300 : vector<2000x128xf32>
    %add3A_302 = vector.broadcast %get3A_13 : vector<1x128xf32> to vector<2000x128xf32>
    %add3A_303 = arith.addf %add3A_301, %add3A_302 : vector<2000x128xf32>
    %slice3A_304 = vector.extract_strided_slice %add3A_303 {offsets = [0, 0], sizes = [2000, 32], strides = [1, 1]} : vector<2000x128xf32> to vector<2000x32xf32>
    %logistic3A_305 = arith.negf %slice3A_304 : vector<2000x32xf32>
    %logistic3A_306 = math.exp %logistic3A_305 : vector<2000x32xf32>
    %logistic3A_307 = arith.constant 1.000000e+00 : f32
    %logistic3A_308 = vector.broadcast %logistic3A_307 : f32 to vector<2000x32xf32>
    %logistic3A_309 = arith.addf %logistic3A_308, %logistic3A_306 : vector<2000x32xf32>
    %logistic3A_310 = arith.divf %logistic3A_308, %logistic3A_309 : vector<2000x32xf32>
    %slice3A_311 = vector.extract_strided_slice %add3A_303 {offsets = [0, 32], sizes = [2000, 32], strides = [1, 1]} : vector<2000x128xf32> to vector<2000x32xf32>
    %logistic3A_312 = arith.negf %slice3A_311 : vector<2000x32xf32>
    %logistic3A_313 = math.exp %logistic3A_312 : vector<2000x32xf32>
    %logistic3A_314 = arith.constant 1.000000e+00 : f32
    %logistic3A_315 = vector.broadcast %logistic3A_314 : f32 to vector<2000x32xf32>
    %logistic3A_316 = arith.addf %logistic3A_315, %logistic3A_313 : vector<2000x32xf32>
    %logistic3A_317 = arith.divf %logistic3A_315, %logistic3A_316 : vector<2000x32xf32>
    %slice3A_318 = vector.extract_strided_slice %add3A_303 {offsets = [0, 64], sizes = [2000, 32], strides = [1, 1]} : vector<2000x128xf32> to vector<2000x32xf32>
    %tanh3A_319 = math.tanh %slice3A_318 : vector<2000x32xf32>
    %slice3A_320 = vector.extract_strided_slice %add3A_303 {offsets = [0, 96], sizes = [2000, 32], strides = [1, 1]} : vector<2000x128xf32> to vector<2000x32xf32>
    %logistic3A_321 = arith.negf %slice3A_320 : vector<2000x32xf32>
    %logistic3A_322 = math.exp %logistic3A_321 : vector<2000x32xf32>
    %logistic3A_323 = arith.constant 1.000000e+00 : f32
    %logistic3A_324 = vector.broadcast %logistic3A_323 : f32 to vector<2000x32xf32>
    %logistic3A_325 = arith.addf %logistic3A_324, %logistic3A_322 : vector<2000x32xf32>
    %logistic3A_326 = arith.divf %logistic3A_324, %logistic3A_325 : vector<2000x32xf32>
    %mul3A_327 = arith.mulf %logistic3A_317, %add3A_293 : vector<2000x32xf32>
    %mul3A_328 = arith.mulf %logistic3A_310, %tanh3A_319 : vector<2000x32xf32>
    %add3A_329 = arith.addf %mul3A_327, %mul3A_328 : vector<2000x32xf32>
    %tanh3A_330 = math.tanh %add3A_329 : vector<2000x32xf32>
    %mul3A_331 = arith.mulf %logistic3A_326, %tanh3A_330 : vector<2000x32xf32>
    %slice3A_332 = vector.extract_strided_slice %get3A_1 {offsets = [0, 36], sizes = [2000, 4], strides = [1, 1]} : vector<2000x80xf32> to vector<2000x4xf32>
    %dot_general3A_333 = arith.constant dense<0.000000e+00> : vector<2000x128xf32>
    %dot_general3A_334 = tpu.matmul %slice3A_332, %get3A_7, %dot_general3A_333 {dimension_numbers = #tpu.dot_dimension_numbers<[1], [0], [0], [1], [0, 0, 1, 1], [], []>, transpose_lhs_hint = false} : vector<2000x4xf32>, vector<4x128xf32>, vector<2000x128xf32> -> vector<2000x128xf32>
    %dot_general3A_335 = arith.constant dense<0.000000e+00> : vector<2000x128xf32>
    %dot_general3A_336 = tpu.matmul %mul3A_331, %get3A_10, %dot_general3A_335 {dimension_numbers = #tpu.dot_dimension_numbers<[1], [0], [0], [1], [0, 0, 1, 1], [], []>, transpose_lhs_hint = false} : vector<2000x32xf32>, vector<32x128xf32>, vector<2000x128xf32> -> vector<2000x128xf32>
    %add3A_337 = arith.addf %dot_general3A_334, %dot_general3A_336 : vector<2000x128xf32>
    %add3A_338 = vector.broadcast %get3A_13 : vector<1x128xf32> to vector<2000x128xf32>
    %add3A_339 = arith.addf %add3A_337, %add3A_338 : vector<2000x128xf32>
    %slice3A_340 = vector.extract_strided_slice %add3A_339 {offsets = [0, 0], sizes = [2000, 32], strides = [1, 1]} : vector<2000x128xf32> to vector<2000x32xf32>
    %logistic3A_341 = arith.negf %slice3A_340 : vector<2000x32xf32>
    %logistic3A_342 = math.exp %logistic3A_341 : vector<2000x32xf32>
    %logistic3A_343 = arith.constant 1.000000e+00 : f32
    %logistic3A_344 = vector.broadcast %logistic3A_343 : f32 to vector<2000x32xf32>
    %logistic3A_345 = arith.addf %logistic3A_344, %logistic3A_342 : vector<2000x32xf32>
    %logistic3A_346 = arith.divf %logistic3A_344, %logistic3A_345 : vector<2000x32xf32>
    %slice3A_347 = vector.extract_strided_slice %add3A_339 {offsets = [0, 32], sizes = [2000, 32], strides = [1, 1]} : vector<2000x128xf32> to vector<2000x32xf32>
    %logistic3A_348 = arith.negf %slice3A_347 : vector<2000x32xf32>
    %logistic3A_349 = math.exp %logistic3A_348 : vector<2000x32xf32>
    %logistic3A_350 = arith.constant 1.000000e+00 : f32
    %logistic3A_351 = vector.broadcast %logistic3A_350 : f32 to vector<2000x32xf32>
    %logistic3A_352 = arith.addf %logistic3A_351, %logistic3A_349 : vector<2000x32xf32>
    %logistic3A_353 = arith.divf %logistic3A_351, %logistic3A_352 : vector<2000x32xf32>
    %slice3A_354 = vector.extract_strided_slice %add3A_339 {offsets = [0, 64], sizes = [2000, 32], strides = [1, 1]} : vector<2000x128xf32> to vector<2000x32xf32>
    %tanh3A_355 = math.tanh %slice3A_354 : vector<2000x32xf32>
    %slice3A_356 = vector.extract_strided_slice %add3A_339 {offsets = [0, 96], sizes = [2000, 32], strides = [1, 1]} : vector<2000x128xf32> to vector<2000x32xf32>
    %logistic3A_357 = arith.negf %slice3A_356 : vector<2000x32xf32>
    %logistic3A_358 = math.exp %logistic3A_357 : vector<2000x32xf32>
    %logistic3A_359 = arith.constant 1.000000e+00 : f32
    %logistic3A_360 = vector.broadcast %logistic3A_359 : f32 to vector<2000x32xf32>
    %logistic3A_361 = arith.addf %logistic3A_360, %logistic3A_358 : vector<2000x32xf32>
    %logistic3A_362 = arith.divf %logistic3A_360, %logistic3A_361 : vector<2000x32xf32>
    %mul3A_363 = arith.mulf %logistic3A_353, %add3A_329 : vector<2000x32xf32>
    %mul3A_364 = arith.mulf %logistic3A_346, %tanh3A_355 : vector<2000x32xf32>
    %add3A_365 = arith.addf %mul3A_363, %mul3A_364 : vector<2000x32xf32>
    %tanh3A_366 = math.tanh %add3A_365 : vector<2000x32xf32>
    %mul3A_367 = arith.mulf %logistic3A_362, %tanh3A_366 : vector<2000x32xf32>
    %slice3A_368 = vector.extract_strided_slice %get3A_1 {offsets = [0, 40], sizes = [2000, 4], strides = [1, 1]} : vector<2000x80xf32> to vector<2000x4xf32>
    %dot_general3A_369 = arith.constant dense<0.000000e+00> : vector<2000x128xf32>
    %dot_general3A_370 = tpu.matmul %slice3A_368, %get3A_7, %dot_general3A_369 {dimension_numbers = #tpu.dot_dimension_numbers<[1], [0], [0], [1], [0, 0, 1, 1], [], []>, transpose_lhs_hint = false} : vector<2000x4xf32>, vector<4x128xf32>, vector<2000x128xf32> -> vector<2000x128xf32>
    %dot_general3A_371 = arith.constant dense<0.000000e+00> : vector<2000x128xf32>
    %dot_general3A_372 = tpu.matmul %mul3A_367, %get3A_10, %dot_general3A_371 {dimension_numbers = #tpu.dot_dimension_numbers<[1], [0], [0], [1], [0, 0, 1, 1], [], []>, transpose_lhs_hint = false} : vector<2000x32xf32>, vector<32x128xf32>, vector<2000x128xf32> -> vector<2000x128xf32>
    %add3A_373 = arith.addf %dot_general3A_370, %dot_general3A_372 : vector<2000x128xf32>
    %add3A_374 = vector.broadcast %get3A_13 : vector<1x128xf32> to vector<2000x128xf32>
    %add3A_375 = arith.addf %add3A_373, %add3A_374 : vector<2000x128xf32>
    %slice3A_376 = vector.extract_strided_slice %add3A_375 {offsets = [0, 0], sizes = [2000, 32], strides = [1, 1]} : vector<2000x128xf32> to vector<2000x32xf32>
    %logistic3A_377 = arith.negf %slice3A_376 : vector<2000x32xf32>
    %logistic3A_378 = math.exp %logistic3A_377 : vector<2000x32xf32>
    %logistic3A_379 = arith.constant 1.000000e+00 : f32
    %logistic3A_380 = vector.broadcast %logistic3A_379 : f32 to vector<2000x32xf32>
    %logistic3A_381 = arith.addf %logistic3A_380, %logistic3A_378 : vector<2000x32xf32>
    %logistic3A_382 = arith.divf %logistic3A_380, %logistic3A_381 : vector<2000x32xf32>
    %slice3A_383 = vector.extract_strided_slice %add3A_375 {offsets = [0, 32], sizes = [2000, 32], strides = [1, 1]} : vector<2000x128xf32> to vector<2000x32xf32>
    %logistic3A_384 = arith.negf %slice3A_383 : vector<2000x32xf32>
    %logistic3A_385 = math.exp %logistic3A_384 : vector<2000x32xf32>
    %logistic3A_386 = arith.constant 1.000000e+00 : f32
    %logistic3A_387 = vector.broadcast %logistic3A_386 : f32 to vector<2000x32xf32>
    %logistic3A_388 = arith.addf %logistic3A_387, %logistic3A_385 : vector<2000x32xf32>
    %logistic3A_389 = arith.divf %logistic3A_387, %logistic3A_388 : vector<2000x32xf32>
    %slice3A_390 = vector.extract_strided_slice %add3A_375 {offsets = [0, 64], sizes = [2000, 32], strides = [1, 1]} : vector<2000x128xf32> to vector<2000x32xf32>
    %tanh3A_391 = math.tanh %slice3A_390 : vector<2000x32xf32>
    %slice3A_392 = vector.extract_strided_slice %add3A_375 {offsets = [0, 96], sizes = [2000, 32], strides = [1, 1]} : vector<2000x128xf32> to vector<2000x32xf32>
    %logistic3A_393 = arith.negf %slice3A_392 : vector<2000x32xf32>
    %logistic3A_394 = math.exp %logistic3A_393 : vector<2000x32xf32>
    %logistic3A_395 = arith.constant 1.000000e+00 : f32
    %logistic3A_396 = vector.broadcast %logistic3A_395 : f32 to vector<2000x32xf32>
    %logistic3A_397 = arith.addf %logistic3A_396, %logistic3A_394 : vector<2000x32xf32>
    %logistic3A_398 = arith.divf %logistic3A_396, %logistic3A_397 : vector<2000x32xf32>
    %mul3A_399 = arith.mulf %logistic3A_389, %add3A_365 : vector<2000x32xf32>
    %mul3A_400 = arith.mulf %logistic3A_382, %tanh3A_391 : vector<2000x32xf32>
    %add3A_401 = arith.addf %mul3A_399, %mul3A_400 : vector<2000x32xf32>
    %tanh3A_402 = math.tanh %add3A_401 : vector<2000x32xf32>
    %mul3A_403 = arith.mulf %logistic3A_398, %tanh3A_402 : vector<2000x32xf32>
    %slice3A_404 = vector.extract_strided_slice %get3A_1 {offsets = [0, 44], sizes = [2000, 4], strides = [1, 1]} : vector<2000x80xf32> to vector<2000x4xf32>
    %dot_general3A_405 = arith.constant dense<0.000000e+00> : vector<2000x128xf32>
    %dot_general3A_406 = tpu.matmul %slice3A_404, %get3A_7, %dot_general3A_405 {dimension_numbers = #tpu.dot_dimension_numbers<[1], [0], [0], [1], [0, 0, 1, 1], [], []>, transpose_lhs_hint = false} : vector<2000x4xf32>, vector<4x128xf32>, vector<2000x128xf32> -> vector<2000x128xf32>
    %dot_general3A_407 = arith.constant dense<0.000000e+00> : vector<2000x128xf32>
    %dot_general3A_408 = tpu.matmul %mul3A_403, %get3A_10, %dot_general3A_407 {dimension_numbers = #tpu.dot_dimension_numbers<[1], [0], [0], [1], [0, 0, 1, 1], [], []>, transpose_lhs_hint = false} : vector<2000x32xf32>, vector<32x128xf32>, vector<2000x128xf32> -> vector<2000x128xf32>
    %add3A_409 = arith.addf %dot_general3A_406, %dot_general3A_408 : vector<2000x128xf32>
    %add3A_410 = vector.broadcast %get3A_13 : vector<1x128xf32> to vector<2000x128xf32>
    %add3A_411 = arith.addf %add3A_409, %add3A_410 : vector<2000x128xf32>
    %slice3A_412 = vector.extract_strided_slice %add3A_411 {offsets = [0, 0], sizes = [2000, 32], strides = [1, 1]} : vector<2000x128xf32> to vector<2000x32xf32>
    %logistic3A_413 = arith.negf %slice3A_412 : vector<2000x32xf32>
    %logistic3A_414 = math.exp %logistic3A_413 : vector<2000x32xf32>
    %logistic3A_415 = arith.constant 1.000000e+00 : f32
    %logistic3A_416 = vector.broadcast %logistic3A_415 : f32 to vector<2000x32xf32>
    %logistic3A_417 = arith.addf %logistic3A_416, %logistic3A_414 : vector<2000x32xf32>
    %logistic3A_418 = arith.divf %logistic3A_416, %logistic3A_417 : vector<2000x32xf32>
    %slice3A_419 = vector.extract_strided_slice %add3A_411 {offsets = [0, 32], sizes = [2000, 32], strides = [1, 1]} : vector<2000x128xf32> to vector<2000x32xf32>
    %logistic3A_420 = arith.negf %slice3A_419 : vector<2000x32xf32>
    %logistic3A_421 = math.exp %logistic3A_420 : vector<2000x32xf32>
    %logistic3A_422 = arith.constant 1.000000e+00 : f32
    %logistic3A_423 = vector.broadcast %logistic3A_422 : f32 to vector<2000x32xf32>
    %logistic3A_424 = arith.addf %logistic3A_423, %logistic3A_421 : vector<2000x32xf32>
    %logistic3A_425 = arith.divf %logistic3A_423, %logistic3A_424 : vector<2000x32xf32>
    %slice3A_426 = vector.extract_strided_slice %add3A_411 {offsets = [0, 64], sizes = [2000, 32], strides = [1, 1]} : vector<2000x128xf32> to vector<2000x32xf32>
    %tanh3A_427 = math.tanh %slice3A_426 : vector<2000x32xf32>
    %slice3A_428 = vector.extract_strided_slice %add3A_411 {offsets = [0, 96], sizes = [2000, 32], strides = [1, 1]} : vector<2000x128xf32> to vector<2000x32xf32>
    %logistic3A_429 = arith.negf %slice3A_428 : vector<2000x32xf32>
    %logistic3A_430 = math.exp %logistic3A_429 : vector<2000x32xf32>
    %logistic3A_431 = arith.constant 1.000000e+00 : f32
    %logistic3A_432 = vector.broadcast %logistic3A_431 : f32 to vector<2000x32xf32>
    %logistic3A_433 = arith.addf %logistic3A_432, %logistic3A_430 : vector<2000x32xf32>
    %logistic3A_434 = arith.divf %logistic3A_432, %logistic3A_433 : vector<2000x32xf32>
    %mul3A_435 = arith.mulf %logistic3A_425, %add3A_401 : vector<2000x32xf32>
    %mul3A_436 = arith.mulf %logistic3A_418, %tanh3A_427 : vector<2000x32xf32>
    %add3A_437 = arith.addf %mul3A_435, %mul3A_436 : vector<2000x32xf32>
    %tanh3A_438 = math.tanh %add3A_437 : vector<2000x32xf32>
    %mul3A_439 = arith.mulf %logistic3A_434, %tanh3A_438 : vector<2000x32xf32>
    %slice3A_440 = vector.extract_strided_slice %get3A_1 {offsets = [0, 48], sizes = [2000, 4], strides = [1, 1]} : vector<2000x80xf32> to vector<2000x4xf32>
    %dot_general3A_441 = arith.constant dense<0.000000e+00> : vector<2000x128xf32>
    %dot_general3A_442 = tpu.matmul %slice3A_440, %get3A_7, %dot_general3A_441 {dimension_numbers = #tpu.dot_dimension_numbers<[1], [0], [0], [1], [0, 0, 1, 1], [], []>, transpose_lhs_hint = false} : vector<2000x4xf32>, vector<4x128xf32>, vector<2000x128xf32> -> vector<2000x128xf32>
    %dot_general3A_443 = arith.constant dense<0.000000e+00> : vector<2000x128xf32>
    %dot_general3A_444 = tpu.matmul %mul3A_439, %get3A_10, %dot_general3A_443 {dimension_numbers = #tpu.dot_dimension_numbers<[1], [0], [0], [1], [0, 0, 1, 1], [], []>, transpose_lhs_hint = false} : vector<2000x32xf32>, vector<32x128xf32>, vector<2000x128xf32> -> vector<2000x128xf32>
    %add3A_445 = arith.addf %dot_general3A_442, %dot_general3A_444 : vector<2000x128xf32>
    %add3A_446 = vector.broadcast %get3A_13 : vector<1x128xf32> to vector<2000x128xf32>
    %add3A_447 = arith.addf %add3A_445, %add3A_446 : vector<2000x128xf32>
    %slice3A_448 = vector.extract_strided_slice %add3A_447 {offsets = [0, 0], sizes = [2000, 32], strides = [1, 1]} : vector<2000x128xf32> to vector<2000x32xf32>
    %logistic3A_449 = arith.negf %slice3A_448 : vector<2000x32xf32>
    %logistic3A_450 = math.exp %logistic3A_449 : vector<2000x32xf32>
    %logistic3A_451 = arith.constant 1.000000e+00 : f32
    %logistic3A_452 = vector.broadcast %logistic3A_451 : f32 to vector<2000x32xf32>
    %logistic3A_453 = arith.addf %logistic3A_452, %logistic3A_450 : vector<2000x32xf32>
    %logistic3A_454 = arith.divf %logistic3A_452, %logistic3A_453 : vector<2000x32xf32>
    %slice3A_455 = vector.extract_strided_slice %add3A_447 {offsets = [0, 32], sizes = [2000, 32], strides = [1, 1]} : vector<2000x128xf32> to vector<2000x32xf32>
    %logistic3A_456 = arith.negf %slice3A_455 : vector<2000x32xf32>
    %logistic3A_457 = math.exp %logistic3A_456 : vector<2000x32xf32>
    %logistic3A_458 = arith.constant 1.000000e+00 : f32
    %logistic3A_459 = vector.broadcast %logistic3A_458 : f32 to vector<2000x32xf32>
    %logistic3A_460 = arith.addf %logistic3A_459, %logistic3A_457 : vector<2000x32xf32>
    %logistic3A_461 = arith.divf %logistic3A_459, %logistic3A_460 : vector<2000x32xf32>
    %slice3A_462 = vector.extract_strided_slice %add3A_447 {offsets = [0, 64], sizes = [2000, 32], strides = [1, 1]} : vector<2000x128xf32> to vector<2000x32xf32>
    %tanh3A_463 = math.tanh %slice3A_462 : vector<2000x32xf32>
    %slice3A_464 = vector.extract_strided_slice %add3A_447 {offsets = [0, 96], sizes = [2000, 32], strides = [1, 1]} : vector<2000x128xf32> to vector<2000x32xf32>
    %logistic3A_465 = arith.negf %slice3A_464 : vector<2000x32xf32>
    %logistic3A_466 = math.exp %logistic3A_465 : vector<2000x32xf32>
    %logistic3A_467 = arith.constant 1.000000e+00 : f32
    %logistic3A_468 = vector.broadcast %logistic3A_467 : f32 to vector<2000x32xf32>
    %logistic3A_469 = arith.addf %logistic3A_468, %logistic3A_466 : vector<2000x32xf32>
    %logistic3A_470 = arith.divf %logistic3A_468, %logistic3A_469 : vector<2000x32xf32>
    %mul3A_471 = arith.mulf %logistic3A_461, %add3A_437 : vector<2000x32xf32>
    %mul3A_472 = arith.mulf %logistic3A_454, %tanh3A_463 : vector<2000x32xf32>
    %add3A_473 = arith.addf %mul3A_471, %mul3A_472 : vector<2000x32xf32>
    %tanh3A_474 = math.tanh %add3A_473 : vector<2000x32xf32>
    %mul3A_475 = arith.mulf %logistic3A_470, %tanh3A_474 : vector<2000x32xf32>
    %slice3A_476 = vector.extract_strided_slice %get3A_1 {offsets = [0, 52], sizes = [2000, 4], strides = [1, 1]} : vector<2000x80xf32> to vector<2000x4xf32>
    %dot_general3A_477 = arith.constant dense<0.000000e+00> : vector<2000x128xf32>
    %dot_general3A_478 = tpu.matmul %slice3A_476, %get3A_7, %dot_general3A_477 {dimension_numbers = #tpu.dot_dimension_numbers<[1], [0], [0], [1], [0, 0, 1, 1], [], []>, transpose_lhs_hint = false} : vector<2000x4xf32>, vector<4x128xf32>, vector<2000x128xf32> -> vector<2000x128xf32>
    %dot_general3A_479 = arith.constant dense<0.000000e+00> : vector<2000x128xf32>
    %dot_general3A_480 = tpu.matmul %mul3A_475, %get3A_10, %dot_general3A_479 {dimension_numbers = #tpu.dot_dimension_numbers<[1], [0], [0], [1], [0, 0, 1, 1], [], []>, transpose_lhs_hint = false} : vector<2000x32xf32>, vector<32x128xf32>, vector<2000x128xf32> -> vector<2000x128xf32>
    %add3A_481 = arith.addf %dot_general3A_478, %dot_general3A_480 : vector<2000x128xf32>
    %add3A_482 = vector.broadcast %get3A_13 : vector<1x128xf32> to vector<2000x128xf32>
    %add3A_483 = arith.addf %add3A_481, %add3A_482 : vector<2000x128xf32>
    %slice3A_484 = vector.extract_strided_slice %add3A_483 {offsets = [0, 0], sizes = [2000, 32], strides = [1, 1]} : vector<2000x128xf32> to vector<2000x32xf32>
    %logistic3A_485 = arith.negf %slice3A_484 : vector<2000x32xf32>
    %logistic3A_486 = math.exp %logistic3A_485 : vector<2000x32xf32>
    %logistic3A_487 = arith.constant 1.000000e+00 : f32
    %logistic3A_488 = vector.broadcast %logistic3A_487 : f32 to vector<2000x32xf32>
    %logistic3A_489 = arith.addf %logistic3A_488, %logistic3A_486 : vector<2000x32xf32>
    %logistic3A_490 = arith.divf %logistic3A_488, %logistic3A_489 : vector<2000x32xf32>
    %slice3A_491 = vector.extract_strided_slice %add3A_483 {offsets = [0, 32], sizes = [2000, 32], strides = [1, 1]} : vector<2000x128xf32> to vector<2000x32xf32>
    %logistic3A_492 = arith.negf %slice3A_491 : vector<2000x32xf32>
    %logistic3A_493 = math.exp %logistic3A_492 : vector<2000x32xf32>
    %logistic3A_494 = arith.constant 1.000000e+00 : f32
    %logistic3A_495 = vector.broadcast %logistic3A_494 : f32 to vector<2000x32xf32>
    %logistic3A_496 = arith.addf %logistic3A_495, %logistic3A_493 : vector<2000x32xf32>
    %logistic3A_497 = arith.divf %logistic3A_495, %logistic3A_496 : vector<2000x32xf32>
    %slice3A_498 = vector.extract_strided_slice %add3A_483 {offsets = [0, 64], sizes = [2000, 32], strides = [1, 1]} : vector<2000x128xf32> to vector<2000x32xf32>
    %tanh3A_499 = math.tanh %slice3A_498 : vector<2000x32xf32>
    %slice3A_500 = vector.extract_strided_slice %add3A_483 {offsets = [0, 96], sizes = [2000, 32], strides = [1, 1]} : vector<2000x128xf32> to vector<2000x32xf32>
    %logistic3A_501 = arith.negf %slice3A_500 : vector<2000x32xf32>
    %logistic3A_502 = math.exp %logistic3A_501 : vector<2000x32xf32>
    %logistic3A_503 = arith.constant 1.000000e+00 : f32
    %logistic3A_504 = vector.broadcast %logistic3A_503 : f32 to vector<2000x32xf32>
    %logistic3A_505 = arith.addf %logistic3A_504, %logistic3A_502 : vector<2000x32xf32>
    %logistic3A_506 = arith.divf %logistic3A_504, %logistic3A_505 : vector<2000x32xf32>
    %mul3A_507 = arith.mulf %logistic3A_497, %add3A_473 : vector<2000x32xf32>
    %mul3A_508 = arith.mulf %logistic3A_490, %tanh3A_499 : vector<2000x32xf32>
    %add3A_509 = arith.addf %mul3A_507, %mul3A_508 : vector<2000x32xf32>
    %tanh3A_510 = math.tanh %add3A_509 : vector<2000x32xf32>
    %mul3A_511 = arith.mulf %logistic3A_506, %tanh3A_510 : vector<2000x32xf32>
    %slice3A_512 = vector.extract_strided_slice %get3A_1 {offsets = [0, 56], sizes = [2000, 4], strides = [1, 1]} : vector<2000x80xf32> to vector<2000x4xf32>
    %dot_general3A_513 = arith.constant dense<0.000000e+00> : vector<2000x128xf32>
    %dot_general3A_514 = tpu.matmul %slice3A_512, %get3A_7, %dot_general3A_513 {dimension_numbers = #tpu.dot_dimension_numbers<[1], [0], [0], [1], [0, 0, 1, 1], [], []>, transpose_lhs_hint = false} : vector<2000x4xf32>, vector<4x128xf32>, vector<2000x128xf32> -> vector<2000x128xf32>
    %dot_general3A_515 = arith.constant dense<0.000000e+00> : vector<2000x128xf32>
    %dot_general3A_516 = tpu.matmul %mul3A_511, %get3A_10, %dot_general3A_515 {dimension_numbers = #tpu.dot_dimension_numbers<[1], [0], [0], [1], [0, 0, 1, 1], [], []>, transpose_lhs_hint = false} : vector<2000x32xf32>, vector<32x128xf32>, vector<2000x128xf32> -> vector<2000x128xf32>
    %add3A_517 = arith.addf %dot_general3A_514, %dot_general3A_516 : vector<2000x128xf32>
    %add3A_518 = vector.broadcast %get3A_13 : vector<1x128xf32> to vector<2000x128xf32>
    %add3A_519 = arith.addf %add3A_517, %add3A_518 : vector<2000x128xf32>
    %slice3A_520 = vector.extract_strided_slice %add3A_519 {offsets = [0, 0], sizes = [2000, 32], strides = [1, 1]} : vector<2000x128xf32> to vector<2000x32xf32>
    %logistic3A_521 = arith.negf %slice3A_520 : vector<2000x32xf32>
    %logistic3A_522 = math.exp %logistic3A_521 : vector<2000x32xf32>
    %logistic3A_523 = arith.constant 1.000000e+00 : f32
    %logistic3A_524 = vector.broadcast %logistic3A_523 : f32 to vector<2000x32xf32>
    %logistic3A_525 = arith.addf %logistic3A_524, %logistic3A_522 : vector<2000x32xf32>
    %logistic3A_526 = arith.divf %logistic3A_524, %logistic3A_525 : vector<2000x32xf32>
    %slice3A_527 = vector.extract_strided_slice %add3A_519 {offsets = [0, 32], sizes = [2000, 32], strides = [1, 1]} : vector<2000x128xf32> to vector<2000x32xf32>
    %logistic3A_528 = arith.negf %slice3A_527 : vector<2000x32xf32>
    %logistic3A_529 = math.exp %logistic3A_528 : vector<2000x32xf32>
    %logistic3A_530 = arith.constant 1.000000e+00 : f32
    %logistic3A_531 = vector.broadcast %logistic3A_530 : f32 to vector<2000x32xf32>
    %logistic3A_532 = arith.addf %logistic3A_531, %logistic3A_529 : vector<2000x32xf32>
    %logistic3A_533 = arith.divf %logistic3A_531, %logistic3A_532 : vector<2000x32xf32>
    %slice3A_534 = vector.extract_strided_slice %add3A_519 {offsets = [0, 64], sizes = [2000, 32], strides = [1, 1]} : vector<2000x128xf32> to vector<2000x32xf32>
    %tanh3A_535 = math.tanh %slice3A_534 : vector<2000x32xf32>
    %slice3A_536 = vector.extract_strided_slice %add3A_519 {offsets = [0, 96], sizes = [2000, 32], strides = [1, 1]} : vector<2000x128xf32> to vector<2000x32xf32>
    %logistic3A_537 = arith.negf %slice3A_536 : vector<2000x32xf32>
    %logistic3A_538 = math.exp %logistic3A_537 : vector<2000x32xf32>
    %logistic3A_539 = arith.constant 1.000000e+00 : f32
    %logistic3A_540 = vector.broadcast %logistic3A_539 : f32 to vector<2000x32xf32>
    %logistic3A_541 = arith.addf %logistic3A_540, %logistic3A_538 : vector<2000x32xf32>
    %logistic3A_542 = arith.divf %logistic3A_540, %logistic3A_541 : vector<2000x32xf32>
    %mul3A_543 = arith.mulf %logistic3A_533, %add3A_509 : vector<2000x32xf32>
    %mul3A_544 = arith.mulf %logistic3A_526, %tanh3A_535 : vector<2000x32xf32>
    %add3A_545 = arith.addf %mul3A_543, %mul3A_544 : vector<2000x32xf32>
    %tanh3A_546 = math.tanh %add3A_545 : vector<2000x32xf32>
    %mul3A_547 = arith.mulf %logistic3A_542, %tanh3A_546 : vector<2000x32xf32>
    %slice3A_548 = vector.extract_strided_slice %get3A_1 {offsets = [0, 60], sizes = [2000, 4], strides = [1, 1]} : vector<2000x80xf32> to vector<2000x4xf32>
    %dot_general3A_549 = arith.constant dense<0.000000e+00> : vector<2000x128xf32>
    %dot_general3A_550 = tpu.matmul %slice3A_548, %get3A_7, %dot_general3A_549 {dimension_numbers = #tpu.dot_dimension_numbers<[1], [0], [0], [1], [0, 0, 1, 1], [], []>, transpose_lhs_hint = false} : vector<2000x4xf32>, vector<4x128xf32>, vector<2000x128xf32> -> vector<2000x128xf32>
    %dot_general3A_551 = arith.constant dense<0.000000e+00> : vector<2000x128xf32>
    %dot_general3A_552 = tpu.matmul %mul3A_547, %get3A_10, %dot_general3A_551 {dimension_numbers = #tpu.dot_dimension_numbers<[1], [0], [0], [1], [0, 0, 1, 1], [], []>, transpose_lhs_hint = false} : vector<2000x32xf32>, vector<32x128xf32>, vector<2000x128xf32> -> vector<2000x128xf32>
    %add3A_553 = arith.addf %dot_general3A_550, %dot_general3A_552 : vector<2000x128xf32>
    %add3A_554 = vector.broadcast %get3A_13 : vector<1x128xf32> to vector<2000x128xf32>
    %add3A_555 = arith.addf %add3A_553, %add3A_554 : vector<2000x128xf32>
    %slice3A_556 = vector.extract_strided_slice %add3A_555 {offsets = [0, 0], sizes = [2000, 32], strides = [1, 1]} : vector<2000x128xf32> to vector<2000x32xf32>
    %logistic3A_557 = arith.negf %slice3A_556 : vector<2000x32xf32>
    %logistic3A_558 = math.exp %logistic3A_557 : vector<2000x32xf32>
    %logistic3A_559 = arith.constant 1.000000e+00 : f32
    %logistic3A_560 = vector.broadcast %logistic3A_559 : f32 to vector<2000x32xf32>
    %logistic3A_561 = arith.addf %logistic3A_560, %logistic3A_558 : vector<2000x32xf32>
    %logistic3A_562 = arith.divf %logistic3A_560, %logistic3A_561 : vector<2000x32xf32>
    %slice3A_563 = vector.extract_strided_slice %add3A_555 {offsets = [0, 32], sizes = [2000, 32], strides = [1, 1]} : vector<2000x128xf32> to vector<2000x32xf32>
    %logistic3A_564 = arith.negf %slice3A_563 : vector<2000x32xf32>
    %logistic3A_565 = math.exp %logistic3A_564 : vector<2000x32xf32>
    %logistic3A_566 = arith.constant 1.000000e+00 : f32
    %logistic3A_567 = vector.broadcast %logistic3A_566 : f32 to vector<2000x32xf32>
    %logistic3A_568 = arith.addf %logistic3A_567, %logistic3A_565 : vector<2000x32xf32>
    %logistic3A_569 = arith.divf %logistic3A_567, %logistic3A_568 : vector<2000x32xf32>
    %slice3A_570 = vector.extract_strided_slice %add3A_555 {offsets = [0, 64], sizes = [2000, 32], strides = [1, 1]} : vector<2000x128xf32> to vector<2000x32xf32>
    %tanh3A_571 = math.tanh %slice3A_570 : vector<2000x32xf32>
    %slice3A_572 = vector.extract_strided_slice %add3A_555 {offsets = [0, 96], sizes = [2000, 32], strides = [1, 1]} : vector<2000x128xf32> to vector<2000x32xf32>
    %logistic3A_573 = arith.negf %slice3A_572 : vector<2000x32xf32>
    %logistic3A_574 = math.exp %logistic3A_573 : vector<2000x32xf32>
    %logistic3A_575 = arith.constant 1.000000e+00 : f32
    %logistic3A_576 = vector.broadcast %logistic3A_575 : f32 to vector<2000x32xf32>
    %logistic3A_577 = arith.addf %logistic3A_576, %logistic3A_574 : vector<2000x32xf32>
    %logistic3A_578 = arith.divf %logistic3A_576, %logistic3A_577 : vector<2000x32xf32>
    %mul3A_579 = arith.mulf %logistic3A_569, %add3A_545 : vector<2000x32xf32>
    %mul3A_580 = arith.mulf %logistic3A_562, %tanh3A_571 : vector<2000x32xf32>
    %add3A_581 = arith.addf %mul3A_579, %mul3A_580 : vector<2000x32xf32>
    %tanh3A_582 = math.tanh %add3A_581 : vector<2000x32xf32>
    %mul3A_583 = arith.mulf %logistic3A_578, %tanh3A_582 : vector<2000x32xf32>
    %slice3A_584 = vector.extract_strided_slice %get3A_1 {offsets = [0, 64], sizes = [2000, 4], strides = [1, 1]} : vector<2000x80xf32> to vector<2000x4xf32>
    %dot_general3A_585 = arith.constant dense<0.000000e+00> : vector<2000x128xf32>
    %dot_general3A_586 = tpu.matmul %slice3A_584, %get3A_7, %dot_general3A_585 {dimension_numbers = #tpu.dot_dimension_numbers<[1], [0], [0], [1], [0, 0, 1, 1], [], []>, transpose_lhs_hint = false} : vector<2000x4xf32>, vector<4x128xf32>, vector<2000x128xf32> -> vector<2000x128xf32>
    %dot_general3A_587 = arith.constant dense<0.000000e+00> : vector<2000x128xf32>
    %dot_general3A_588 = tpu.matmul %mul3A_583, %get3A_10, %dot_general3A_587 {dimension_numbers = #tpu.dot_dimension_numbers<[1], [0], [0], [1], [0, 0, 1, 1], [], []>, transpose_lhs_hint = false} : vector<2000x32xf32>, vector<32x128xf32>, vector<2000x128xf32> -> vector<2000x128xf32>
    %add3A_589 = arith.addf %dot_general3A_586, %dot_general3A_588 : vector<2000x128xf32>
    %add3A_590 = vector.broadcast %get3A_13 : vector<1x128xf32> to vector<2000x128xf32>
    %add3A_591 = arith.addf %add3A_589, %add3A_590 : vector<2000x128xf32>
    %slice3A_592 = vector.extract_strided_slice %add3A_591 {offsets = [0, 0], sizes = [2000, 32], strides = [1, 1]} : vector<2000x128xf32> to vector<2000x32xf32>
    %logistic3A_593 = arith.negf %slice3A_592 : vector<2000x32xf32>
    %logistic3A_594 = math.exp %logistic3A_593 : vector<2000x32xf32>
    %logistic3A_595 = arith.constant 1.000000e+00 : f32
    %logistic3A_596 = vector.broadcast %logistic3A_595 : f32 to vector<2000x32xf32>
    %logistic3A_597 = arith.addf %logistic3A_596, %logistic3A_594 : vector<2000x32xf32>
    %logistic3A_598 = arith.divf %logistic3A_596, %logistic3A_597 : vector<2000x32xf32>
    %slice3A_599 = vector.extract_strided_slice %add3A_591 {offsets = [0, 32], sizes = [2000, 32], strides = [1, 1]} : vector<2000x128xf32> to vector<2000x32xf32>
    %logistic3A_600 = arith.negf %slice3A_599 : vector<2000x32xf32>
    %logistic3A_601 = math.exp %logistic3A_600 : vector<2000x32xf32>
    %logistic3A_602 = arith.constant 1.000000e+00 : f32
    %logistic3A_603 = vector.broadcast %logistic3A_602 : f32 to vector<2000x32xf32>
    %logistic3A_604 = arith.addf %logistic3A_603, %logistic3A_601 : vector<2000x32xf32>
    %logistic3A_605 = arith.divf %logistic3A_603, %logistic3A_604 : vector<2000x32xf32>
    %slice3A_606 = vector.extract_strided_slice %add3A_591 {offsets = [0, 64], sizes = [2000, 32], strides = [1, 1]} : vector<2000x128xf32> to vector<2000x32xf32>
    %tanh3A_607 = math.tanh %slice3A_606 : vector<2000x32xf32>
    %slice3A_608 = vector.extract_strided_slice %add3A_591 {offsets = [0, 96], sizes = [2000, 32], strides = [1, 1]} : vector<2000x128xf32> to vector<2000x32xf32>
    %logistic3A_609 = arith.negf %slice3A_608 : vector<2000x32xf32>
    %logistic3A_610 = math.exp %logistic3A_609 : vector<2000x32xf32>
    %logistic3A_611 = arith.constant 1.000000e+00 : f32
    %logistic3A_612 = vector.broadcast %logistic3A_611 : f32 to vector<2000x32xf32>
    %logistic3A_613 = arith.addf %logistic3A_612, %logistic3A_610 : vector<2000x32xf32>
    %logistic3A_614 = arith.divf %logistic3A_612, %logistic3A_613 : vector<2000x32xf32>
    %mul3A_615 = arith.mulf %logistic3A_605, %add3A_581 : vector<2000x32xf32>
    %mul3A_616 = arith.mulf %logistic3A_598, %tanh3A_607 : vector<2000x32xf32>
    %add3A_617 = arith.addf %mul3A_615, %mul3A_616 : vector<2000x32xf32>
    %tanh3A_618 = math.tanh %add3A_617 : vector<2000x32xf32>
    %mul3A_619 = arith.mulf %logistic3A_614, %tanh3A_618 : vector<2000x32xf32>
    %slice3A_620 = vector.extract_strided_slice %get3A_1 {offsets = [0, 68], sizes = [2000, 4], strides = [1, 1]} : vector<2000x80xf32> to vector<2000x4xf32>
    %dot_general3A_621 = arith.constant dense<0.000000e+00> : vector<2000x128xf32>
    %dot_general3A_622 = tpu.matmul %slice3A_620, %get3A_7, %dot_general3A_621 {dimension_numbers = #tpu.dot_dimension_numbers<[1], [0], [0], [1], [0, 0, 1, 1], [], []>, transpose_lhs_hint = false} : vector<2000x4xf32>, vector<4x128xf32>, vector<2000x128xf32> -> vector<2000x128xf32>
    %dot_general3A_623 = arith.constant dense<0.000000e+00> : vector<2000x128xf32>
    %dot_general3A_624 = tpu.matmul %mul3A_619, %get3A_10, %dot_general3A_623 {dimension_numbers = #tpu.dot_dimension_numbers<[1], [0], [0], [1], [0, 0, 1, 1], [], []>, transpose_lhs_hint = false} : vector<2000x32xf32>, vector<32x128xf32>, vector<2000x128xf32> -> vector<2000x128xf32>
    %add3A_625 = arith.addf %dot_general3A_622, %dot_general3A_624 : vector<2000x128xf32>
    %add3A_626 = vector.broadcast %get3A_13 : vector<1x128xf32> to vector<2000x128xf32>
    %add3A_627 = arith.addf %add3A_625, %add3A_626 : vector<2000x128xf32>
    %slice3A_628 = vector.extract_strided_slice %add3A_627 {offsets = [0, 0], sizes = [2000, 32], strides = [1, 1]} : vector<2000x128xf32> to vector<2000x32xf32>
    %logistic3A_629 = arith.negf %slice3A_628 : vector<2000x32xf32>
    %logistic3A_630 = math.exp %logistic3A_629 : vector<2000x32xf32>
    %logistic3A_631 = arith.constant 1.000000e+00 : f32
    %logistic3A_632 = vector.broadcast %logistic3A_631 : f32 to vector<2000x32xf32>
    %logistic3A_633 = arith.addf %logistic3A_632, %logistic3A_630 : vector<2000x32xf32>
    %logistic3A_634 = arith.divf %logistic3A_632, %logistic3A_633 : vector<2000x32xf32>
    %slice3A_635 = vector.extract_strided_slice %add3A_627 {offsets = [0, 32], sizes = [2000, 32], strides = [1, 1]} : vector<2000x128xf32> to vector<2000x32xf32>
    %logistic3A_636 = arith.negf %slice3A_635 : vector<2000x32xf32>
    %logistic3A_637 = math.exp %logistic3A_636 : vector<2000x32xf32>
    %logistic3A_638 = arith.constant 1.000000e+00 : f32
    %logistic3A_639 = vector.broadcast %logistic3A_638 : f32 to vector<2000x32xf32>
    %logistic3A_640 = arith.addf %logistic3A_639, %logistic3A_637 : vector<2000x32xf32>
    %logistic3A_641 = arith.divf %logistic3A_639, %logistic3A_640 : vector<2000x32xf32>
    %slice3A_642 = vector.extract_strided_slice %add3A_627 {offsets = [0, 64], sizes = [2000, 32], strides = [1, 1]} : vector<2000x128xf32> to vector<2000x32xf32>
    %tanh3A_643 = math.tanh %slice3A_642 : vector<2000x32xf32>
    %slice3A_644 = vector.extract_strided_slice %add3A_627 {offsets = [0, 96], sizes = [2000, 32], strides = [1, 1]} : vector<2000x128xf32> to vector<2000x32xf32>
    %logistic3A_645 = arith.negf %slice3A_644 : vector<2000x32xf32>
    %logistic3A_646 = math.exp %logistic3A_645 : vector<2000x32xf32>
    %logistic3A_647 = arith.constant 1.000000e+00 : f32
    %logistic3A_648 = vector.broadcast %logistic3A_647 : f32 to vector<2000x32xf32>
    %logistic3A_649 = arith.addf %logistic3A_648, %logistic3A_646 : vector<2000x32xf32>
    %logistic3A_650 = arith.divf %logistic3A_648, %logistic3A_649 : vector<2000x32xf32>
    %mul3A_651 = arith.mulf %logistic3A_641, %add3A_617 : vector<2000x32xf32>
    %mul3A_652 = arith.mulf %logistic3A_634, %tanh3A_643 : vector<2000x32xf32>
    %add3A_653 = arith.addf %mul3A_651, %mul3A_652 : vector<2000x32xf32>
    %tanh3A_654 = math.tanh %add3A_653 : vector<2000x32xf32>
    %mul3A_655 = arith.mulf %logistic3A_650, %tanh3A_654 : vector<2000x32xf32>
    %slice3A_656 = vector.extract_strided_slice %get3A_1 {offsets = [0, 72], sizes = [2000, 4], strides = [1, 1]} : vector<2000x80xf32> to vector<2000x4xf32>
    %dot_general3A_657 = arith.constant dense<0.000000e+00> : vector<2000x128xf32>
    %dot_general3A_658 = tpu.matmul %slice3A_656, %get3A_7, %dot_general3A_657 {dimension_numbers = #tpu.dot_dimension_numbers<[1], [0], [0], [1], [0, 0, 1, 1], [], []>, transpose_lhs_hint = false} : vector<2000x4xf32>, vector<4x128xf32>, vector<2000x128xf32> -> vector<2000x128xf32>
    %dot_general3A_659 = arith.constant dense<0.000000e+00> : vector<2000x128xf32>
    %dot_general3A_660 = tpu.matmul %mul3A_655, %get3A_10, %dot_general3A_659 {dimension_numbers = #tpu.dot_dimension_numbers<[1], [0], [0], [1], [0, 0, 1, 1], [], []>, transpose_lhs_hint = false} : vector<2000x32xf32>, vector<32x128xf32>, vector<2000x128xf32> -> vector<2000x128xf32>
    %add3A_661 = arith.addf %dot_general3A_658, %dot_general3A_660 : vector<2000x128xf32>
    %add3A_662 = vector.broadcast %get3A_13 : vector<1x128xf32> to vector<2000x128xf32>
    %add3A_663 = arith.addf %add3A_661, %add3A_662 : vector<2000x128xf32>
    %slice3A_664 = vector.extract_strided_slice %add3A_663 {offsets = [0, 0], sizes = [2000, 32], strides = [1, 1]} : vector<2000x128xf32> to vector<2000x32xf32>
    %logistic3A_665 = arith.negf %slice3A_664 : vector<2000x32xf32>
    %logistic3A_666 = math.exp %logistic3A_665 : vector<2000x32xf32>
    %logistic3A_667 = arith.constant 1.000000e+00 : f32
    %logistic3A_668 = vector.broadcast %logistic3A_667 : f32 to vector<2000x32xf32>
    %logistic3A_669 = arith.addf %logistic3A_668, %logistic3A_666 : vector<2000x32xf32>
    %logistic3A_670 = arith.divf %logistic3A_668, %logistic3A_669 : vector<2000x32xf32>
    %slice3A_671 = vector.extract_strided_slice %add3A_663 {offsets = [0, 32], sizes = [2000, 32], strides = [1, 1]} : vector<2000x128xf32> to vector<2000x32xf32>
    %logistic3A_672 = arith.negf %slice3A_671 : vector<2000x32xf32>
    %logistic3A_673 = math.exp %logistic3A_672 : vector<2000x32xf32>
    %logistic3A_674 = arith.constant 1.000000e+00 : f32
    %logistic3A_675 = vector.broadcast %logistic3A_674 : f32 to vector<2000x32xf32>
    %logistic3A_676 = arith.addf %logistic3A_675, %logistic3A_673 : vector<2000x32xf32>
    %logistic3A_677 = arith.divf %logistic3A_675, %logistic3A_676 : vector<2000x32xf32>
    %slice3A_678 = vector.extract_strided_slice %add3A_663 {offsets = [0, 64], sizes = [2000, 32], strides = [1, 1]} : vector<2000x128xf32> to vector<2000x32xf32>
    %tanh3A_679 = math.tanh %slice3A_678 : vector<2000x32xf32>
    %slice3A_680 = vector.extract_strided_slice %add3A_663 {offsets = [0, 96], sizes = [2000, 32], strides = [1, 1]} : vector<2000x128xf32> to vector<2000x32xf32>
    %logistic3A_681 = arith.negf %slice3A_680 : vector<2000x32xf32>
    %logistic3A_682 = math.exp %logistic3A_681 : vector<2000x32xf32>
    %logistic3A_683 = arith.constant 1.000000e+00 : f32
    %logistic3A_684 = vector.broadcast %logistic3A_683 : f32 to vector<2000x32xf32>
    %logistic3A_685 = arith.addf %logistic3A_684, %logistic3A_682 : vector<2000x32xf32>
    %logistic3A_686 = arith.divf %logistic3A_684, %logistic3A_685 : vector<2000x32xf32>
    %mul3A_687 = arith.mulf %logistic3A_677, %add3A_653 : vector<2000x32xf32>
    %mul3A_688 = arith.mulf %logistic3A_670, %tanh3A_679 : vector<2000x32xf32>
    %add3A_689 = arith.addf %mul3A_687, %mul3A_688 : vector<2000x32xf32>
    %tanh3A_690 = math.tanh %add3A_689 : vector<2000x32xf32>
    %mul3A_691 = arith.mulf %logistic3A_686, %tanh3A_690 : vector<2000x32xf32>
    %slice3A_692 = vector.extract_strided_slice %get3A_1 {offsets = [0, 76], sizes = [2000, 4], strides = [1, 1]} : vector<2000x80xf32> to vector<2000x4xf32>
    %dot_general3A_693 = arith.constant dense<0.000000e+00> : vector<2000x128xf32>
    %dot_general3A_694 = tpu.matmul %slice3A_692, %get3A_7, %dot_general3A_693 {dimension_numbers = #tpu.dot_dimension_numbers<[1], [0], [0], [1], [0, 0, 1, 1], [], []>, transpose_lhs_hint = false} : vector<2000x4xf32>, vector<4x128xf32>, vector<2000x128xf32> -> vector<2000x128xf32>
    %dot_general3A_695 = arith.constant dense<0.000000e+00> : vector<2000x128xf32>
    %dot_general3A_696 = tpu.matmul %mul3A_691, %get3A_10, %dot_general3A_695 {dimension_numbers = #tpu.dot_dimension_numbers<[1], [0], [0], [1], [0, 0, 1, 1], [], []>, transpose_lhs_hint = false} : vector<2000x32xf32>, vector<32x128xf32>, vector<2000x128xf32> -> vector<2000x128xf32>
    %add3A_697 = arith.addf %dot_general3A_694, %dot_general3A_696 : vector<2000x128xf32>
    %add3A_698 = vector.broadcast %get3A_13 : vector<1x128xf32> to vector<2000x128xf32>
    %add3A_699 = arith.addf %add3A_697, %add3A_698 : vector<2000x128xf32>
    %slice3A_700 = vector.extract_strided_slice %add3A_699 {offsets = [0, 0], sizes = [2000, 32], strides = [1, 1]} : vector<2000x128xf32> to vector<2000x32xf32>
    %logistic3A_701 = arith.negf %slice3A_700 : vector<2000x32xf32>
    %logistic3A_702 = math.exp %logistic3A_701 : vector<2000x32xf32>
    %logistic3A_703 = arith.constant 1.000000e+00 : f32
    %logistic3A_704 = vector.broadcast %logistic3A_703 : f32 to vector<2000x32xf32>
    %logistic3A_705 = arith.addf %logistic3A_704, %logistic3A_702 : vector<2000x32xf32>
    %logistic3A_706 = arith.divf %logistic3A_704, %logistic3A_705 : vector<2000x32xf32>
    %slice3A_707 = vector.extract_strided_slice %add3A_699 {offsets = [0, 32], sizes = [2000, 32], strides = [1, 1]} : vector<2000x128xf32> to vector<2000x32xf32>
    %logistic3A_708 = arith.negf %slice3A_707 : vector<2000x32xf32>
    %logistic3A_709 = math.exp %logistic3A_708 : vector<2000x32xf32>
    %logistic3A_710 = arith.constant 1.000000e+00 : f32
    %logistic3A_711 = vector.broadcast %logistic3A_710 : f32 to vector<2000x32xf32>
    %logistic3A_712 = arith.addf %logistic3A_711, %logistic3A_709 : vector<2000x32xf32>
    %logistic3A_713 = arith.divf %logistic3A_711, %logistic3A_712 : vector<2000x32xf32>
    %slice3A_714 = vector.extract_strided_slice %add3A_699 {offsets = [0, 64], sizes = [2000, 32], strides = [1, 1]} : vector<2000x128xf32> to vector<2000x32xf32>
    %tanh3A_715 = math.tanh %slice3A_714 : vector<2000x32xf32>
    %slice3A_716 = vector.extract_strided_slice %add3A_699 {offsets = [0, 96], sizes = [2000, 32], strides = [1, 1]} : vector<2000x128xf32> to vector<2000x32xf32>
    %logistic3A_717 = arith.negf %slice3A_716 : vector<2000x32xf32>
    %logistic3A_718 = math.exp %logistic3A_717 : vector<2000x32xf32>
    %logistic3A_719 = arith.constant 1.000000e+00 : f32
    %logistic3A_720 = vector.broadcast %logistic3A_719 : f32 to vector<2000x32xf32>
    %logistic3A_721 = arith.addf %logistic3A_720, %logistic3A_718 : vector<2000x32xf32>
    %logistic3A_722 = arith.divf %logistic3A_720, %logistic3A_721 : vector<2000x32xf32>
    %mul3A_723 = arith.mulf %logistic3A_713, %add3A_689 : vector<2000x32xf32>
    %mul3A_724 = arith.mulf %logistic3A_706, %tanh3A_715 : vector<2000x32xf32>
    %add3A_725 = arith.addf %mul3A_723, %mul3A_724 : vector<2000x32xf32>
    %tanh3A_726 = math.tanh %add3A_725 : vector<2000x32xf32>
    %mul3A_727 = arith.mulf %logistic3A_722, %tanh3A_726 : vector<2000x32xf32>
    %get3A_728 = arith.constant 0 : index
    %get3A_729 = arith.constant 0 : index
    %get3A_730 = vector.load %arg5[%get3A_728, %get3A_729] : memref<32x64xf32, #tpu.memory_space<vmem>>, vector<32x64xf32>
    %dot_general3A_731 = arith.constant dense<0.000000e+00> : vector<2000x64xf32>
    %dot_general3A_732 = tpu.matmul %mul3A_727, %get3A_730, %dot_general3A_731 {dimension_numbers = #tpu.dot_dimension_numbers<[1], [0], [0], [1], [0, 0, 1, 1], [], []>, transpose_lhs_hint = false} : vector<2000x32xf32>, vector<32x64xf32>, vector<2000x64xf32> -> vector<2000x64xf32>
    %get3A_733 = arith.constant 0 : index
    %get3A_734 = arith.constant 0 : index
    %get3A_735 = vector.load %arg6[%get3A_733, %get3A_734] : memref<1x64xf32, #tpu.memory_space<vmem>>, vector<1x64xf32>
    %add3A_736 = vector.broadcast %get3A_735 : vector<1x64xf32> to vector<2000x64xf32>
    %add3A_737 = arith.addf %dot_general3A_732, %add3A_736 : vector<2000x64xf32>
    %swap3A = arith.constant 0 : index
    %swap3A_738 = arith.constant 0 : index
    %swap3A_739 = vector.load %arg9[%swap3A, %swap3A_738] : memref<2000x128xf32, #tpu.memory_space<vmem>>, vector<2000x64xf32>
    tpu.vector_store %arg9[%swap3A, %swap3A_738], %add3A_737 {strides = array<i32>} : memref<2000x128xf32, #tpu.memory_space<vmem>>, vector<2000x64xf32>,
    %get3A_740 = arith.constant 0 : index
    %get3A_741 = arith.constant 0 : index
    %get3A_742 = vector.load %arg7[%get3A_740, %get3A_741] : memref<32x64xf32, #tpu.memory_space<vmem>>, vector<32x64xf32>
    %dot_general3A_743 = arith.constant dense<0.000000e+00> : vector<2000x64xf32>
    %dot_general3A_744 = tpu.matmul %mul3A_727, %get3A_742, %dot_general3A_743 {dimension_numbers = #tpu.dot_dimension_numbers<[1], [0], [0], [1], [0, 0, 1, 1], [], []>, transpose_lhs_hint = false} : vector<2000x32xf32>, vector<32x64xf32>, vector<2000x64xf32> -> vector<2000x64xf32>
    %get3A_745 = arith.constant 0 : index
    %get3A_746 = arith.constant 0 : index
    %get3A_747 = vector.load %arg8[%get3A_745, %get3A_746] : memref<1x64xf32, #tpu.memory_space<vmem>>, vector<1x64xf32>
    %add3A_748 = vector.broadcast %get3A_747 : vector<1x64xf32> to vector<2000x64xf32>
    %add3A_749 = arith.addf %dot_general3A_744, %add3A_748 : vector<2000x64xf32>
    %swap3A_750 = arith.constant 0 : index
    %swap3A_751 = arith.constant 64 : index
    %swap3A_752 = vector.load %arg9[%swap3A_750, %swap3A_751] : memref<2000x128xf32, #tpu.memory_space<vmem>>, vector<2000x64xf32>
    tpu.vector_store %arg9[%swap3A_750, %swap3A_751], %add3A_749 {strides = array<i32>} : memref<2000x128xf32, #tpu.memory_space<vmem>>, vector<2000x64xf32>,
    return
  }
  func.func @transform_0(%arg0: i32) -> (i32, i32) {
    %c0_i32 = arith.constant 0 : i32
    %c0_i32_0 = arith.constant 0 : i32
    return %arg0, %c0_i32 : i32, i32
  }
  func.func @transform_1(%arg0: i32) -> (i32, i32) {
    %c0_i32 = arith.constant 0 : i32
    %c0_i32_0 = arith.constant 0 : i32
    %c0_i32_1 = arith.constant 0 : i32
    return %c0_i32, %c0_i32_0 : i32, i32
  }
  func.func @transform_2(%arg0: i32) -> (i32, i32) {
    %c0_i32 = arith.constant 0 : i32
    %c0_i32_0 = arith.constant 0 : i32
    %c0_i32_1 = arith.constant 0 : i32
    return %c0_i32, %c0_i32_0 : i32, i32
  }
  func.func @transform_3(%arg0: i32) -> (i32, i32) {
    %c0_i32 = arith.constant 0 : i32
    %c0_i32_0 = arith.constant 0 : i32
    %c0_i32_1 = arith.constant 0 : i32
    return %c0_i32, %c0_i32_0 : i32, i32
  }
  func.func @transform_4(%arg0: i32) -> (i32, i32) {
    %c0_i32 = arith.constant 0 : i32
    %c0_i32_0 = arith.constant 0 : i32
    %c0_i32_1 = arith.constant 0 : i32
    return %c0_i32, %c0_i32_0 : i32, i32
  }
  func.func @transform_5(%arg0: i32) -> (i32, i32) {
    %c0_i32 = arith.constant 0 : i32
    %c0_i32_0 = arith.constant 0 : i32
    %c0_i32_1 = arith.constant 0 : i32
    return %c0_i32, %c0_i32_0 : i32, i32
  }
  func.func @transform_6(%arg0: i32) -> (i32, i32) {
    %c0_i32 = arith.constant 0 : i32
    %c0_i32_0 = arith.constant 0 : i32
    %c0_i32_1 = arith.constant 0 : i32
    return %c0_i32, %c0_i32_0 : i32, i32
  }
  func.func @transform_7(%arg0: i32) -> (i32, i32) {
    %c0_i32 = arith.constant 0 : i32
    %c0_i32_0 = arith.constant 0 : i32
    %c0_i32_1 = arith.constant 0 : i32
    return %c0_i32, %c0_i32_0 : i32, i32
  }
  func.func @transform_8(%arg0: i32) -> (i32, i32) {
    %c0_i32 = arith.constant 0 : i32
    %c0_i32_0 = arith.constant 0 : i32
    return %arg0, %c0_i32 : i32, i32
  }
}

module attributes {stable_mosaic.version = 14 : i64} {
  func.func @_final_body(%arg0: i32, %arg1: memref<2x10000x32xf32, #tpu.memory_space<vmem>>, %arg2: memref<1x32xf32, #tpu.memory_space<vmem>>, %arg3: memref<32x1xf32, #tpu.memory_space<vmem>>, %arg4: memref<1x1xf32, #tpu.memory_space<vmem>>, %arg5: memref<10000x1xf32, #tpu.memory_space<vmem>>) attributes {dimension_semantics = [#tpu.dimension_semantics<arbitrary>], iteration_bounds = array<i64: 5>, scalar_prefetch = 0 : i64, scratch_operands = 0 : i64, tpu.core_type = #tpu.core_type<tc>, window_params = [{transform_indices = @transform_0, window_bounds = array<i64: 2, 10000, 32>}, {pipeline_mode = #tpu.pipeline_mode<synchronous>, transform_indices = @transform_1, window_bounds = array<i64: 1, 32>}, {pipeline_mode = #tpu.pipeline_mode<synchronous>, transform_indices = @transform_2, window_bounds = array<i64: 32, 1>}, {pipeline_mode = #tpu.pipeline_mode<synchronous>, transform_indices = @transform_3, window_bounds = array<i64: 1, 1>}, {transform_indices = @transform_4, window_bounds = array<i64: 10000, 1>}]} {
    %get3A = arith.constant 0 : index
    %get3A_0 = arith.constant 0 : index
    %get3A_1 = arith.constant 0 : index
    %get3A_2 = vector.load %arg1[%get3A, %get3A_0, %get3A_1] : memref<2x10000x32xf32, #tpu.memory_space<vmem>>, vector<1x10000x32xf32>
    %get3A_3 = vector.shape_cast %get3A_2 : vector<1x10000x32xf32> to vector<10000x32xf32>
    %get3A_4 = arith.constant 1 : index
    %get3A_5 = arith.constant 0 : index
    %get3A_6 = arith.constant 0 : index
    %get3A_7 = vector.load %arg1[%get3A_4, %get3A_5, %get3A_6] : memref<2x10000x32xf32, #tpu.memory_space<vmem>>, vector<1x10000x32xf32>
    %get3A_8 = vector.shape_cast %get3A_7 : vector<1x10000x32xf32> to vector<10000x32xf32>
    %add3A = arith.addf %get3A_3, %get3A_8 : vector<10000x32xf32>
    %get3A_9 = arith.constant 0 : index
    %get3A_10 = arith.constant 0 : index
    %get3A_11 = vector.load %arg2[%get3A_9, %get3A_10] : memref<1x32xf32, #tpu.memory_space<vmem>>, vector<1x32xf32>
    %add3A_12 = vector.broadcast %get3A_11 : vector<1x32xf32> to vector<10000x32xf32>
    %add3A_13 = arith.addf %add3A, %add3A_12 : vector<10000x32xf32>
    %gt3A = arith.constant 0.000000e+00 : f32
    %gt3A_14 = vector.broadcast %gt3A : f32 to vector<10000x32xf32>
    %gt3A_15 = arith.cmpf ogt, %add3A_13, %gt3A_14 : vector<10000x32xf32>
    %exp3A = math.exp %add3A_13 : vector<10000x32xf32>
    %sub3A = arith.constant 1.000000e+00 : f32
    %sub3A_16 = vector.broadcast %sub3A : f32 to vector<10000x32xf32>
    %sub3A_17 = arith.subf %exp3A, %sub3A_16 : vector<10000x32xf32>
    %select_n3A = arith.select %gt3A_15, %add3A_13, %sub3A_17 : vector<10000x32xi1>, vector<10000x32xf32>
    %get3A_18 = arith.constant 0 : index
    %get3A_19 = arith.constant 0 : index
    %get3A_20 = vector.load %arg3[%get3A_18, %get3A_19] : memref<32x1xf32, #tpu.memory_space<vmem>>, vector<32x1xf32>
    %dot_general3A = arith.constant dense<0.000000e+00> : vector<10000x1xf32>
    %dot_general3A_21 = tpu.matmul %select_n3A, %get3A_20, %dot_general3A {dimension_numbers = #tpu.dot_dimension_numbers<[1], [0], [0], [1], [0, 0, 1, 1], [], []>, transpose_lhs_hint = false} : vector<10000x32xf32>, vector<32x1xf32>, vector<10000x1xf32> -> vector<10000x1xf32>
    %get3A_22 = arith.constant 0 : index
    %get3A_23 = arith.constant 0 : index
    %get3A_24 = vector.load %arg4[%get3A_22, %get3A_23] : memref<1x1xf32, #tpu.memory_space<vmem>>, vector<1x1xf32>
    %add3A_25 = vector.broadcast %get3A_24 : vector<1x1xf32> to vector<10000x1xf32>
    %add3A_26 = arith.addf %dot_general3A_21, %add3A_25 : vector<10000x1xf32>
    %swap3A = arith.constant 0 : index
    %swap3A_27 = arith.constant 0 : index
    %swap3A_28 = vector.load %arg5[%swap3A, %swap3A_27] : memref<10000x1xf32, #tpu.memory_space<vmem>>, vector<10000x1xf32>
    tpu.vector_store %arg5[%swap3A, %swap3A_27], %add3A_26 {strides = array<i32>} : memref<10000x1xf32, #tpu.memory_space<vmem>>, vector<10000x1xf32>,
    return
  }
  func.func @transform_0(%arg0: i32) -> (i32, i32, i32) {
    %c0_i32 = arith.constant 0 : i32
    %c0_i32_0 = arith.constant 0 : i32
    %c0_i32_1 = arith.constant 0 : i32
    return %c0_i32, %arg0, %c0_i32_0 : i32, i32, i32
  }
  func.func @transform_1(%arg0: i32) -> (i32, i32) {
    %c0_i32 = arith.constant 0 : i32
    %c0_i32_0 = arith.constant 0 : i32
    %c0_i32_1 = arith.constant 0 : i32
    return %c0_i32, %c0_i32_0 : i32, i32
  }
  func.func @transform_2(%arg0: i32) -> (i32, i32) {
    %c0_i32 = arith.constant 0 : i32
    %c0_i32_0 = arith.constant 0 : i32
    %c0_i32_1 = arith.constant 0 : i32
    return %c0_i32, %c0_i32_0 : i32, i32
  }
  func.func @transform_3(%arg0: i32) -> (i32, i32) {
    %c0_i32 = arith.constant 0 : i32
    %c0_i32_0 = arith.constant 0 : i32
    %c0_i32_1 = arith.constant 0 : i32
    return %c0_i32, %c0_i32_0 : i32, i32
  }
  func.func @transform_4(%arg0: i32) -> (i32, i32) {
    %c0_i32 = arith.constant 0 : i32
    %c0_i32_0 = arith.constant 0 : i32
    return %arg0, %c0_i32 : i32, i32
  }
}

</mosaic_0001>

<sc_bundles>
// kernel: kernel.6.cloned.1.call-start
scs
__scs_entry_jumppad:
0x0: {  	(pc) =	sbr.rel $0x88, $3  }
0x1: {  	(tag) =	ssettag $0x0;
	lr =	simm.s32 $0x1  }
0x2: {  	[smem:$0x3F93] =	sst lr;
	_ =	strace $0xD0000000  }
0x3: {  	_ = 	snop  }
0x4: {  	_ = 	snop  }
0x5: {  	_ = 	snop  }
0x6: {  	_ = 	snop  }
0x7: {  	_ = 	snop  }
__scs_overlays_trampoline_lowered:
0x8: {  	[smem:$0x3FA2] =	sst s0  }
0x9: {  	[smem:$0x3FA3] =	sst s1  }
0xa: {  	[smem:$0x3FA4] =	sst s2  }
0xb: {  	[smem:$0x3FA5] =	sst s3  }
0xc: {  	[smem:$0x3FA6] =	sst s4  }
0xd: {  	[smem:$0x3FA7] =	sst s5  }
0xe: {  	[smem:$0x3FA8] =	sst s6  }
0xf: {  	[smem:$0x3FA9] =	sst s7  }
0x10: {  	[smem:$0x3FAA] =	sst s8  }
0x11: {  	[smem:$0x3FAB] =	sst s9;
	s0 =	simm.s32 @!p0 $0x0  }
0x12: {  	s1 =	sld [smem:$0x3F91];
	s0 =	simm.s32 @p0 $0x1  }
0x13: {  	[smem:$0x3FAC] =	sst s0;
	s0 =	simm.s32 @!p1 $0x0  }
0x14: {  	s2 =	sld [smem:$0x3F90];
	s0 =	simm.s32 @p1 $0x1  }
0x15: {  	[smem:$0x3FAD] =	sst s0;
	s0 =	simm.s32 @!p2 $0x0  }
0x16: {  	s3 =	sld [smem:$0x3FDB];
	s0 =	simm.s32 @p2 $0x1  }
0x17: {  	s4 =	simm.s32 $0x1BF5;
	[smem:$0x3FAF] =	sst s0  }
0x18: {  	s0 =	sld [smem:$0x3F92];
	_ =	swait.ge [sflag:s4], $0x0  }
0x19: {  	s7 =	sld [smem:$0x3F93]  }
0x1a: {  	s8 =	sadd.s32 $0xFFFFE003, lr  }
0x1b: {  	s9 =	sadd.s32 $0xFFFFFEF7, lr;
	s5 =	simm.s32 $0xFFFFFFFF;
	p2 =	slt.u32 s8, $0xFFFFF086  }
0x1c: {  	p1 =	slt.u32 s9, $0xF7A;
	s5 =	simm.s32 @!p2 $0x0  }
0x1d: {  	s5 =	simm.s32 @p1 $0x1;
	p0 =	seq.s32 s7, s2  }
0x1e: {  	s7 =	smul.u32 @!p0 $0xF7A, s2;
	p2 =	seq.s32 @!p0 s5, $0x0  }
0x1f: {  	s9 =	smul.u32 $0xF7A, s1;
	s8 =	simm.s32 @!p0 $0x1BF5;
	p2 =	por !p2, p0  }
0x20: {  	[sflag:s8] =	ssyncset.s32 @!p0 $0xFFFFF086;
	s6 =	sadd.s32 @!p0 s3, s7;
	s7 =	simm.s32 @!p0 $0x108  }
0x21: {  	s3 =	sadd.s32 s3, s9;
	s6 =	sadd.s32 @!p0 $0x88, s6;
	s7 =	simm.s32 @p2 $0x1082  }
0x22: {  	[simem:s7], [sflag:s8] =	dma.local @!p0 [hbm:s6], $0xF7A  }
0x23: {  	s9 =	sor.u32 $0xD0000000, s2;
	s6 =	simm.s32 $0x108;
	_ =	swait.ge @!p0 [sflag:s8], $0x0  }
0x24: {  	s3 =	sadd.s32 $0x88, s3;
	s6 =	simm.s32 @!p1 $0x1082;
	[sflag:s4] =	ssyncset.s32 $0xFFFFF086  }
0x25: {  	[simem:s6], [sflag:s4] =	dma.local [hbm:s3], $0xF7A  }
0x26: {  	[smem:$0x3F93] =	sst s1;
	(tag) =	ssettag s2;
	_ =	strace s9  }
0x27: {  	s1 =	sld [smem:$0x3FA3]  }
0x28: {  	s2 =	sld [smem:$0x3FA4]  }
0x29: {  	s4 =	sld [smem:$0x3FA6]  }
0x2a: {  	p0 =	seq.s32 s5, $0x0;
	s5 =	sld [smem:$0x3FA7]  }
0x2b: {  	s6 =	sld [smem:$0x3FA8]  }
0x2c: {  	s7 =	sld [smem:$0x3FA9]  }
0x2d: {  	s3 =	simm.s32 $0x108;
	s8 =	sld [smem:$0x3FAA]  }
0x2e: {  	s3 =	simm.s32 @!p0 $0x1082;
	s9 =	sld [smem:$0x3FAB]  }
0x2f: {  	lr =	sadd.s32 s0, s3;
	s0 =	sld [smem:$0x3FA2]  }
0x30: {  	s3 =	sld [smem:$0x3FA5]  }
0x31: {  	[smem:$0x3FAE] =	sst s10  }
0x32: {  	s10 =	sld [smem:$0x3FAC];
	_ =	sdelay $0x3  }
0x33: {  	p0 =	seq.s32 s10, $0x1;
	s10 =	sld [smem:$0x3FAE];
	_ =	sdelay $0x3  }
0x34: {  	[smem:$0x3FAE] =	sst s10  }
0x35: {  	s10 =	sld [smem:$0x3FAD];
	_ =	sdelay $0x3  }
0x36: {  	p1 =	seq.s32 s10, $0x1;
	s10 =	sld [smem:$0x3FAE];
	_ =	sdelay $0x3  }
0x37: {  	[smem:$0x3FAE] =	sst s10  }
0x38: {  	s10 =	sld [smem:$0x3FAF]  }
0x39: {  	_ = 	snop;
	(pc) =	sbr.ind lr, $3  }
0x3a: {  	_ = 	snop  }
0x3b: {  	_ = 	snop  }
0x3c: {  	p2 =	seq.s32 s10, $0x1;
	s10 =	sld [smem:$0x3FAE]  }
0x3d: {  	_ =	shalt  }
0x3e: {  	_ =	shalt  }
0x3f: {  	_ =	shalt  }
0x40: {  	_ =	shalt  }
0x41: {  	_ =	shalt  }
0x42: {  	_ =	shalt  }
0x43: {  	_ =	shalt  }
0x44: {  	_ =	shalt  }
0x45: {  	_ =	shalt  }
0x46: {  	_ =	shalt  }
0x47: {  	_ =	shalt  }
0x48: {  	_ =	shalt  }
0x49: {  	_ =	shalt  }
0x4a: {  	_ =	shalt  }
0x4b: {  	_ =	shalt  }
0x4c: {  	_ =	shalt  }
0x4d: {  	_ =	shalt  }
0x4e: {  	_ =	shalt  }
0x4f: {  	_ =	shalt  }
0x50: {  	_ =	shalt  }
0x51: {  	_ =	shalt  }
0x52: {  	_ =	shalt  }
0x53: {  	_ =	shalt  }
0x54: {  	_ =	shalt  }
0x55: {  	_ =	shalt  }
0x56: {  	_ =	shalt  }
0x57: {  	_ =	shalt  }
0x58: {  	_ =	shalt  }
0x59: {  	_ =	shalt  }
0x5a: {  	_ =	shalt  }
0x5b: {  	_ =	shalt  }
0x5c: {  	_ =	shalt  }
0x5d: {  	_ =	shalt  }
0x5e: {  	_ =	shalt  }
0x5f: {  	_ =	shalt  }
0x60: {  	_ =	shalt  }
0x61: {  	_ =	shalt  }
0x62: {  	_ =	shalt  }
0x63: {  	_ =	shalt  }
0x64: {  	_ =	shalt  }
0x65: {  	_ =	shalt  }
0x66: {  	_ =	shalt  }
0x67: {  	_ =	shalt  }
0x68: {  	_ =	shalt  }
0x69: {  	_ =	shalt  }
0x6a: {  	_ =	shalt  }
0x6b: {  	_ =	shalt  }
0x6c: {  	_ =	shalt  }
0x6d: {  	_ =	shalt  }
0x6e: {  	_ =	shalt  }
0x6f: {  	_ =	shalt  }
0x70: {  	_ =	shalt  }
0x71: {  	_ =	shalt  }
0x72: {  	_ =	shalt  }
0x73: {  	_ =	shalt  }
0x74: {  	_ =	shalt  }
0x75: {  	_ =	shalt  }
0x76: {  	_ =	shalt  }
0x77: {  	_ =	shalt  }
0x78: {  	_ =	shalt  }
0x79: {  	_ =	shalt  }
0x7a: {  	_ =	shalt  }
0x7b: {  	_ =	shalt  }
0x7c: {  	_ =	shalt  }
0x7d: {  	_ =	shalt  }
0x7e: {  	_ =	shalt  }
0x7f: {  	_ =	shalt  }
0x80: {  	_ =	shalt  }
0x81: {  	_ =	shalt  }
0x82: {  	_ =	shalt  }
0x83: {  	_ =	shalt  }
0x84: {  	_ =	shalt  }
0x85: {  	_ =	shalt  }
0x86: {  	_ =	shalt  }
0x87: {  	_ =	shalt  }
.Lfunc_end0:
.L_simem_size_0:
called_computation_lowered:
.L_overlay_start_0:
0x88: {  	s2 =	sld [smem:$0x3FD9]  }
0x89: {  	s3 =	sld [smem:$0x3FFE];
	_ =	sdelay $0x1  }
0x8a: {  	s1 =	srdreg.scid  }
0x8b: {  	s0 =	sand.u32 $0x1, s1  }
0x8c: {  	s17 =	sshll.u32 s0, $0xA;
	s2 =	sadd.s32 s3, s2  }
0x8d: {  	s2 =	sadd.s32 s2, s17  }
0x8e: {  	[smem:$0x3FBA] =	sst s2  }
0x8f: {  	_ = 	snop  }
0x90: {  	s2 =	sld [smem:$0x3FD0];
	(tm) =	ssettm $0x1  }
0x91: {  	s18 =	sld [smem:$0x3FFB];
	_ =	sdelay $0x3  }
0x92: {  	_ =	strace s18  }
0x93: {  	s3 =	sld [smem:$0x3FFC];
	_ =	sdelay $0x3  }
0x94: {  	_ =	strace s3  }
0x95: {  	s3 =	sld [smem:$0x3FFD];
	_ =	sdelay $0x3  }
0x96: {  	_ =	strace s3  }
0x97: {  	_ =	strace $0x8FFFFFFF  }
0x98: {  	s19 =	sld [smem:$0x3FDB];
	_ =	sdelay $0x1  }
0x99: {  	s4 =	simm.s32 $_scs_section_size  }
0x9a: {  	s5 =	simm.s32 $_size__tile_overlayer_lowered;
	s6 =	simm.s32 $_tile_overlayer_lowered  }
0x9b: {  	s22 =	simm.s32 $0x1BFF;
	s21 =	sshll.u32 s6, $0x1;
	s3 =	sadd.s32 s4, s19  }
0x9c: {  	s7 =	simm.s32 $0x0;
	s20 =	sshll.u32 s5, $0x1;
	s5 =	sadd.s32 s21, s3  }
0x9d: {  	[timem:s7], [sflag:s22] =	dma.local [hbm:s5], s20  }
0x9e: {  	_ =	swait.ge [sflag:s22], s20  }
0x9f: {  	s4 =	ssub.s32 $0x0, s20;
	[sflag:s22] =	ssyncset.done $0x0  }
0xa0: {  	[sflag:s22] =	ssyncadd.s32 s4;
	_ =	sdelay $0x1  }
0xa1: {  	s23 =	simm.s32 $0x1B8B  }
0xa2: {  	_ =	swait.ge [sflag:s23], $0x1  }
0xa3: {  	[sflag:s23] =	ssyncset.done $0x0  }
0xa4: {  	s25 =	simm.s32 $0x1B8E;
	s24 =	sld [smem:$0x3FFE];
	[sflag:s23] =	ssyncadd.s32 $0xFFFFFFFF  }
0xa5: {  	s26 =	simm.s32 $execute0_lowered;
	[smem:$0x3FD2] =	sst s25  }
0xa6: {  	s5 =	sshll.u32 s26, $0x1;
	_ =	strace $0x80000046;
	[dreg:$0x1] =	wrdreg $0xFFFFFFFF  }
0xa7: {  	s28 =	simm.s32 $_size_execute0_lowered;
	s3 =	sadd.s32 s3, s5;
	[dreg:$0x0] =	wrdreg $0x0  }
0xa8: {  	s5 =	sshll.u32 s28, $0x1;
	[dreg:$0x2] =	wrdreg s3  }
0xa9: {  	[dreg:$0x3] =	wrdreg s5  }
0xaa: {  	[dreg:$0x4] =	wrdreg $0xC0  }
0xab: {  	_ =	task [dreg:s7], $0x5FFFF  }
0xac: {  	[dreg:$0x1] =	wrdreg $0xFFFFFFFF  }
0xad: {  	[dreg:$0x0] =	wrdreg $0x60  }
0xae: {  	[dreg:$0x2] =	wrdreg s24  }
0xaf: {  	[dreg:$0x3] =	wrdreg s2  }
0xb0: {  	[dreg:$0x4] =	wrdreg $0x1D5500  }
0xb1: {  	[dreg:$0x5] =	wrdreg $0x9  }
0xb2: {  	_ =	task.clear_ibuf [dreg:s7], $0x6FFFF;
	_ =	strace $0x90000046  }
0xb3: {  	s29 =	simm.s32 $0x9;
	_ =	strace $0x80000048  }
0xb4: {  	_ =	swait.ge [sflag:s29], $0x1  }
0xb5: {  	[sflag:s29] =	ssyncadd.s32 $0xFFFFFFFF  }
0xb6: {  	_ =	strace $0x90000048  }
0xb7: {  	_ =	sfence  }
0xb8: {  	s30 =	sld [smem:$0x0];
	_ =	sdelay $0x2  }
0xb9: {  	s31 =	sshll.u32 s1, $0xD;
	s1 =	sshrl.u32 s1, $0x2  }
0xba: {  	s3 =	sand.u32 $0x4000, s31;
	s1 =	sadd.s32 s1, s30  }
0xbb: {  	s0 =	sor.u32 s3, s0;
	s1 =	sshll.u32 s1, $0x11  }
0xbc: {  	s0 =	sor.u32 s1, s0  }
0xbd: {  	s0 =	sadd.s32 $0x8F2B, s0  }
0xbe: {  	[sflag:s0] =	ssyncadd.remote.s32 $0x1  }
0xbf: {  	_ =	sfence.sel $0xFFFF  }
0xc0: {  	[dreg:$0x0] =	wrdreg $0xFFFFFFFF;
	(pc) =	sbr.abs _section_cstart, $3  }
0xc1: {  	[dreg:$0x1] =	wrdreg $0xFFFFFFFF  }
0xc2: {  	_ =	task.clear_ibuf [dreg:s7], $0x2FFFF;
	_ =	strace $0x9FFFFFFF  }
0xc3: {  	(tm) =	ssettm $0x7FFFFFFF  }
tec
execute0_lowered:
.L_overlay_start_1:
0x0: {  	(tag) =	ssettag $0x1  }
0x1: {  	s10 =	rddreg [dreg:$0x0]  }
0x2: {  	s2 =	rddreg [dreg:$0x2];
	s3 =	simm.s32 $0x0;
	s9 =	srdreg.scid  }
0x3: {  	s14 =	stileid.u32;
	s17 =	simm.s32 $0x4500;
	s18 =	simm.s32 $0x40  }
0x4: {  	s19 =	simm.s32 $0x80;
	s20 =	simm.s32 $0x1;
	s21 =	simm.s32 $0x2080  }
0x5: {  	s22 =	simm.s32 $0x4080;
	s23 =	simm.s32 $0x40C0;
	s24 =	simm.s32 $0x1D500  }
0x6: {  	s25 =	simm.s32 $0x50;
	s26 =	simm.s32 $0x0;
	[smem:$0x7FF] =	sst s3  }
0x7: {  	s4 =	sadd.s32 $0xF5800, s10;
	s5 =	sadd.s32 $0x19A00, s10;
	s6 =	sadd.s32 $0x1200, s10  }
0x8: {  	s7 =	sadd.s32 $0x32200, s10;
	s8 =	sadd.s32 $0x35400, s10;
	s11 =	sand.u32 $0x1, s9  }
0x9: {  	s15 =	sshll.u32 s14, $0x1;
	s9 =	sadd.s32 $0x4DC00, s10;
	p0 =	slt.u32 s14, $0xA  }
0xa: {  	s12 =	smul.u32 $0x3200, s11;
	s13 =	ssub.s32 $0x2, s11;
	s11 =	sor.u32 s11, s15  }
0xb: {  	_ =	strace $0x80000047;
	s16 =	sshrl.u32 s13, $0x1;
	s15 =	smul.u32 $0x186, s11  }
0xc: {  	s11 =	smin.u32 s11, $0x14;
	s12 =	sadd.s32 s12, s10;
	s10 =	simm.s32 $0x187  }
0xd: {  	v0 =	vlaneseq.u32;
	s13 =	ssub.s32 s13, s16;
	s10 =	simm.s32 @!p0 $0x186;
	s11 =	sadd.s32 s11, s15  }
0xe: {  	v8 =	vor.u32 $0xFFFFFFF8, v0;
	s12 =	sadd.s32 $0x66400, s12;
	s13 =	smax.u32 s13, $0x1;
	p0 =	sne.s32 s14, $0x0  }
0xf: {  	v1 =	vimm.f32 $0.0e+00;
	[tilespmem:$0x1FFF0] =	vst v8;
	s14 =	simm.s32 $0x4100;
	s15 =	simm.s32 $0x2;
	s16 =	sshrl.u32 @!p0 s2, $0x3  }
.LBB2_1:
0x10: {  	s0 =	rddreg [dreg:$0x1]  }
0x11: {  	[tilespmem:s14], [sflag:$0x2] =	stream.linear.gather [hbm4b:s0+s3], $0x400, $0x38;
	[tilespmem:$0x1EE50] =	vst v63  }
0x12: {  	_ =	swait.ge [sflag:s15], $0x400  }
0x13: {  	[sflag:s15] =	ssyncset.done $0x0  }
0x14: {  	s28 =	simm.s32 @!p0 $0x1C02;
	[sflag:s15] =	ssyncadd.s32 $0xFFFFFC00  }
0x15: {  	[spmem:s16], [sflag:s28] =	dma.local @!p0 [hbm:s7], $0x3200  }
0x16: {  	s28 =	simm.s32 @!p0 $0x2  }
0x17: {  	_ =	swait.ge @!p0 [sflag:s28], $0x3200  }
0x18: {  	[sflag:s28] =	ssyncset.done @!p0 $0x0  }
0x19: {  	v3 =	vor.u32 s3, v0;
	[sflag:s28] =	ssyncadd.s32 @!p0 $0xFFFFCE00;
	s28 =	simm.s32 $0x10  }
.LBB2_2:
0x1a: {  	p1 =	sne.s32 s28, $0x18FF0  }
.Ltmp0:
0x1b: {  	_ = 	snop;
	(pc) =	sbr.rel @p1 .LBB2_2-.Ltmp0, $3  }
0x1c: {  	_ =	sdelay $0x1  }
0x1d: {  	[tilespmem:v3+s17+$0x0] =	vst.idx.msk $0xffff, v1;
	s29 =	smov.u32 s28;
	s28 =	sadd.s32 $0x10, s28  }
0x1e: {  	v3 =	vor.u32 s29, v0  }
0x1f: {  	_ =	sdelay $0x3  }
0x20: {  	[tilespmem:v3+s17+$0x0] =	vst.idx.msk $0xffff, v1;
	s28 =	simm.s32 $0x0;
	s29 =	simm.s32 $0x0  }
.LBB2_4:
0x21: {  	s30 =	sadd.s32 s29, s11  }
0x22: {  	s30 =	sshll.u32 s30, $0x3  }
0x23: {  	s30 =	sand.u32 $0x1FFFFFF8, s30  }
0x24: {  	s31 =	sadd.s32 s5, s30  }
0x25: {  	[tilespmem:s28], [sflag:$0x2] =	stream.linear.gather [hbm4b:s31+s28], $0x40, $0x38;
	[tilespmem:$0x1EE50] =	vst v63  }
0x26: {  	_ =	swait.ge [sflag:s15], $0x40  }
0x27: {  	[sflag:s15] =	ssyncset.done $0x0  }
0x28: {  	s31 =	sadd.s32 s6, s30;
	[sflag:s15] =	ssyncadd.s32 $0xFFFFFFC0  }
0x29: {  	[tilespmem:s18], [sflag:$0x2] =	stream.linear.gather [hbm4b:s31+s28], $0x40, $0x38;
	[tilespmem:$0x1EE50] =	vst v63  }
0x2a: {  	_ =	swait.ge [sflag:s15], $0x40  }
0x2b: {  	[sflag:s15] =	ssyncset.done $0x0  }
0x2c: {  	[sflag:s15] =	ssyncadd.s32 $0xFFFFFFC0  }
0x2d: {  	[tilespmem:s19], [sflag:$0x1] =	stream.indirect.gather [hbm4b:s4+s18], $0x80, s28, s18, $0xb8;
	[tilespmem:$0x1EE50] =	vst v63  }
0x2e: {  	_ =	swait.ge [sflag:s20], $0x2000  }
0x2f: {  	[sflag:s20] =	ssyncset.done $0x0  }
0x30: {  	[sflag:s20] =	ssyncadd.s32 $0xFFFFE000  }
0x31: {  	[tilespmem:s21], [sflag:$0x1] =	stream.indirect.gather [hbm4b:s4+s18], $0x80, s18, s18, $0xb8;
	[tilespmem:$0x1EE50] =	vst v63  }
0x32: {  	_ =	swait.ge [sflag:s20], $0x2000  }
0x33: {  	[sflag:s20] =	ssyncset.done $0x0  }
0x34: {  	s31 =	simm.s32 $0x0;
	[sflag:s20] =	ssyncadd.s32 $0xFFFFE000  }
.LBB2_5:
0x35: {  	v20 =	vld [tilespmem:$0x4100]  }
0x36: {  	v23 =	vld [tilespmem:$0x4110]  }
0x37: {  	v26 =	vld [tilespmem:$0x4120]  }
0x38: {  	v29 =	vld [tilespmem:$0x4130]  }
0x39: {  	v3 =	vor.u32 s31, v0;
	v32 =	vld [tilespmem:$0x4140]  }
0x3a: {  	v52 =	vld [tilespmem:$0x4150];
	v4 =	vshll.u32 v3, $0x7  }
0x3b: {  	v53 =	vld [tilespmem:$0x4160];
	v5 =	vor.u32 $0x40, v4  }
0x3c: {  	v56 =	vld [tilespmem:$0x4170];
	v6 =	vor.u32 $0x1, v4  }
0x3d: {  	v59 =	vld [tilespmem:$0x4180];
	v7 =	vor.u32 $0x41, v4  }
0x3e: {  	v10 =	vld [tilespmem:$0x41B0];
	v60 =	vor.u32 $0x2, v4  }
0x3f: {  	v9 =	vor.u32 $0x42, v4;
	v8 =	vld.idx.msk [tilespmem:v4+s19+$0x0], $0xffff  }
0x40: {  	v61 =	vor.u32 $0x3, v4;
	v19 =	vld.idx.msk [tilespmem:v5+s21+$0x0], $0xffff  }
0x41: {  	v62 =	vor.u32 $0x43, v4;
	v21 =	vld.idx.msk [tilespmem:v6+s19+$0x0], $0xffff  }
0x42: {  	v63 =	vor.u32 $0x4, v4;
	v22 =	vld.idx.msk [tilespmem:v7+s21+$0x0], $0xffff  }
0x43: {  	v12 =	vor.u32 $0x44, v4;
	v24 =	vld.idx.msk [tilespmem:v60+s19+$0x0], $0xffff  }
0x44: {  	v13 =	vor.u32 $0x5, v4;
	v25 =	vld.idx.msk [tilespmem:v9+s21+$0x0], $0xffff  }
0x45: {  	v14 =	vor.u32 $0x45, v4;
	v27 =	vld.idx.msk [tilespmem:v61+s19+$0x0], $0xffff  }
0x46: {  	v15 =	vor.u32 $0x6, v4;
	v28 =	vld.idx.msk [tilespmem:v62+s21+$0x0], $0xffff  }
0x47: {  	v16 =	vor.u32 $0x46, v4;
	v30 =	vld.idx.msk [tilespmem:v63+s19+$0x0], $0xffff  }
0x48: {  	v17 =	vor.u32 $0x7, v4;
	v31 =	vld.idx.msk [tilespmem:v12+s21+$0x0], $0xffff  }
0x49: {  	v18 =	vor.u32 $0x47, v4;
	v33 =	vld.idx.msk [tilespmem:v13+s19+$0x0], $0xffff  }
0x4a: {  	v35 =	vor.u32 $0x8, v4;
	v34 =	vld.idx.msk [tilespmem:v14+s21+$0x0], $0xffff  }
0x4b: {  	v36 =	vor.u32 $0x48, v4;
	v40 =	vld.idx.msk [tilespmem:v15+s19+$0x0], $0xffff  }
0x4c: {  	v37 =	vor.u32 $0x9, v4;
	v41 =	vld.idx.msk [tilespmem:v16+s21+$0x0], $0xffff  }
0x4d: {  	v38 =	vor.u32 $0x49, v4;
	v54 =	vld.idx.msk [tilespmem:v17+s19+$0x0], $0xffff  }
0x4e: {  	v55 =	vld.idx.msk [tilespmem:v18+s21+$0x0], $0xffff  }
0x4f: {  	v39 =	vor.u32 $0xA, v4;
	v57 =	vld.idx.msk [tilespmem:v35+s19+$0x0], $0xffff  }
0x50: {  	v42 =	vor.u32 $0x4A, v4;
	v58 =	vld.idx.msk [tilespmem:v36+s21+$0x0], $0xffff  }
0x51: {  	v60 =	vld.idx.msk [tilespmem:v37+s19+$0x0], $0xffff  }
0x52: {  	v43 =	vor.u32 $0xB, v4;
	v61 =	vld.idx.msk [tilespmem:v38+s21+$0x0], $0xffff  }
0x53: {  	v44 =	vor.u32 $0x4B, v4;
	v16 =	vld [tilespmem:$0x4190]  }
0x54: {  	v45 =	vor.u32 $0xC, v4;
	v62 =	vld.idx.msk [tilespmem:v39+s19+$0x0], $0xffff  }
0x55: {  	v46 =	vor.u32 $0x4C, v4;
	v63 =	vld.idx.msk [tilespmem:v42+s21+$0x0], $0xffff  }
0x56: {  	v14 =	vld [tilespmem:$0x41A0]  }
0x57: {  	v47 =	vor.u32 $0xD, v4;
	v1 =	vld.idx.msk [tilespmem:v43+s19+$0x0], $0xffff  }
0x58: {  	v48 =	vor.u32 $0x4D, v4;
	v2 =	vld.idx.msk [tilespmem:v44+s21+$0x0], $0xffff  }
0x59: {  	v17 =	vld.idx.msk [tilespmem:v45+s19+$0x0], $0xffff  }
0x5a: {  	v49 =	vor.u32 $0xE, v4;
	v18 =	vld.idx.msk [tilespmem:v46+s21+$0x0], $0xffff  }
0x5b: {  	v9 =	vld [tilespmem:$0x41C0]  }
0x5c: {  	v50 =	vor.u32 $0xF, v4;
	v13 =	vld.idx.msk [tilespmem:v47+s19+$0x0], $0xffff  }
0x5d: {  	v15 =	vld.idx.msk [tilespmem:v48+s21+$0x0], $0xffff  }
0x5e: {  	v51 =	vor.u32 $0x11, v4;
	v6 =	vld [tilespmem:$0x41D0]  }
0x5f: {  	v12 =	vor.u32 $0x4E, v4;
	v11 =	vld.idx.msk [tilespmem:v49+s19+$0x0], $0xffff  }
0x60: {  	v35 =	vor.u32 $0x4F, v4;
	v5 =	vld [tilespmem:$0x41E0]  }
0x61: {  	v36 =	vor.u32 $0x10, v4;
	v7 =	vld.idx.msk [tilespmem:v50+s19+$0x0], $0xffff  }
0x62: {  	v37 =	vor.u32 $0x50, v4;
	v39 =	vld [tilespmem:$0x41F0]  }
0x63: {  	v43 =	vld.idx.msk [tilespmem:v51+s19+$0x0], $0xffff  }
0x64: {  	v42 =	vor.u32 $0x51, v4;
	v12 =	vld.idx.msk [tilespmem:v12+s21+$0x0], $0xffff  }
0x65: {  	v19 =	vadd.f32 v19, v8;
	v8 =	vld.idx.msk [tilespmem:v35+s21+$0x0], $0xffff  }
0x66: {  	v46 =	vor.u32 $0x12, v4;
	v45 =	vld.idx.msk [tilespmem:v36+s19+$0x0], $0xffff  }
0x67: {  	v47 =	vld.idx.msk [tilespmem:v37+s21+$0x0], $0xffff  }
0x68: {  	v37 =	vld [tilespmem:$0x4200]  }
0x69: {  	v21 =	vadd.f32 v22, v21;
	v48 =	vld.idx.msk [tilespmem:v42+s21+$0x0], $0xffff;
	v27 =	vadd.f32 v28, v27  }
0x6a: {  	v24 =	vadd.f32 v25, v24;
	v35 =	vld [tilespmem:$0x4210];
	v25 =	vor.u32 $0x53, v4;
	v38 =	vmul.f32 $2.000000030e-01, v19  }
0x6b: {  	v36 =	vor.u32 $0x52, v4;
	v44 =	vld.idx.msk [tilespmem:v46+s19+$0x0], $0xffff;
	v28 =	vmul.f32 $2.000000030e-01, v27  }
0x6c: {  	v50 =	vmul.f32 $2.000000030e-01, v21;
	v19 =	vmax.f32 v19, v38;
	v38 =	vld [tilespmem:$0x4230]  }
0x6d: {  	v51 =	vmul.f32 $2.000000030e-01, v24;
	v42 =	vmax.f32 v27, v28;
	v27 =	vadd.f32 v34, v33;
	v34 =	vld [tilespmem:$0x4240]  }
0x6e: {  	v28 =	vld [tilespmem:$0x4260];
	v19 =	vmul.f32 v19, v20;
	v20 =	vmax.f32 v21, v50;
	v21 =	vor.u32 $0x13, v4  }
0x6f: {  	v31 =	vadd.f32 v31, v30;
	v24 =	vmax.f32 v24, v51;
	v51 =	vld.idx.msk [tilespmem:v25+s21+$0x0], $0xffff;
	v25 =	vor.u32 $0x55, v4  }
0x70: {  	v22 =	vor.u32 $0x14, v4;
	v49 =	vld.idx.msk [tilespmem:v36+s21+$0x0], $0xffff;
	v20 =	vmul.f32 v20, v23;
	v19 =	vadd.f32 $0.0e+00, v19  }
0x71: {  	v46 =	vmul.f32 $2.000000030e-01, v31;
	v36 =	vld [tilespmem:$0x4220];
	v43 =	vadd.f32 v48, v43  }
0x72: {  	v48 =	vld [tilespmem:$0x4300];
	v19 =	vadd.f32 v20, v19;
	v20 =	vmul.f32 v24, v26;
	v24 =	vor.u32 $0x54, v4  }
0x73: {  	v50 =	vld.idx.msk [tilespmem:v21+s19+$0x0], $0xffff  }
0x74: {  	v30 =	vmax.f32 v31, v46;
	v26 =	vadd.f32 v41, v40;
	v21 =	vor.u32 $0x15, v4;
	v41 =	vld.idx.msk [tilespmem:v25+s21+$0x0], $0xffff  }
0x75: {  	v19 =	vadd.f32 v20, v19;
	v20 =	vmul.f32 v42, v29;
	v42 =	vld.idx.msk [tilespmem:v22+s19+$0x0], $0xffff;
	v22 =	vor.u32 $0x16, v4  }
0x76: {  	v31 =	vmul.f32 $2.000000030e-01, v27;
	v25 =	vor.u32 $0x57, v4;
	v44 =	vadd.f32 v49, v44;
	v49 =	vld [tilespmem:$0x4310]  }
0x77: {  	v19 =	vadd.f32 v20, v19;
	v20 =	vmul.f32 v30, v32;
	v46 =	vld.idx.msk [tilespmem:v24+s21+$0x0], $0xffff;
	v24 =	vor.u32 $0x56, v4  }
0x78: {  	v58 =	vadd.f32 v58, v57;
	v33 =	vmax.f32 v27, v31;
	v32 =	vld [tilespmem:$0x4250]  }
0x79: {  	v27 =	vadd.f32 v55, v54;
	v40 =	vld.idx.msk [tilespmem:v21+s19+$0x0], $0xffff;
	v19 =	vadd.f32 v20, v19;
	v21 =	vor.u32 $0x17, v4  }
0x7a: {  	v20 =	vmul.f32 v33, v52;
	v52 =	vmul.f32 $2.000000030e-01, v26;
	v31 =	vld.idx.msk [tilespmem:v22+s19+$0x0], $0xffff;
	v22 =	vor.u32 $0x18, v4  }
0x7b: {  	v1 =	vadd.f32 v2, v1;
	v54 =	vadd.f32 v61, v60;
	v30 =	vld.idx.msk [tilespmem:v25+s21+$0x0], $0xffff  }
0x7c: {  	v23 =	vmul.f32 $2.000000030e-01, v27;
	v55 =	vmax.f32 v26, v52;
	v33 =	vld.idx.msk [tilespmem:v24+s21+$0x0], $0xffff;
	v24 =	vor.u32 $0x58, v4  }
0x7d: {  	v19 =	vadd.f32 v20, v19;
	v26 =	vld [tilespmem:$0x4270];
	v20 =	vmul.f32 v55, v53;
	v53 =	vor.u32 $0x59, v4  }
0x7e: {  	v57 =	vmul.f32 $2.000000030e-01, v58;
	v60 =	vmul.f32 $2.000000030e-01, v54;
	v55 =	vmax.f32 v27, v23;
	v29 =	vld.idx.msk [tilespmem:v21+s19+$0x0], $0xffff  }
0x7f: {  	v52 =	vor.u32 $0x1A, v4;
	v19 =	vadd.f32 v20, v19;
	v20 =	vmul.f32 v55, v56;
	v25 =	vld.idx.msk [tilespmem:v22+s19+$0x0], $0xffff  }
0x80: {  	v58 =	vmax.f32 v58, v57;
	v21 =	vor.u32 $0x19, v4;
	v56 =	vadd.f32 v63, v62;
	v22 =	vld [tilespmem:$0x4280]  }
0x81: {  	v62 =	vmax.f32 v54, v60;
	v19 =	vadd.f32 v20, v19;
	v20 =	vmul.f32 v58, v59;
	v27 =	vld.idx.msk [tilespmem:v24+s21+$0x0], $0xffff  }
0x82: {  	v55 =	vor.u32 $0x5A, v4;
	v16 =	vmul.f32 v62, v16;
	v62 =	vmul.f32 $2.000000030e-01, v1;
	v24 =	vld.idx.msk [tilespmem:v53+s21+$0x0], $0xffff  }
0x83: {  	v61 =	vadd.f32 v20, v19;
	v20 =	vld [tilespmem:$0x4290]  }
0x84: {  	v60 =	vor.u32 $0x5B, v4;
	v63 =	vmul.f32 $2.000000030e-01, v56;
	v1 =	vmax.f32 v1, v62;
	v19 =	vld.idx.msk [tilespmem:v52+s19+$0x0], $0xffff  }
0x85: {  	v53 =	vor.u32 $0x1B, v4;
	v1 =	vmul.f32 v1, v10;
	v10 =	vld [tilespmem:$0x42C0]  }
0x86: {  	v23 =	vld.idx.msk [tilespmem:v21+s19+$0x0], $0xffff;
	v2 =	vadd.f32 v16, v61;
	v61 =	vmax.f32 v56, v63  }
0x87: {  	v52 =	vor.u32 $0x1C, v4;
	v21 =	vld.idx.msk [tilespmem:v55+s21+$0x0], $0xffff;
	v63 =	vadd.f32 v18, v17;
	v14 =	vmul.f32 v61, v14  }
0x88: {  	v55 =	vor.u32 $0x5C, v4;
	v16 =	vld [tilespmem:$0x42A0]  }
0x89: {  	v18 =	vld.idx.msk [tilespmem:v60+s21+$0x0], $0xffff;
	v61 =	vor.u32 $0x5D, v4;
	v60 =	vmul.f32 $2.000000030e-01, v63;
	v2 =	vadd.f32 v14, v2  }
0x8a: {  	v62 =	vadd.f32 v15, v13;
	v17 =	vld.idx.msk [tilespmem:v53+s19+$0x0], $0xffff  }
0x8b: {  	v53 =	vor.u32 $0x1D, v4;
	v14 =	vld [tilespmem:$0x42B0];
	v1 =	vadd.f32 v1, v2;
	v2 =	vmax.f32 v63, v60  }
0x8c: {  	v13 =	vld.idx.msk [tilespmem:v52+s19+$0x0], $0xffff;
	v52 =	vor.u32 $0x1E, v4;
	v63 =	vmul.f32 $2.000000030e-01, v62;
	v2 =	vmul.f32 v2, v9  }
0x8d: {  	v56 =	vadd.f32 v12, v11;
	v15 =	vld.idx.msk [tilespmem:v55+s21+$0x0], $0xffff;
	v55 =	vor.u32 $0x5E, v4  }
0x8e: {  	v54 =	vor.u32 $0x5F, v4;
	v12 =	vld.idx.msk [tilespmem:v61+s21+$0x0], $0xffff;
	v1 =	vadd.f32 v2, v1;
	v2 =	vmax.f32 v62, v63  }
0x8f: {  	v60 =	vmul.f32 $2.000000030e-01, v56;
	v9 =	vld [tilespmem:$0x42D0];
	v61 =	vor.u32 $0x20, v4;
	v2 =	vmul.f32 v2, v6  }
0x90: {  	v11 =	vld.idx.msk [tilespmem:v53+s19+$0x0], $0xffff;
	v62 =	vadd.f32 v8, v7;
	v63 =	vor.u32 $0x60, v4  }
0x91: {  	v53 =	vor.u32 $0x1F, v4;
	v7 =	vld.idx.msk [tilespmem:v52+s19+$0x0], $0xffff;
	v1 =	vadd.f32 v2, v1;
	v2 =	vmax.f32 v56, v60  }
0x92: {  	v8 =	vld.idx.msk [tilespmem:v55+s21+$0x0], $0xffff;
	v59 =	vmul.f32 $2.000000030e-01, v62;
	v60 =	vor.u32 $0x21, v4;
	v2 =	vmul.f32 v2, v5  }
0x93: {  	v45 =	vadd.f32 v47, v45;
	v47 =	vor.u32 $0x61, v4;
	v6 =	vld.idx.msk [tilespmem:v54+s21+$0x0], $0xffff  }
0x94: {  	v54 =	vld.idx.msk [tilespmem:v61+s19+$0x0], $0xffff;
	v1 =	vadd.f32 v2, v1;
	v2 =	vmax.f32 v62, v59  }
0x95: {  	v61 =	vmul.f32 $2.000000030e-01, v45;
	v52 =	vld.idx.msk [tilespmem:v63+s21+$0x0], $0xffff;
	v63 =	vor.u32 $0x62, v4;
	v2 =	vmul.f32 v2, v39  }
0x96: {  	v5 =	vld.idx.msk [tilespmem:v53+s19+$0x0], $0xffff;
	v62 =	vor.u32 $0x22, v4  }
0x97: {  	v53 =	vor.u32 $0x63, v4;
	v39 =	vld.idx.msk [tilespmem:v60+s19+$0x0], $0xffff;
	v1 =	vadd.f32 v2, v1;
	v2 =	vmax.f32 v45, v61  }
0x98: {  	v60 =	vmul.f32 $2.000000030e-01, v43;
	v45 =	vld.idx.msk [tilespmem:v47+s21+$0x0], $0xffff;
	v47 =	vor.u32 $0x23, v4;
	v2 =	vmul.f32 v2, v37  }
0x99: {  	v56 =	vld [tilespmem:$0x4320];
	v61 =	vadd.f32 v51, v50  }
0x9a: {  	v51 =	vor.u32 $0x24, v4;
	v50 =	vld.idx.msk [tilespmem:v63+s21+$0x0], $0xffff;
	v1 =	vadd.f32 v2, v1;
	v2 =	vmax.f32 v43, v60  }
0x9b: {  	v43 =	vld.idx.msk [tilespmem:v62+s19+$0x0], $0xffff;
	v62 =	vmul.f32 $2.000000030e-01, v44;
	v60 =	vor.u32 $0x64, v4;
	v2 =	vmul.f32 v2, v35  }
0x9c: {  	v42 =	vadd.f32 v46, v42;
	v37 =	vld.idx.msk [tilespmem:v53+s21+$0x0], $0xffff;
	v63 =	vmul.f32 $2.000000030e-01, v61  }
0x9d: {  	v40 =	vadd.f32 v41, v40;
	v35 =	vld.idx.msk [tilespmem:v47+s19+$0x0], $0xffff;
	v1 =	vadd.f32 v2, v1;
	v2 =	vmax.f32 v44, v62  }
0x9e: {  	v61 =	vmax.f32 v61, v63;
	v47 =	vld [tilespmem:$0x4330];
	v44 =	vor.u32 $0x25, v4;
	v2 =	vmul.f32 v2, v36  }
0x9f: {  	v63 =	vmul.f32 $2.000000030e-01, v42;
	v62 =	vadd.f32 v52, v54;
	v52 =	vor.u32 $0x65, v4;
	v36 =	vld.idx.msk [tilespmem:v51+s19+$0x0], $0xffff  }
0xa0: {  	v59 =	vor.u32 $0x26, v4;
	v53 =	vld.idx.msk [tilespmem:v60+s21+$0x0], $0xffff;
	v1 =	vadd.f32 v2, v1;
	v2 =	vmul.f32 v61, v38  }
0xa1: {  	v58 =	vmul.f32 $2.000000030e-01, v62;
	v38 =	vmax.f32 v42, v63;
	v63 =	vadd.f32 v50, v43;
	v43 =	vld [tilespmem:$0x4350]  }
0xa2: {  	v60 =	vor.u32 $0x66, v4;
	v1 =	vadd.f32 v2, v1;
	v2 =	vadd.f32 v45, v39;
	v39 =	vld [tilespmem:$0x4340]  }
0xa3: {  	v57 =	vor.u32 $0x67, v4;
	v31 =	vadd.f32 v33, v31;
	v29 =	vadd.f32 v30, v29;
	v42 =	vld.idx.msk [tilespmem:v44+s19+$0x0], $0xffff  }
0xa4: {  	v25 =	vadd.f32 v27, v25;
	v61 =	vmax.f32 v62, v58;
	v58 =	vmul.f32 $2.000000030e-01, v40;
	v46 =	vld.idx.msk [tilespmem:v52+s21+$0x0], $0xffff  }
0xa5: {  	v55 =	vor.u32 $0x69, v4;
	v41 =	vmul.f32 v61, v48;
	v44 =	vld.idx.msk [tilespmem:v59+s19+$0x0], $0xffff;
	v61 =	vadd.f32 v37, v35  }
0xa6: {  	v35 =	vld [tilespmem:$0x4360];
	v40 =	vmax.f32 v40, v58;
	v58 =	vor.u32 $0x2A, v4;
	v62 =	vmul.f32 $2.000000030e-01, v2  }
0xa7: {  	v34 =	vmul.f32 v38, v34;
	v48 =	vor.u32 $0x27, v4;
	v59 =	vmul.f32 $2.000000030e-01, v63;
	v45 =	vld.idx.msk [tilespmem:v60+s21+$0x0], $0xffff  }
0xa8: {  	v60 =	vor.u32 $0x28, v4;
	v32 =	vmul.f32 v40, v32;
	v40 =	vld [tilespmem:$0x4370];
	v2 =	vmax.f32 v2, v62  }
0xa9: {  	v41 =	vadd.f32 $0.0e+00, v41;
	v1 =	vadd.f32 v34, v1;
	v2 =	vmul.f32 v2, v49;
	v49 =	vld.idx.msk [tilespmem:v57+s21+$0x0], $0xffff  }
0xaa: {  	v38 =	vmax.f32 v63, v59;
	v63 =	vmul.f32 $2.000000030e-01, v61;
	v59 =	vadd.f32 v46, v42;
	v42 =	vld [tilespmem:$0x4380]  }
0xab: {  	v36 =	vadd.f32 v53, v36;
	v53 =	vor.u32 $0x6B, v4;
	v1 =	vadd.f32 v32, v1;
	v32 =	vld.idx.msk [tilespmem:v58+s19+$0x0], $0xffff  }
0xac: {  	v54 =	vor.u32 $0x29, v4;
	v62 =	vor.u32 $0x68, v4;
	v2 =	vadd.f32 v2, v41;
	v41 =	vld.idx.msk [tilespmem:v48+s19+$0x0], $0xffff  }
0xad: {  	v38 =	vmul.f32 v38, v56;
	v56 =	vmax.f32 v61, v63;
	v61 =	vmul.f32 $2.000000030e-01, v31;
	v34 =	vld.idx.msk [tilespmem:v60+s19+$0x0], $0xffff  }
0xae: {  	v23 =	vadd.f32 v24, v23;
	v33 =	vmul.f32 v56, v47;
	v56 =	vor.u32 $0x2C, v4;
	v48 =	vld.idx.msk [tilespmem:v55+s21+$0x0], $0xffff  }
0xaf: {  	v31 =	vmax.f32 v31, v61;
	v61 =	vor.u32 $0x2D, v4;
	v52 =	vadd.f32 v45, v44;
	v44 =	vld [tilespmem:$0x4390]  }
0xb0: {  	v19 =	vadd.f32 v21, v19;
	v17 =	vadd.f32 v18, v17;
	v60 =	vor.u32 $0x6A, v4;
	v45 =	vld.idx.msk [tilespmem:v53+s21+$0x0], $0xffff  }
0xb1: {  	v13 =	vadd.f32 v15, v13;
	v11 =	vadd.f32 v12, v11;
	v57 =	vmul.f32 $2.000000030e-01, v36;
	v37 =	vld.idx.msk [tilespmem:v62+s21+$0x0], $0xffff  }
0xb2: {  	v58 =	vor.u32 $0x6C, v4;
	v28 =	vmul.f32 v31, v28;
	v2 =	vadd.f32 v38, v2;
	v38 =	vld.idx.msk [tilespmem:v54+s19+$0x0], $0xffff  }
0xb3: {  	v7 =	vadd.f32 v8, v7;
	v5 =	vadd.f32 v6, v5;
	v63 =	vor.u32 $0x2B, v4;
	v31 =	vld.idx.msk [tilespmem:v56+s19+$0x0], $0xffff  }
0xb4: {  	v36 =	vmax.f32 v36, v57;
	v55 =	vmul.f32 $2.000000030e-01, v52;
	v1 =	vadd.f32 v28, v1;
	v28 =	vld.idx.msk [tilespmem:v61+s19+$0x0], $0xffff  }
0xb5: {  	v36 =	vmul.f32 v36, v39;
	v62 =	vmul.f32 $2.000000030e-01, v59;
	v56 =	vor.u32 $0x2F, v4;
	v39 =	vld.idx.msk [tilespmem:v60+s21+$0x0], $0xffff  }
0xb6: {  	v2 =	vadd.f32 v33, v2;
	v33 =	vmax.f32 v52, v55;
	v57 =	vadd.f32 v49, v41;
	v41 =	vld [tilespmem:$0x43A0]  }
0xb7: {  	v54 =	vmax.f32 v59, v62;
	v59 =	vmul.f32 $2.000000030e-01, v29;
	v33 =	vmul.f32 v33, v35;
	v35 =	vld.idx.msk [tilespmem:v58+s21+$0x0], $0xffff  }
0xb8: {  	v51 =	vor.u32 $0x2E, v4;
	v53 =	vor.u32 $0x6E, v4;
	v2 =	vadd.f32 v36, v2;
	v36 =	vld.idx.msk [tilespmem:v63+s19+$0x0], $0xffff  }
0xb9: {  	v58 =	vor.u32 $0x6F, v4;
	v29 =	vmax.f32 v29, v59;
	v62 =	vadd.f32 v37, v34;
	v34 =	vld [tilespmem:$0x43B0]  }
0xba: {  	v63 =	vor.u32 $0x6D, v4;
	v26 =	vmul.f32 v29, v26;
	v52 =	vadd.f32 v48, v38;
	v38 =	vld [tilespmem:$0x43C0]  }
0xbb: {  	v61 =	vor.u32 $0x30, v4;
	v30 =	vmul.f32 v54, v43;
	v60 =	vmul.f32 $2.000000030e-01, v57;
	v47 =	vld.idx.msk [tilespmem:v56+s19+$0x0], $0xffff  }
0xbc: {  	v59 =	vmul.f32 $2.000000030e-01, v25;
	v37 =	vor.u32 $0x7A, v4;
	v1 =	vadd.f32 v26, v1;
	v26 =	vld [tilespmem:$0x4420]  }
0xbd: {  	v2 =	vadd.f32 v30, v2;
	v49 =	vmax.f32 v57, v60;
	v57 =	vadd.f32 v39, v32;
	v32 =	vld [tilespmem:$0x43D0]  }
0xbe: {  	v25 =	vmax.f32 v25, v59;
	v50 =	vmul.f32 $2.000000030e-01, v62;
	v30 =	vmul.f32 v49, v40;
	v49 =	vld.idx.msk [tilespmem:v58+s21+$0x0], $0xffff  }
0xbf: {  	v55 =	vmul.f32 $2.000000030e-01, v52;
	v22 =	vmul.f32 v25, v22;
	v2 =	vadd.f32 v33, v2;
	v33 =	vld.idx.msk [tilespmem:v63+s21+$0x0], $0xffff  }
0xc0: {  	v56 =	vor.u32 $0x32, v4;
	v54 =	vmax.f32 v62, v50;
	v62 =	vadd.f32 v45, v36;
	v36 =	vld [tilespmem:$0x43E0]  }
0xc1: {  	v58 =	vor.u32 $0x72, v4;
	v29 =	vmax.f32 v52, v55;
	v1 =	vadd.f32 v22, v1;
	v22 =	vld [tilespmem:$0x4450]  }
0xc2: {  	v63 =	vor.u32 $0x70, v4;
	v50 =	vor.u32 $0x31, v4;
	v2 =	vadd.f32 v30, v2;
	v30 =	vld.idx.msk [tilespmem:v51+s19+$0x0], $0xffff  }
0xc3: {  	v52 =	vor.u32 $0x71, v4;
	v27 =	vmul.f32 v54, v42;
	v60 =	vmul.f32 $2.000000030e-01, v57;
	v42 =	vld.idx.msk [tilespmem:v53+s21+$0x0], $0xffff  }
0xc4: {  	v29 =	vmul.f32 v29, v44;
	v51 =	vadd.f32 v35, v31;
	v31 =	vld [tilespmem:$0x43F0];
	v53 =	vmul.f32 $2.000000030e-01, v23  }
0xc5: {  	v48 =	vmul.f32 $2.000000030e-01, v62;
	v43 =	vld.idx.msk [tilespmem:v56+s19+$0x0], $0xffff;
	v2 =	vadd.f32 v27, v2;
	v46 =	vmax.f32 v57, v60  }
0xc6: {  	v54 =	vmul.f32 $2.000000030e-01, v51;
	v23 =	vmax.f32 v23, v53;
	v53 =	vor.u32 $0x35, v4;
	v45 =	vld.idx.msk [tilespmem:v58+s21+$0x0], $0xffff  }
0xc7: {  	v24 =	vmul.f32 v46, v41;
	v27 =	vmax.f32 v62, v48;
	v2 =	vadd.f32 v29, v2;
	v29 =	vld.idx.msk [tilespmem:v61+s19+$0x0], $0xffff  }
0xc8: {  	v20 =	vmul.f32 v23, v20;
	v46 =	vor.u32 $0x34, v4;
	v47 =	vadd.f32 v49, v47;
	v55 =	vld.idx.msk [tilespmem:v63+s21+$0x0], $0xffff  }
0xc9: {  	v48 =	vor.u32 $0x74, v4;
	v49 =	vmul.f32 $2.000000030e-01, v19;
	v57 =	vadd.f32 v33, v28;
	v28 =	vld [tilespmem:$0x4400]  }
0xca: {  	v27 =	vmul.f32 v27, v34;
	v59 =	vmax.f32 v51, v54;
	v25 =	vld.idx.msk [tilespmem:v50+s19+$0x0], $0xffff;
	v61 =	vor.u32 $0x33, v4  }
0xcb: {  	v34 =	vld.idx.msk [tilespmem:v52+s21+$0x0], $0xffff;
	v63 =	vor.u32 $0x73, v4;
	v33 =	vor.u32 $0x3F, v4;
	v62 =	vadd.f32 v42, v30  }
0xcc: {  	v30 =	vld [tilespmem:$0x4410];
	v1 =	vadd.f32 v20, v1;
	v51 =	vmul.f32 $2.000000030e-01, v47;
	v19 =	vmax.f32 v19, v49  }
0xcd: {  	v20 =	vld [tilespmem:$0x4470];
	v2 =	vadd.f32 v24, v2;
	v24 =	vmul.f32 v59, v38;
	v60 =	vmul.f32 $2.000000030e-01, v57  }
0xce: {  	v49 =	vor.u32 $0x38, v4;
	v16 =	vmul.f32 v19, v16;
	v44 =	vmul.f32 $2.000000030e-01, v62;
	v39 =	vld.idx.msk [tilespmem:v53+s19+$0x0], $0xffff  }
0xcf: {  	v56 =	vmax.f32 v47, v51;
	v51 =	vor.u32 $0x78, v4;
	v42 =	vmax.f32 v57, v60;
	v57 =	vld.idx.msk [tilespmem:v46+s19+$0x0], $0xffff  }
0xd0: {  	v2 =	vadd.f32 v27, v2;
	v18 =	vmul.f32 v56, v31;
	v59 =	vld.idx.msk [tilespmem:v48+s21+$0x0], $0xffff;
	v60 =	vor.u32 $0x36, v4  }
0xd1: {  	v1 =	vadd.f32 v16, v1;
	v43 =	vadd.f32 v45, v43;
	v31 =	vor.u32 $0x7E, v4;
	v50 =	vld.idx.msk [tilespmem:v61+s19+$0x0], $0xffff  }
0xd2: {  	v21 =	vmul.f32 v42, v32;
	v23 =	vmax.f32 v62, v44;
	v52 =	vld.idx.msk [tilespmem:v63+s21+$0x0], $0xffff;
	v54 =	vadd.f32 v55, v29  }
0xd3: {  	v29 =	vld [tilespmem:$0x4430];
	v55 =	vor.u32 $0x75, v4;
	v61 =	vadd.f32 v34, v25;
	v62 =	vor.u32 $0x76, v4  }
0xd4: {  	v25 =	vld [tilespmem:$0x4440];
	v63 =	vmul.f32 $2.000000030e-01, v17;
	v42 =	vor.u32 $0x37, v4;
	v44 =	vor.u32 $0x77, v4  }
0xd5: {  	v32 =	vld [tilespmem:$0x44C0];
	v2 =	vadd.f32 v24, v2;
	v23 =	vmul.f32 v23, v36;
	v58 =	vmul.f32 $2.000000030e-01, v54  }
0xd6: {  	v47 =	vmul.f32 $2.000000030e-01, v43;
	v24 =	vld [tilespmem:$0x4460];
	v40 =	vmul.f32 $2.000000030e-01, v61;
	v17 =	vmax.f32 v17, v63  }
0xd7: {  	v36 =	vld [tilespmem:$0x4480];
	v2 =	vadd.f32 v21, v2;
	v14 =	vmul.f32 v17, v14;
	v21 =	vmax.f32 v54, v58  }
0xd8: {  	v45 =	vmax.f32 v61, v40;
	v46 =	vld.idx.msk [tilespmem:v60+s19+$0x0], $0xffff;
	v56 =	vadd.f32 v59, v57;
	v57 =	vor.u32 $0x79, v4  }
0xd9: {  	v58 =	vmul.f32 $2.000000030e-01, v13;
	v59 =	vld.idx.msk [tilespmem:v49+s19+$0x0], $0xffff;
	v2 =	vadd.f32 v23, v2;
	v21 =	vmul.f32 v21, v28  }
0xda: {  	v41 =	vld.idx.msk [tilespmem:v55+s21+$0x0], $0xffff;
	v50 =	vadd.f32 v52, v50;
	v52 =	vmax.f32 v43, v47;
	v55 =	vor.u32 $0x39, v4  }
0xdb: {  	v48 =	vld.idx.msk [tilespmem:v62+s21+$0x0], $0xffff;
	v1 =	vadd.f32 v14, v1;
	v62 =	vor.u32 $0x3A, v4;
	v2 =	vadd.f32 v18, v2  }
0xdc: {  	v16 =	vld.idx.msk [tilespmem:v42+s19+$0x0], $0xffff;
	v42 =	vor.u32 $0x3B, v4;
	v15 =	vmul.f32 v52, v26;
	v60 =	vmul.f32 $2.000000030e-01, v56  }
0xdd: {  	v61 =	vld.idx.msk [tilespmem:v51+s21+$0x0], $0xffff;
	v13 =	vmax.f32 v13, v58;
	v18 =	vmul.f32 v45, v30;
	v2 =	vadd.f32 v21, v2  }
0xde: {  	v49 =	vld.idx.msk [tilespmem:v37+s21+$0x0], $0xffff;
	v53 =	vmul.f32 $2.000000030e-01, v50;
	v10 =	vmul.f32 v13, v10;
	v45 =	vor.u32 $0x7B, v4  }
0xdf: {  	v54 =	vld.idx.msk [tilespmem:v44+s21+$0x0], $0xffff;
	v38 =	vmax.f32 v56, v60;
	v60 =	vor.u32 $0x7D, v4;
	v2 =	vadd.f32 v18, v2  }
0xe0: {  	v44 =	vld [tilespmem:$0x4490];
	v17 =	vmax.f32 v50, v53;
	v12 =	vmul.f32 v38, v25;
	v63 =	vadd.f32 v41, v39  }
0xe1: {  	v52 =	vld [tilespmem:$0x44A0];
	v50 =	vor.u32 $0x3C, v4;
	v17 =	vmul.f32 v17, v29;
	v2 =	vadd.f32 v15, v2  }
0xe2: {  	v1 =	vadd.f32 v10, v1;
	v39 =	vld.idx.msk [tilespmem:v55+s19+$0x0], $0xffff;
	v43 =	vadd.f32 v48, v46;
	v40 =	vmul.f32 $2.000000030e-01, v63  }
0xe3: {  	v53 =	vor.u32 $0x7C, v4;
	v41 =	vld.idx.msk [tilespmem:v57+s21+$0x0], $0xffff;
	v46 =	vmul.f32 $2.000000030e-01, v11;
	v2 =	vadd.f32 v17, v2  }
0xe4: {  	v47 =	vld.idx.msk [tilespmem:v62+s19+$0x0], $0xffff;
	v54 =	vadd.f32 v54, v16;
	v48 =	vmul.f32 $2.000000030e-01, v43;
	v15 =	vmax.f32 v63, v40  }
0xe5: {  	v55 =	vld.idx.msk [tilespmem:v42+s19+$0x0], $0xffff;
	v18 =	vadd.f32 v61, v59;
	v15 =	vmul.f32 v15, v22;
	v2 =	vadd.f32 v12, v2  }
0xe6: {  	v57 =	vor.u32 $0x3D, v4;
	v59 =	vld [tilespmem:$0x44B0];
	v58 =	vmul.f32 $2.000000030e-01, v54;
	v13 =	vmax.f32 v43, v48  }
0xe7: {  	v56 =	vld.idx.msk [tilespmem:v45+s21+$0x0], $0xffff;
	v61 =	vmul.f32 $2.000000030e-01, v18;
	v13 =	vmul.f32 v13, v24;
	v2 =	vadd.f32 v15, v2  }
0xe8: {  	v62 =	vld.idx.msk [tilespmem:v50+s19+$0x0], $0xffff;
	v63 =	vor.u32 $0x3E, v4;
	v10 =	vmax.f32 v54, v58;
	v14 =	vadd.f32 v41, v39  }
0xe9: {  	v4 =	vor.u32 $0x7F, v4;
	v10 =	vmul.f32 v10, v20;
	v12 =	vld.idx.msk [tilespmem:v53+s21+$0x0], $0xffff;
	v2 =	vadd.f32 v13, v2  }
0xea: {  	v35 =	vld.idx.msk [tilespmem:v60+s21+$0x0], $0xffff;
	v17 =	vadd.f32 v49, v47;
	v25 =	vmul.f32 $2.000000030e-01, v14;
	v13 =	vmax.f32 v18, v61  }
0xeb: {  	v51 =	vmax.f32 v11, v46;
	v22 =	vld.idx.msk [tilespmem:v57+s19+$0x0], $0xffff;
	v34 =	vmul.f32 v13, v36;
	v2 =	vadd.f32 v10, v2  }
0xec: {  	v41 =	vld.idx.msk [tilespmem:v31+s21+$0x0], $0xffff;
	v37 =	vadd.f32 v56, v55;
	v38 =	vmul.f32 $2.000000030e-01, v17;
	v36 =	vmax.f32 v14, v25  }
0xed: {  	v46 =	vmul.f32 $2.000000030e-01, v7;
	v39 =	vld.idx.msk [tilespmem:v63+s19+$0x0], $0xffff;
	v40 =	vmul.f32 v36, v44;
	v2 =	vadd.f32 v34, v2  }
0xee: {  	v42 =	vmax.f32 v17, v38;
	v43 =	vmul.f32 $2.000000030e-01, v37;
	v4 =	vld.idx.msk [tilespmem:v4+s21+$0x0], $0xffff;
	v12 =	vadd.f32 v12, v62  }
0xef: {  	v9 =	vmul.f32 v51, v9;
	v45 =	vmul.f32 v42, v52;
	v44 =	vld.idx.msk [tilespmem:v33+s19+$0x0], $0xffff;
	v2 =	vadd.f32 v40, v2  }
0xf0: {  	v49 =	vld [tilespmem:$0x44D0];
	v47 =	vmax.f32 v37, v43;
	v10 =	vadd.f32 v35, v22;
	v48 =	vmul.f32 $2.000000030e-01, v12  }
0xf1: {  	v51 =	vld [tilespmem:$0x42E0];
	v1 =	vadd.f32 v9, v1;
	v50 =	vmul.f32 v47, v59;
	v2 =	vadd.f32 v45, v2  }
0xf2: {  	v53 =	vld [tilespmem:$0x44E0];
	v9 =	vadd.f32 v41, v39;
	v52 =	vmul.f32 $2.000000030e-01, v10;
	v12 =	vmax.f32 v12, v48  }
0xf3: {  	v7 =	vmax.f32 v7, v46;
	v55 =	vld [tilespmem:$0x42F0];
	v54 =	vmul.f32 v12, v32;
	v2 =	vadd.f32 v50, v2  }
0xf4: {  	v57 =	vld [tilespmem:$0x44F0];
	v56 =	vmul.f32 $2.000000030e-01, v9;
	v10 =	vmax.f32 v10, v52;
	v4 =	vadd.f32 v4, v44  }
0xf5: {  	v59 =	vmul.f32 $2.000000030e-01, v5;
	v58 =	vmul.f32 v10, v49;
	v2 =	vadd.f32 v54, v2  }
0xf6: {  	v7 =	vmul.f32 v7, v51;
	v9 =	vmax.f32 v9, v56;
	v60 =	vmul.f32 $2.000000030e-01, v4  }
0xf7: {  	v5 =	vmax.f32 v5, v59;
	v61 =	vmul.f32 v9, v53;
	v2 =	vadd.f32 v58, v2  }
0xf8: {  	v1 =	vadd.f32 v7, v1;
	v5 =	vmul.f32 v5, v55;
	v4 =	vmax.f32 v4, v60  }
0xf9: {  	v4 =	vmul.f32 v4, v57;
	v2 =	vadd.f32 v61, v2  }
0xfa: {  	v1 =	vadd.f32 v5, v1  }
0xfb: {  	v2 =	vadd.f32 v4, v2  }
0xfc: {  	v1 =	vmul.f32 $1.442695020e+00, v1  }
0xfd: {  	v2 =	vmul.f32 $1.442695020e+00, v2  }
0xfe: {  	v62 =	vld [tilespmem:$0x1FFF0];
	(erf) = vpow2.f32 v1  }
0xff: {  	(erf) = vpow2.f32 v2;
	_ =	sdelay $0x3  }
0x100: {  	v1 =	vand.u32 v62, v3;
	_ =	sdelay $0x3  }
0x101: {  	v2 =	vpop (erf)  }
0x102: {  	[tilespmem:v1+s22+$0x0] =	vst.idx.msk $0xffff, v2;
	v3 =	vpop (erf)  }
0x103: {  	[tilespmem:v1+s23+$0x0] =	vst.idx.msk $0xffff, v3  }
0x104: {  	v1 =	vld.idx.msk [tilespmem:v1+s18+$0x0], $0xffff;
	_ =	sdelay $0x4  }
0x105: {  	v1 =	vshll.u32 v1, $0x1  }
0x106: {  	p1 =	sne.s32 s31, $0x30;
	v63 =	vor.u32 $0x1, v1  }
.Ltmp1:
0x107: {  	_ = 	snop;
	(pc) =	sbr.rel @p1 .LBB2_5-.Ltmp1, $3  }
0x108: {  	_ =	sdelay $0x1  }
0x109: {  	[tilespmem:v1+s17+$0x0] =	vst.idx.add.f32.msk $0xffff, v2  }
0x10a: {  	s31 =	sadd.s32 $0x10, s31;
	[tilespmem:v63+s17+$0x0] =	vst.idx.add.f32.msk $0xffff, v3  }
0x10b: {  	s31 =	sadd.s32 s8, s30  }
0x10c: {  	[hbm4b:s31+s3] =	stream.linear.scatter [tilespmem:s22], [sflag:$0x2], $0x40, $0x38;
	[tilespmem:$0x1EE50] =	vst v63  }
0x10d: {  	s29 =	sadd.s32 $0x1, s29;
	_ =	swait.ge [sflag:s15], $0x40  }
0x10e: {  	p1 =	sne.s32 s29, s10;
	[sflag:s15] =	ssyncset.done $0x0  }
.Ltmp2:
0x10f: {  	s31 =	sadd.s32 s9, s30;
	[sflag:s15] =	ssyncadd.s32 $0xFFFFFFC0;
	(pc) =	sbr.rel @p1 .LBB2_4-.Ltmp2, $4  }
0x110: {  	[hbm4b:s31+s3] =	stream.linear.scatter [tilespmem:s23], [sflag:$0x2], $0x40, $0x38;
	[tilespmem:$0x1EE50] =	vst v63  }
0x111: {  	_ =	swait.ge [sflag:s15], $0x40  }
0x112: {  	[sflag:s15] =	ssyncset.done $0x0  }
0x113: {  	[sflag:s15] =	ssyncadd.s32 $0xFFFFFFC0  }
0x114: {  	v5 =	vor.u32 $0x10, v0  }
0x115: {  	v3 =	vor.u32 $0x20, v0  }
0x116: {  	s28 =	simm.s32 $0x0;
	v4 =	vor.u32 $0x30, v0  }
0x117: {  	[bflag:$0x0] =	sbarrier.arrive $0xFFFF;
	v6 =	vor.u32 $0x40, v0;
	v1 =	vor.u32 s28, v0;
	s28 =	simm.s32 $0x10  }
0x118: {  	[tilespmem:v0+s24+$0x0] =	vst.idx.msk $0xffff, v1;
	v1 =	vor.u32 s28, v0;
	s28 =	simm.s32 $0x20  }
0x119: {  	[tilespmem:v5+s24+$0x0] =	vst.idx.msk $0xffff, v1;
	v1 =	vor.u32 s28, v0;
	s28 =	simm.s32 $0x30  }
0x11a: {  	s29 =	simm.s32 $0x40;
	[tilespmem:v3+s24+$0x0] =	vst.idx.msk $0xffff, v1;
	v1 =	vor.u32 s28, v0  }
0x11b: {  	[tilespmem:v4+s24+$0x0] =	vst.idx.msk $0xffff, v1;
	v1 =	vor.u32 s29, v0  }
0x11c: {  	s28 =	simm.s32 $0x4500;
	[tilespmem:v6+s24+$0x0] =	vst.idx.msk $0xffff, v1  }
0x11d: {  	[spmem:s2] =	stream.indirect.scatter.add.f32 [tilespmem:s28], [sflag:$0x2], $0x80, s24, s25, $0xb8;
	[tilespmem:$0x1EE50] =	vst v63  }
0x11e: {  	s30 =	simm.s32 $0xE0;
	s31 =	simm.s32 $0x50;
	_ =	swait.ge [sflag:s15], $0x2800  }
0x11f: {  	v7 =	vmov v6;
	s29 =	simm.s32 $0x6D00;
	s28 =	simm.s32 $0x90;
	[sflag:s15] =	ssyncset.done $0x0  }
.LBB2_8:
0x120: {  	v1 =	vor.u32 s31, v0;
	s31 =	sadd.s32 $0xFFFFFFD0, s28  }
0x121: {  	[sflag:s15] =	ssyncadd.s32 $0xFFFFD800;
	s0 =	smov.u32 s30;
	s1 =	sadd.s32 $0x50, s30  }
0x122: {  	p1 =	sne.s32 s30, $0x310;
	s30 =	sadd.s32 $0xFFFFFFE0, s28;
	[tilespmem:v0+s24+$0x0] =	vst.idx.msk $0xffff, v1;
	v1 =	vor.u32 s31, v0  }
0x123: {  	[tilespmem:v5+s24+$0x0] =	vst.idx.msk $0xffff, v1;
	v1 =	vor.u32 s30, v0;
	s30 =	sadd.s32 $0xFFFFFFF0, s28  }
0x124: {  	[tilespmem:v3+s24+$0x0] =	vst.idx.msk $0xffff, v1;
	v1 =	vor.u32 s30, v0  }
.Ltmp3:
0x125: {  	[tilespmem:v4+s24+$0x0] =	vst.idx.msk $0xffff, v1;
	v1 =	vor.u32 s28, v0;
	s28 =	smov.u32 s0;
	(pc) =	sbr.rel @p1 .LBB2_8-.Ltmp3, $4  }
0x126: {  	[tilespmem:v7+s24+$0x0] =	vst.idx.msk $0xffff, v1;
	v7 =	vmov v6  }
0x127: {  	[spmem:s2] =	stream.indirect.scatter.add.f32 [tilespmem:s29], [sflag:$0x2], $0x80, s24, s25, $0xb8;
	[tilespmem:$0x1EE50] =	vst v63  }
0x128: {  	s30 =	smov.u32 s1;
	_ =	swait.ge [sflag:s15], $0x2800  }
0x129: {  	s31 =	sadd.s32 $0xFFFFFFC0, s28;
	s29 =	sadd.s32 $0x2800, s29;
	[sflag:s15] =	ssyncset.done $0x0  }
0x12a: {  	_ =	sdelay $0x2  }
0x12b: {  	v1 =	vor.u32 s31, v0;
	s0 =	sadd.s32 $0xFFFFFFD0, s28;
	[sflag:s15] =	ssyncadd.s32 $0xFFFFD800  }
0x12c: {  	s30 =	sadd.s32 $0xFFFFFFE0, s28;
	[tilespmem:v0+s24+$0x0] =	vst.idx.msk $0xffff, v1;
	v1 =	vor.u32 s0, v0  }
0x12d: {  	s31 =	sadd.s32 $0xFFFFFFF0, s28;
	[tilespmem:v5+s24+$0x0] =	vst.idx.msk $0xffff, v1;
	v1 =	vor.u32 s30, v0  }
0x12e: {  	[tilespmem:v3+s24+$0x0] =	vst.idx.msk $0xffff, v1;
	v1 =	vor.u32 s31, v0  }
0x12f: {  	[tilespmem:v4+s24+$0x0] =	vst.idx.msk $0xffff, v1;
	v1 =	vor.u32 s28, v0  }
0x130: {  	[tilespmem:v7+s24+$0x0] =	vst.idx.msk $0xffff, v1  }
0x131: {  	[spmem:s2] =	stream.indirect.scatter.add.f32 [tilespmem:s29], [sflag:$0x2], $0x80, s24, s25, $0xb8;
	[tilespmem:$0x1EE50] =	vst v63  }
0x132: {  	_ =	swait.ge [sflag:s15], $0x2800  }
0x133: {  	[sflag:s15] =	ssyncset.done $0x0  }
0x134: {  	s26 =	sadd.s32 $0x1, s26;
	[sflag:s15] =	ssyncadd.s32 $0xFFFFD800  }
0x135: {  	s0 =	simm.s32 @!p0 $0x1C02;
	p1 =	sne.s32 s26, s13;
	[bflag:$0x0] =	sbarrier.arrive $0xFFFF  }
0x136: {  	[hbm:s12], [sflag:s0] =	dma.local @!p0 [spmem:s16], $0x3200  }
.Ltmp4:
0x137: {  	_ = 	snop;
	(pc) =	sbr.rel @p1 .LBB2_1-.Ltmp4, $4  }
0x138: {  	s0 =	simm.s32 @!p0 $0x2  }
0x139: {  	_ =	swait.ge @!p0 [sflag:s0], $0x3200  }
0x13a: {  	[sflag:s0] =	ssyncset.done @!p0 $0x0  }
0x13b: {  	v1 =	vimm.f32 $0.0e+00;
	[sflag:s0] =	ssyncadd.s32 @!p0 $0xFFFFCE00  }
0x13c: {  	_ =	sfence.sel $0x180000  }
0x13d: {  	[bflag:$0x0] =	sbarrier.arrive $0xFFFF  }
0x13e: {  	_ =	strace $0x90000047  }
0x13f: {  	[bflag:$0x2] =	sbarrier.arrive $0xFFFF  }
0x140: {  	s0 =	rddreg [dreg:$0x3]  }
0x141: {  	s0 =	sadd.s32 @!p0 $0x100000, s0  }
0x142: {  	[sflag:s0] =	ssyncadd.tile.s32 @!p0 $0x1;
	_ =	shalt  }
.Lfunc_end2:
_tile_overlayer_lowered:
.L_overlay_start_2:
0x143: {  	(tag) =	ssettag $0x2  }
0x144: {  	s0 =	rddreg [dreg:$0x0];
	s2 =	stileid.u32  }
0x145: {  	s1 =	rddreg [dreg:$0x1];
	p0 =	sne.s32 s2, $0x0  }
0x146: {  	s3 =	rddreg [dreg:$0x2];
	[bflag:$0x3] =	sbarrier.arrive $0xFFFF;
	s2 =	simm.s32 @!p0 $0x1C02  }
0x147: {  	[timem:s3], [sflag:s2] =	dma.local @!p0 [hbm:s0], s1  }
0x148: {  	s0 =	simm.s32 @!p0 $0x2  }
0x149: {  	_ =	swait.ge @!p0 [sflag:s0], s1  }
0x14a: {  	s1 =	ssub.s32 @!p0 $0x0, s1;
	[sflag:s0] =	ssyncset.done @!p0 $0x0  }
0x14b: {  	[sflag:s0] =	ssyncadd.s32 @!p0 s1  }
0x14c: {  	[bflag:$0x3] =	sbarrier.arrive $0xFFFF  }
0x14d: {  	_ =	shalt  }

// kernel: kernel.9.cloned.1.call-start
scs
__scs_entry_jumppad:
0x0: {  	(pc) =	sbr.rel $0x88, $3  }
0x1: {  	(tag) =	ssettag $0x0;
	lr =	simm.s32 $0x1  }
0x2: {  	[smem:$0x3F93] =	sst lr;
	_ =	strace $0xD0000000  }
0x3: {  	_ = 	snop  }
0x4: {  	_ = 	snop  }
0x5: {  	_ = 	snop  }
0x6: {  	_ = 	snop  }
0x7: {  	_ = 	snop  }
__scs_overlays_trampoline_lowered:
0x8: {  	[smem:$0x3FA2] =	sst s0  }
0x9: {  	[smem:$0x3FA3] =	sst s1  }
0xa: {  	[smem:$0x3FA4] =	sst s2  }
0xb: {  	[smem:$0x3FA5] =	sst s3  }
0xc: {  	[smem:$0x3FA6] =	sst s4  }
0xd: {  	[smem:$0x3FA7] =	sst s5  }
0xe: {  	[smem:$0x3FA8] =	sst s6  }
0xf: {  	[smem:$0x3FA9] =	sst s7  }
0x10: {  	[smem:$0x3FAA] =	sst s8  }
0x11: {  	[smem:$0x3FAB] =	sst s9;
	s0 =	simm.s32 @!p0 $0x0  }
0x12: {  	s1 =	sld [smem:$0x3F91];
	s0 =	simm.s32 @p0 $0x1  }
0x13: {  	[smem:$0x3FAC] =	sst s0;
	s0 =	simm.s32 @!p1 $0x0  }
0x14: {  	s2 =	sld [smem:$0x3F90];
	s0 =	simm.s32 @p1 $0x1  }
0x15: {  	[smem:$0x3FAD] =	sst s0;
	s0 =	simm.s32 @!p2 $0x0  }
0x16: {  	s3 =	sld [smem:$0x3FDB];
	s0 =	simm.s32 @p2 $0x1  }
0x17: {  	s4 =	simm.s32 $0x1BF5;
	[smem:$0x3FAF] =	sst s0  }
0x18: {  	s0 =	sld [smem:$0x3F92];
	_ =	swait.ge [sflag:s4], $0x0  }
0x19: {  	s7 =	sld [smem:$0x3F93]  }
0x1a: {  	s8 =	sadd.s32 $0xFFFFE003, lr  }
0x1b: {  	s9 =	sadd.s32 $0xFFFFFEF7, lr;
	s5 =	simm.s32 $0xFFFFFFFF;
	p2 =	slt.u32 s8, $0xFFFFF086  }
0x1c: {  	p1 =	slt.u32 s9, $0xF7A;
	s5 =	simm.s32 @!p2 $0x0  }
0x1d: {  	s5 =	simm.s32 @p1 $0x1;
	p0 =	seq.s32 s7, s2  }
0x1e: {  	s7 =	smul.u32 @!p0 $0xF7A, s2;
	p2 =	seq.s32 @!p0 s5, $0x0  }
0x1f: {  	s9 =	smul.u32 $0xF7A, s1;
	s8 =	simm.s32 @!p0 $0x1BF5;
	p2 =	por !p2, p0  }
0x20: {  	[sflag:s8] =	ssyncset.s32 @!p0 $0xFFFFF086;
	s6 =	sadd.s32 @!p0 s3, s7;
	s7 =	simm.s32 @!p0 $0x108  }
0x21: {  	s3 =	sadd.s32 s3, s9;
	s6 =	sadd.s32 @!p0 $0x88, s6;
	s7 =	simm.s32 @p2 $0x1082  }
0x22: {  	[simem:s7], [sflag:s8] =	dma.local @!p0 [hbm:s6], $0xF7A  }
0x23: {  	s9 =	sor.u32 $0xD0000000, s2;
	s6 =	simm.s32 $0x108;
	_ =	swait.ge @!p0 [sflag:s8], $0x0  }
0x24: {  	s3 =	sadd.s32 $0x88, s3;
	s6 =	simm.s32 @!p1 $0x1082;
	[sflag:s4] =	ssyncset.s32 $0xFFFFF086  }
0x25: {  	[simem:s6], [sflag:s4] =	dma.local [hbm:s3], $0xF7A  }
0x26: {  	[smem:$0x3F93] =	sst s1;
	(tag) =	ssettag s2;
	_ =	strace s9  }
0x27: {  	s1 =	sld [smem:$0x3FA3]  }
0x28: {  	s2 =	sld [smem:$0x3FA4]  }
0x29: {  	s4 =	sld [smem:$0x3FA6]  }
0x2a: {  	p0 =	seq.s32 s5, $0x0;
	s5 =	sld [smem:$0x3FA7]  }
0x2b: {  	s6 =	sld [smem:$0x3FA8]  }
0x2c: {  	s7 =	sld [smem:$0x3FA9]  }
0x2d: {  	s3 =	simm.s32 $0x108;
	s8 =	sld [smem:$0x3FAA]  }
0x2e: {  	s3 =	simm.s32 @!p0 $0x1082;
	s9 =	sld [smem:$0x3FAB]  }
0x2f: {  	lr =	sadd.s32 s0, s3;
	s0 =	sld [smem:$0x3FA2]  }
0x30: {  	s3 =	sld [smem:$0x3FA5]  }
0x31: {  	[smem:$0x3FAE] =	sst s10  }
0x32: {  	s10 =	sld [smem:$0x3FAC];
	_ =	sdelay $0x3  }
0x33: {  	p0 =	seq.s32 s10, $0x1;
	s10 =	sld [smem:$0x3FAE];
	_ =	sdelay $0x3  }
0x34: {  	[smem:$0x3FAE] =	sst s10  }
0x35: {  	s10 =	sld [smem:$0x3FAD];
	_ =	sdelay $0x3  }
0x36: {  	p1 =	seq.s32 s10, $0x1;
	s10 =	sld [smem:$0x3FAE];
	_ =	sdelay $0x3  }
0x37: {  	[smem:$0x3FAE] =	sst s10  }
0x38: {  	s10 =	sld [smem:$0x3FAF]  }
0x39: {  	_ = 	snop;
	(pc) =	sbr.ind lr, $3  }
0x3a: {  	_ = 	snop  }
0x3b: {  	_ = 	snop  }
0x3c: {  	p2 =	seq.s32 s10, $0x1;
	s10 =	sld [smem:$0x3FAE]  }
0x3d: {  	_ =	shalt  }
0x3e: {  	_ =	shalt  }
0x3f: {  	_ =	shalt  }
0x40: {  	_ =	shalt  }
0x41: {  	_ =	shalt  }
0x42: {  	_ =	shalt  }
0x43: {  	_ =	shalt  }
0x44: {  	_ =	shalt  }
0x45: {  	_ =	shalt  }
0x46: {  	_ =	shalt  }
0x47: {  	_ =	shalt  }
0x48: {  	_ =	shalt  }
0x49: {  	_ =	shalt  }
0x4a: {  	_ =	shalt  }
0x4b: {  	_ =	shalt  }
0x4c: {  	_ =	shalt  }
0x4d: {  	_ =	shalt  }
0x4e: {  	_ =	shalt  }
0x4f: {  	_ =	shalt  }
0x50: {  	_ =	shalt  }
0x51: {  	_ =	shalt  }
0x52: {  	_ =	shalt  }
0x53: {  	_ =	shalt  }
0x54: {  	_ =	shalt  }
0x55: {  	_ =	shalt  }
0x56: {  	_ =	shalt  }
0x57: {  	_ =	shalt  }
0x58: {  	_ =	shalt  }
0x59: {  	_ =	shalt  }
0x5a: {  	_ =	shalt  }
0x5b: {  	_ =	shalt  }
0x5c: {  	_ =	shalt  }
0x5d: {  	_ =	shalt  }
0x5e: {  	_ =	shalt  }
0x5f: {  	_ =	shalt  }
0x60: {  	_ =	shalt  }
0x61: {  	_ =	shalt  }
0x62: {  	_ =	shalt  }
0x63: {  	_ =	shalt  }
0x64: {  	_ =	shalt  }
0x65: {  	_ =	shalt  }
0x66: {  	_ =	shalt  }
0x67: {  	_ =	shalt  }
0x68: {  	_ =	shalt  }
0x69: {  	_ =	shalt  }
0x6a: {  	_ =	shalt  }
0x6b: {  	_ =	shalt  }
0x6c: {  	_ =	shalt  }
0x6d: {  	_ =	shalt  }
0x6e: {  	_ =	shalt  }
0x6f: {  	_ =	shalt  }
0x70: {  	_ =	shalt  }
0x71: {  	_ =	shalt  }
0x72: {  	_ =	shalt  }
0x73: {  	_ =	shalt  }
0x74: {  	_ =	shalt  }
0x75: {  	_ =	shalt  }
0x76: {  	_ =	shalt  }
0x77: {  	_ =	shalt  }
0x78: {  	_ =	shalt  }
0x79: {  	_ =	shalt  }
0x7a: {  	_ =	shalt  }
0x7b: {  	_ =	shalt  }
0x7c: {  	_ =	shalt  }
0x7d: {  	_ =	shalt  }
0x7e: {  	_ =	shalt  }
0x7f: {  	_ =	shalt  }
0x80: {  	_ =	shalt  }
0x81: {  	_ =	shalt  }
0x82: {  	_ =	shalt  }
0x83: {  	_ =	shalt  }
0x84: {  	_ =	shalt  }
0x85: {  	_ =	shalt  }
0x86: {  	_ =	shalt  }
0x87: {  	_ =	shalt  }
.Lfunc_end0:
.L_simem_size_0:
called_computation.1_lowered:
.L_overlay_start_0:
0x88: {  	s2 =	sld [smem:$0x3FD9]  }
0x89: {  	s3 =	sld [smem:$0x3FFE];
	_ =	sdelay $0x1  }
0x8a: {  	s1 =	srdreg.scid  }
0x8b: {  	s0 =	sand.u32 $0x1, s1  }
0x8c: {  	s16 =	sshll.u32 s0, $0xA;
	s2 =	sadd.s32 s3, s2  }
0x8d: {  	s2 =	sadd.s32 s2, s16  }
0x8e: {  	[smem:$0x3FBA] =	sst s2  }
0x8f: {  	_ = 	snop  }
0x90: {  	(tm) =	ssettm $0x1  }
0x91: {  	s17 =	sld [smem:$0x3FFB];
	_ =	sdelay $0x3  }
0x92: {  	_ =	strace s17  }
0x93: {  	s2 =	sld [smem:$0x3FFC];
	_ =	sdelay $0x3  }
0x94: {  	_ =	strace s2  }
0x95: {  	s2 =	sld [smem:$0x3FFD];
	_ =	sdelay $0x3  }
0x96: {  	_ =	strace s2  }
0x97: {  	_ =	strace $0x8FFFFFFF  }
0x98: {  	s18 =	sld [smem:$0x3FDB];
	_ =	sdelay $0x1  }
0x99: {  	s19 =	simm.s32 $_scs_section_size  }
0x9a: {  	s4 =	simm.s32 $_size__tile_overlayer_lowered;
	s5 =	simm.s32 $_tile_overlayer_lowered  }
0x9b: {  	s22 =	simm.s32 $0x1BFF;
	s21 =	sshll.u32 s5, $0x1;
	s2 =	sadd.s32 s19, s18  }
0x9c: {  	s6 =	simm.s32 $0x0;
	s20 =	sshll.u32 s4, $0x1;
	s4 =	sadd.s32 s21, s2  }
0x9d: {  	[timem:s6], [sflag:s22] =	dma.local [hbm:s4], s20  }
0x9e: {  	_ =	swait.ge [sflag:s22], s20  }
0x9f: {  	s3 =	ssub.s32 $0x0, s20;
	[sflag:s22] =	ssyncset.done $0x0  }
0xa0: {  	[sflag:s22] =	ssyncadd.s32 s3;
	_ =	sdelay $0x1  }
0xa1: {  	s23 =	simm.s32 $0x1B8B  }
0xa2: {  	_ =	swait.ge [sflag:s23], $0x1  }
0xa3: {  	[sflag:s23] =	ssyncset.done $0x0  }
0xa4: {  	s25 =	simm.s32 $0x1B8E;
	s24 =	sld [smem:$0x3FFE];
	[sflag:s23] =	ssyncadd.s32 $0xFFFFFFFF  }
0xa5: {  	s26 =	simm.s32 $execute0_lowered;
	[smem:$0x3FD2] =	sst s25  }
0xa6: {  	s4 =	sshll.u32 s26, $0x1;
	_ =	strace $0x80000049;
	[dreg:$0x1] =	wrdreg $0xFFFFFFFF  }
0xa7: {  	s28 =	simm.s32 $_size_execute0_lowered;
	s2 =	sadd.s32 s2, s4;
	[dreg:$0x0] =	wrdreg $0x0  }
0xa8: {  	s4 =	sshll.u32 s28, $0x1;
	[dreg:$0x2] =	wrdreg s2  }
0xa9: {  	[dreg:$0x3] =	wrdreg s4  }
0xaa: {  	[dreg:$0x4] =	wrdreg $0xC0  }
0xab: {  	_ =	task [dreg:s6], $0x5FFFF  }
0xac: {  	[dreg:$0x1] =	wrdreg $0xFFFFFFFF  }
0xad: {  	[dreg:$0x0] =	wrdreg $0x60  }
0xae: {  	[dreg:$0x2] =	wrdreg s24  }
0xaf: {  	[dreg:$0x3] =	wrdreg $0x69400  }
0xb0: {  	[dreg:$0x4] =	wrdreg $0x9  }
0xb1: {  	_ =	task.clear_ibuf [dreg:s6], $0x5FFFF;
	_ =	strace $0x90000049  }
0xb2: {  	s29 =	simm.s32 $0x9;
	_ =	strace $0x8000004B  }
0xb3: {  	_ =	swait.ge [sflag:s29], $0x1  }
0xb4: {  	[sflag:s29] =	ssyncadd.s32 $0xFFFFFFFF  }
0xb5: {  	_ =	strace $0x9000004B  }
0xb6: {  	_ =	sfence  }
0xb7: {  	s30 =	sld [smem:$0x0];
	_ =	sdelay $0x2  }
0xb8: {  	s31 =	sshll.u32 s1, $0xD;
	s1 =	sshrl.u32 s1, $0x2  }
0xb9: {  	s3 =	sand.u32 $0x4000, s31;
	s1 =	sadd.s32 s1, s30  }
0xba: {  	s0 =	sor.u32 s3, s0;
	s1 =	sshll.u32 s1, $0x11  }
0xbb: {  	s0 =	sor.u32 s1, s0  }
0xbc: {  	s0 =	sadd.s32 $0x8F2B, s0  }
0xbd: {  	[sflag:s0] =	ssyncadd.remote.s32 $0x1  }
0xbe: {  	_ =	sfence.sel $0xFFFF  }
0xbf: {  	[dreg:$0x0] =	wrdreg $0xFFFFFFFF;
	(pc) =	sbr.abs _section_cstart, $3  }
0xc0: {  	[dreg:$0x1] =	wrdreg $0xFFFFFFFF  }
0xc1: {  	_ =	task.clear_ibuf [dreg:s6], $0x2FFFF;
	_ =	strace $0x9FFFFFFF  }
0xc2: {  	(tm) =	ssettm $0x7FFFFFFF  }
0xc3: {  	_ =	shalt  }
tec
execute0_lowered:
.L_overlay_start_1:
0x0: {  	(tag) =	ssettag $0x1  }
0x1: {  	s10 =	rddreg [dreg:$0x0]  }
0x2: {  	s1 =	rddreg [dreg:$0x1]  }
0x3: {  	s0 =	rddreg [dreg:$0x2];
	s2 =	simm.s32 $0x0  }
0x4: {  	s8 =	srdreg.scid;
	s13 =	stileid.u32;
	s17 =	simm.s32 $0x20C0  }
0x5: {  	s18 =	simm.s32 $0x2100;
	s19 =	simm.s32 $0x80;
	s20 =	simm.s32 $0xC0  }
0x6: {  	s21 =	simm.s32 $0x1;
	s22 =	simm.s32 $0x2140;
	s23 =	simm.s32 $0x4140  }
0x7: {  	s24 =	simm.s32 $0x6140;
	[smem:$0x7FF] =	sst s2;
	s3 =	sadd.s32 $0xF5800, s10  }
0x8: {  	s4 =	sadd.s32 $0x19A00, s10;
	s5 =	sadd.s32 $0x1200, s10;
	s6 =	sadd.s32 $0x35400, s10  }
0x9: {  	s7 =	sadd.s32 $0x4DC00, s10;
	s11 =	sand.u32 $0x1, s8;
	s8 =	sadd.s32 $0x66400, s10  }
0xa: {  	s9 =	sadd.s32 $0x6C800, s10;
	s15 =	sshll.u32 s13, $0x1;
	p0 =	slt.u32 s13, $0xA  }
0xb: {  	s12 =	smul.u32 $0x30D40, s11;
	s14 =	ssub.s32 $0x2, s11;
	s11 =	sor.u32 s11, s15  }
0xc: {  	_ =	strace $0x8000004A;
	s16 =	sshrl.u32 s14, $0x1;
	s15 =	smul.u32 $0x186, s11  }
0xd: {  	s11 =	smin.u32 s11, $0x14;
	s12 =	sadd.s32 s12, s10;
	s10 =	simm.s32 $0x187  }
0xe: {  	v0 =	vlaneseq.u32;
	s14 =	ssub.s32 s14, s16;
	s16 =	simm.s32 $0x40;
	s10 =	simm.s32 @!p0 $0x186  }
0xf: {  	v1 =	vor.u32 $0x10, v0;
	s11 =	sadd.s32 s11, s15;
	s12 =	sadd.s32 $0x1B8E00, s12;
	p0 =	sne.s32 s13, $0x0  }
0x10: {  	v2 =	vor.u32 $0x20, v0;
	v3 =	vor.u32 $0x30, v0;
	v4 =	vor.u32 $0xFFFFFFF8, v0;
	s13 =	smax.u32 s14, $0x1;
	s15 =	simm.s32 $0x2;
	s14 =	sshrl.u32 @!p0 s1, $0x3  }
.LBB2_1:
0x11: {  	s25 =	simm.s32 @!p0 $0x1C02  }
0x12: {  	[spmem:s14], [sflag:s25] =	dma.local @!p0 [hbm:s9], $0x30D40  }
0x13: {  	s25 =	simm.s32 @!p0 $0x2  }
0x14: {  	_ =	swait.ge @!p0 [sflag:s25], $0x30D40  }
0x15: {  	[sflag:s25] =	ssyncset.done @!p0 $0x0  }
0x16: {  	[sflag:s25] =	ssyncadd.s32 @!p0 $0xFFFCF2C0  }
0x17: {  	s25 =	simm.s32 $0x0;
	[bflag:$0x0] =	sbarrier.arrive $0xFFFF  }
.LBB2_2:
0x18: {  	s26 =	sadd.s32 s25, s11  }
0x19: {  	s26 =	sshll.u32 s26, $0x3  }
0x1a: {  	s28 =	sand.u32 $0x1FFFFFF8, s26  }
0x1b: {  	s26 =	simm.s32 $0x0;
	s29 =	sadd.s32 s4, s28  }
0x1c: {  	[tilespmem:s26], [sflag:$0x2] =	stream.linear.gather [hbm4b:s29+s26], $0x40, $0x38;
	[tilespmem:$0x1EFE0] =	vst v63  }
0x1d: {  	_ =	swait.ge [sflag:s15], $0x40  }
0x1e: {  	[sflag:s15] =	ssyncset.done $0x0  }
0x1f: {  	s30 =	sadd.s32 s5, s28;
	[sflag:s15] =	ssyncadd.s32 $0xFFFFFFC0  }
0x20: {  	[tilespmem:s16], [sflag:$0x2] =	stream.linear.gather [hbm4b:s30+s26], $0x40, $0x38;
	[tilespmem:$0x1EFE0] =	vst v63  }
0x21: {  	_ =	swait.ge [sflag:s15], $0x40  }
0x22: {  	[sflag:s15] =	ssyncset.done $0x0  }
0x23: {  	s31 =	sadd.s32 s6, s28;
	[sflag:s15] =	ssyncadd.s32 $0xFFFFFFC0  }
0x24: {  	[tilespmem:s17], [sflag:$0x2] =	stream.linear.gather [hbm4b:s31+s26], $0x40, $0x38;
	[tilespmem:$0x1EFE0] =	vst v63  }
0x25: {  	_ =	swait.ge [sflag:s15], $0x40  }
0x26: {  	[sflag:s15] =	ssyncset.done $0x0  }
0x27: {  	s28 =	sadd.s32 s7, s28;
	[sflag:s15] =	ssyncadd.s32 $0xFFFFFFC0  }
0x28: {  	[tilespmem:s18], [sflag:$0x2] =	stream.linear.gather [hbm4b:s28+s26], $0x40, $0x38;
	[tilespmem:$0x1EFE0] =	vst v63  }
0x29: {  	_ =	swait.ge [sflag:s15], $0x40  }
0x2a: {  	[sflag:s15] =	ssyncset.done $0x0  }
0x2b: {  	[sflag:s15] =	ssyncadd.s32 $0xFFFFFFC0  }
0x2c: {  	v5 =	vld.idx.msk [tilespmem:v0+s16+$0x0], $0xffff;
	_ =	sdelay $0x4  }
0x2d: {  	v5 =	vshll.u32 v5, $0x1  }
0x2e: {  	v5 =	vshra.s32 v5, $0x7  }
0x2f: {  	[tilespmem:v0+s19+$0x0] =	vst.idx.msk $0xffff, v5  }
0x30: {  	v5 =	vld.idx.msk [tilespmem:v1+s16+$0x0], $0xffff;
	_ =	sdelay $0x4  }
0x31: {  	v5 =	vshll.u32 v5, $0x1  }
0x32: {  	v5 =	vshra.s32 v5, $0x7  }
0x33: {  	[tilespmem:v1+s19+$0x0] =	vst.idx.msk $0xffff, v5  }
0x34: {  	v5 =	vld.idx.msk [tilespmem:v2+s16+$0x0], $0xffff;
	_ =	sdelay $0x4  }
0x35: {  	v5 =	vshll.u32 v5, $0x1  }
0x36: {  	v5 =	vshra.s32 v5, $0x7  }
0x37: {  	[tilespmem:v2+s19+$0x0] =	vst.idx.msk $0xffff, v5  }
0x38: {  	v5 =	vld.idx.msk [tilespmem:v3+s16+$0x0], $0xffff;
	_ =	sdelay $0x4  }
0x39: {  	v5 =	vshll.u32 v5, $0x1  }
0x3a: {  	v5 =	vshra.s32 v5, $0x7  }
0x3b: {  	[tilespmem:v3+s19+$0x0] =	vst.idx.msk $0xffff, v5  }
0x3c: {  	[tilespmem:s20], [sflag:$0x1] =	stream.indirect.gather [hbm4b:s3+s16], $0x80, s26, s16, $0xb8;
	[tilespmem:$0x1EFE0] =	vst v63  }
0x3d: {  	_ =	swait.ge [sflag:s21], $0x2000  }
0x3e: {  	[sflag:s21] =	ssyncset.done $0x0  }
0x3f: {  	[sflag:s21] =	ssyncadd.s32 $0xFFFFE000  }
0x40: {  	[tilespmem:s22], [sflag:$0x1] =	stream.indirect.gather [hbm4b:s8+s16], $0x80, s19, s16, $0xb8;
	[tilespmem:$0x1EFE0] =	vst v63  }
0x41: {  	_ =	swait.ge [sflag:s21], $0x2000  }
0x42: {  	[sflag:s21] =	ssyncset.done $0x0  }
0x43: {  	[sflag:s21] =	ssyncadd.s32 $0xFFFFE000  }
0x44: {  	v5 =	vld.idx.msk [tilespmem:v0+s19+$0x0], $0xffff;
	_ =	sdelay $0x4  }
0x45: {  	v5 =	vadd.s32 $0x320, v5  }
0x46: {  	[tilespmem:v0+s19+$0x0] =	vst.idx.msk $0xffff, v5  }
0x47: {  	v5 =	vld.idx.msk [tilespmem:v1+s19+$0x0], $0xffff;
	_ =	sdelay $0x4  }
0x48: {  	v5 =	vadd.s32 $0x320, v5  }
0x49: {  	[tilespmem:v1+s19+$0x0] =	vst.idx.msk $0xffff, v5  }
0x4a: {  	v5 =	vld.idx.msk [tilespmem:v2+s19+$0x0], $0xffff;
	_ =	sdelay $0x4  }
0x4b: {  	v5 =	vadd.s32 $0x320, v5  }
0x4c: {  	[tilespmem:v2+s19+$0x0] =	vst.idx.msk $0xffff, v5  }
0x4d: {  	v5 =	vld.idx.msk [tilespmem:v3+s19+$0x0], $0xffff;
	_ =	sdelay $0x4  }
0x4e: {  	v5 =	vadd.s32 $0x320, v5  }
0x4f: {  	[tilespmem:v3+s19+$0x0] =	vst.idx.msk $0xffff, v5  }
0x50: {  	[tilespmem:s23], [sflag:$0x1] =	stream.indirect.gather [hbm4b:s8+s16], $0x80, s19, s16, $0xb8;
	[tilespmem:$0x1EFE0] =	vst v63  }
0x51: {  	_ =	swait.ge [sflag:s21], $0x2000  }
0x52: {  	[sflag:s21] =	ssyncset.done $0x0  }
0x53: {  	[sflag:s21] =	ssyncadd.s32 $0xFFFFE000  }
.LBB2_3:
0x54: {  	v8 =	vor.u32 s26, v0  }
0x55: {  	v6 =	vand.u32 v4, v8;
	_ =	sdelay $0x4  }
0x56: {  	v5 =	vld.idx.msk [tilespmem:v6+s16+$0x0], $0xffff;
	_ =	sdelay $0x4  }
0x57: {  	v7 =	vshll.u32 v5, $0x1  }
0x58: {  	v5 =	vshll.u32 v8, $0x7;
	v7 =	vand.u32 $0x7E, v7  }
0x59: {  	v9 =	vor.u32 v5, v7  }
0x5a: {  	v10 =	vor.u32 $0x1, v5  }
0x5b: {  	v7 =	vor.u32 v7, v10;
	_ =	sdelay $0x2  }
0x5c: {  	v11 =	vld.idx.msk [tilespmem:v9+s22+$0x0], $0xffff  }
0x5d: {  	v9 =	vld.idx.msk [tilespmem:v9+s23+$0x0], $0xffff  }
0x5e: {  	v12 =	vld.idx.msk [tilespmem:v7+s22+$0x0], $0xffff  }
0x5f: {  	v7 =	vld.idx.msk [tilespmem:v7+s23+$0x0], $0xffff;
	_ =	sdelay $0x3  }
0x60: {  	v9 =	vadd.f32 v9, v11  }
0x61: {  	v7 =	vadd.f32 v7, v12  }
0x62: {  	v9 =	vadd.f32 $1.000000020e-16, v9  }
0x63: {  	v7 =	vadd.f32 $1.000000020e-16, v7  }
0x64: {  	(erf) = vrcp.f32 v9  }
0x65: {  	(erf) = vrcp.f32 v7;
	_ =	sdelay $0x1  }
0x66: {  	v37 =	vor.u32 $0x20, v5;
	v7 =	vld.idx.msk [tilespmem:v6+s17+$0x0], $0xffff  }
0x67: {  	v6 =	vld.idx.msk [tilespmem:v6+s18+$0x0], $0xffff;
	_ =	sdelay $0x2  }
0x68: {  	v38 =	vld.idx.msk [tilespmem:v5+s20+$0x0], $0xffff  }
0x69: {  	v9 =	vld.idx.msk [tilespmem:v37+s20+$0x0], $0xffff  }
0x6a: {  	v7 =	vmul.f32 $5.000000000e-01, v7;
	v13 =	vmul.f32 $5.000000000e-01, v6;
	v39 =	vpop (erf)  }
0x6b: {  	v14 =	vpop (erf)  }
0x6c: {  	v6 =	vmul.f32 v39, v7;
	v7 =	vmul.f32 v14, v13  }
0x6d: {  	v8 =	vshll.u32 v8, $0x5  }
0x6e: {  	v11 =	vmul.f32 v6, v38;
	v9 =	vmul.f32 v7, v9  }
0x6f: {  	v40 =	vor.u32 $0x21, v5  }
0x70: {  	v9 =	vadd.f32 v9, v11;
	_ =	sdelay $0x1  }
0x71: {  	[tilespmem:v8+s24+$0x0] =	vst.idx.msk $0xffff, v9  }
0x72: {  	v9 =	vld.idx.msk [tilespmem:v10+s20+$0x0], $0xffff  }
0x73: {  	v41 =	vld.idx.msk [tilespmem:v40+s20+$0x0], $0xffff;
	_ =	sdelay $0x3  }
0x74: {  	v42 =	vor.u32 $0x1, v8  }
0x75: {  	v43 =	vor.u32 $0x2, v5;
	v9 =	vmul.f32 v9, v6;
	v10 =	vmul.f32 v41, v7  }
0x76: {  	v44 =	vor.u32 $0x22, v5  }
0x77: {  	v9 =	vadd.f32 v10, v9;
	_ =	sdelay $0x1  }
0x78: {  	[tilespmem:v42+s24+$0x0] =	vst.idx.msk $0xffff, v9  }
0x79: {  	v9 =	vld.idx.msk [tilespmem:v43+s20+$0x0], $0xffff  }
0x7a: {  	v45 =	vld.idx.msk [tilespmem:v44+s20+$0x0], $0xffff;
	_ =	sdelay $0x3  }
0x7b: {  	v46 =	vor.u32 $0x2, v8  }
0x7c: {  	v47 =	vor.u32 $0x3, v5;
	v9 =	vmul.f32 v9, v6;
	v10 =	vmul.f32 v45, v7  }
0x7d: {  	v48 =	vor.u32 $0x23, v5  }
0x7e: {  	v9 =	vadd.f32 v10, v9;
	_ =	sdelay $0x1  }
0x7f: {  	[tilespmem:v46+s24+$0x0] =	vst.idx.msk $0xffff, v9  }
0x80: {  	v9 =	vld.idx.msk [tilespmem:v47+s20+$0x0], $0xffff  }
0x81: {  	v49 =	vld.idx.msk [tilespmem:v48+s20+$0x0], $0xffff;
	_ =	sdelay $0x3  }
0x82: {  	v50 =	vor.u32 $0x3, v8  }
0x83: {  	v51 =	vor.u32 $0x4, v5;
	v9 =	vmul.f32 v9, v6;
	v10 =	vmul.f32 v49, v7  }
0x84: {  	v52 =	vor.u32 $0x24, v5  }
0x85: {  	v9 =	vadd.f32 v10, v9;
	_ =	sdelay $0x1  }
0x86: {  	[tilespmem:v50+s24+$0x0] =	vst.idx.msk $0xffff, v9  }
0x87: {  	v9 =	vld.idx.msk [tilespmem:v51+s20+$0x0], $0xffff  }
0x88: {  	v53 =	vld.idx.msk [tilespmem:v52+s20+$0x0], $0xffff;
	_ =	sdelay $0x3  }
0x89: {  	v54 =	vor.u32 $0x4, v8  }
0x8a: {  	v55 =	vor.u32 $0x5, v5;
	v9 =	vmul.f32 v9, v6;
	v10 =	vmul.f32 v53, v7  }
0x8b: {  	v56 =	vor.u32 $0x25, v5  }
0x8c: {  	v9 =	vadd.f32 v10, v9;
	_ =	sdelay $0x1  }
0x8d: {  	[tilespmem:v54+s24+$0x0] =	vst.idx.msk $0xffff, v9  }
0x8e: {  	v9 =	vld.idx.msk [tilespmem:v55+s20+$0x0], $0xffff  }
0x8f: {  	v57 =	vld.idx.msk [tilespmem:v56+s20+$0x0], $0xffff;
	_ =	sdelay $0x3  }
0x90: {  	v58 =	vor.u32 $0x5, v8  }
0x91: {  	v59 =	vor.u32 $0x6, v5;
	v9 =	vmul.f32 v9, v6;
	v10 =	vmul.f32 v57, v7  }
0x92: {  	v60 =	vor.u32 $0x26, v5  }
0x93: {  	v9 =	vadd.f32 v10, v9;
	_ =	sdelay $0x1  }
0x94: {  	[tilespmem:v58+s24+$0x0] =	vst.idx.msk $0xffff, v9  }
0x95: {  	v9 =	vld.idx.msk [tilespmem:v59+s20+$0x0], $0xffff  }
0x96: {  	v61 =	vld.idx.msk [tilespmem:v60+s20+$0x0], $0xffff;
	_ =	sdelay $0x3  }
0x97: {  	v62 =	vor.u32 $0x6, v8  }
0x98: {  	v63 =	vor.u32 $0x7, v5;
	v9 =	vmul.f32 v9, v6;
	v10 =	vmul.f32 v61, v7  }
0x99: {  	v16 =	vor.u32 $0x27, v5  }
0x9a: {  	v9 =	vadd.f32 v10, v9;
	_ =	sdelay $0x1  }
0x9b: {  	[tilespmem:v62+s24+$0x0] =	vst.idx.msk $0xffff, v9  }
0x9c: {  	v9 =	vld.idx.msk [tilespmem:v63+s20+$0x0], $0xffff  }
0x9d: {  	v17 =	vld.idx.msk [tilespmem:v16+s20+$0x0], $0xffff;
	_ =	sdelay $0x3  }
0x9e: {  	v18 =	vor.u32 $0x7, v8  }
0x9f: {  	v19 =	vor.u32 $0x8, v5;
	v9 =	vmul.f32 v9, v6;
	v10 =	vmul.f32 v17, v7  }
0xa0: {  	v20 =	vor.u32 $0x28, v5  }
0xa1: {  	v9 =	vadd.f32 v10, v9;
	_ =	sdelay $0x1  }
0xa2: {  	[tilespmem:v18+s24+$0x0] =	vst.idx.msk $0xffff, v9  }
0xa3: {  	v9 =	vld.idx.msk [tilespmem:v19+s20+$0x0], $0xffff  }
0xa4: {  	v21 =	vld.idx.msk [tilespmem:v20+s20+$0x0], $0xffff;
	_ =	sdelay $0x3  }
0xa5: {  	v22 =	vor.u32 $0x8, v8  }
0xa6: {  	v23 =	vor.u32 $0x9, v5;
	v9 =	vmul.f32 v9, v6;
	v10 =	vmul.f32 v21, v7  }
0xa7: {  	v24 =	vor.u32 $0x29, v5  }
0xa8: {  	v9 =	vadd.f32 v10, v9;
	_ =	sdelay $0x1  }
0xa9: {  	[tilespmem:v22+s24+$0x0] =	vst.idx.msk $0xffff, v9  }
0xaa: {  	v9 =	vld.idx.msk [tilespmem:v23+s20+$0x0], $0xffff  }
0xab: {  	v25 =	vld.idx.msk [tilespmem:v24+s20+$0x0], $0xffff;
	_ =	sdelay $0x3  }
0xac: {  	v26 =	vor.u32 $0x9, v8  }
0xad: {  	v27 =	vor.u32 $0xA, v5;
	v9 =	vmul.f32 v9, v6;
	v10 =	vmul.f32 v25, v7  }
0xae: {  	v28 =	vor.u32 $0x2A, v5  }
0xaf: {  	v9 =	vadd.f32 v10, v9;
	_ =	sdelay $0x1  }
0xb0: {  	[tilespmem:v26+s24+$0x0] =	vst.idx.msk $0xffff, v9  }
0xb1: {  	v9 =	vld.idx.msk [tilespmem:v27+s20+$0x0], $0xffff  }
0xb2: {  	v29 =	vld.idx.msk [tilespmem:v28+s20+$0x0], $0xffff;
	_ =	sdelay $0x3  }
0xb3: {  	v30 =	vor.u32 $0xA, v8  }
0xb4: {  	v31 =	vor.u32 $0xB, v5;
	v9 =	vmul.f32 v9, v6;
	v10 =	vmul.f32 v29, v7  }
0xb5: {  	v32 =	vor.u32 $0x2B, v5  }
0xb6: {  	v9 =	vadd.f32 v10, v9;
	_ =	sdelay $0x1  }
0xb7: {  	[tilespmem:v30+s24+$0x0] =	vst.idx.msk $0xffff, v9  }
0xb8: {  	v9 =	vld.idx.msk [tilespmem:v31+s20+$0x0], $0xffff  }
0xb9: {  	v33 =	vld.idx.msk [tilespmem:v32+s20+$0x0], $0xffff;
	_ =	sdelay $0x3  }
0xba: {  	v34 =	vor.u32 $0xB, v8  }
0xbb: {  	v35 =	vor.u32 $0xC, v5;
	v9 =	vmul.f32 v9, v6;
	v10 =	vmul.f32 v33, v7  }
0xbc: {  	v36 =	vor.u32 $0x2C, v5  }
0xbd: {  	v9 =	vadd.f32 v10, v9;
	_ =	sdelay $0x1  }
0xbe: {  	[tilespmem:v34+s24+$0x0] =	vst.idx.msk $0xffff, v9  }
0xbf: {  	v9 =	vld.idx.msk [tilespmem:v35+s20+$0x0], $0xffff  }
0xc0: {  	v37 =	vld.idx.msk [tilespmem:v36+s20+$0x0], $0xffff;
	_ =	sdelay $0x3  }
0xc1: {  	v38 =	vor.u32 $0xC, v8  }
0xc2: {  	v39 =	vor.u32 $0xD, v5;
	v9 =	vmul.f32 v9, v6;
	v10 =	vmul.f32 v37, v7  }
0xc3: {  	v40 =	vor.u32 $0x2D, v5  }
0xc4: {  	v9 =	vadd.f32 v10, v9;
	_ =	sdelay $0x1  }
0xc5: {  	[tilespmem:v38+s24+$0x0] =	vst.idx.msk $0xffff, v9  }
0xc6: {  	v9 =	vld.idx.msk [tilespmem:v39+s20+$0x0], $0xffff  }
0xc7: {  	v41 =	vld.idx.msk [tilespmem:v40+s20+$0x0], $0xffff;
	_ =	sdelay $0x3  }
0xc8: {  	v42 =	vor.u32 $0xD, v8  }
0xc9: {  	v43 =	vor.u32 $0xE, v5;
	v9 =	vmul.f32 v9, v6;
	v10 =	vmul.f32 v41, v7  }
0xca: {  	v44 =	vor.u32 $0x2E, v5  }
0xcb: {  	v9 =	vadd.f32 v10, v9;
	_ =	sdelay $0x1  }
0xcc: {  	[tilespmem:v42+s24+$0x0] =	vst.idx.msk $0xffff, v9  }
0xcd: {  	v9 =	vld.idx.msk [tilespmem:v43+s20+$0x0], $0xffff  }
0xce: {  	v45 =	vld.idx.msk [tilespmem:v44+s20+$0x0], $0xffff;
	_ =	sdelay $0x3  }
0xcf: {  	v46 =	vor.u32 $0xE, v8  }
0xd0: {  	v47 =	vor.u32 $0xF, v5;
	v9 =	vmul.f32 v9, v6;
	v10 =	vmul.f32 v45, v7  }
0xd1: {  	v48 =	vor.u32 $0x2F, v5  }
0xd2: {  	v9 =	vadd.f32 v10, v9;
	_ =	sdelay $0x1  }
0xd3: {  	[tilespmem:v46+s24+$0x0] =	vst.idx.msk $0xffff, v9  }
0xd4: {  	v9 =	vld.idx.msk [tilespmem:v47+s20+$0x0], $0xffff  }
0xd5: {  	v49 =	vld.idx.msk [tilespmem:v48+s20+$0x0], $0xffff;
	_ =	sdelay $0x3  }
0xd6: {  	v50 =	vor.u32 $0xF, v8  }
0xd7: {  	v51 =	vor.u32 $0x10, v5;
	v9 =	vmul.f32 v9, v6;
	v10 =	vmul.f32 v49, v7  }
0xd8: {  	v52 =	vor.u32 $0x30, v5  }
0xd9: {  	v9 =	vadd.f32 v10, v9;
	_ =	sdelay $0x1  }
0xda: {  	[tilespmem:v50+s24+$0x0] =	vst.idx.msk $0xffff, v9  }
0xdb: {  	v9 =	vld.idx.msk [tilespmem:v51+s20+$0x0], $0xffff  }
0xdc: {  	v53 =	vld.idx.msk [tilespmem:v52+s20+$0x0], $0xffff;
	_ =	sdelay $0x3  }
0xdd: {  	v54 =	vor.u32 $0x10, v8  }
0xde: {  	v55 =	vor.u32 $0x11, v5;
	v9 =	vmul.f32 v9, v6;
	v10 =	vmul.f32 v53, v7  }
0xdf: {  	v56 =	vor.u32 $0x31, v5  }
0xe0: {  	v9 =	vadd.f32 v10, v9;
	_ =	sdelay $0x1  }
0xe1: {  	[tilespmem:v54+s24+$0x0] =	vst.idx.msk $0xffff, v9  }
0xe2: {  	v9 =	vld.idx.msk [tilespmem:v55+s20+$0x0], $0xffff  }
0xe3: {  	v57 =	vld.idx.msk [tilespmem:v56+s20+$0x0], $0xffff;
	_ =	sdelay $0x3  }
0xe4: {  	v58 =	vor.u32 $0x11, v8  }
0xe5: {  	v59 =	vor.u32 $0x12, v5;
	v9 =	vmul.f32 v9, v6;
	v10 =	vmul.f32 v57, v7  }
0xe6: {  	v60 =	vor.u32 $0x32, v5  }
0xe7: {  	v9 =	vadd.f32 v10, v9;
	_ =	sdelay $0x1  }
0xe8: {  	[tilespmem:v58+s24+$0x0] =	vst.idx.msk $0xffff, v9  }
0xe9: {  	v9 =	vld.idx.msk [tilespmem:v59+s20+$0x0], $0xffff  }
0xea: {  	v61 =	vld.idx.msk [tilespmem:v60+s20+$0x0], $0xffff;
	_ =	sdelay $0x3  }
0xeb: {  	v62 =	vor.u32 $0x12, v8  }
0xec: {  	v63 =	vor.u32 $0x13, v5;
	v9 =	vmul.f32 v9, v6;
	v10 =	vmul.f32 v61, v7  }
0xed: {  	v16 =	vor.u32 $0x33, v5  }
0xee: {  	v9 =	vadd.f32 v10, v9;
	_ =	sdelay $0x1  }
0xef: {  	[tilespmem:v62+s24+$0x0] =	vst.idx.msk $0xffff, v9  }
0xf0: {  	v9 =	vld.idx.msk [tilespmem:v63+s20+$0x0], $0xffff  }
0xf1: {  	v17 =	vld.idx.msk [tilespmem:v16+s20+$0x0], $0xffff;
	_ =	sdelay $0x3  }
0xf2: {  	v18 =	vor.u32 $0x13, v8  }
0xf3: {  	v19 =	vor.u32 $0x14, v5;
	v9 =	vmul.f32 v9, v6;
	v10 =	vmul.f32 v17, v7  }
0xf4: {  	v20 =	vor.u32 $0x34, v5  }
0xf5: {  	v9 =	vadd.f32 v10, v9;
	_ =	sdelay $0x1  }
0xf6: {  	[tilespmem:v18+s24+$0x0] =	vst.idx.msk $0xffff, v9  }
0xf7: {  	v9 =	vld.idx.msk [tilespmem:v19+s20+$0x0], $0xffff  }
0xf8: {  	v21 =	vld.idx.msk [tilespmem:v20+s20+$0x0], $0xffff;
	_ =	sdelay $0x3  }
0xf9: {  	v22 =	vor.u32 $0x14, v8  }
0xfa: {  	v23 =	vor.u32 $0x15, v5;
	v9 =	vmul.f32 v9, v6;
	v10 =	vmul.f32 v21, v7  }
0xfb: {  	v24 =	vor.u32 $0x35, v5  }
0xfc: {  	v9 =	vadd.f32 v10, v9;
	_ =	sdelay $0x1  }
0xfd: {  	[tilespmem:v22+s24+$0x0] =	vst.idx.msk $0xffff, v9  }
0xfe: {  	v9 =	vld.idx.msk [tilespmem:v23+s20+$0x0], $0xffff  }
0xff: {  	v25 =	vld.idx.msk [tilespmem:v24+s20+$0x0], $0xffff;
	_ =	sdelay $0x3  }
0x100: {  	v26 =	vor.u32 $0x15, v8  }
0x101: {  	v27 =	vor.u32 $0x16, v5;
	v9 =	vmul.f32 v9, v6;
	v10 =	vmul.f32 v25, v7  }
0x102: {  	v28 =	vor.u32 $0x36, v5  }
0x103: {  	v9 =	vadd.f32 v10, v9;
	_ =	sdelay $0x1  }
0x104: {  	[tilespmem:v26+s24+$0x0] =	vst.idx.msk $0xffff, v9  }
0x105: {  	v9 =	vld.idx.msk [tilespmem:v27+s20+$0x0], $0xffff  }
0x106: {  	v29 =	vld.idx.msk [tilespmem:v28+s20+$0x0], $0xffff;
	_ =	sdelay $0x3  }
0x107: {  	v30 =	vor.u32 $0x16, v8  }
0x108: {  	v31 =	vor.u32 $0x17, v5;
	v9 =	vmul.f32 v9, v6;
	v10 =	vmul.f32 v29, v7  }
0x109: {  	v32 =	vor.u32 $0x37, v5  }
0x10a: {  	v9 =	vadd.f32 v10, v9;
	_ =	sdelay $0x1  }
0x10b: {  	[tilespmem:v30+s24+$0x0] =	vst.idx.msk $0xffff, v9  }
0x10c: {  	v9 =	vld.idx.msk [tilespmem:v31+s20+$0x0], $0xffff  }
0x10d: {  	v33 =	vld.idx.msk [tilespmem:v32+s20+$0x0], $0xffff;
	_ =	sdelay $0x3  }
0x10e: {  	v34 =	vor.u32 $0x17, v8  }
0x10f: {  	v35 =	vor.u32 $0x18, v5;
	v9 =	vmul.f32 v9, v6;
	v10 =	vmul.f32 v33, v7  }
0x110: {  	v36 =	vor.u32 $0x38, v5  }
0x111: {  	v9 =	vadd.f32 v10, v9;
	_ =	sdelay $0x1  }
0x112: {  	[tilespmem:v34+s24+$0x0] =	vst.idx.msk $0xffff, v9  }
0x113: {  	v9 =	vld.idx.msk [tilespmem:v35+s20+$0x0], $0xffff  }
0x114: {  	v37 =	vld.idx.msk [tilespmem:v36+s20+$0x0], $0xffff;
	_ =	sdelay $0x3  }
0x115: {  	v38 =	vor.u32 $0x18, v8  }
0x116: {  	v39 =	vor.u32 $0x19, v5;
	v9 =	vmul.f32 v9, v6;
	v10 =	vmul.f32 v37, v7  }
0x117: {  	v40 =	vor.u32 $0x39, v5  }
0x118: {  	v9 =	vadd.f32 v10, v9;
	_ =	sdelay $0x1  }
0x119: {  	[tilespmem:v38+s24+$0x0] =	vst.idx.msk $0xffff, v9  }
0x11a: {  	v9 =	vld.idx.msk [tilespmem:v39+s20+$0x0], $0xffff  }
0x11b: {  	v41 =	vld.idx.msk [tilespmem:v40+s20+$0x0], $0xffff;
	_ =	sdelay $0x3  }
0x11c: {  	v42 =	vor.u32 $0x19, v8  }
0x11d: {  	v43 =	vor.u32 $0x1A, v5;
	v9 =	vmul.f32 v9, v6;
	v10 =	vmul.f32 v41, v7  }
0x11e: {  	v44 =	vor.u32 $0x3A, v5  }
0x11f: {  	v9 =	vadd.f32 v10, v9;
	_ =	sdelay $0x1  }
0x120: {  	[tilespmem:v42+s24+$0x0] =	vst.idx.msk $0xffff, v9  }
0x121: {  	v9 =	vld.idx.msk [tilespmem:v43+s20+$0x0], $0xffff  }
0x122: {  	v45 =	vld.idx.msk [tilespmem:v44+s20+$0x0], $0xffff;
	_ =	sdelay $0x3  }
0x123: {  	v46 =	vor.u32 $0x1A, v8  }
0x124: {  	v47 =	vor.u32 $0x1B, v5;
	v9 =	vmul.f32 v9, v6;
	v10 =	vmul.f32 v45, v7  }
0x125: {  	v48 =	vor.u32 $0x3B, v5  }
0x126: {  	v9 =	vadd.f32 v10, v9;
	_ =	sdelay $0x1  }
0x127: {  	[tilespmem:v46+s24+$0x0] =	vst.idx.msk $0xffff, v9  }
0x128: {  	v9 =	vld.idx.msk [tilespmem:v47+s20+$0x0], $0xffff  }
0x129: {  	v49 =	vld.idx.msk [tilespmem:v48+s20+$0x0], $0xffff;
	_ =	sdelay $0x3  }
0x12a: {  	v50 =	vor.u32 $0x1B, v8  }
0x12b: {  	v51 =	vor.u32 $0x1C, v5;
	v9 =	vmul.f32 v9, v6;
	v10 =	vmul.f32 v49, v7  }
0x12c: {  	v52 =	vor.u32 $0x3C, v5  }
0x12d: {  	v9 =	vadd.f32 v10, v9;
	_ =	sdelay $0x1  }
0x12e: {  	[tilespmem:v50+s24+$0x0] =	vst.idx.msk $0xffff, v9  }
0x12f: {  	v9 =	vld.idx.msk [tilespmem:v51+s20+$0x0], $0xffff  }
0x130: {  	v53 =	vld.idx.msk [tilespmem:v52+s20+$0x0], $0xffff;
	_ =	sdelay $0x3  }
0x131: {  	v54 =	vor.u32 $0x1C, v8  }
0x132: {  	v55 =	vor.u32 $0x1D, v5;
	v9 =	vmul.f32 v9, v6;
	v10 =	vmul.f32 v53, v7  }
0x133: {  	v56 =	vor.u32 $0x3D, v5  }
0x134: {  	v9 =	vadd.f32 v10, v9;
	_ =	sdelay $0x1  }
0x135: {  	[tilespmem:v54+s24+$0x0] =	vst.idx.msk $0xffff, v9  }
0x136: {  	v9 =	vld.idx.msk [tilespmem:v55+s20+$0x0], $0xffff  }
0x137: {  	v57 =	vld.idx.msk [tilespmem:v56+s20+$0x0], $0xffff;
	_ =	sdelay $0x3  }
0x138: {  	v58 =	vor.u32 $0x1D, v8  }
0x139: {  	v59 =	vor.u32 $0x1E, v5;
	v9 =	vmul.f32 v9, v6;
	v10 =	vmul.f32 v57, v7  }
0x13a: {  	v60 =	vor.u32 $0x3E, v5  }
0x13b: {  	v9 =	vadd.f32 v10, v9;
	_ =	sdelay $0x1  }
0x13c: {  	[tilespmem:v58+s24+$0x0] =	vst.idx.msk $0xffff, v9  }
0x13d: {  	v9 =	vld.idx.msk [tilespmem:v59+s20+$0x0], $0xffff  }
0x13e: {  	v61 =	vld.idx.msk [tilespmem:v60+s20+$0x0], $0xffff;
	_ =	sdelay $0x3  }
0x13f: {  	v62 =	vor.u32 $0x1E, v8  }
0x140: {  	v63 =	vor.u32 $0x1F, v5;
	v9 =	vmul.f32 v9, v6;
	v10 =	vmul.f32 v61, v7  }
0x141: {  	v5 =	vor.u32 $0x3F, v5  }
0x142: {  	v9 =	vadd.f32 v10, v9;
	_ =	sdelay $0x1  }
0x143: {  	[tilespmem:v62+s24+$0x0] =	vst.idx.msk $0xffff, v9  }
0x144: {  	v9 =	vld.idx.msk [tilespmem:v63+s20+$0x0], $0xffff  }
0x145: {  	v5 =	vld.idx.msk [tilespmem:v5+s20+$0x0], $0xffff;
	_ =	sdelay $0x3  }
0x146: {  	p1 =	sne.s32 s26, $0x30;
	v8 =	vor.u32 $0x1F, v8  }
.Ltmp0:
0x147: {  	v6 =	vmul.f32 v9, v6;
	v5 =	vmul.f32 v5, v7;
	(pc) =	sbr.rel @p1 .LBB2_3-.Ltmp0, $3  }
0x148: {  	_ = 	snop  }
0x149: {  	v5 =	vadd.f32 v5, v6;
	_ =	sdelay $0x1  }
0x14a: {  	s26 =	sadd.s32 $0x10, s26;
	[tilespmem:v8+s24+$0x0] =	vst.idx.msk $0xffff, v5  }
0x14b: {  	s25 =	sadd.s32 $0x1, s25  }
0x14c: {  	p1 =	sne.s32 s25, s10  }
.Ltmp1:
0x14d: {  	_ = 	snop;
	(pc) =	sbr.rel @p1 .LBB2_2-.Ltmp1, $4  }
0x14e: {  	[spmem:s1] =	stream.indirect.scatter.add.f32 [tilespmem:s24], [sflag:$0x2], $0x20, s16, s16, $0xb8;
	[tilespmem:$0x1EFE0] =	vst v63  }
0x14f: {  	_ =	swait.ge [sflag:s15], $0x800  }
0x150: {  	[sflag:s15] =	ssyncset.done $0x0  }
0x151: {  	[sflag:s15] =	ssyncadd.s32 $0xFFFFF800  }
0x152: {  	[bflag:$0x0] =	sbarrier.arrive $0xFFFF;
	s25 =	simm.s32 @!p0 $0x1C02;
	s2 =	sadd.s32 $0x1, s2  }
0x153: {  	[hbm:s12], [sflag:s25] =	dma.local @!p0 [spmem:s14], $0x30D40  }
0x154: {  	p1 =	sne.s32 s2, s13  }
.Ltmp2:
0x155: {  	_ = 	snop;
	(pc) =	sbr.rel @p1 .LBB2_1-.Ltmp2, $4  }
0x156: {  	s25 =	simm.s32 @!p0 $0x2  }
0x157: {  	_ =	swait.ge @!p0 [sflag:s25], $0x30D40  }
0x158: {  	[sflag:s25] =	ssyncset.done @!p0 $0x0  }
0x159: {  	[sflag:s25] =	ssyncadd.s32 @!p0 $0xFFFCF2C0  }
0x15a: {  	_ =	sfence.sel $0x180000  }
0x15b: {  	[bflag:$0x0] =	sbarrier.arrive $0xFFFF  }
0x15c: {  	_ =	strace $0x9000004A  }
0x15d: {  	s0 =	sadd.s32 @!p0 $0x100000, s0;
	[bflag:$0x2] =	sbarrier.arrive $0xFFFF  }
0x15e: {  	[sflag:s0] =	ssyncadd.tile.s32 @!p0 $0x1;
	_ =	shalt  }
.Lfunc_end2:
_tile_overlayer_lowered:
.L_overlay_start_2:
0x15f: {  	(tag) =	ssettag $0x2  }
0x160: {  	s0 =	rddreg [dreg:$0x0];
	s2 =	stileid.u32  }
0x161: {  	s1 =	rddreg [dreg:$0x1];
	p0 =	sne.s32 s2, $0x0  }
0x162: {  	s3 =	rddreg [dreg:$0x2];
	[bflag:$0x3] =	sbarrier.arrive $0xFFFF;
	s2 =	simm.s32 @!p0 $0x1C02  }
0x163: {  	[timem:s3], [sflag:s2] =	dma.local @!p0 [hbm:s0], s1  }
0x164: {  	s0 =	simm.s32 @!p0 $0x2  }
0x165: {  	_ =	swait.ge @!p0 [sflag:s0], s1  }
0x166: {  	s1 =	ssub.s32 @!p0 $0x0, s1;
	[sflag:s0] =	ssyncset.done @!p0 $0x0  }
0x167: {  	[sflag:s0] =	ssyncadd.s32 @!p0 s1  }
0x168: {  	[bflag:$0x3] =	sbarrier.arrive $0xFFFF  }
0x169: {  	_ =	shalt  }

</sc_bundles>
